<compile_context>
chip_gen: v7x
topology: tpu7x:2x2x1
jax: 0.10.2.dev20260603
libtpu: 0.0.44.dev20260713+nightly
codegen_flags: <defaults>
</compile_context>

<pallas_src>
import functools

import jax
import jax.numpy as jnp
from jax import lax
from jax.experimental import pallas as pl
from jax.experimental.pallas import tpu as pltpu
from jax.experimental.pallas import tpu_sc as plsc

N = 10000
E = 320000
D = 128

NC = 2
NS = 16
NW = NC * NS

N_PAD = 10240
ROWS_PER_SUB = N_PAD // NS

CHUNK = 128
NCH = -(-E // (NW * CHUNK))
E_PAD = NW * NCH * CHUNK
NDUMMY = 3

DEG_SH = 2 * N_PAD
DEG_PER_SUB = N_PAD // NS

BR = 512
GRID = N_PAD // BR

_MESH = plsc.VectorSubcoreMesh(
    core_axis_name="c", subcore_axis_name="s", num_cores=NC, num_subcores=NS
)


def _wid():
    return lax.axis_index("s") * NC + lax.axis_index("c")


@functools.partial(
    pl.kernel,
    out_type=jax.ShapeDtypeStruct((NC, DEG_SH), jnp.float32),
    mesh=_MESH,
    scratch_types=[
        pltpu.VMEM((NCH + 1, CHUNK), jnp.int32),
        pltpu.VMEM((NCH + 1, CHUNK), jnp.int32),
        pltpu.VMEM((CHUNK,), jnp.float32),
        pltpu.VMEM_SHARED((N_PAD,), jnp.float32),
        pltpu.VMEM_SHARED((N_PAD,), jnp.float32),
        pltpu.SemaphoreType.DMA,
    ],
)
def _sc_degrees(row_hbm, col_hbm, zeros_hbm, out_hbm, row_v, col_v, ones_v,
                rhist, chist, sem):
    cid = lax.axis_index("c")
    sid = lax.axis_index("s")
    wid = _wid()

    pltpu.sync_copy(row_hbm.at[wid, pl.ds(0, NCH + 1)], row_v)
    pltpu.sync_copy(col_hbm.at[wid, pl.ds(0, NCH + 1)], col_v)
    for j in range(CHUNK // 16):
        ones_v[pl.ds(16 * j, 16)] = jnp.ones((16,), jnp.float32)

    sl = pl.ds(sid * DEG_PER_SUB, DEG_PER_SUB)
    pltpu.sync_copy(zeros_hbm.at[sl], rhist.at[sl])
    pltpu.sync_copy(zeros_hbm.at[sl], chist.at[sl])
    plsc.subcore_barrier()

    def pair(j):
        pltpu.async_copy(ones_v, rhist.at[row_v.at[j]], sem, add=True)
        pltpu.async_copy(ones_v, chist.at[col_v.at[j]], sem, add=True)

    def wait_pair():
        pltpu.make_async_copy(ones_v, rhist.at[pl.ds(0, CHUNK)], sem).wait()
        pltpu.make_async_copy(ones_v, chist.at[pl.ds(0, CHUNK)], sem).wait()

    for j in range(4):
        pair(j)

    def body(j, carry):
        wait_pair()
        pair(j)
        return carry

    lax.fori_loop(4, NCH, body, 0)
    for _ in range(4):
        wait_pair()
    plsc.subcore_barrier()

    pltpu.sync_copy(rhist.at[sl], out_hbm.at[cid, sl])
    pltpu.sync_copy(
        chist.at[sl], out_hbm.at[cid, pl.ds(N_PAD + sid * DEG_PER_SUB,
                                            DEG_PER_SUB)])


@functools.partial(
    pl.kernel,
    out_type=jax.ShapeDtypeStruct((NC * N_PAD, D), jnp.float32),
    mesh=_MESH,
    scratch_types=(
        [pltpu.VMEM((1, CHUNK), jnp.int32)] * 6
        + [
            pltpu.VMEM((NCH + 1, CHUNK), jnp.int32),
            pltpu.VMEM((CHUNK, D), jnp.float32),
            pltpu.VMEM((CHUNK, D), jnp.float32),
            pltpu.VMEM_SHARED((N_PAD, D), jnp.float32),
            pltpu.SemaphoreType.DMA,
            pltpu.SemaphoreType.DMA,
            pltpu.SemaphoreType.DMA,
        ]
    ),
)
def _sc_msg(xs_hbm, row_hbm, col_hbm, zeros_hbm, out_hbm,
            rib0, rib1, rib2, rib3, rib4, rib5,
            col_v, buf0, buf1, acc_sh, sem_r, sem_g, sem_s):
    cid = lax.axis_index("c")
    sid = lax.axis_index("s")
    wid = _wid()
    bufs = (buf0, buf1)
    ribs = (rib0, rib1, rib2, rib3, rib4, rib5)

    def fetch_idx(k):
        pltpu.async_copy(row_hbm.at[wid, pl.ds(k, 1)], ribs[k % 6], sem_r)

    def wait_idx():
        pltpu.make_async_copy(row_hbm.at[wid, pl.ds(0, 1)], rib0, sem_r).wait()

    def gather(k):
        pltpu.async_copy(xs_hbm.at[col_v.at[k]], bufs[k % 2], sem_g)

    def wait_gather():
        pltpu.make_async_copy(
            xs_hbm.at[pl.ds(0, CHUNK)], buf0, sem_g).wait()

    def scatter(k):
        pltpu.async_copy(
            bufs[k % 2], acc_sh.at[ribs[k % 6].at[0]], sem_s, add=True)

    def wait_scatter():
        pltpu.make_async_copy(
            buf0, acc_sh.at[pl.ds(0, CHUNK)], sem_s).wait()

    fetch_idx(0)
    fetch_idx(1)
    fetch_idx(2)
    pltpu.sync_copy(col_hbm.at[wid, pl.ds(0, NCH + 1)], col_v)

    sl = pl.ds(sid * ROWS_PER_SUB, ROWS_PER_SUB)

    @pl.when(cid == 0)
    def _():
        pltpu.sync_copy(xs_hbm.at[sl], acc_sh.at[sl])

    @pl.when(cid != 0)
    def _():
        pltpu.sync_copy(zeros_hbm.at[sl], acc_sh.at[sl])

    plsc.subcore_barrier()

    wait_idx()
    gather(0)
    fetch_idx(3)
    wait_idx()
    gather(1)
    wait_gather()
    scatter(0)
    fetch_idx(4)

    def tick(k):
        wait_scatter()
        fetch_idx(k + 3)
        wait_idx()
        gather(k)
        wait_gather()
        scatter(k - 1)

    def body(i, carry):
        for u in range(6):
            k = i * 6 + (2 + u)
            wait_scatter()
            pltpu.async_copy(
                row_hbm.at[wid, pl.ds(k + 3, 1)], ribs[(5 + u) % 6], sem_r)
            wait_idx()
            pltpu.async_copy(
                xs_hbm.at[col_v.at[k]], bufs[u % 2], sem_g)
            wait_gather()
            pltpu.async_copy(
                bufs[(1 + u) % 2], acc_sh.at[ribs[(1 + u) % 6].at[0]],
                sem_s, add=True)
        return carry

    _un = (NCH - 2) // 6
    lax.fori_loop(0, _un, body, 0)
    for k in range(2 + 6 * _un, NCH):
        tick(k)

    wait_gather()
    scatter(NCH - 1)
    wait_scatter()
    wait_scatter()
    wait_idx()
    wait_idx()
    wait_idx()
    plsc.subcore_barrier()

    pltpu.sync_copy(
        acc_sh.at[sl],
        out_hbm.at[pl.ds(cid * N_PAD + sid * ROWS_PER_SUB, ROWS_PER_SUB)])


def _col(v):
    return lax.transpose(v.reshape(1, BR), (1, 0))


def _deg_cols(dpo_ref, dpi_ref):
    deg_in = dpi_ref[0, :] + dpi_ref[1, :] + 1.0
    dcol = _col(lax.rsqrt(deg_in))
    deg_out = dpo_ref[0, :] + dpo_ref[1, :] + 1.0
    dinvcol = _col(1.0 / deg_out)
    return dcol, dinvcol


def _tc_pre_body(h_ref, w_ref, dpo_ref, dpi_ref, xs_ref, d_ref, dinv_ref):
    dcol, dinvcol = _deg_cols(dpo_ref, dpi_ref)
    x = lax.dot_general(
        h_ref[...], w_ref[...], (((1,), (0,)), ((), ())),
        preferred_element_type=jnp.float32,
    )
    xs_ref[...] = x * dcol
    d_ref[...] = dcol
    dinv_ref[...] = dinvcol


def _tc_pre(h, W, degp):
    return pl.pallas_call(
        _tc_pre_body,
        grid=(GRID,),
        in_specs=[
            pl.BlockSpec((BR, D), lambda i: (i, 0)),
            pl.BlockSpec((D, D), lambda i: (0, 0)),
            pl.BlockSpec((NC, BR), lambda i: (0, i)),
            pl.BlockSpec((NC, BR), lambda i: (0, i + GRID)),
        ],
        out_specs=[
            pl.BlockSpec((BR, D), lambda i: (i, 0)),
            pl.BlockSpec((BR, 1), lambda i: (i, 0)),
            pl.BlockSpec((BR, 1), lambda i: (i, 0)),
        ],
        out_shape=[
            jax.ShapeDtypeStruct((N_PAD, D), jnp.float32),
            jax.ShapeDtypeStruct((N_PAD, 1), jnp.float32),
            jax.ShapeDtypeStruct((N_PAD, 1), jnp.float32),
        ],
    )(h, W, degp, degp)


def _step_update(accp_ref, h_ref, d_ref, dinv_ref, b_ref, root_ref):
    acc = accp_ref[0] + accp_ref[1]
    h_msg = d_ref[...] * acc + b_ref[...]
    root_c = jax.nn.relu(h_ref[...] + root_ref[...]) * dinv_ref[...]
    return h_msg + root_c


def _tc_step_body(accp_ref, h_ref, d_ref, dinv_ref, b_ref, root_ref,
                  w_ref, hn_ref, xsn_ref):
    h_new = _step_update(accp_ref, h_ref, d_ref, dinv_ref, b_ref, root_ref)
    hn_ref[...] = h_new
    x = lax.dot_general(
        h_new, w_ref[...], (((1,), (0,)), ((), ())),
        preferred_element_type=jnp.float32,
    )
    xsn_ref[...] = x * d_ref[...]


def _tc_step(accp, h, d, dinv, b2, root, W):
    return pl.pallas_call(
        _tc_step_body,
        grid=(GRID,),
        in_specs=[
            pl.BlockSpec((NC, BR, D), lambda i: (0, i, 0)),
            pl.BlockSpec((BR, D), lambda i: (i, 0)),
            pl.BlockSpec((BR, 1), lambda i: (i, 0)),
            pl.BlockSpec((BR, 1), lambda i: (i, 0)),
            pl.BlockSpec((1, D), lambda i: (0, 0)),
            pl.BlockSpec((1, D), lambda i: (0, 0)),
            pl.BlockSpec((D, D), lambda i: (0, 0)),
        ],
        out_specs=[
            pl.BlockSpec((BR, D), lambda i: (i, 0)),
            pl.BlockSpec((BR, D), lambda i: (i, 0)),
        ],
        out_shape=[
            jax.ShapeDtypeStruct((N_PAD, D), jnp.float32),
            jax.ShapeDtypeStruct((N_PAD, D), jnp.float32),
        ],
    )(accp, h, d, dinv, b2, root, W)


def _tc_final_body(accp_ref, h_ref, d_ref, dinv_ref, b_ref, root_ref, hn_ref):
    hn_ref[...] = _step_update(accp_ref, h_ref, d_ref, dinv_ref, b_ref,
                               root_ref)


def _tc_final(accp, h, d, dinv, b2, root):
    return pl.pallas_call(
        _tc_final_body,
        grid=(GRID,),
        in_specs=[
            pl.BlockSpec((NC, BR, D), lambda i: (0, i, 0)),
            pl.BlockSpec((BR, D), lambda i: (i, 0)),
            pl.BlockSpec((BR, 1), lambda i: (i, 0)),
            pl.BlockSpec((BR, 1), lambda i: (i, 0)),
            pl.BlockSpec((1, D), lambda i: (0, 0)),
            pl.BlockSpec((1, D), lambda i: (0, 0)),
        ],
        out_specs=pl.BlockSpec((BR, D), lambda i: (i, 0)),
        out_shape=jax.ShapeDtypeStruct((N, D), jnp.float32),
    )(accp, h, d, dinv, b2, root)


def _pad_idx(idx, total):
    npad = total - idx.shape[0]
    sent = N + (jnp.arange(npad, dtype=jnp.int32) % (N_PAD - N))
    return jnp.concatenate([idx, sent])


@jax.jit
def kernel(in_feat, edge_index, W, b, root_emb):
    row = edge_index[0].astype(jnp.int32)
    col = edge_index[1].astype(jnp.int32)

    dummy = jnp.full((NW, NDUMMY, CHUNK), N, jnp.int32)
    row3 = jnp.concatenate(
        [_pad_idx(row, E_PAD).reshape(NW, NCH, CHUNK), dummy], axis=1)
    col3 = jnp.concatenate(
        [_pad_idx(col, E_PAD).reshape(NW, NCH, CHUNK), dummy], axis=1)

    zeros_feat = jnp.zeros((N_PAD, D), jnp.float32)
    zeros_deg = jnp.zeros((N_PAD,), jnp.float32)
    b2 = b.reshape(1, D)

    degp = _sc_degrees(row3, col3, zeros_deg)
    xs0, d, dinv = _tc_pre(in_feat, W, degp)

    accp0 = _sc_msg(xs0, row3, col3, zeros_feat).reshape(NC, N_PAD, D)
    h1, xs1 = _tc_step(accp0, in_feat, d, dinv, b2, root_emb, W)

    accp1 = _sc_msg(xs1, row3, col3, zeros_feat).reshape(NC, N_PAD, D)
    return _tc_final(accp1, h1, d, dinv, b2, root_emb)

# --- scband reference (transcript-rebuilt; emitter-appended) ---
"""Pipeline reference for scband-enhanced-gcn-56521769616160 (READ-ONLY COPY).

The authoritative reference and input builder live on the scoring server;
editing this copy changes nothing except your own understanding.
"""

import jax, jax.numpy as jnp
import numpy as np

N = 10000
E = 320000
D = 128
PROP_STEP = 2


def setup_inputs(seed: int = 0) -> dict:
    key = jax.random.key(seed)
    k1, k2, k3, k4 = jax.random.split(key, 4)
    in_feat = jax.random.normal(k1, (N, D), dtype=jnp.float32)
    edge_index = jax.random.randint(k2, (2, E), 0, N, dtype=jnp.int32)
    # GCNConv(h_feats, h_feats) learned params (shared across prop steps, multilayer=False)
    W = jax.random.normal(k3, (D, D), dtype=jnp.float32) * (1.0 / np.sqrt(D))
    b = jnp.zeros((D,), dtype=jnp.float32)
    # root embedding: nn.Embedding(1, h_feats)
    root_emb = jax.random.normal(k4, (1, D), dtype=jnp.float32) * 0.02
    return {"in_feat": in_feat, "edge_index": edge_index, "W": W, "b": b, "root_emb": root_emb}


def _gcn_conv(h, edge_index, W, b, num_nodes):
    # Standard PyG GCNConv: linear -> add self-loops -> symmetric degree norm -> scatter-add -> bias
    x = h @ W
    row = edge_index[0]
    col = edge_index[1]
    loop = jnp.arange(num_nodes, dtype=row.dtype)
    row_full = jnp.concatenate([row, loop])
    col_full = jnp.concatenate([col, loop])
    deg = jax.ops.segment_sum(jnp.ones_like(col_full, dtype=x.dtype), col_full, num_segments=num_nodes)
    dinv_sqrt = jnp.where(deg > 0, jax.lax.rsqrt(deg), 0.0)
    norm = dinv_sqrt[row_full] * dinv_sqrt[col_full]
    msg = x[col_full] * norm[:, None]
    out = jax.ops.segment_sum(msg, row_full, num_segments=num_nodes)
    return out + b


def reference(in_feat, edge_index, W, b, root_emb):
    # self.lin is Identity since in_feats == h_feats
    h = in_feat
    num_nodes = h.shape[0]
    # OGB-style degree norm with +1 trick: deg = degree(row) + 1
    row = edge_index[0]
    deg = jax.ops.segment_sum(jnp.ones_like(row, dtype=h.dtype), row, num_segments=num_nodes) + 1.0
    deg_inv = 1.0 / deg
    for i in range(PROP_STEP):
        # norm=False, relu=False, res=False -> no-op between steps
        h_msg = _gcn_conv(h, edge_index, W, b, num_nodes)
        root_contrib = jax.nn.relu(h + root_emb) * deg_inv[:, None]
        h = h_msg + root_contrib
    return h

if __name__ == "__main__":
    import jax
    _d = setup_inputs()
    print(jax.jit(kernel)(*tuple(_d.values())))

</pallas_src>

<mosaic_0001>
#map = affine_map<(d0, d1) -> (0, 0, 0)>
#map1 = affine_map<(d0, d1) -> (0)>
#map2 = affine_map<(d0, d1) -> (0, 0)>
module attributes {stable_mosaic.version = 14 : i64} {
  func.func @_sc_degrees(%arg0: i32, %arg1: i32, %arg2: memref<32x82x128xi32, #tpu.memory_space<hbm>>, %arg3: memref<32x82x128xi32, #tpu.memory_space<hbm>>, %arg4: memref<10240xf32, #tpu.memory_space<hbm>>, %arg5: memref<2x20480xf32, #tpu.memory_space<hbm>>, %arg6: memref<80x128xi32, #tpu.memory_space<vmem>>, %arg7: memref<80x128xi32, #tpu.memory_space<vmem>>, %arg8: memref<128xf32, #tpu.memory_space<vmem>>, %arg9: memref<10240xf32, #tpu.memory_space<vmem_shared>>, %arg10: memref<10240xf32, #tpu.memory_space<vmem_shared>>, %arg11: memref<!tpu.dma_semaphore, #tpu.memory_space<semaphore_mem>>) attributes {dimension_semantics = [#tpu.dimension_semantics<core_parallel>, #tpu.dimension_semantics<subcore_parallel>], iteration_bounds = array<i64: 2, 16>, scalar_prefetch = 0 : i64, scratch_operands = 6 : i64, tpu.core_type = #tpu.core_type<sc_vector_subcore>, window_params = [{transform_indices = #map}, {transform_indices = #map}, {transform_indices = #map1}, {transform_indices = #map2}]} {
    %mul3A = arith.constant 2 : i32
    %mul3A_0 = arith.muli %arg1, %mul3A : i32
    %add3A = arith.addi %mul3A_0, %arg0 : i32
    "tpu.region"() ({
      %run_scoped3A = tpu.sem_alloc : memref<!tpu.dma_semaphore, #tpu.memory_space<semaphore_mem>>
      %dma_start3A_137 = arith.constant 0 : i32
      %dma_start3A_138 = arith.constant 0 : i32
      %dma_start3A_139 = tpu.memref_slice %arg2[%add3A, %dma_start3A_137, %dma_start3A_138] : memref<32x82x128xi32, #tpu.memory_space<hbm>> -> memref<1x80x128xi32, #tpu.memory_space<hbm>>
      %dma_start3A_140 = tpu.memref_squeeze %dma_start3A_139 : memref<1x80x128xi32, #tpu.memory_space<hbm>> -> memref<80x128xi32, #tpu.memory_space<hbm>>
      %dma_start3A_141 = arith.constant 0 : i32
      %dma_start3A_142 = arith.constant 0 : i32
      %dma_start3A_143 = tpu.memref_slice %arg2[%add3A, %dma_start3A_141, %dma_start3A_142] : memref<32x82x128xi32, #tpu.memory_space<hbm>> -> memref<1x80x128xi32, #tpu.memory_space<hbm>>
      %dma_start3A_144 = tpu.memref_squeeze %dma_start3A_143 : memref<1x80x128xi32, #tpu.memory_space<hbm>> -> memref<80x128xi32, #tpu.memory_space<hbm>>
      tpu.enqueue_dma source(%dma_start3A_144 : memref<80x128xi32, #tpu.memory_space<hbm>>) target(%arg6 : memref<80x128xi32, #tpu.memory_space<vmem>>) target_semaphore(%run_scoped3A : memref<!tpu.dma_semaphore, #tpu.memory_space<semaphore_mem>>)
      %dma_wait3A_145 = arith.constant 0 : i32
      %dma_wait3A_146 = arith.constant 0 : i32
      %dma_wait3A_147 = tpu.memref_slice %arg2[%add3A, %dma_wait3A_145, %dma_wait3A_146] : memref<32x82x128xi32, #tpu.memory_space<hbm>> -> memref<1x80x128xi32, #tpu.memory_space<hbm>>
      %dma_wait3A_148 = tpu.memref_squeeze %dma_wait3A_147 : memref<1x80x128xi32, #tpu.memory_space<hbm>> -> memref<80x128xi32, #tpu.memory_space<hbm>>
      %dma_wait3A_149 = arith.constant 0 : i32
      %dma_wait3A_150 = arith.constant 0 : i32
      %dma_wait3A_151 = tpu.memref_slice %arg2[%add3A, %dma_wait3A_149, %dma_wait3A_150] : memref<32x82x128xi32, #tpu.memory_space<hbm>> -> memref<1x80x128xi32, #tpu.memory_space<hbm>>
      %dma_wait3A_152 = tpu.memref_squeeze %dma_wait3A_151 : memref<1x80x128xi32, #tpu.memory_space<hbm>> -> memref<80x128xi32, #tpu.memory_space<hbm>>
      tpu.wait_dma2 semaphore(%run_scoped3A : memref<!tpu.dma_semaphore, #tpu.memory_space<semaphore_mem>>) src(%dma_wait3A_152 : memref<80x128xi32, #tpu.memory_space<hbm>>) dst(%arg6 : memref<80x128xi32, #tpu.memory_space<vmem>>)
      tpu.yield
    }) : () -> ()
    "tpu.region"() ({
      %run_scoped3A = tpu.sem_alloc : memref<!tpu.dma_semaphore, #tpu.memory_space<semaphore_mem>>
      %dma_start3A_137 = arith.constant 0 : i32
      %dma_start3A_138 = arith.constant 0 : i32
      %dma_start3A_139 = tpu.memref_slice %arg3[%add3A, %dma_start3A_137, %dma_start3A_138] : memref<32x82x128xi32, #tpu.memory_space<hbm>> -> memref<1x80x128xi32, #tpu.memory_space<hbm>>
      %dma_start3A_140 = tpu.memref_squeeze %dma_start3A_139 : memref<1x80x128xi32, #tpu.memory_space<hbm>> -> memref<80x128xi32, #tpu.memory_space<hbm>>
      %dma_start3A_141 = arith.constant 0 : i32
      %dma_start3A_142 = arith.constant 0 : i32
      %dma_start3A_143 = tpu.memref_slice %arg3[%add3A, %dma_start3A_141, %dma_start3A_142] : memref<32x82x128xi32, #tpu.memory_space<hbm>> -> memref<1x80x128xi32, #tpu.memory_space<hbm>>
      %dma_start3A_144 = tpu.memref_squeeze %dma_start3A_143 : memref<1x80x128xi32, #tpu.memory_space<hbm>> -> memref<80x128xi32, #tpu.memory_space<hbm>>
      tpu.enqueue_dma source(%dma_start3A_144 : memref<80x128xi32, #tpu.memory_space<hbm>>) target(%arg7 : memref<80x128xi32, #tpu.memory_space<vmem>>) target_semaphore(%run_scoped3A : memref<!tpu.dma_semaphore, #tpu.memory_space<semaphore_mem>>)
      %dma_wait3A_145 = arith.constant 0 : i32
      %dma_wait3A_146 = arith.constant 0 : i32
      %dma_wait3A_147 = tpu.memref_slice %arg3[%add3A, %dma_wait3A_145, %dma_wait3A_146] : memref<32x82x128xi32, #tpu.memory_space<hbm>> -> memref<1x80x128xi32, #tpu.memory_space<hbm>>
      %dma_wait3A_148 = tpu.memref_squeeze %dma_wait3A_147 : memref<1x80x128xi32, #tpu.memory_space<hbm>> -> memref<80x128xi32, #tpu.memory_space<hbm>>
      %dma_wait3A_149 = arith.constant 0 : i32
      %dma_wait3A_150 = arith.constant 0 : i32
      %dma_wait3A_151 = tpu.memref_slice %arg3[%add3A, %dma_wait3A_149, %dma_wait3A_150] : memref<32x82x128xi32, #tpu.memory_space<hbm>> -> memref<1x80x128xi32, #tpu.memory_space<hbm>>
      %dma_wait3A_152 = tpu.memref_squeeze %dma_wait3A_151 : memref<1x80x128xi32, #tpu.memory_space<hbm>> -> memref<80x128xi32, #tpu.memory_space<hbm>>
      tpu.wait_dma2 semaphore(%run_scoped3A : memref<!tpu.dma_semaphore, #tpu.memory_space<semaphore_mem>>) src(%dma_wait3A_152 : memref<80x128xi32, #tpu.memory_space<hbm>>) dst(%arg7 : memref<80x128xi32, #tpu.memory_space<vmem>>)
      tpu.yield
    }) : () -> ()
    %broadcast_in_dim3A = arith.constant 1.000000e+00 : f32
    %broadcast_in_dim3A_1 = vector.broadcast %broadcast_in_dim3A : f32 to vector<16xf32>
    %swap3A = arith.constant 0 : index
    %swap3A_2 = tpu.vector_load %arg8[%swap3A] {strides = array<i32>} : memref<128xf32, #tpu.memory_space<vmem>>, vector<16xf32>,
    %swap3A_3 = vector.shape_cast %swap3A_2 : vector<16xf32> to vector<16xf32>
    %swap3A_4 = vector.shape_cast %broadcast_in_dim3A_1 : vector<16xf32> to vector<16xf32>
    tpu.vector_store %arg8[%swap3A], %swap3A_4 {strides = array<i32>} : memref<128xf32, #tpu.memory_space<vmem>>, vector<16xf32>,
    %broadcast_in_dim3A_5 = arith.constant 1.000000e+00 : f32
    %broadcast_in_dim3A_6 = vector.broadcast %broadcast_in_dim3A_5 : f32 to vector<16xf32>
    %swap3A_7 = arith.constant 16 : index
    %swap3A_8 = tpu.vector_load %arg8[%swap3A_7] {strides = array<i32>} : memref<128xf32, #tpu.memory_space<vmem>>, vector<16xf32>,
    %swap3A_9 = vector.shape_cast %swap3A_8 : vector<16xf32> to vector<16xf32>
    %swap3A_10 = vector.shape_cast %broadcast_in_dim3A_6 : vector<16xf32> to vector<16xf32>
    tpu.vector_store %arg8[%swap3A_7], %swap3A_10 {strides = array<i32>} : memref<128xf32, #tpu.memory_space<vmem>>, vector<16xf32>,
    %broadcast_in_dim3A_11 = arith.constant 1.000000e+00 : f32
    %broadcast_in_dim3A_12 = vector.broadcast %broadcast_in_dim3A_11 : f32 to vector<16xf32>
    %swap3A_13 = arith.constant 32 : index
    %swap3A_14 = tpu.vector_load %arg8[%swap3A_13] {strides = array<i32>} : memref<128xf32, #tpu.memory_space<vmem>>, vector<16xf32>,
    %swap3A_15 = vector.shape_cast %swap3A_14 : vector<16xf32> to vector<16xf32>
    %swap3A_16 = vector.shape_cast %broadcast_in_dim3A_12 : vector<16xf32> to vector<16xf32>
    tpu.vector_store %arg8[%swap3A_13], %swap3A_16 {strides = array<i32>} : memref<128xf32, #tpu.memory_space<vmem>>, vector<16xf32>,
    %broadcast_in_dim3A_17 = arith.constant 1.000000e+00 : f32
    %broadcast_in_dim3A_18 = vector.broadcast %broadcast_in_dim3A_17 : f32 to vector<16xf32>
    %swap3A_19 = arith.constant 48 : index
    %swap3A_20 = tpu.vector_load %arg8[%swap3A_19] {strides = array<i32>} : memref<128xf32, #tpu.memory_space<vmem>>, vector<16xf32>,
    %swap3A_21 = vector.shape_cast %swap3A_20 : vector<16xf32> to vector<16xf32>
    %swap3A_22 = vector.shape_cast %broadcast_in_dim3A_18 : vector<16xf32> to vector<16xf32>
    tpu.vector_store %arg8[%swap3A_19], %swap3A_22 {strides = array<i32>} : memref<128xf32, #tpu.memory_space<vmem>>, vector<16xf32>,
    %broadcast_in_dim3A_23 = arith.constant 1.000000e+00 : f32
    %broadcast_in_dim3A_24 = vector.broadcast %broadcast_in_dim3A_23 : f32 to vector<16xf32>
    %swap3A_25 = arith.constant 64 : index
    %swap3A_26 = tpu.vector_load %arg8[%swap3A_25] {strides = array<i32>} : memref<128xf32, #tpu.memory_space<vmem>>, vector<16xf32>,
    %swap3A_27 = vector.shape_cast %swap3A_26 : vector<16xf32> to vector<16xf32>
    %swap3A_28 = vector.shape_cast %broadcast_in_dim3A_24 : vector<16xf32> to vector<16xf32>
    tpu.vector_store %arg8[%swap3A_25], %swap3A_28 {strides = array<i32>} : memref<128xf32, #tpu.memory_space<vmem>>, vector<16xf32>,
    %broadcast_in_dim3A_29 = arith.constant 1.000000e+00 : f32
    %broadcast_in_dim3A_30 = vector.broadcast %broadcast_in_dim3A_29 : f32 to vector<16xf32>
    %swap3A_31 = arith.constant 80 : index
    %swap3A_32 = tpu.vector_load %arg8[%swap3A_31] {strides = array<i32>} : memref<128xf32, #tpu.memory_space<vmem>>, vector<16xf32>,
    %swap3A_33 = vector.shape_cast %swap3A_32 : vector<16xf32> to vector<16xf32>
    %swap3A_34 = vector.shape_cast %broadcast_in_dim3A_30 : vector<16xf32> to vector<16xf32>
    tpu.vector_store %arg8[%swap3A_31], %swap3A_34 {strides = array<i32>} : memref<128xf32, #tpu.memory_space<vmem>>, vector<16xf32>,
    %broadcast_in_dim3A_35 = arith.constant 1.000000e+00 : f32
    %broadcast_in_dim3A_36 = vector.broadcast %broadcast_in_dim3A_35 : f32 to vector<16xf32>
    %swap3A_37 = arith.constant 96 : index
    %swap3A_38 = tpu.vector_load %arg8[%swap3A_37] {strides = array<i32>} : memref<128xf32, #tpu.memory_space<vmem>>, vector<16xf32>,
    %swap3A_39 = vector.shape_cast %swap3A_38 : vector<16xf32> to vector<16xf32>
    %swap3A_40 = vector.shape_cast %broadcast_in_dim3A_36 : vector<16xf32> to vector<16xf32>
    tpu.vector_store %arg8[%swap3A_37], %swap3A_40 {strides = array<i32>} : memref<128xf32, #tpu.memory_space<vmem>>, vector<16xf32>,
    %broadcast_in_dim3A_41 = arith.constant 1.000000e+00 : f32
    %broadcast_in_dim3A_42 = vector.broadcast %broadcast_in_dim3A_41 : f32 to vector<16xf32>
    %swap3A_43 = arith.constant 112 : index
    %swap3A_44 = tpu.vector_load %arg8[%swap3A_43] {strides = array<i32>} : memref<128xf32, #tpu.memory_space<vmem>>, vector<16xf32>,
    %swap3A_45 = vector.shape_cast %swap3A_44 : vector<16xf32> to vector<16xf32>
    %swap3A_46 = vector.shape_cast %broadcast_in_dim3A_42 : vector<16xf32> to vector<16xf32>
    tpu.vector_store %arg8[%swap3A_43], %swap3A_46 {strides = array<i32>} : memref<128xf32, #tpu.memory_space<vmem>>, vector<16xf32>,
    %mul3A_47 = arith.constant 640 : i32
    %mul3A_48 = arith.muli %arg1, %mul3A_47 : i32
    "tpu.region"() ({
      %run_scoped3A = tpu.sem_alloc : memref<!tpu.dma_semaphore, #tpu.memory_space<semaphore_mem>>
      %dma_start3A_137 = tpu.memref_slice %arg9[%mul3A_48] : memref<10240xf32, #tpu.memory_space<vmem_shared>> -> memref<640xf32, #tpu.memory_space<vmem_shared>>
      %dma_start3A_138 = tpu.memref_slice %arg4[%mul3A_48] : memref<10240xf32, #tpu.memory_space<hbm>> -> memref<640xf32, #tpu.memory_space<hbm>>
      tpu.enqueue_dma source(%dma_start3A_138 : memref<640xf32, #tpu.memory_space<hbm>>) target(%dma_start3A_137 : memref<640xf32, #tpu.memory_space<vmem_shared>>) target_semaphore(%run_scoped3A : memref<!tpu.dma_semaphore, #tpu.memory_space<semaphore_mem>>)
      %dma_wait3A_139 = tpu.memref_slice %arg9[%mul3A_48] : memref<10240xf32, #tpu.memory_space<vmem_shared>> -> memref<640xf32, #tpu.memory_space<vmem_shared>>
      %dma_wait3A_140 = tpu.memref_slice %arg4[%mul3A_48] : memref<10240xf32, #tpu.memory_space<hbm>> -> memref<640xf32, #tpu.memory_space<hbm>>
      tpu.wait_dma2 semaphore(%run_scoped3A : memref<!tpu.dma_semaphore, #tpu.memory_space<semaphore_mem>>) src(%dma_wait3A_140 : memref<640xf32, #tpu.memory_space<hbm>>) dst(%dma_wait3A_139 : memref<640xf32, #tpu.memory_space<vmem_shared>>)
      tpu.yield
    }) : () -> ()
    "tpu.region"() ({
      %run_scoped3A = tpu.sem_alloc : memref<!tpu.dma_semaphore, #tpu.memory_space<semaphore_mem>>
      %dma_start3A_137 = tpu.memref_slice %arg10[%mul3A_48] : memref<10240xf32, #tpu.memory_space<vmem_shared>> -> memref<640xf32, #tpu.memory_space<vmem_shared>>
      %dma_start3A_138 = tpu.memref_slice %arg4[%mul3A_48] : memref<10240xf32, #tpu.memory_space<hbm>> -> memref<640xf32, #tpu.memory_space<hbm>>
      tpu.enqueue_dma source(%dma_start3A_138 : memref<640xf32, #tpu.memory_space<hbm>>) target(%dma_start3A_137 : memref<640xf32, #tpu.memory_space<vmem_shared>>) target_semaphore(%run_scoped3A : memref<!tpu.dma_semaphore, #tpu.memory_space<semaphore_mem>>)
      %dma_wait3A_139 = tpu.memref_slice %arg10[%mul3A_48] : memref<10240xf32, #tpu.memory_space<vmem_shared>> -> memref<640xf32, #tpu.memory_space<vmem_shared>>
      %dma_wait3A_140 = tpu.memref_slice %arg4[%mul3A_48] : memref<10240xf32, #tpu.memory_space<hbm>> -> memref<640xf32, #tpu.memory_space<hbm>>
      tpu.wait_dma2 semaphore(%run_scoped3A : memref<!tpu.dma_semaphore, #tpu.memory_space<semaphore_mem>>) src(%dma_wait3A_140 : memref<640xf32, #tpu.memory_space<hbm>>) dst(%dma_wait3A_139 : memref<640xf32, #tpu.memory_space<vmem_shared>>)
      tpu.yield
    }) : () -> ()
    %barrier3A = arith.constant 0 : index
    tpu.barrier barrier_id(%barrier3A)
    %dma_start3A = arith.constant 0 : i32
    %dma_start3A_49 = arith.constant 0 : i32
    %dma_start3A_50 = tpu.memref_slice %arg6[%dma_start3A, %dma_start3A_49] : memref<80x128xi32, #tpu.memory_space<vmem>> -> memref<1x128xi32, #tpu.memory_space<vmem>>
    %dma_start3A_51 = tpu.memref_squeeze %dma_start3A_50 : memref<1x128xi32, #tpu.memory_space<vmem>> -> memref<128xi32, #tpu.memory_space<vmem>>
    %dma_start3A_52 = arith.constant 0 : i32
    %dma_start3A_53 = tpu.memref_slice %arg9[%dma_start3A_52] : memref<10240xf32, #tpu.memory_space<vmem_shared>> -> memref<10240xf32, #tpu.memory_space<vmem_shared>>
    tpu.enqueue_indirect_dma source(%arg8 : memref<128xf32, #tpu.memory_space<vmem>>) target(%dma_start3A_53 : memref<10240xf32, #tpu.memory_space<vmem_shared>>) offsets(%dma_start3A_51 : memref<128xi32, #tpu.memory_space<vmem>>) semaphore(%arg11 : memref<!tpu.dma_semaphore, #tpu.memory_space<semaphore_mem>>) {add = true}
    %dma_start3A_54 = arith.constant 0 : i32
    %dma_start3A_55 = arith.constant 0 : i32
    %dma_start3A_56 = tpu.memref_slice %arg7[%dma_start3A_54, %dma_start3A_55] : memref<80x128xi32, #tpu.memory_space<vmem>> -> memref<1x128xi32, #tpu.memory_space<vmem>>
    %dma_start3A_57 = tpu.memref_squeeze %dma_start3A_56 : memref<1x128xi32, #tpu.memory_space<vmem>> -> memref<128xi32, #tpu.memory_space<vmem>>
    %dma_start3A_58 = arith.constant 0 : i32
    %dma_start3A_59 = tpu.memref_slice %arg10[%dma_start3A_58] : memref<10240xf32, #tpu.memory_space<vmem_shared>> -> memref<10240xf32, #tpu.memory_space<vmem_shared>>
    tpu.enqueue_indirect_dma source(%arg8 : memref<128xf32, #tpu.memory_space<vmem>>) target(%dma_start3A_59 : memref<10240xf32, #tpu.memory_space<vmem_shared>>) offsets(%dma_start3A_57 : memref<128xi32, #tpu.memory_space<vmem>>) semaphore(%arg11 : memref<!tpu.dma_semaphore, #tpu.memory_space<semaphore_mem>>) {add = true}
    %dma_start3A_60 = arith.constant 1 : i32
    %dma_start3A_61 = arith.constant 0 : i32
    %dma_start3A_62 = tpu.memref_slice %arg6[%dma_start3A_60, %dma_start3A_61] : memref<80x128xi32, #tpu.memory_space<vmem>> -> memref<1x128xi32, #tpu.memory_space<vmem>>
    %dma_start3A_63 = tpu.memref_squeeze %dma_start3A_62 : memref<1x128xi32, #tpu.memory_space<vmem>> -> memref<128xi32, #tpu.memory_space<vmem>>
    %dma_start3A_64 = arith.constant 0 : i32
    %dma_start3A_65 = tpu.memref_slice %arg9[%dma_start3A_64] : memref<10240xf32, #tpu.memory_space<vmem_shared>> -> memref<10240xf32, #tpu.memory_space<vmem_shared>>
    tpu.enqueue_indirect_dma source(%arg8 : memref<128xf32, #tpu.memory_space<vmem>>) target(%dma_start3A_65 : memref<10240xf32, #tpu.memory_space<vmem_shared>>) offsets(%dma_start3A_63 : memref<128xi32, #tpu.memory_space<vmem>>) semaphore(%arg11 : memref<!tpu.dma_semaphore, #tpu.memory_space<semaphore_mem>>) {add = true}
    %dma_start3A_66 = arith.constant 1 : i32
    %dma_start3A_67 = arith.constant 0 : i32
    %dma_start3A_68 = tpu.memref_slice %arg7[%dma_start3A_66, %dma_start3A_67] : memref<80x128xi32, #tpu.memory_space<vmem>> -> memref<1x128xi32, #tpu.memory_space<vmem>>
    %dma_start3A_69 = tpu.memref_squeeze %dma_start3A_68 : memref<1x128xi32, #tpu.memory_space<vmem>> -> memref<128xi32, #tpu.memory_space<vmem>>
    %dma_start3A_70 = arith.constant 0 : i32
    %dma_start3A_71 = tpu.memref_slice %arg10[%dma_start3A_70] : memref<10240xf32, #tpu.memory_space<vmem_shared>> -> memref<10240xf32, #tpu.memory_space<vmem_shared>>
    tpu.enqueue_indirect_dma source(%arg8 : memref<128xf32, #tpu.memory_space<vmem>>) target(%dma_start3A_71 : memref<10240xf32, #tpu.memory_space<vmem_shared>>) offsets(%dma_start3A_69 : memref<128xi32, #tpu.memory_space<vmem>>) semaphore(%arg11 : memref<!tpu.dma_semaphore, #tpu.memory_space<semaphore_mem>>) {add = true}
    %dma_start3A_72 = arith.constant 2 : i32
    %dma_start3A_73 = arith.constant 0 : i32
    %dma_start3A_74 = tpu.memref_slice %arg6[%dma_start3A_72, %dma_start3A_73] : memref<80x128xi32, #tpu.memory_space<vmem>> -> memref<1x128xi32, #tpu.memory_space<vmem>>
    %dma_start3A_75 = tpu.memref_squeeze %dma_start3A_74 : memref<1x128xi32, #tpu.memory_space<vmem>> -> memref<128xi32, #tpu.memory_space<vmem>>
    %dma_start3A_76 = arith.constant 0 : i32
    %dma_start3A_77 = tpu.memref_slice %arg9[%dma_start3A_76] : memref<10240xf32, #tpu.memory_space<vmem_shared>> -> memref<10240xf32, #tpu.memory_space<vmem_shared>>
    tpu.enqueue_indirect_dma source(%arg8 : memref<128xf32, #tpu.memory_space<vmem>>) target(%dma_start3A_77 : memref<10240xf32, #tpu.memory_space<vmem_shared>>) offsets(%dma_start3A_75 : memref<128xi32, #tpu.memory_space<vmem>>) semaphore(%arg11 : memref<!tpu.dma_semaphore, #tpu.memory_space<semaphore_mem>>) {add = true}
    %dma_start3A_78 = arith.constant 2 : i32
    %dma_start3A_79 = arith.constant 0 : i32
    %dma_start3A_80 = tpu.memref_slice %arg7[%dma_start3A_78, %dma_start3A_79] : memref<80x128xi32, #tpu.memory_space<vmem>> -> memref<1x128xi32, #tpu.memory_space<vmem>>
    %dma_start3A_81 = tpu.memref_squeeze %dma_start3A_80 : memref<1x128xi32, #tpu.memory_space<vmem>> -> memref<128xi32, #tpu.memory_space<vmem>>
    %dma_start3A_82 = arith.constant 0 : i32
    %dma_start3A_83 = tpu.memref_slice %arg10[%dma_start3A_82] : memref<10240xf32, #tpu.memory_space<vmem_shared>> -> memref<10240xf32, #tpu.memory_space<vmem_shared>>
    tpu.enqueue_indirect_dma source(%arg8 : memref<128xf32, #tpu.memory_space<vmem>>) target(%dma_start3A_83 : memref<10240xf32, #tpu.memory_space<vmem_shared>>) offsets(%dma_start3A_81 : memref<128xi32, #tpu.memory_space<vmem>>) semaphore(%arg11 : memref<!tpu.dma_semaphore, #tpu.memory_space<semaphore_mem>>) {add = true}
    %dma_start3A_84 = arith.constant 3 : i32
    %dma_start3A_85 = arith.constant 0 : i32
    %dma_start3A_86 = tpu.memref_slice %arg6[%dma_start3A_84, %dma_start3A_85] : memref<80x128xi32, #tpu.memory_space<vmem>> -> memref<1x128xi32, #tpu.memory_space<vmem>>
    %dma_start3A_87 = tpu.memref_squeeze %dma_start3A_86 : memref<1x128xi32, #tpu.memory_space<vmem>> -> memref<128xi32, #tpu.memory_space<vmem>>
    %dma_start3A_88 = arith.constant 0 : i32
    %dma_start3A_89 = tpu.memref_slice %arg9[%dma_start3A_88] : memref<10240xf32, #tpu.memory_space<vmem_shared>> -> memref<10240xf32, #tpu.memory_space<vmem_shared>>
    tpu.enqueue_indirect_dma source(%arg8 : memref<128xf32, #tpu.memory_space<vmem>>) target(%dma_start3A_89 : memref<10240xf32, #tpu.memory_space<vmem_shared>>) offsets(%dma_start3A_87 : memref<128xi32, #tpu.memory_space<vmem>>) semaphore(%arg11 : memref<!tpu.dma_semaphore, #tpu.memory_space<semaphore_mem>>) {add = true}
    %dma_start3A_90 = arith.constant 3 : i32
    %dma_start3A_91 = arith.constant 0 : i32
    %dma_start3A_92 = tpu.memref_slice %arg7[%dma_start3A_90, %dma_start3A_91] : memref<80x128xi32, #tpu.memory_space<vmem>> -> memref<1x128xi32, #tpu.memory_space<vmem>>
    %dma_start3A_93 = tpu.memref_squeeze %dma_start3A_92 : memref<1x128xi32, #tpu.memory_space<vmem>> -> memref<128xi32, #tpu.memory_space<vmem>>
    %dma_start3A_94 = arith.constant 0 : i32
    %dma_start3A_95 = tpu.memref_slice %arg10[%dma_start3A_94] : memref<10240xf32, #tpu.memory_space<vmem_shared>> -> memref<10240xf32, #tpu.memory_space<vmem_shared>>
    tpu.enqueue_indirect_dma source(%arg8 : memref<128xf32, #tpu.memory_space<vmem>>) target(%dma_start3A_95 : memref<10240xf32, #tpu.memory_space<vmem_shared>>) offsets(%dma_start3A_93 : memref<128xi32, #tpu.memory_space<vmem>>) semaphore(%arg11 : memref<!tpu.dma_semaphore, #tpu.memory_space<semaphore_mem>>) {add = true}
    %scan3A = arith.constant 0 : i32
    %scan3A_96 = arith.constant 4 : i32
    %scan3A_97 = arith.constant 75 : i32
    %scan3A_98 = arith.addi %scan3A_96, %scan3A_97 : i32
    %scan3A_99 = arith.constant 1 : i32
    scf.for %scan3A_137 = %scan3A_96 to %scan3A_98 step %scan3A_99  : i32 {
      %dma_wait3A_138 = arith.constant 0 : i32
      %dma_wait3A_139 = tpu.memref_slice %arg9[%dma_wait3A_138] : memref<10240xf32, #tpu.memory_space<vmem_shared>> -> memref<128xf32, #tpu.memory_space<vmem_shared>>
      %dma_wait3A_140 = arith.constant 0 : i32
      %dma_wait3A_141 = tpu.memref_slice %arg9[%dma_wait3A_140] : memref<10240xf32, #tpu.memory_space<vmem_shared>> -> memref<128xf32, #tpu.memory_space<vmem_shared>>
      tpu.wait_dma2 semaphore(%arg11 : memref<!tpu.dma_semaphore, #tpu.memory_space<semaphore_mem>>) src(%arg8 : memref<128xf32, #tpu.memory_space<vmem>>) dst(%dma_wait3A_141 : memref<128xf32, #tpu.memory_space<vmem_shared>>)
      %dma_wait3A_142 = arith.constant 0 : i32
      %dma_wait3A_143 = tpu.memref_slice %arg10[%dma_wait3A_142] : memref<10240xf32, #tpu.memory_space<vmem_shared>> -> memref<128xf32, #tpu.memory_space<vmem_shared>>
      %dma_wait3A_144 = arith.constant 0 : i32
      %dma_wait3A_145 = tpu.memref_slice %arg10[%dma_wait3A_144] : memref<10240xf32, #tpu.memory_space<vmem_shared>> -> memref<128xf32, #tpu.memory_space<vmem_shared>>
      tpu.wait_dma2 semaphore(%arg11 : memref<!tpu.dma_semaphore, #tpu.memory_space<semaphore_mem>>) src(%arg8 : memref<128xf32, #tpu.memory_space<vmem>>) dst(%dma_wait3A_145 : memref<128xf32, #tpu.memory_space<vmem_shared>>)
      %dma_start3A_146 = arith.constant 0 : i32
      %dma_start3A_147 = tpu.memref_slice %arg6[%scan3A_137, %dma_start3A_146] : memref<80x128xi32, #tpu.memory_space<vmem>> -> memref<1x128xi32, #tpu.memory_space<vmem>>
      %dma_start3A_148 = tpu.memref_squeeze %dma_start3A_147 : memref<1x128xi32, #tpu.memory_space<vmem>> -> memref<128xi32, #tpu.memory_space<vmem>>
      %dma_start3A_149 = arith.constant 0 : i32
      %dma_start3A_150 = tpu.memref_slice %arg9[%dma_start3A_149] : memref<10240xf32, #tpu.memory_space<vmem_shared>> -> memref<10240xf32, #tpu.memory_space<vmem_shared>>
      tpu.enqueue_indirect_dma source(%arg8 : memref<128xf32, #tpu.memory_space<vmem>>) target(%dma_start3A_150 : memref<10240xf32, #tpu.memory_space<vmem_shared>>) offsets(%dma_start3A_148 : memref<128xi32, #tpu.memory_space<vmem>>) semaphore(%arg11 : memref<!tpu.dma_semaphore, #tpu.memory_space<semaphore_mem>>) {add = true}
      %dma_start3A_151 = arith.constant 0 : i32
      %dma_start3A_152 = tpu.memref_slice %arg7[%scan3A_137, %dma_start3A_151] : memref<80x128xi32, #tpu.memory_space<vmem>> -> memref<1x128xi32, #tpu.memory_space<vmem>>
      %dma_start3A_153 = tpu.memref_squeeze %dma_start3A_152 : memref<1x128xi32, #tpu.memory_space<vmem>> -> memref<128xi32, #tpu.memory_space<vmem>>
      %dma_start3A_154 = arith.constant 0 : i32
      %dma_start3A_155 = tpu.memref_slice %arg10[%dma_start3A_154] : memref<10240xf32, #tpu.memory_space<vmem_shared>> -> memref<10240xf32, #tpu.memory_space<vmem_shared>>
      tpu.enqueue_indirect_dma source(%arg8 : memref<128xf32, #tpu.memory_space<vmem>>) target(%dma_start3A_155 : memref<10240xf32, #tpu.memory_space<vmem_shared>>) offsets(%dma_start3A_153 : memref<128xi32, #tpu.memory_space<vmem>>) semaphore(%arg11 : memref<!tpu.dma_semaphore, #tpu.memory_space<semaphore_mem>>) {add = true}
    }
    %scan3A_100 = arith.constant 75 : i32
    %dma_wait3A = arith.constant 0 : i32
    %dma_wait3A_101 = tpu.memref_slice %arg9[%dma_wait3A] : memref<10240xf32, #tpu.memory_space<vmem_shared>> -> memref<128xf32, #tpu.memory_space<vmem_shared>>
    %dma_wait3A_102 = arith.constant 0 : i32
    %dma_wait3A_103 = tpu.memref_slice %arg9[%dma_wait3A_102] : memref<10240xf32, #tpu.memory_space<vmem_shared>> -> memref<128xf32, #tpu.memory_space<vmem_shared>>
    tpu.wait_dma2 semaphore(%arg11 : memref<!tpu.dma_semaphore, #tpu.memory_space<semaphore_mem>>) src(%arg8 : memref<128xf32, #tpu.memory_space<vmem>>) dst(%dma_wait3A_103 : memref<128xf32, #tpu.memory_space<vmem_shared>>)
    %dma_wait3A_104 = arith.constant 0 : i32
    %dma_wait3A_105 = tpu.memref_slice %arg10[%dma_wait3A_104] : memref<10240xf32, #tpu.memory_space<vmem_shared>> -> memref<128xf32, #tpu.memory_space<vmem_shared>>
    %dma_wait3A_106 = arith.constant 0 : i32
    %dma_wait3A_107 = tpu.memref_slice %arg10[%dma_wait3A_106] : memref<10240xf32, #tpu.memory_space<vmem_shared>> -> memref<128xf32, #tpu.memory_space<vmem_shared>>
    tpu.wait_dma2 semaphore(%arg11 : memref<!tpu.dma_semaphore, #tpu.memory_space<semaphore_mem>>) src(%arg8 : memref<128xf32, #tpu.memory_space<vmem>>) dst(%dma_wait3A_107 : memref<128xf32, #tpu.memory_space<vmem_shared>>)
    %dma_wait3A_108 = arith.constant 0 : i32
    %dma_wait3A_109 = tpu.memref_slice %arg9[%dma_wait3A_108] : memref<10240xf32, #tpu.memory_space<vmem_shared>> -> memref<128xf32, #tpu.memory_space<vmem_shared>>
    %dma_wait3A_110 = arith.constant 0 : i32
    %dma_wait3A_111 = tpu.memref_slice %arg9[%dma_wait3A_110] : memref<10240xf32, #tpu.memory_space<vmem_shared>> -> memref<128xf32, #tpu.memory_space<vmem_shared>>
    tpu.wait_dma2 semaphore(%arg11 : memref<!tpu.dma_semaphore, #tpu.memory_space<semaphore_mem>>) src(%arg8 : memref<128xf32, #tpu.memory_space<vmem>>) dst(%dma_wait3A_111 : memref<128xf32, #tpu.memory_space<vmem_shared>>)
    %dma_wait3A_112 = arith.constant 0 : i32
    %dma_wait3A_113 = tpu.memref_slice %arg10[%dma_wait3A_112] : memref<10240xf32, #tpu.memory_space<vmem_shared>> -> memref<128xf32, #tpu.memory_space<vmem_shared>>
    %dma_wait3A_114 = arith.constant 0 : i32
    %dma_wait3A_115 = tpu.memref_slice %arg10[%dma_wait3A_114] : memref<10240xf32, #tpu.memory_space<vmem_shared>> -> memref<128xf32, #tpu.memory_space<vmem_shared>>
    tpu.wait_dma2 semaphore(%arg11 : memref<!tpu.dma_semaphore, #tpu.memory_space<semaphore_mem>>) src(%arg8 : memref<128xf32, #tpu.memory_space<vmem>>) dst(%dma_wait3A_115 : memref<128xf32, #tpu.memory_space<vmem_shared>>)
    %dma_wait3A_116 = arith.constant 0 : i32
    %dma_wait3A_117 = tpu.memref_slice %arg9[%dma_wait3A_116] : memref<10240xf32, #tpu.memory_space<vmem_shared>> -> memref<128xf32, #tpu.memory_space<vmem_shared>>
    %dma_wait3A_118 = arith.constant 0 : i32
    %dma_wait3A_119 = tpu.memref_slice %arg9[%dma_wait3A_118] : memref<10240xf32, #tpu.memory_space<vmem_shared>> -> memref<128xf32, #tpu.memory_space<vmem_shared>>
    tpu.wait_dma2 semaphore(%arg11 : memref<!tpu.dma_semaphore, #tpu.memory_space<semaphore_mem>>) src(%arg8 : memref<128xf32, #tpu.memory_space<vmem>>) dst(%dma_wait3A_119 : memref<128xf32, #tpu.memory_space<vmem_shared>>)
    %dma_wait3A_120 = arith.constant 0 : i32
    %dma_wait3A_121 = tpu.memref_slice %arg10[%dma_wait3A_120] : memref<10240xf32, #tpu.memory_space<vmem_shared>> -> memref<128xf32, #tpu.memory_space<vmem_shared>>
    %dma_wait3A_122 = arith.constant 0 : i32
    %dma_wait3A_123 = tpu.memref_slice %arg10[%dma_wait3A_122] : memref<10240xf32, #tpu.memory_space<vmem_shared>> -> memref<128xf32, #tpu.memory_space<vmem_shared>>
    tpu.wait_dma2 semaphore(%arg11 : memref<!tpu.dma_semaphore, #tpu.memory_space<semaphore_mem>>) src(%arg8 : memref<128xf32, #tpu.memory_space<vmem>>) dst(%dma_wait3A_123 : memref<128xf32, #tpu.memory_space<vmem_shared>>)
    %dma_wait3A_124 = arith.constant 0 : i32
    %dma_wait3A_125 = tpu.memref_slice %arg9[%dma_wait3A_124] : memref<10240xf32, #tpu.memory_space<vmem_shared>> -> memref<128xf32, #tpu.memory_space<vmem_shared>>
    %dma_wait3A_126 = arith.constant 0 : i32
    %dma_wait3A_127 = tpu.memref_slice %arg9[%dma_wait3A_126] : memref<10240xf32, #tpu.memory_space<vmem_shared>> -> memref<128xf32, #tpu.memory_space<vmem_shared>>
    tpu.wait_dma2 semaphore(%arg11 : memref<!tpu.dma_semaphore, #tpu.memory_space<semaphore_mem>>) src(%arg8 : memref<128xf32, #tpu.memory_space<vmem>>) dst(%dma_wait3A_127 : memref<128xf32, #tpu.memory_space<vmem_shared>>)
    %dma_wait3A_128 = arith.constant 0 : i32
    %dma_wait3A_129 = tpu.memref_slice %arg10[%dma_wait3A_128] : memref<10240xf32, #tpu.memory_space<vmem_shared>> -> memref<128xf32, #tpu.memory_space<vmem_shared>>
    %dma_wait3A_130 = arith.constant 0 : i32
    %dma_wait3A_131 = tpu.memref_slice %arg10[%dma_wait3A_130] : memref<10240xf32, #tpu.memory_space<vmem_shared>> -> memref<128xf32, #tpu.memory_space<vmem_shared>>
    tpu.wait_dma2 semaphore(%arg11 : memref<!tpu.dma_semaphore, #tpu.memory_space<semaphore_mem>>) src(%arg8 : memref<128xf32, #tpu.memory_space<vmem>>) dst(%dma_wait3A_131 : memref<128xf32, #tpu.memory_space<vmem_shared>>)
    %barrier3A_132 = arith.constant 0 : index
    tpu.barrier barrier_id(%barrier3A_132)
    "tpu.region"() ({
      %run_scoped3A = tpu.sem_alloc : memref<!tpu.dma_semaphore, #tpu.memory_space<semaphore_mem>>
      %dma_start3A_137 = tpu.memref_slice %arg5[%arg0, %mul3A_48] : memref<2x20480xf32, #tpu.memory_space<hbm>> -> memref<1x640xf32, #tpu.memory_space<hbm>>
      %dma_start3A_138 = tpu.memref_squeeze %dma_start3A_137 : memref<1x640xf32, #tpu.memory_space<hbm>> -> memref<640xf32, #tpu.memory_space<hbm>>
      %dma_start3A_139 = tpu.memref_slice %arg9[%mul3A_48] : memref<10240xf32, #tpu.memory_space<vmem_shared>> -> memref<640xf32, #tpu.memory_space<vmem_shared>>
      tpu.enqueue_dma source(%dma_start3A_139 : memref<640xf32, #tpu.memory_space<vmem_shared>>) target(%dma_start3A_138 : memref<640xf32, #tpu.memory_space<hbm>>) target_semaphore(%run_scoped3A : memref<!tpu.dma_semaphore, #tpu.memory_space<semaphore_mem>>)
      %dma_wait3A_140 = tpu.memref_slice %arg5[%arg0, %mul3A_48] : memref<2x20480xf32, #tpu.memory_space<hbm>> -> memref<1x640xf32, #tpu.memory_space<hbm>>
      %dma_wait3A_141 = tpu.memref_squeeze %dma_wait3A_140 : memref<1x640xf32, #tpu.memory_space<hbm>> -> memref<640xf32, #tpu.memory_space<hbm>>
      %dma_wait3A_142 = tpu.memref_slice %arg9[%mul3A_48] : memref<10240xf32, #tpu.memory_space<vmem_shared>> -> memref<640xf32, #tpu.memory_space<vmem_shared>>
      tpu.wait_dma2 semaphore(%run_scoped3A : memref<!tpu.dma_semaphore, #tpu.memory_space<semaphore_mem>>) src(%dma_wait3A_142 : memref<640xf32, #tpu.memory_space<vmem_shared>>) dst(%dma_wait3A_141 : memref<640xf32, #tpu.memory_space<hbm>>)
      tpu.yield
    }) : () -> ()
    %mul3A_133 = arith.constant 640 : i32
    %mul3A_134 = arith.muli %arg1, %mul3A_133 : i32
    %add3A_135 = arith.constant 10240 : i32
    %add3A_136 = arith.addi %add3A_135, %mul3A_134 : i32
    "tpu.region"() ({
      %run_scoped3A = tpu.sem_alloc : memref<!tpu.dma_semaphore, #tpu.memory_space<semaphore_mem>>
      %dma_start3A_137 = tpu.memref_slice %arg5[%arg0, %add3A_136] : memref<2x20480xf32, #tpu.memory_space<hbm>> -> memref<1x640xf32, #tpu.memory_space<hbm>>
      %dma_start3A_138 = tpu.memref_squeeze %dma_start3A_137 : memref<1x640xf32, #tpu.memory_space<hbm>> -> memref<640xf32, #tpu.memory_space<hbm>>
      %dma_start3A_139 = tpu.memref_slice %arg10[%mul3A_48] : memref<10240xf32, #tpu.memory_space<vmem_shared>> -> memref<640xf32, #tpu.memory_space<vmem_shared>>
      tpu.enqueue_dma source(%dma_start3A_139 : memref<640xf32, #tpu.memory_space<vmem_shared>>) target(%dma_start3A_138 : memref<640xf32, #tpu.memory_space<hbm>>) target_semaphore(%run_scoped3A : memref<!tpu.dma_semaphore, #tpu.memory_space<semaphore_mem>>)
      %dma_wait3A_140 = tpu.memref_slice %arg5[%arg0, %add3A_136] : memref<2x20480xf32, #tpu.memory_space<hbm>> -> memref<1x640xf32, #tpu.memory_space<hbm>>
      %dma_wait3A_141 = tpu.memref_squeeze %dma_wait3A_140 : memref<1x640xf32, #tpu.memory_space<hbm>> -> memref<640xf32, #tpu.memory_space<hbm>>
      %dma_wait3A_142 = tpu.memref_slice %arg10[%mul3A_48] : memref<10240xf32, #tpu.memory_space<vmem_shared>> -> memref<640xf32, #tpu.memory_space<vmem_shared>>
      tpu.wait_dma2 semaphore(%run_scoped3A : memref<!tpu.dma_semaphore, #tpu.memory_space<semaphore_mem>>) src(%dma_wait3A_142 : memref<640xf32, #tpu.memory_space<vmem_shared>>) dst(%dma_wait3A_141 : memref<640xf32, #tpu.memory_space<hbm>>)
      tpu.yield
    }) : () -> ()
    return
  }
}

#map = affine_map<(d0, d1) -> (0, 0)>
#map1 = affine_map<(d0, d1) -> (0, 0, 0)>
module attributes {stable_mosaic.version = 14 : i64} {
  func.func @_sc_msg(%arg0: i32, %arg1: i32, %arg2: memref<10240x128xf32, #tpu.memory_space<hbm>>, %arg3: memref<32x82x128xi32, #tpu.memory_space<hbm>>, %arg4: memref<32x82x128xi32, #tpu.memory_space<hbm>>, %arg5: memref<10240x128xf32, #tpu.memory_space<hbm>>, %arg6: memref<20480x128xf32, #tpu.memory_space<hbm>>, %arg7: memref<1x128xi32, #tpu.memory_space<vmem>>, %arg8: memref<1x128xi32, #tpu.memory_space<vmem>>, %arg9: memref<1x128xi32, #tpu.memory_space<vmem>>, %arg10: memref<1x128xi32, #tpu.memory_space<vmem>>, %arg11: memref<1x128xi32, #tpu.memory_space<vmem>>, %arg12: memref<1x128xi32, #tpu.memory_space<vmem>>, %arg13: memref<80x128xi32, #tpu.memory_space<vmem>>, %arg14: memref<128x128xf32, #tpu.memory_space<vmem>>, %arg15: memref<128x128xf32, #tpu.memory_space<vmem>>, %arg16: memref<10240x128xf32, #tpu.memory_space<vmem_shared>>, %arg17: memref<!tpu.dma_semaphore, #tpu.memory_space<semaphore_mem>>, %arg18: memref<!tpu.dma_semaphore, #tpu.memory_space<semaphore_mem>>, %arg19: memref<!tpu.dma_semaphore, #tpu.memory_space<semaphore_mem>>) attributes {dimension_semantics = [#tpu.dimension_semantics<core_parallel>, #tpu.dimension_semantics<subcore_parallel>], iteration_bounds = array<i64: 2, 16>, scalar_prefetch = 0 : i64, scratch_operands = 13 : i64, tpu.core_type = #tpu.core_type<sc_vector_subcore>, window_params = [{transform_indices = #map}, {transform_indices = #map1}, {transform_indices = #map1}, {transform_indices = #map}, {transform_indices = #map}]} {
    %mul3A = arith.constant 2 : i32
    %mul3A_0 = arith.muli %arg1, %mul3A : i32
    %add3A = arith.addi %mul3A_0, %arg0 : i32
    %dma_start3A = arith.constant 0 : i32
    %dma_start3A_1 = arith.constant 0 : i32
    %dma_start3A_2 = tpu.memref_slice %arg3[%add3A, %dma_start3A, %dma_start3A_1] : memref<32x82x128xi32, #tpu.memory_space<hbm>> -> memref<1x1x128xi32, #tpu.memory_space<hbm>>
    %dma_start3A_3 = tpu.memref_squeeze %dma_start3A_2 : memref<1x1x128xi32, #tpu.memory_space<hbm>> -> memref<1x128xi32, #tpu.memory_space<hbm>>
    %dma_start3A_4 = arith.constant 0 : i32
    %dma_start3A_5 = arith.constant 0 : i32
    %dma_start3A_6 = tpu.memref_slice %arg3[%add3A, %dma_start3A_4, %dma_start3A_5] : memref<32x82x128xi32, #tpu.memory_space<hbm>> -> memref<1x1x128xi32, #tpu.memory_space<hbm>>
    %dma_start3A_7 = tpu.memref_squeeze %dma_start3A_6 : memref<1x1x128xi32, #tpu.memory_space<hbm>> -> memref<1x128xi32, #tpu.memory_space<hbm>>
    tpu.enqueue_dma source(%dma_start3A_7 : memref<1x128xi32, #tpu.memory_space<hbm>>) target(%arg7 : memref<1x128xi32, #tpu.memory_space<vmem>>) target_semaphore(%arg17 : memref<!tpu.dma_semaphore, #tpu.memory_space<semaphore_mem>>)
    %dma_start3A_8 = arith.constant 1 : i32
    %dma_start3A_9 = arith.constant 0 : i32
    %dma_start3A_10 = tpu.memref_slice %arg3[%add3A, %dma_start3A_8, %dma_start3A_9] : memref<32x82x128xi32, #tpu.memory_space<hbm>> -> memref<1x1x128xi32, #tpu.memory_space<hbm>>
    %dma_start3A_11 = tpu.memref_squeeze %dma_start3A_10 : memref<1x1x128xi32, #tpu.memory_space<hbm>> -> memref<1x128xi32, #tpu.memory_space<hbm>>
    %dma_start3A_12 = arith.constant 1 : i32
    %dma_start3A_13 = arith.constant 0 : i32
    %dma_start3A_14 = tpu.memref_slice %arg3[%add3A, %dma_start3A_12, %dma_start3A_13] : memref<32x82x128xi32, #tpu.memory_space<hbm>> -> memref<1x1x128xi32, #tpu.memory_space<hbm>>
    %dma_start3A_15 = tpu.memref_squeeze %dma_start3A_14 : memref<1x1x128xi32, #tpu.memory_space<hbm>> -> memref<1x128xi32, #tpu.memory_space<hbm>>
    tpu.enqueue_dma source(%dma_start3A_15 : memref<1x128xi32, #tpu.memory_space<hbm>>) target(%arg8 : memref<1x128xi32, #tpu.memory_space<vmem>>) target_semaphore(%arg17 : memref<!tpu.dma_semaphore, #tpu.memory_space<semaphore_mem>>)
    %dma_start3A_16 = arith.constant 2 : i32
    %dma_start3A_17 = arith.constant 0 : i32
    %dma_start3A_18 = tpu.memref_slice %arg3[%add3A, %dma_start3A_16, %dma_start3A_17] : memref<32x82x128xi32, #tpu.memory_space<hbm>> -> memref<1x1x128xi32, #tpu.memory_space<hbm>>
    %dma_start3A_19 = tpu.memref_squeeze %dma_start3A_18 : memref<1x1x128xi32, #tpu.memory_space<hbm>> -> memref<1x128xi32, #tpu.memory_space<hbm>>
    %dma_start3A_20 = arith.constant 2 : i32
    %dma_start3A_21 = arith.constant 0 : i32
    %dma_start3A_22 = tpu.memref_slice %arg3[%add3A, %dma_start3A_20, %dma_start3A_21] : memref<32x82x128xi32, #tpu.memory_space<hbm>> -> memref<1x1x128xi32, #tpu.memory_space<hbm>>
    %dma_start3A_23 = tpu.memref_squeeze %dma_start3A_22 : memref<1x1x128xi32, #tpu.memory_space<hbm>> -> memref<1x128xi32, #tpu.memory_space<hbm>>
    tpu.enqueue_dma source(%dma_start3A_23 : memref<1x128xi32, #tpu.memory_space<hbm>>) target(%arg9 : memref<1x128xi32, #tpu.memory_space<vmem>>) target_semaphore(%arg17 : memref<!tpu.dma_semaphore, #tpu.memory_space<semaphore_mem>>)
    "tpu.region"() ({
      %run_scoped3A = tpu.sem_alloc : memref<!tpu.dma_semaphore, #tpu.memory_space<semaphore_mem>>
      %dma_start3A_360 = arith.constant 0 : i32
      %dma_start3A_361 = arith.constant 0 : i32
      %dma_start3A_362 = tpu.memref_slice %arg4[%add3A, %dma_start3A_360, %dma_start3A_361] : memref<32x82x128xi32, #tpu.memory_space<hbm>> -> memref<1x80x128xi32, #tpu.memory_space<hbm>>
      %dma_start3A_363 = tpu.memref_squeeze %dma_start3A_362 : memref<1x80x128xi32, #tpu.memory_space<hbm>> -> memref<80x128xi32, #tpu.memory_space<hbm>>
      %dma_start3A_364 = arith.constant 0 : i32
      %dma_start3A_365 = arith.constant 0 : i32
      %dma_start3A_366 = tpu.memref_slice %arg4[%add3A, %dma_start3A_364, %dma_start3A_365] : memref<32x82x128xi32, #tpu.memory_space<hbm>> -> memref<1x80x128xi32, #tpu.memory_space<hbm>>
      %dma_start3A_367 = tpu.memref_squeeze %dma_start3A_366 : memref<1x80x128xi32, #tpu.memory_space<hbm>> -> memref<80x128xi32, #tpu.memory_space<hbm>>
      tpu.enqueue_dma source(%dma_start3A_367 : memref<80x128xi32, #tpu.memory_space<hbm>>) target(%arg13 : memref<80x128xi32, #tpu.memory_space<vmem>>) target_semaphore(%run_scoped3A : memref<!tpu.dma_semaphore, #tpu.memory_space<semaphore_mem>>)
      %dma_wait3A_368 = arith.constant 0 : i32
      %dma_wait3A_369 = arith.constant 0 : i32
      %dma_wait3A_370 = tpu.memref_slice %arg4[%add3A, %dma_wait3A_368, %dma_wait3A_369] : memref<32x82x128xi32, #tpu.memory_space<hbm>> -> memref<1x80x128xi32, #tpu.memory_space<hbm>>
      %dma_wait3A_371 = tpu.memref_squeeze %dma_wait3A_370 : memref<1x80x128xi32, #tpu.memory_space<hbm>> -> memref<80x128xi32, #tpu.memory_space<hbm>>
      %dma_wait3A_372 = arith.constant 0 : i32
      %dma_wait3A_373 = arith.constant 0 : i32
      %dma_wait3A_374 = tpu.memref_slice %arg4[%add3A, %dma_wait3A_372, %dma_wait3A_373] : memref<32x82x128xi32, #tpu.memory_space<hbm>> -> memref<1x80x128xi32, #tpu.memory_space<hbm>>
      %dma_wait3A_375 = tpu.memref_squeeze %dma_wait3A_374 : memref<1x80x128xi32, #tpu.memory_space<hbm>> -> memref<80x128xi32, #tpu.memory_space<hbm>>
      tpu.wait_dma2 semaphore(%run_scoped3A : memref<!tpu.dma_semaphore, #tpu.memory_space<semaphore_mem>>) src(%dma_wait3A_375 : memref<80x128xi32, #tpu.memory_space<hbm>>) dst(%arg13 : memref<80x128xi32, #tpu.memory_space<vmem>>)
      tpu.yield
    }) : () -> ()
    %mul3A_24 = arith.constant 640 : i32
    %mul3A_25 = arith.muli %arg1, %mul3A_24 : i32
    %eq3A = arith.constant 0 : i32
    %eq3A_26 = arith.cmpi eq, %arg0, %eq3A : i32
    %convert_element_type3A = arith.extui %eq3A_26 : i1 to i32
    %cond3A = arith.constant 0 : i32
    %cond3A_27 = arith.cmpi ne, %convert_element_type3A, %cond3A : i32
    scf.if %cond3A_27 {
      "tpu.region"() ({
        %run_scoped3A = tpu.sem_alloc : memref<!tpu.dma_semaphore, #tpu.memory_space<semaphore_mem>>
        %dma_start3A_360 = arith.constant 0 : i32
        %dma_start3A_361 = tpu.memref_slice %arg16[%mul3A_25, %dma_start3A_360] : memref<10240x128xf32, #tpu.memory_space<vmem_shared>> -> memref<640x128xf32, #tpu.memory_space<vmem_shared>>
        %dma_start3A_362 = arith.constant 0 : i32
        %dma_start3A_363 = tpu.memref_slice %arg2[%mul3A_25, %dma_start3A_362] : memref<10240x128xf32, #tpu.memory_space<hbm>> -> memref<640x128xf32, #tpu.memory_space<hbm>>
        tpu.enqueue_dma source(%dma_start3A_363 : memref<640x128xf32, #tpu.memory_space<hbm>>) target(%dma_start3A_361 : memref<640x128xf32, #tpu.memory_space<vmem_shared>>) target_semaphore(%run_scoped3A : memref<!tpu.dma_semaphore, #tpu.memory_space<semaphore_mem>>)
        %dma_wait3A_364 = arith.constant 0 : i32
        %dma_wait3A_365 = tpu.memref_slice %arg16[%mul3A_25, %dma_wait3A_364] : memref<10240x128xf32, #tpu.memory_space<vmem_shared>> -> memref<640x128xf32, #tpu.memory_space<vmem_shared>>
        %dma_wait3A_366 = arith.constant 0 : i32
        %dma_wait3A_367 = tpu.memref_slice %arg2[%mul3A_25, %dma_wait3A_366] : memref<10240x128xf32, #tpu.memory_space<hbm>> -> memref<640x128xf32, #tpu.memory_space<hbm>>
        tpu.wait_dma2 semaphore(%run_scoped3A : memref<!tpu.dma_semaphore, #tpu.memory_space<semaphore_mem>>) src(%dma_wait3A_367 : memref<640x128xf32, #tpu.memory_space<hbm>>) dst(%dma_wait3A_365 : memref<640x128xf32, #tpu.memory_space<vmem_shared>>)
        tpu.yield
      }) : () -> ()
    } else {
    }
    %ne3A = arith.constant 0 : i32
    %ne3A_28 = arith.cmpi ne, %arg0, %ne3A : i32
    %convert_element_type3A_29 = arith.extui %ne3A_28 : i1 to i32
    %cond3A_30 = arith.constant 0 : i32
    %cond3A_31 = arith.cmpi ne, %convert_element_type3A_29, %cond3A_30 : i32
    scf.if %cond3A_31 {
      "tpu.region"() ({
        %run_scoped3A = tpu.sem_alloc : memref<!tpu.dma_semaphore, #tpu.memory_space<semaphore_mem>>
        %dma_start3A_360 = arith.constant 0 : i32
        %dma_start3A_361 = tpu.memref_slice %arg16[%mul3A_25, %dma_start3A_360] : memref<10240x128xf32, #tpu.memory_space<vmem_shared>> -> memref<640x128xf32, #tpu.memory_space<vmem_shared>>
        %dma_start3A_362 = arith.constant 0 : i32
        %dma_start3A_363 = tpu.memref_slice %arg5[%mul3A_25, %dma_start3A_362] : memref<10240x128xf32, #tpu.memory_space<hbm>> -> memref<640x128xf32, #tpu.memory_space<hbm>>
        tpu.enqueue_dma source(%dma_start3A_363 : memref<640x128xf32, #tpu.memory_space<hbm>>) target(%dma_start3A_361 : memref<640x128xf32, #tpu.memory_space<vmem_shared>>) target_semaphore(%run_scoped3A : memref<!tpu.dma_semaphore, #tpu.memory_space<semaphore_mem>>)
        %dma_wait3A_364 = arith.constant 0 : i32
        %dma_wait3A_365 = tpu.memref_slice %arg16[%mul3A_25, %dma_wait3A_364] : memref<10240x128xf32, #tpu.memory_space<vmem_shared>> -> memref<640x128xf32, #tpu.memory_space<vmem_shared>>
        %dma_wait3A_366 = arith.constant 0 : i32
        %dma_wait3A_367 = tpu.memref_slice %arg5[%mul3A_25, %dma_wait3A_366] : memref<10240x128xf32, #tpu.memory_space<hbm>> -> memref<640x128xf32, #tpu.memory_space<hbm>>
        tpu.wait_dma2 semaphore(%run_scoped3A : memref<!tpu.dma_semaphore, #tpu.memory_space<semaphore_mem>>) src(%dma_wait3A_367 : memref<640x128xf32, #tpu.memory_space<hbm>>) dst(%dma_wait3A_365 : memref<640x128xf32, #tpu.memory_space<vmem_shared>>)
        tpu.yield
      }) : () -> ()
    } else {
    }
    %barrier3A = arith.constant 0 : index
    tpu.barrier barrier_id(%barrier3A)
    %dma_wait3A = arith.constant 0 : i32
    %dma_wait3A_32 = arith.constant 0 : i32
    %dma_wait3A_33 = tpu.memref_slice %arg3[%add3A, %dma_wait3A, %dma_wait3A_32] : memref<32x82x128xi32, #tpu.memory_space<hbm>> -> memref<1x1x128xi32, #tpu.memory_space<hbm>>
    %dma_wait3A_34 = tpu.memref_squeeze %dma_wait3A_33 : memref<1x1x128xi32, #tpu.memory_space<hbm>> -> memref<1x128xi32, #tpu.memory_space<hbm>>
    %dma_wait3A_35 = arith.constant 0 : i32
    %dma_wait3A_36 = arith.constant 0 : i32
    %dma_wait3A_37 = tpu.memref_slice %arg3[%add3A, %dma_wait3A_35, %dma_wait3A_36] : memref<32x82x128xi32, #tpu.memory_space<hbm>> -> memref<1x1x128xi32, #tpu.memory_space<hbm>>
    %dma_wait3A_38 = tpu.memref_squeeze %dma_wait3A_37 : memref<1x1x128xi32, #tpu.memory_space<hbm>> -> memref<1x128xi32, #tpu.memory_space<hbm>>
    tpu.wait_dma2 semaphore(%arg17 : memref<!tpu.dma_semaphore, #tpu.memory_space<semaphore_mem>>) src(%dma_wait3A_38 : memref<1x128xi32, #tpu.memory_space<hbm>>) dst(%arg7 : memref<1x128xi32, #tpu.memory_space<vmem>>)
    %dma_start3A_39 = arith.constant 0 : i32
    %dma_start3A_40 = arith.constant 0 : i32
    %dma_start3A_41 = tpu.memref_slice %arg13[%dma_start3A_39, %dma_start3A_40] : memref<80x128xi32, #tpu.memory_space<vmem>> -> memref<1x128xi32, #tpu.memory_space<vmem>>
    %dma_start3A_42 = tpu.memref_squeeze %dma_start3A_41 : memref<1x128xi32, #tpu.memory_space<vmem>> -> memref<128xi32, #tpu.memory_space<vmem>>
    %dma_start3A_43 = arith.constant 0 : i32
    %dma_start3A_44 = arith.constant 0 : i32
    %dma_start3A_45 = tpu.memref_slice %arg2[%dma_start3A_43, %dma_start3A_44] : memref<10240x128xf32, #tpu.memory_space<hbm>> -> memref<10240x128xf32, #tpu.memory_space<hbm>>
    tpu.enqueue_indirect_dma source(%dma_start3A_45 : memref<10240x128xf32, #tpu.memory_space<hbm>>) target(%arg14 : memref<128x128xf32, #tpu.memory_space<vmem>>) offsets(%dma_start3A_42 : memref<128xi32, #tpu.memory_space<vmem>>) semaphore(%arg18 : memref<!tpu.dma_semaphore, #tpu.memory_space<semaphore_mem>>)
    %dma_start3A_46 = arith.constant 3 : i32
    %dma_start3A_47 = arith.constant 0 : i32
    %dma_start3A_48 = tpu.memref_slice %arg3[%add3A, %dma_start3A_46, %dma_start3A_47] : memref<32x82x128xi32, #tpu.memory_space<hbm>> -> memref<1x1x128xi32, #tpu.memory_space<hbm>>
    %dma_start3A_49 = tpu.memref_squeeze %dma_start3A_48 : memref<1x1x128xi32, #tpu.memory_space<hbm>> -> memref<1x128xi32, #tpu.memory_space<hbm>>
    %dma_start3A_50 = arith.constant 3 : i32
    %dma_start3A_51 = arith.constant 0 : i32
    %dma_start3A_52 = tpu.memref_slice %arg3[%add3A, %dma_start3A_50, %dma_start3A_51] : memref<32x82x128xi32, #tpu.memory_space<hbm>> -> memref<1x1x128xi32, #tpu.memory_space<hbm>>
    %dma_start3A_53 = tpu.memref_squeeze %dma_start3A_52 : memref<1x1x128xi32, #tpu.memory_space<hbm>> -> memref<1x128xi32, #tpu.memory_space<hbm>>
    tpu.enqueue_dma source(%dma_start3A_53 : memref<1x128xi32, #tpu.memory_space<hbm>>) target(%arg10 : memref<1x128xi32, #tpu.memory_space<vmem>>) target_semaphore(%arg17 : memref<!tpu.dma_semaphore, #tpu.memory_space<semaphore_mem>>)
    %dma_wait3A_54 = arith.constant 0 : i32
    %dma_wait3A_55 = arith.constant 0 : i32
    %dma_wait3A_56 = tpu.memref_slice %arg3[%add3A, %dma_wait3A_54, %dma_wait3A_55] : memref<32x82x128xi32, #tpu.memory_space<hbm>> -> memref<1x1x128xi32, #tpu.memory_space<hbm>>
    %dma_wait3A_57 = tpu.memref_squeeze %dma_wait3A_56 : memref<1x1x128xi32, #tpu.memory_space<hbm>> -> memref<1x128xi32, #tpu.memory_space<hbm>>
    %dma_wait3A_58 = arith.constant 0 : i32
    %dma_wait3A_59 = arith.constant 0 : i32
    %dma_wait3A_60 = tpu.memref_slice %arg3[%add3A, %dma_wait3A_58, %dma_wait3A_59] : memref<32x82x128xi32, #tpu.memory_space<hbm>> -> memref<1x1x128xi32, #tpu.memory_space<hbm>>
    %dma_wait3A_61 = tpu.memref_squeeze %dma_wait3A_60 : memref<1x1x128xi32, #tpu.memory_space<hbm>> -> memref<1x128xi32, #tpu.memory_space<hbm>>
    tpu.wait_dma2 semaphore(%arg17 : memref<!tpu.dma_semaphore, #tpu.memory_space<semaphore_mem>>) src(%dma_wait3A_61 : memref<1x128xi32, #tpu.memory_space<hbm>>) dst(%arg7 : memref<1x128xi32, #tpu.memory_space<vmem>>)
    %dma_start3A_62 = arith.constant 1 : i32
    %dma_start3A_63 = arith.constant 0 : i32
    %dma_start3A_64 = tpu.memref_slice %arg13[%dma_start3A_62, %dma_start3A_63] : memref<80x128xi32, #tpu.memory_space<vmem>> -> memref<1x128xi32, #tpu.memory_space<vmem>>
    %dma_start3A_65 = tpu.memref_squeeze %dma_start3A_64 : memref<1x128xi32, #tpu.memory_space<vmem>> -> memref<128xi32, #tpu.memory_space<vmem>>
    %dma_start3A_66 = arith.constant 0 : i32
    %dma_start3A_67 = arith.constant 0 : i32
    %dma_start3A_68 = tpu.memref_slice %arg2[%dma_start3A_66, %dma_start3A_67] : memref<10240x128xf32, #tpu.memory_space<hbm>> -> memref<10240x128xf32, #tpu.memory_space<hbm>>
    tpu.enqueue_indirect_dma source(%dma_start3A_68 : memref<10240x128xf32, #tpu.memory_space<hbm>>) target(%arg15 : memref<128x128xf32, #tpu.memory_space<vmem>>) offsets(%dma_start3A_65 : memref<128xi32, #tpu.memory_space<vmem>>) semaphore(%arg18 : memref<!tpu.dma_semaphore, #tpu.memory_space<semaphore_mem>>)
    %dma_wait3A_69 = arith.constant 0 : i32
    %dma_wait3A_70 = arith.constant 0 : i32
    %dma_wait3A_71 = tpu.memref_slice %arg2[%dma_wait3A_69, %dma_wait3A_70] : memref<10240x128xf32, #tpu.memory_space<hbm>> -> memref<128x128xf32, #tpu.memory_space<hbm>>
    %dma_wait3A_72 = arith.constant 0 : i32
    %dma_wait3A_73 = arith.constant 0 : i32
    %dma_wait3A_74 = tpu.memref_slice %arg2[%dma_wait3A_72, %dma_wait3A_73] : memref<10240x128xf32, #tpu.memory_space<hbm>> -> memref<128x128xf32, #tpu.memory_space<hbm>>
    tpu.wait_dma2 semaphore(%arg18 : memref<!tpu.dma_semaphore, #tpu.memory_space<semaphore_mem>>) src(%dma_wait3A_74 : memref<128x128xf32, #tpu.memory_space<hbm>>) dst(%arg14 : memref<128x128xf32, #tpu.memory_space<vmem>>)
    %dma_start3A_75 = arith.constant 0 : i32
    %dma_start3A_76 = arith.constant 0 : i32
    %dma_start3A_77 = tpu.memref_slice %arg7[%dma_start3A_75, %dma_start3A_76] : memref<1x128xi32, #tpu.memory_space<vmem>> -> memref<1x128xi32, #tpu.memory_space<vmem>>
    %dma_start3A_78 = tpu.memref_squeeze %dma_start3A_77 : memref<1x128xi32, #tpu.memory_space<vmem>> -> memref<128xi32, #tpu.memory_space<vmem>>
    %dma_start3A_79 = arith.constant 0 : i32
    %dma_start3A_80 = arith.constant 0 : i32
    %dma_start3A_81 = tpu.memref_slice %arg16[%dma_start3A_79, %dma_start3A_80] : memref<10240x128xf32, #tpu.memory_space<vmem_shared>> -> memref<10240x128xf32, #tpu.memory_space<vmem_shared>>
    tpu.enqueue_indirect_dma source(%arg14 : memref<128x128xf32, #tpu.memory_space<vmem>>) target(%dma_start3A_81 : memref<10240x128xf32, #tpu.memory_space<vmem_shared>>) offsets(%dma_start3A_78 : memref<128xi32, #tpu.memory_space<vmem>>) semaphore(%arg19 : memref<!tpu.dma_semaphore, #tpu.memory_space<semaphore_mem>>) {add = true}
    %dma_start3A_82 = arith.constant 4 : i32
    %dma_start3A_83 = arith.constant 0 : i32
    %dma_start3A_84 = tpu.memref_slice %arg3[%add3A, %dma_start3A_82, %dma_start3A_83] : memref<32x82x128xi32, #tpu.memory_space<hbm>> -> memref<1x1x128xi32, #tpu.memory_space<hbm>>
    %dma_start3A_85 = tpu.memref_squeeze %dma_start3A_84 : memref<1x1x128xi32, #tpu.memory_space<hbm>> -> memref<1x128xi32, #tpu.memory_space<hbm>>
    %dma_start3A_86 = arith.constant 4 : i32
    %dma_start3A_87 = arith.constant 0 : i32
    %dma_start3A_88 = tpu.memref_slice %arg3[%add3A, %dma_start3A_86, %dma_start3A_87] : memref<32x82x128xi32, #tpu.memory_space<hbm>> -> memref<1x1x128xi32, #tpu.memory_space<hbm>>
    %dma_start3A_89 = tpu.memref_squeeze %dma_start3A_88 : memref<1x1x128xi32, #tpu.memory_space<hbm>> -> memref<1x128xi32, #tpu.memory_space<hbm>>
    tpu.enqueue_dma source(%dma_start3A_89 : memref<1x128xi32, #tpu.memory_space<hbm>>) target(%arg11 : memref<1x128xi32, #tpu.memory_space<vmem>>) target_semaphore(%arg17 : memref<!tpu.dma_semaphore, #tpu.memory_space<semaphore_mem>>)
    %scan3A = arith.constant 0 : i32
    %scan3A_90 = arith.constant 0 : i32
    %scan3A_91 = arith.constant 12 : i32
    %scan3A_92 = arith.addi %scan3A_90, %scan3A_91 : i32
    %scan3A_93 = arith.constant 1 : i32
    scf.for %scan3A_360 = %scan3A_90 to %scan3A_92 step %scan3A_93  : i32 {
      %mul3A_361 = arith.constant 6 : i32
      %mul3A_362 = arith.muli %scan3A_360, %mul3A_361 : i32
      %add3A_363 = arith.constant 2 : i32
      %add3A_364 = arith.addi %mul3A_362, %add3A_363 : i32
      %dma_wait3A_365 = arith.constant 0 : i32
      %dma_wait3A_366 = arith.constant 0 : i32
      %dma_wait3A_367 = tpu.memref_slice %arg16[%dma_wait3A_365, %dma_wait3A_366] : memref<10240x128xf32, #tpu.memory_space<vmem_shared>> -> memref<128x128xf32, #tpu.memory_space<vmem_shared>>
      %dma_wait3A_368 = arith.constant 0 : i32
      %dma_wait3A_369 = arith.constant 0 : i32
      %dma_wait3A_370 = tpu.memref_slice %arg16[%dma_wait3A_368, %dma_wait3A_369] : memref<10240x128xf32, #tpu.memory_space<vmem_shared>> -> memref<128x128xf32, #tpu.memory_space<vmem_shared>>
      tpu.wait_dma2 semaphore(%arg19 : memref<!tpu.dma_semaphore, #tpu.memory_space<semaphore_mem>>) src(%arg14 : memref<128x128xf32, #tpu.memory_space<vmem>>) dst(%dma_wait3A_370 : memref<128x128xf32, #tpu.memory_space<vmem_shared>>)
      %add3A_371 = arith.constant 3 : i32
      %add3A_372 = arith.addi %add3A_364, %add3A_371 : i32
      %dma_start3A_373 = arith.constant 0 : i32
      %dma_start3A_374 = tpu.memref_slice %arg3[%add3A, %add3A_372, %dma_start3A_373] : memref<32x82x128xi32, #tpu.memory_space<hbm>> -> memref<1x1x128xi32, #tpu.memory_space<hbm>>
      %dma_start3A_375 = tpu.memref_squeeze %dma_start3A_374 : memref<1x1x128xi32, #tpu.memory_space<hbm>> -> memref<1x128xi32, #tpu.memory_space<hbm>>
      %dma_start3A_376 = arith.constant 0 : i32
      %dma_start3A_377 = tpu.memref_slice %arg3[%add3A, %add3A_372, %dma_start3A_376] : memref<32x82x128xi32, #tpu.memory_space<hbm>> -> memref<1x1x128xi32, #tpu.memory_space<hbm>>
      %dma_start3A_378 = tpu.memref_squeeze %dma_start3A_377 : memref<1x1x128xi32, #tpu.memory_space<hbm>> -> memref<1x128xi32, #tpu.memory_space<hbm>>
      tpu.enqueue_dma source(%dma_start3A_378 : memref<1x128xi32, #tpu.memory_space<hbm>>) target(%arg12 : memref<1x128xi32, #tpu.memory_space<vmem>>) target_semaphore(%arg17 : memref<!tpu.dma_semaphore, #tpu.memory_space<semaphore_mem>>)
      %dma_wait3A_379 = arith.constant 0 : i32
      %dma_wait3A_380 = arith.constant 0 : i32
      %dma_wait3A_381 = tpu.memref_slice %arg3[%add3A, %dma_wait3A_379, %dma_wait3A_380] : memref<32x82x128xi32, #tpu.memory_space<hbm>> -> memref<1x1x128xi32, #tpu.memory_space<hbm>>
      %dma_wait3A_382 = tpu.memref_squeeze %dma_wait3A_381 : memref<1x1x128xi32, #tpu.memory_space<hbm>> -> memref<1x128xi32, #tpu.memory_space<hbm>>
      %dma_wait3A_383 = arith.constant 0 : i32
      %dma_wait3A_384 = arith.constant 0 : i32
      %dma_wait3A_385 = tpu.memref_slice %arg3[%add3A, %dma_wait3A_383, %dma_wait3A_384] : memref<32x82x128xi32, #tpu.memory_space<hbm>> -> memref<1x1x128xi32, #tpu.memory_space<hbm>>
      %dma_wait3A_386 = tpu.memref_squeeze %dma_wait3A_385 : memref<1x1x128xi32, #tpu.memory_space<hbm>> -> memref<1x128xi32, #tpu.memory_space<hbm>>
      tpu.wait_dma2 semaphore(%arg17 : memref<!tpu.dma_semaphore, #tpu.memory_space<semaphore_mem>>) src(%dma_wait3A_386 : memref<1x128xi32, #tpu.memory_space<hbm>>) dst(%arg7 : memref<1x128xi32, #tpu.memory_space<vmem>>)
      %dma_start3A_387 = arith.constant 0 : i32
      %dma_start3A_388 = tpu.memref_slice %arg13[%add3A_364, %dma_start3A_387] : memref<80x128xi32, #tpu.memory_space<vmem>> -> memref<1x128xi32, #tpu.memory_space<vmem>>
      %dma_start3A_389 = tpu.memref_squeeze %dma_start3A_388 : memref<1x128xi32, #tpu.memory_space<vmem>> -> memref<128xi32, #tpu.memory_space<vmem>>
      %dma_start3A_390 = arith.constant 0 : i32
      %dma_start3A_391 = arith.constant 0 : i32
      %dma_start3A_392 = tpu.memref_slice %arg2[%dma_start3A_390, %dma_start3A_391] : memref<10240x128xf32, #tpu.memory_space<hbm>> -> memref<10240x128xf32, #tpu.memory_space<hbm>>
      tpu.enqueue_indirect_dma source(%dma_start3A_392 : memref<10240x128xf32, #tpu.memory_space<hbm>>) target(%arg14 : memref<128x128xf32, #tpu.memory_space<vmem>>) offsets(%dma_start3A_389 : memref<128xi32, #tpu.memory_space<vmem>>) semaphore(%arg18 : memref<!tpu.dma_semaphore, #tpu.memory_space<semaphore_mem>>)
      %dma_wait3A_393 = arith.constant 0 : i32
      %dma_wait3A_394 = arith.constant 0 : i32
      %dma_wait3A_395 = tpu.memref_slice %arg2[%dma_wait3A_393, %dma_wait3A_394] : memref<10240x128xf32, #tpu.memory_space<hbm>> -> memref<128x128xf32, #tpu.memory_space<hbm>>
      %dma_wait3A_396 = arith.constant 0 : i32
      %dma_wait3A_397 = arith.constant 0 : i32
      %dma_wait3A_398 = tpu.memref_slice %arg2[%dma_wait3A_396, %dma_wait3A_397] : memref<10240x128xf32, #tpu.memory_space<hbm>> -> memref<128x128xf32, #tpu.memory_space<hbm>>
      tpu.wait_dma2 semaphore(%arg18 : memref<!tpu.dma_semaphore, #tpu.memory_space<semaphore_mem>>) src(%dma_wait3A_398 : memref<128x128xf32, #tpu.memory_space<hbm>>) dst(%arg14 : memref<128x128xf32, #tpu.memory_space<vmem>>)
      %dma_start3A_399 = arith.constant 0 : i32
      %dma_start3A_400 = arith.constant 0 : i32
      %dma_start3A_401 = tpu.memref_slice %arg8[%dma_start3A_399, %dma_start3A_400] : memref<1x128xi32, #tpu.memory_space<vmem>> -> memref<1x128xi32, #tpu.memory_space<vmem>>
      %dma_start3A_402 = tpu.memref_squeeze %dma_start3A_401 : memref<1x128xi32, #tpu.memory_space<vmem>> -> memref<128xi32, #tpu.memory_space<vmem>>
      %dma_start3A_403 = arith.constant 0 : i32
      %dma_start3A_404 = arith.constant 0 : i32
      %dma_start3A_405 = tpu.memref_slice %arg16[%dma_start3A_403, %dma_start3A_404] : memref<10240x128xf32, #tpu.memory_space<vmem_shared>> -> memref<10240x128xf32, #tpu.memory_space<vmem_shared>>
      tpu.enqueue_indirect_dma source(%arg15 : memref<128x128xf32, #tpu.memory_space<vmem>>) target(%dma_start3A_405 : memref<10240x128xf32, #tpu.memory_space<vmem_shared>>) offsets(%dma_start3A_402 : memref<128xi32, #tpu.memory_space<vmem>>) semaphore(%arg19 : memref<!tpu.dma_semaphore, #tpu.memory_space<semaphore_mem>>) {add = true}
      %mul3A_406 = arith.constant 6 : i32
      %mul3A_407 = arith.muli %scan3A_360, %mul3A_406 : i32
      %add3A_408 = arith.constant 3 : i32
      %add3A_409 = arith.addi %mul3A_407, %add3A_408 : i32
      %dma_wait3A_410 = arith.constant 0 : i32
      %dma_wait3A_411 = arith.constant 0 : i32
      %dma_wait3A_412 = tpu.memref_slice %arg16[%dma_wait3A_410, %dma_wait3A_411] : memref<10240x128xf32, #tpu.memory_space<vmem_shared>> -> memref<128x128xf32, #tpu.memory_space<vmem_shared>>
      %dma_wait3A_413 = arith.constant 0 : i32
      %dma_wait3A_414 = arith.constant 0 : i32
      %dma_wait3A_415 = tpu.memref_slice %arg16[%dma_wait3A_413, %dma_wait3A_414] : memref<10240x128xf32, #tpu.memory_space<vmem_shared>> -> memref<128x128xf32, #tpu.memory_space<vmem_shared>>
      tpu.wait_dma2 semaphore(%arg19 : memref<!tpu.dma_semaphore, #tpu.memory_space<semaphore_mem>>) src(%arg14 : memref<128x128xf32, #tpu.memory_space<vmem>>) dst(%dma_wait3A_415 : memref<128x128xf32, #tpu.memory_space<vmem_shared>>)
      %add3A_416 = arith.constant 3 : i32
      %add3A_417 = arith.addi %add3A_409, %add3A_416 : i32
      %dma_start3A_418 = arith.constant 0 : i32
      %dma_start3A_419 = tpu.memref_slice %arg3[%add3A, %add3A_417, %dma_start3A_418] : memref<32x82x128xi32, #tpu.memory_space<hbm>> -> memref<1x1x128xi32, #tpu.memory_space<hbm>>
      %dma_start3A_420 = tpu.memref_squeeze %dma_start3A_419 : memref<1x1x128xi32, #tpu.memory_space<hbm>> -> memref<1x128xi32, #tpu.memory_space<hbm>>
      %dma_start3A_421 = arith.constant 0 : i32
      %dma_start3A_422 = tpu.memref_slice %arg3[%add3A, %add3A_417, %dma_start3A_421] : memref<32x82x128xi32, #tpu.memory_space<hbm>> -> memref<1x1x128xi32, #tpu.memory_space<hbm>>
      %dma_start3A_423 = tpu.memref_squeeze %dma_start3A_422 : memref<1x1x128xi32, #tpu.memory_space<hbm>> -> memref<1x128xi32, #tpu.memory_space<hbm>>
      tpu.enqueue_dma source(%dma_start3A_423 : memref<1x128xi32, #tpu.memory_space<hbm>>) target(%arg7 : memref<1x128xi32, #tpu.memory_space<vmem>>) target_semaphore(%arg17 : memref<!tpu.dma_semaphore, #tpu.memory_space<semaphore_mem>>)
      %dma_wait3A_424 = arith.constant 0 : i32
      %dma_wait3A_425 = arith.constant 0 : i32
      %dma_wait3A_426 = tpu.memref_slice %arg3[%add3A, %dma_wait3A_424, %dma_wait3A_425] : memref<32x82x128xi32, #tpu.memory_space<hbm>> -> memref<1x1x128xi32, #tpu.memory_space<hbm>>
      %dma_wait3A_427 = tpu.memref_squeeze %dma_wait3A_426 : memref<1x1x128xi32, #tpu.memory_space<hbm>> -> memref<1x128xi32, #tpu.memory_space<hbm>>
      %dma_wait3A_428 = arith.constant 0 : i32
      %dma_wait3A_429 = arith.constant 0 : i32
      %dma_wait3A_430 = tpu.memref_slice %arg3[%add3A, %dma_wait3A_428, %dma_wait3A_429] : memref<32x82x128xi32, #tpu.memory_space<hbm>> -> memref<1x1x128xi32, #tpu.memory_space<hbm>>
      %dma_wait3A_431 = tpu.memref_squeeze %dma_wait3A_430 : memref<1x1x128xi32, #tpu.memory_space<hbm>> -> memref<1x128xi32, #tpu.memory_space<hbm>>
      tpu.wait_dma2 semaphore(%arg17 : memref<!tpu.dma_semaphore, #tpu.memory_space<semaphore_mem>>) src(%dma_wait3A_431 : memref<1x128xi32, #tpu.memory_space<hbm>>) dst(%arg7 : memref<1x128xi32, #tpu.memory_space<vmem>>)
      %dma_start3A_432 = arith.constant 0 : i32
      %dma_start3A_433 = tpu.memref_slice %arg13[%add3A_409, %dma_start3A_432] : memref<80x128xi32, #tpu.memory_space<vmem>> -> memref<1x128xi32, #tpu.memory_space<vmem>>
      %dma_start3A_434 = tpu.memref_squeeze %dma_start3A_433 : memref<1x128xi32, #tpu.memory_space<vmem>> -> memref<128xi32, #tpu.memory_space<vmem>>
      %dma_start3A_435 = arith.constant 0 : i32
      %dma_start3A_436 = arith.constant 0 : i32
      %dma_start3A_437 = tpu.memref_slice %arg2[%dma_start3A_435, %dma_start3A_436] : memref<10240x128xf32, #tpu.memory_space<hbm>> -> memref<10240x128xf32, #tpu.memory_space<hbm>>
      tpu.enqueue_indirect_dma source(%dma_start3A_437 : memref<10240x128xf32, #tpu.memory_space<hbm>>) target(%arg15 : memref<128x128xf32, #tpu.memory_space<vmem>>) offsets(%dma_start3A_434 : memref<128xi32, #tpu.memory_space<vmem>>) semaphore(%arg18 : memref<!tpu.dma_semaphore, #tpu.memory_space<semaphore_mem>>)
      %dma_wait3A_438 = arith.constant 0 : i32
      %dma_wait3A_439 = arith.constant 0 : i32
      %dma_wait3A_440 = tpu.memref_slice %arg2[%dma_wait3A_438, %dma_wait3A_439] : memref<10240x128xf32, #tpu.memory_space<hbm>> -> memref<128x128xf32, #tpu.memory_space<hbm>>
      %dma_wait3A_441 = arith.constant 0 : i32
      %dma_wait3A_442 = arith.constant 0 : i32
      %dma_wait3A_443 = tpu.memref_slice %arg2[%dma_wait3A_441, %dma_wait3A_442] : memref<10240x128xf32, #tpu.memory_space<hbm>> -> memref<128x128xf32, #tpu.memory_space<hbm>>
      tpu.wait_dma2 semaphore(%arg18 : memref<!tpu.dma_semaphore, #tpu.memory_space<semaphore_mem>>) src(%dma_wait3A_443 : memref<128x128xf32, #tpu.memory_space<hbm>>) dst(%arg14 : memref<128x128xf32, #tpu.memory_space<vmem>>)
      %dma_start3A_444 = arith.constant 0 : i32
      %dma_start3A_445 = arith.constant 0 : i32
      %dma_start3A_446 = tpu.memref_slice %arg9[%dma_start3A_444, %dma_start3A_445] : memref<1x128xi32, #tpu.memory_space<vmem>> -> memref<1x128xi32, #tpu.memory_space<vmem>>
      %dma_start3A_447 = tpu.memref_squeeze %dma_start3A_446 : memref<1x128xi32, #tpu.memory_space<vmem>> -> memref<128xi32, #tpu.memory_space<vmem>>
      %dma_start3A_448 = arith.constant 0 : i32
      %dma_start3A_449 = arith.constant 0 : i32
      %dma_start3A_450 = tpu.memref_slice %arg16[%dma_start3A_448, %dma_start3A_449] : memref<10240x128xf32, #tpu.memory_space<vmem_shared>> -> memref<10240x128xf32, #tpu.memory_space<vmem_shared>>
      tpu.enqueue_indirect_dma source(%arg14 : memref<128x128xf32, #tpu.memory_space<vmem>>) target(%dma_start3A_450 : memref<10240x128xf32, #tpu.memory_space<vmem_shared>>) offsets(%dma_start3A_447 : memref<128xi32, #tpu.memory_space<vmem>>) semaphore(%arg19 : memref<!tpu.dma_semaphore, #tpu.memory_space<semaphore_mem>>) {add = true}
      %mul3A_451 = arith.constant 6 : i32
      %mul3A_452 = arith.muli %scan3A_360, %mul3A_451 : i32
      %add3A_453 = arith.constant 4 : i32
      %add3A_454 = arith.addi %mul3A_452, %add3A_453 : i32
      %dma_wait3A_455 = arith.constant 0 : i32
      %dma_wait3A_456 = arith.constant 0 : i32
      %dma_wait3A_457 = tpu.memref_slice %arg16[%dma_wait3A_455, %dma_wait3A_456] : memref<10240x128xf32, #tpu.memory_space<vmem_shared>> -> memref<128x128xf32, #tpu.memory_space<vmem_shared>>
      %dma_wait3A_458 = arith.constant 0 : i32
      %dma_wait3A_459 = arith.constant 0 : i32
      %dma_wait3A_460 = tpu.memref_slice %arg16[%dma_wait3A_458, %dma_wait3A_459] : memref<10240x128xf32, #tpu.memory_space<vmem_shared>> -> memref<128x128xf32, #tpu.memory_space<vmem_shared>>
      tpu.wait_dma2 semaphore(%arg19 : memref<!tpu.dma_semaphore, #tpu.memory_space<semaphore_mem>>) src(%arg14 : memref<128x128xf32, #tpu.memory_space<vmem>>) dst(%dma_wait3A_460 : memref<128x128xf32, #tpu.memory_space<vmem_shared>>)
      %add3A_461 = arith.constant 3 : i32
      %add3A_462 = arith.addi %add3A_454, %add3A_461 : i32
      %dma_start3A_463 = arith.constant 0 : i32
      %dma_start3A_464 = tpu.memref_slice %arg3[%add3A, %add3A_462, %dma_start3A_463] : memref<32x82x128xi32, #tpu.memory_space<hbm>> -> memref<1x1x128xi32, #tpu.memory_space<hbm>>
      %dma_start3A_465 = tpu.memref_squeeze %dma_start3A_464 : memref<1x1x128xi32, #tpu.memory_space<hbm>> -> memref<1x128xi32, #tpu.memory_space<hbm>>
      %dma_start3A_466 = arith.constant 0 : i32
      %dma_start3A_467 = tpu.memref_slice %arg3[%add3A, %add3A_462, %dma_start3A_466] : memref<32x82x128xi32, #tpu.memory_space<hbm>> -> memref<1x1x128xi32, #tpu.memory_space<hbm>>
      %dma_start3A_468 = tpu.memref_squeeze %dma_start3A_467 : memref<1x1x128xi32, #tpu.memory_space<hbm>> -> memref<1x128xi32, #tpu.memory_space<hbm>>
      tpu.enqueue_dma source(%dma_start3A_468 : memref<1x128xi32, #tpu.memory_space<hbm>>) target(%arg8 : memref<1x128xi32, #tpu.memory_space<vmem>>) target_semaphore(%arg17 : memref<!tpu.dma_semaphore, #tpu.memory_space<semaphore_mem>>)
      %dma_wait3A_469 = arith.constant 0 : i32
      %dma_wait3A_470 = arith.constant 0 : i32
      %dma_wait3A_471 = tpu.memref_slice %arg3[%add3A, %dma_wait3A_469, %dma_wait3A_470] : memref<32x82x128xi32, #tpu.memory_space<hbm>> -> memref<1x1x128xi32, #tpu.memory_space<hbm>>
      %dma_wait3A_472 = tpu.memref_squeeze %dma_wait3A_471 : memref<1x1x128xi32, #tpu.memory_space<hbm>> -> memref<1x128xi32, #tpu.memory_space<hbm>>
      %dma_wait3A_473 = arith.constant 0 : i32
      %dma_wait3A_474 = arith.constant 0 : i32
      %dma_wait3A_475 = tpu.memref_slice %arg3[%add3A, %dma_wait3A_473, %dma_wait3A_474] : memref<32x82x128xi32, #tpu.memory_space<hbm>> -> memref<1x1x128xi32, #tpu.memory_space<hbm>>
      %dma_wait3A_476 = tpu.memref_squeeze %dma_wait3A_475 : memref<1x1x128xi32, #tpu.memory_space<hbm>> -> memref<1x128xi32, #tpu.memory_space<hbm>>
      tpu.wait_dma2 semaphore(%arg17 : memref<!tpu.dma_semaphore, #tpu.memory_space<semaphore_mem>>) src(%dma_wait3A_476 : memref<1x128xi32, #tpu.memory_space<hbm>>) dst(%arg7 : memref<1x128xi32, #tpu.memory_space<vmem>>)
      %dma_start3A_477 = arith.constant 0 : i32
      %dma_start3A_478 = tpu.memref_slice %arg13[%add3A_454, %dma_start3A_477] : memref<80x128xi32, #tpu.memory_space<vmem>> -> memref<1x128xi32, #tpu.memory_space<vmem>>
      %dma_start3A_479 = tpu.memref_squeeze %dma_start3A_478 : memref<1x128xi32, #tpu.memory_space<vmem>> -> memref<128xi32, #tpu.memory_space<vmem>>
      %dma_start3A_480 = arith.constant 0 : i32
      %dma_start3A_481 = arith.constant 0 : i32
      %dma_start3A_482 = tpu.memref_slice %arg2[%dma_start3A_480, %dma_start3A_481] : memref<10240x128xf32, #tpu.memory_space<hbm>> -> memref<10240x128xf32, #tpu.memory_space<hbm>>
      tpu.enqueue_indirect_dma source(%dma_start3A_482 : memref<10240x128xf32, #tpu.memory_space<hbm>>) target(%arg14 : memref<128x128xf32, #tpu.memory_space<vmem>>) offsets(%dma_start3A_479 : memref<128xi32, #tpu.memory_space<vmem>>) semaphore(%arg18 : memref<!tpu.dma_semaphore, #tpu.memory_space<semaphore_mem>>)
      %dma_wait3A_483 = arith.constant 0 : i32
      %dma_wait3A_484 = arith.constant 0 : i32
      %dma_wait3A_485 = tpu.memref_slice %arg2[%dma_wait3A_483, %dma_wait3A_484] : memref<10240x128xf32, #tpu.memory_space<hbm>> -> memref<128x128xf32, #tpu.memory_space<hbm>>
      %dma_wait3A_486 = arith.constant 0 : i32
      %dma_wait3A_487 = arith.constant 0 : i32
      %dma_wait3A_488 = tpu.memref_slice %arg2[%dma_wait3A_486, %dma_wait3A_487] : memref<10240x128xf32, #tpu.memory_space<hbm>> -> memref<128x128xf32, #tpu.memory_space<hbm>>
      tpu.wait_dma2 semaphore(%arg18 : memref<!tpu.dma_semaphore, #tpu.memory_space<semaphore_mem>>) src(%dma_wait3A_488 : memref<128x128xf32, #tpu.memory_space<hbm>>) dst(%arg14 : memref<128x128xf32, #tpu.memory_space<vmem>>)
      %dma_start3A_489 = arith.constant 0 : i32
      %dma_start3A_490 = arith.constant 0 : i32
      %dma_start3A_491 = tpu.memref_slice %arg10[%dma_start3A_489, %dma_start3A_490] : memref<1x128xi32, #tpu.memory_space<vmem>> -> memref<1x128xi32, #tpu.memory_space<vmem>>
      %dma_start3A_492 = tpu.memref_squeeze %dma_start3A_491 : memref<1x128xi32, #tpu.memory_space<vmem>> -> memref<128xi32, #tpu.memory_space<vmem>>
      %dma_start3A_493 = arith.constant 0 : i32
      %dma_start3A_494 = arith.constant 0 : i32
      %dma_start3A_495 = tpu.memref_slice %arg16[%dma_start3A_493, %dma_start3A_494] : memref<10240x128xf32, #tpu.memory_space<vmem_shared>> -> memref<10240x128xf32, #tpu.memory_space<vmem_shared>>
      tpu.enqueue_indirect_dma source(%arg15 : memref<128x128xf32, #tpu.memory_space<vmem>>) target(%dma_start3A_495 : memref<10240x128xf32, #tpu.memory_space<vmem_shared>>) offsets(%dma_start3A_492 : memref<128xi32, #tpu.memory_space<vmem>>) semaphore(%arg19 : memref<!tpu.dma_semaphore, #tpu.memory_space<semaphore_mem>>) {add = true}
      %mul3A_496 = arith.constant 6 : i32
      %mul3A_497 = arith.muli %scan3A_360, %mul3A_496 : i32
      %add3A_498 = arith.constant 5 : i32
      %add3A_499 = arith.addi %mul3A_497, %add3A_498 : i32
      %dma_wait3A_500 = arith.constant 0 : i32
      %dma_wait3A_501 = arith.constant 0 : i32
      %dma_wait3A_502 = tpu.memref_slice %arg16[%dma_wait3A_500, %dma_wait3A_501] : memref<10240x128xf32, #tpu.memory_space<vmem_shared>> -> memref<128x128xf32, #tpu.memory_space<vmem_shared>>
      %dma_wait3A_503 = arith.constant 0 : i32
      %dma_wait3A_504 = arith.constant 0 : i32
      %dma_wait3A_505 = tpu.memref_slice %arg16[%dma_wait3A_503, %dma_wait3A_504] : memref<10240x128xf32, #tpu.memory_space<vmem_shared>> -> memref<128x128xf32, #tpu.memory_space<vmem_shared>>
      tpu.wait_dma2 semaphore(%arg19 : memref<!tpu.dma_semaphore, #tpu.memory_space<semaphore_mem>>) src(%arg14 : memref<128x128xf32, #tpu.memory_space<vmem>>) dst(%dma_wait3A_505 : memref<128x128xf32, #tpu.memory_space<vmem_shared>>)
      %add3A_506 = arith.constant 3 : i32
      %add3A_507 = arith.addi %add3A_499, %add3A_506 : i32
      %dma_start3A_508 = arith.constant 0 : i32
      %dma_start3A_509 = tpu.memref_slice %arg3[%add3A, %add3A_507, %dma_start3A_508] : memref<32x82x128xi32, #tpu.memory_space<hbm>> -> memref<1x1x128xi32, #tpu.memory_space<hbm>>
      %dma_start3A_510 = tpu.memref_squeeze %dma_start3A_509 : memref<1x1x128xi32, #tpu.memory_space<hbm>> -> memref<1x128xi32, #tpu.memory_space<hbm>>
      %dma_start3A_511 = arith.constant 0 : i32
      %dma_start3A_512 = tpu.memref_slice %arg3[%add3A, %add3A_507, %dma_start3A_511] : memref<32x82x128xi32, #tpu.memory_space<hbm>> -> memref<1x1x128xi32, #tpu.memory_space<hbm>>
      %dma_start3A_513 = tpu.memref_squeeze %dma_start3A_512 : memref<1x1x128xi32, #tpu.memory_space<hbm>> -> memref<1x128xi32, #tpu.memory_space<hbm>>
      tpu.enqueue_dma source(%dma_start3A_513 : memref<1x128xi32, #tpu.memory_space<hbm>>) target(%arg9 : memref<1x128xi32, #tpu.memory_space<vmem>>) target_semaphore(%arg17 : memref<!tpu.dma_semaphore, #tpu.memory_space<semaphore_mem>>)
      %dma_wait3A_514 = arith.constant 0 : i32
      %dma_wait3A_515 = arith.constant 0 : i32
      %dma_wait3A_516 = tpu.memref_slice %arg3[%add3A, %dma_wait3A_514, %dma_wait3A_515] : memref<32x82x128xi32, #tpu.memory_space<hbm>> -> memref<1x1x128xi32, #tpu.memory_space<hbm>>
      %dma_wait3A_517 = tpu.memref_squeeze %dma_wait3A_516 : memref<1x1x128xi32, #tpu.memory_space<hbm>> -> memref<1x128xi32, #tpu.memory_space<hbm>>
      %dma_wait3A_518 = arith.constant 0 : i32
      %dma_wait3A_519 = arith.constant 0 : i32
      %dma_wait3A_520 = tpu.memref_slice %arg3[%add3A, %dma_wait3A_518, %dma_wait3A_519] : memref<32x82x128xi32, #tpu.memory_space<hbm>> -> memref<1x1x128xi32, #tpu.memory_space<hbm>>
      %dma_wait3A_521 = tpu.memref_squeeze %dma_wait3A_520 : memref<1x1x128xi32, #tpu.memory_space<hbm>> -> memref<1x128xi32, #tpu.memory_space<hbm>>
      tpu.wait_dma2 semaphore(%arg17 : memref<!tpu.dma_semaphore, #tpu.memory_space<semaphore_mem>>) src(%dma_wait3A_521 : memref<1x128xi32, #tpu.memory_space<hbm>>) dst(%arg7 : memref<1x128xi32, #tpu.memory_space<vmem>>)
      %dma_start3A_522 = arith.constant 0 : i32
      %dma_start3A_523 = tpu.memref_slice %arg13[%add3A_499, %dma_start3A_522] : memref<80x128xi32, #tpu.memory_space<vmem>> -> memref<1x128xi32, #tpu.memory_space<vmem>>
      %dma_start3A_524 = tpu.memref_squeeze %dma_start3A_523 : memref<1x128xi32, #tpu.memory_space<vmem>> -> memref<128xi32, #tpu.memory_space<vmem>>
      %dma_start3A_525 = arith.constant 0 : i32
      %dma_start3A_526 = arith.constant 0 : i32
      %dma_start3A_527 = tpu.memref_slice %arg2[%dma_start3A_525, %dma_start3A_526] : memref<10240x128xf32, #tpu.memory_space<hbm>> -> memref<10240x128xf32, #tpu.memory_space<hbm>>
      tpu.enqueue_indirect_dma source(%dma_start3A_527 : memref<10240x128xf32, #tpu.memory_space<hbm>>) target(%arg15 : memref<128x128xf32, #tpu.memory_space<vmem>>) offsets(%dma_start3A_524 : memref<128xi32, #tpu.memory_space<vmem>>) semaphore(%arg18 : memref<!tpu.dma_semaphore, #tpu.memory_space<semaphore_mem>>)
      %dma_wait3A_528 = arith.constant 0 : i32
      %dma_wait3A_529 = arith.constant 0 : i32
      %dma_wait3A_530 = tpu.memref_slice %arg2[%dma_wait3A_528, %dma_wait3A_529] : memref<10240x128xf32, #tpu.memory_space<hbm>> -> memref<128x128xf32, #tpu.memory_space<hbm>>
      %dma_wait3A_531 = arith.constant 0 : i32
      %dma_wait3A_532 = arith.constant 0 : i32
      %dma_wait3A_533 = tpu.memref_slice %arg2[%dma_wait3A_531, %dma_wait3A_532] : memref<10240x128xf32, #tpu.memory_space<hbm>> -> memref<128x128xf32, #tpu.memory_space<hbm>>
      tpu.wait_dma2 semaphore(%arg18 : memref<!tpu.dma_semaphore, #tpu.memory_space<semaphore_mem>>) src(%dma_wait3A_533 : memref<128x128xf32, #tpu.memory_space<hbm>>) dst(%arg14 : memref<128x128xf32, #tpu.memory_space<vmem>>)
      %dma_start3A_534 = arith.constant 0 : i32
      %dma_start3A_535 = arith.constant 0 : i32
      %dma_start3A_536 = tpu.memref_slice %arg11[%dma_start3A_534, %dma_start3A_535] : memref<1x128xi32, #tpu.memory_space<vmem>> -> memref<1x128xi32, #tpu.memory_space<vmem>>
      %dma_start3A_537 = tpu.memref_squeeze %dma_start3A_536 : memref<1x128xi32, #tpu.memory_space<vmem>> -> memref<128xi32, #tpu.memory_space<vmem>>
      %dma_start3A_538 = arith.constant 0 : i32
      %dma_start3A_539 = arith.constant 0 : i32
      %dma_start3A_540 = tpu.memref_slice %arg16[%dma_start3A_538, %dma_start3A_539] : memref<10240x128xf32, #tpu.memory_space<vmem_shared>> -> memref<10240x128xf32, #tpu.memory_space<vmem_shared>>
      tpu.enqueue_indirect_dma source(%arg14 : memref<128x128xf32, #tpu.memory_space<vmem>>) target(%dma_start3A_540 : memref<10240x128xf32, #tpu.memory_space<vmem_shared>>) offsets(%dma_start3A_537 : memref<128xi32, #tpu.memory_space<vmem>>) semaphore(%arg19 : memref<!tpu.dma_semaphore, #tpu.memory_space<semaphore_mem>>) {add = true}
      %mul3A_541 = arith.constant 6 : i32
      %mul3A_542 = arith.muli %scan3A_360, %mul3A_541 : i32
      %add3A_543 = arith.constant 6 : i32
      %add3A_544 = arith.addi %mul3A_542, %add3A_543 : i32
      %dma_wait3A_545 = arith.constant 0 : i32
      %dma_wait3A_546 = arith.constant 0 : i32
      %dma_wait3A_547 = tpu.memref_slice %arg16[%dma_wait3A_545, %dma_wait3A_546] : memref<10240x128xf32, #tpu.memory_space<vmem_shared>> -> memref<128x128xf32, #tpu.memory_space<vmem_shared>>
      %dma_wait3A_548 = arith.constant 0 : i32
      %dma_wait3A_549 = arith.constant 0 : i32
      %dma_wait3A_550 = tpu.memref_slice %arg16[%dma_wait3A_548, %dma_wait3A_549] : memref<10240x128xf32, #tpu.memory_space<vmem_shared>> -> memref<128x128xf32, #tpu.memory_space<vmem_shared>>
      tpu.wait_dma2 semaphore(%arg19 : memref<!tpu.dma_semaphore, #tpu.memory_space<semaphore_mem>>) src(%arg14 : memref<128x128xf32, #tpu.memory_space<vmem>>) dst(%dma_wait3A_550 : memref<128x128xf32, #tpu.memory_space<vmem_shared>>)
      %add3A_551 = arith.constant 3 : i32
      %add3A_552 = arith.addi %add3A_544, %add3A_551 : i32
      %dma_start3A_553 = arith.constant 0 : i32
      %dma_start3A_554 = tpu.memref_slice %arg3[%add3A, %add3A_552, %dma_start3A_553] : memref<32x82x128xi32, #tpu.memory_space<hbm>> -> memref<1x1x128xi32, #tpu.memory_space<hbm>>
      %dma_start3A_555 = tpu.memref_squeeze %dma_start3A_554 : memref<1x1x128xi32, #tpu.memory_space<hbm>> -> memref<1x128xi32, #tpu.memory_space<hbm>>
      %dma_start3A_556 = arith.constant 0 : i32
      %dma_start3A_557 = tpu.memref_slice %arg3[%add3A, %add3A_552, %dma_start3A_556] : memref<32x82x128xi32, #tpu.memory_space<hbm>> -> memref<1x1x128xi32, #tpu.memory_space<hbm>>
      %dma_start3A_558 = tpu.memref_squeeze %dma_start3A_557 : memref<1x1x128xi32, #tpu.memory_space<hbm>> -> memref<1x128xi32, #tpu.memory_space<hbm>>
      tpu.enqueue_dma source(%dma_start3A_558 : memref<1x128xi32, #tpu.memory_space<hbm>>) target(%arg10 : memref<1x128xi32, #tpu.memory_space<vmem>>) target_semaphore(%arg17 : memref<!tpu.dma_semaphore, #tpu.memory_space<semaphore_mem>>)
      %dma_wait3A_559 = arith.constant 0 : i32
      %dma_wait3A_560 = arith.constant 0 : i32
      %dma_wait3A_561 = tpu.memref_slice %arg3[%add3A, %dma_wait3A_559, %dma_wait3A_560] : memref<32x82x128xi32, #tpu.memory_space<hbm>> -> memref<1x1x128xi32, #tpu.memory_space<hbm>>
      %dma_wait3A_562 = tpu.memref_squeeze %dma_wait3A_561 : memref<1x1x128xi32, #tpu.memory_space<hbm>> -> memref<1x128xi32, #tpu.memory_space<hbm>>
      %dma_wait3A_563 = arith.constant 0 : i32
      %dma_wait3A_564 = arith.constant 0 : i32
      %dma_wait3A_565 = tpu.memref_slice %arg3[%add3A, %dma_wait3A_563, %dma_wait3A_564] : memref<32x82x128xi32, #tpu.memory_space<hbm>> -> memref<1x1x128xi32, #tpu.memory_space<hbm>>
      %dma_wait3A_566 = tpu.memref_squeeze %dma_wait3A_565 : memref<1x1x128xi32, #tpu.memory_space<hbm>> -> memref<1x128xi32, #tpu.memory_space<hbm>>
      tpu.wait_dma2 semaphore(%arg17 : memref<!tpu.dma_semaphore, #tpu.memory_space<semaphore_mem>>) src(%dma_wait3A_566 : memref<1x128xi32, #tpu.memory_space<hbm>>) dst(%arg7 : memref<1x128xi32, #tpu.memory_space<vmem>>)
      %dma_start3A_567 = arith.constant 0 : i32
      %dma_start3A_568 = tpu.memref_slice %arg13[%add3A_544, %dma_start3A_567] : memref<80x128xi32, #tpu.memory_space<vmem>> -> memref<1x128xi32, #tpu.memory_space<vmem>>
      %dma_start3A_569 = tpu.memref_squeeze %dma_start3A_568 : memref<1x128xi32, #tpu.memory_space<vmem>> -> memref<128xi32, #tpu.memory_space<vmem>>
      %dma_start3A_570 = arith.constant 0 : i32
      %dma_start3A_571 = arith.constant 0 : i32
      %dma_start3A_572 = tpu.memref_slice %arg2[%dma_start3A_570, %dma_start3A_571] : memref<10240x128xf32, #tpu.memory_space<hbm>> -> memref<10240x128xf32, #tpu.memory_space<hbm>>
      tpu.enqueue_indirect_dma source(%dma_start3A_572 : memref<10240x128xf32, #tpu.memory_space<hbm>>) target(%arg14 : memref<128x128xf32, #tpu.memory_space<vmem>>) offsets(%dma_start3A_569 : memref<128xi32, #tpu.memory_space<vmem>>) semaphore(%arg18 : memref<!tpu.dma_semaphore, #tpu.memory_space<semaphore_mem>>)
      %dma_wait3A_573 = arith.constant 0 : i32
      %dma_wait3A_574 = arith.constant 0 : i32
      %dma_wait3A_575 = tpu.memref_slice %arg2[%dma_wait3A_573, %dma_wait3A_574] : memref<10240x128xf32, #tpu.memory_space<hbm>> -> memref<128x128xf32, #tpu.memory_space<hbm>>
      %dma_wait3A_576 = arith.constant 0 : i32
      %dma_wait3A_577 = arith.constant 0 : i32
      %dma_wait3A_578 = tpu.memref_slice %arg2[%dma_wait3A_576, %dma_wait3A_577] : memref<10240x128xf32, #tpu.memory_space<hbm>> -> memref<128x128xf32, #tpu.memory_space<hbm>>
      tpu.wait_dma2 semaphore(%arg18 : memref<!tpu.dma_semaphore, #tpu.memory_space<semaphore_mem>>) src(%dma_wait3A_578 : memref<128x128xf32, #tpu.memory_space<hbm>>) dst(%arg14 : memref<128x128xf32, #tpu.memory_space<vmem>>)
      %dma_start3A_579 = arith.constant 0 : i32
      %dma_start3A_580 = arith.constant 0 : i32
      %dma_start3A_581 = tpu.memref_slice %arg12[%dma_start3A_579, %dma_start3A_580] : memref<1x128xi32, #tpu.memory_space<vmem>> -> memref<1x128xi32, #tpu.memory_space<vmem>>
      %dma_start3A_582 = tpu.memref_squeeze %dma_start3A_581 : memref<1x128xi32, #tpu.memory_space<vmem>> -> memref<128xi32, #tpu.memory_space<vmem>>
      %dma_start3A_583 = arith.constant 0 : i32
      %dma_start3A_584 = arith.constant 0 : i32
      %dma_start3A_585 = tpu.memref_slice %arg16[%dma_start3A_583, %dma_start3A_584] : memref<10240x128xf32, #tpu.memory_space<vmem_shared>> -> memref<10240x128xf32, #tpu.memory_space<vmem_shared>>
      tpu.enqueue_indirect_dma source(%arg15 : memref<128x128xf32, #tpu.memory_space<vmem>>) target(%dma_start3A_585 : memref<10240x128xf32, #tpu.memory_space<vmem_shared>>) offsets(%dma_start3A_582 : memref<128xi32, #tpu.memory_space<vmem>>) semaphore(%arg19 : memref<!tpu.dma_semaphore, #tpu.memory_space<semaphore_mem>>) {add = true}
      %mul3A_586 = arith.constant 6 : i32
      %mul3A_587 = arith.muli %scan3A_360, %mul3A_586 : i32
      %add3A_588 = arith.constant 7 : i32
      %add3A_589 = arith.addi %mul3A_587, %add3A_588 : i32
      %dma_wait3A_590 = arith.constant 0 : i32
      %dma_wait3A_591 = arith.constant 0 : i32
      %dma_wait3A_592 = tpu.memref_slice %arg16[%dma_wait3A_590, %dma_wait3A_591] : memref<10240x128xf32, #tpu.memory_space<vmem_shared>> -> memref<128x128xf32, #tpu.memory_space<vmem_shared>>
      %dma_wait3A_593 = arith.constant 0 : i32
      %dma_wait3A_594 = arith.constant 0 : i32
      %dma_wait3A_595 = tpu.memref_slice %arg16[%dma_wait3A_593, %dma_wait3A_594] : memref<10240x128xf32, #tpu.memory_space<vmem_shared>> -> memref<128x128xf32, #tpu.memory_space<vmem_shared>>
      tpu.wait_dma2 semaphore(%arg19 : memref<!tpu.dma_semaphore, #tpu.memory_space<semaphore_mem>>) src(%arg14 : memref<128x128xf32, #tpu.memory_space<vmem>>) dst(%dma_wait3A_595 : memref<128x128xf32, #tpu.memory_space<vmem_shared>>)
      %add3A_596 = arith.constant 3 : i32
      %add3A_597 = arith.addi %add3A_589, %add3A_596 : i32
      %dma_start3A_598 = arith.constant 0 : i32
      %dma_start3A_599 = tpu.memref_slice %arg3[%add3A, %add3A_597, %dma_start3A_598] : memref<32x82x128xi32, #tpu.memory_space<hbm>> -> memref<1x1x128xi32, #tpu.memory_space<hbm>>
      %dma_start3A_600 = tpu.memref_squeeze %dma_start3A_599 : memref<1x1x128xi32, #tpu.memory_space<hbm>> -> memref<1x128xi32, #tpu.memory_space<hbm>>
      %dma_start3A_601 = arith.constant 0 : i32
      %dma_start3A_602 = tpu.memref_slice %arg3[%add3A, %add3A_597, %dma_start3A_601] : memref<32x82x128xi32, #tpu.memory_space<hbm>> -> memref<1x1x128xi32, #tpu.memory_space<hbm>>
      %dma_start3A_603 = tpu.memref_squeeze %dma_start3A_602 : memref<1x1x128xi32, #tpu.memory_space<hbm>> -> memref<1x128xi32, #tpu.memory_space<hbm>>
      tpu.enqueue_dma source(%dma_start3A_603 : memref<1x128xi32, #tpu.memory_space<hbm>>) target(%arg11 : memref<1x128xi32, #tpu.memory_space<vmem>>) target_semaphore(%arg17 : memref<!tpu.dma_semaphore, #tpu.memory_space<semaphore_mem>>)
      %dma_wait3A_604 = arith.constant 0 : i32
      %dma_wait3A_605 = arith.constant 0 : i32
      %dma_wait3A_606 = tpu.memref_slice %arg3[%add3A, %dma_wait3A_604, %dma_wait3A_605] : memref<32x82x128xi32, #tpu.memory_space<hbm>> -> memref<1x1x128xi32, #tpu.memory_space<hbm>>
      %dma_wait3A_607 = tpu.memref_squeeze %dma_wait3A_606 : memref<1x1x128xi32, #tpu.memory_space<hbm>> -> memref<1x128xi32, #tpu.memory_space<hbm>>
      %dma_wait3A_608 = arith.constant 0 : i32
      %dma_wait3A_609 = arith.constant 0 : i32
      %dma_wait3A_610 = tpu.memref_slice %arg3[%add3A, %dma_wait3A_608, %dma_wait3A_609] : memref<32x82x128xi32, #tpu.memory_space<hbm>> -> memref<1x1x128xi32, #tpu.memory_space<hbm>>
      %dma_wait3A_611 = tpu.memref_squeeze %dma_wait3A_610 : memref<1x1x128xi32, #tpu.memory_space<hbm>> -> memref<1x128xi32, #tpu.memory_space<hbm>>
      tpu.wait_dma2 semaphore(%arg17 : memref<!tpu.dma_semaphore, #tpu.memory_space<semaphore_mem>>) src(%dma_wait3A_611 : memref<1x128xi32, #tpu.memory_space<hbm>>) dst(%arg7 : memref<1x128xi32, #tpu.memory_space<vmem>>)
      %dma_start3A_612 = arith.constant 0 : i32
      %dma_start3A_613 = tpu.memref_slice %arg13[%add3A_589, %dma_start3A_612] : memref<80x128xi32, #tpu.memory_space<vmem>> -> memref<1x128xi32, #tpu.memory_space<vmem>>
      %dma_start3A_614 = tpu.memref_squeeze %dma_start3A_613 : memref<1x128xi32, #tpu.memory_space<vmem>> -> memref<128xi32, #tpu.memory_space<vmem>>
      %dma_start3A_615 = arith.constant 0 : i32
      %dma_start3A_616 = arith.constant 0 : i32
      %dma_start3A_617 = tpu.memref_slice %arg2[%dma_start3A_615, %dma_start3A_616] : memref<10240x128xf32, #tpu.memory_space<hbm>> -> memref<10240x128xf32, #tpu.memory_space<hbm>>
      tpu.enqueue_indirect_dma source(%dma_start3A_617 : memref<10240x128xf32, #tpu.memory_space<hbm>>) target(%arg15 : memref<128x128xf32, #tpu.memory_space<vmem>>) offsets(%dma_start3A_614 : memref<128xi32, #tpu.memory_space<vmem>>) semaphore(%arg18 : memref<!tpu.dma_semaphore, #tpu.memory_space<semaphore_mem>>)
      %dma_wait3A_618 = arith.constant 0 : i32
      %dma_wait3A_619 = arith.constant 0 : i32
      %dma_wait3A_620 = tpu.memref_slice %arg2[%dma_wait3A_618, %dma_wait3A_619] : memref<10240x128xf32, #tpu.memory_space<hbm>> -> memref<128x128xf32, #tpu.memory_space<hbm>>
      %dma_wait3A_621 = arith.constant 0 : i32
      %dma_wait3A_622 = arith.constant 0 : i32
      %dma_wait3A_623 = tpu.memref_slice %arg2[%dma_wait3A_621, %dma_wait3A_622] : memref<10240x128xf32, #tpu.memory_space<hbm>> -> memref<128x128xf32, #tpu.memory_space<hbm>>
      tpu.wait_dma2 semaphore(%arg18 : memref<!tpu.dma_semaphore, #tpu.memory_space<semaphore_mem>>) src(%dma_wait3A_623 : memref<128x128xf32, #tpu.memory_space<hbm>>) dst(%arg14 : memref<128x128xf32, #tpu.memory_space<vmem>>)
      %dma_start3A_624 = arith.constant 0 : i32
      %dma_start3A_625 = arith.constant 0 : i32
      %dma_start3A_626 = tpu.memref_slice %arg7[%dma_start3A_624, %dma_start3A_625] : memref<1x128xi32, #tpu.memory_space<vmem>> -> memref<1x128xi32, #tpu.memory_space<vmem>>
      %dma_start3A_627 = tpu.memref_squeeze %dma_start3A_626 : memref<1x128xi32, #tpu.memory_space<vmem>> -> memref<128xi32, #tpu.memory_space<vmem>>
      %dma_start3A_628 = arith.constant 0 : i32
      %dma_start3A_629 = arith.constant 0 : i32
      %dma_start3A_630 = tpu.memref_slice %arg16[%dma_start3A_628, %dma_start3A_629] : memref<10240x128xf32, #tpu.memory_space<vmem_shared>> -> memref<10240x128xf32, #tpu.memory_space<vmem_shared>>
      tpu.enqueue_indirect_dma source(%arg14 : memref<128x128xf32, #tpu.memory_space<vmem>>) target(%dma_start3A_630 : memref<10240x128xf32, #tpu.memory_space<vmem_shared>>) offsets(%dma_start3A_627 : memref<128xi32, #tpu.memory_space<vmem>>) semaphore(%arg19 : memref<!tpu.dma_semaphore, #tpu.memory_space<semaphore_mem>>) {add = true}
    }
    %scan3A_94 = arith.constant 12 : i32
    %dma_wait3A_95 = arith.constant 0 : i32
    %dma_wait3A_96 = arith.constant 0 : i32
    %dma_wait3A_97 = tpu.memref_slice %arg16[%dma_wait3A_95, %dma_wait3A_96] : memref<10240x128xf32, #tpu.memory_space<vmem_shared>> -> memref<128x128xf32, #tpu.memory_space<vmem_shared>>
    %dma_wait3A_98 = arith.constant 0 : i32
    %dma_wait3A_99 = arith.constant 0 : i32
    %dma_wait3A_100 = tpu.memref_slice %arg16[%dma_wait3A_98, %dma_wait3A_99] : memref<10240x128xf32, #tpu.memory_space<vmem_shared>> -> memref<128x128xf32, #tpu.memory_space<vmem_shared>>
    tpu.wait_dma2 semaphore(%arg19 : memref<!tpu.dma_semaphore, #tpu.memory_space<semaphore_mem>>) src(%arg14 : memref<128x128xf32, #tpu.memory_space<vmem>>) dst(%dma_wait3A_100 : memref<128x128xf32, #tpu.memory_space<vmem_shared>>)
    %dma_start3A_101 = arith.constant 77 : i32
    %dma_start3A_102 = arith.constant 0 : i32
    %dma_start3A_103 = tpu.memref_slice %arg3[%add3A, %dma_start3A_101, %dma_start3A_102] : memref<32x82x128xi32, #tpu.memory_space<hbm>> -> memref<1x1x128xi32, #tpu.memory_space<hbm>>
    %dma_start3A_104 = tpu.memref_squeeze %dma_start3A_103 : memref<1x1x128xi32, #tpu.memory_space<hbm>> -> memref<1x128xi32, #tpu.memory_space<hbm>>
    %dma_start3A_105 = arith.constant 77 : i32
    %dma_start3A_106 = arith.constant 0 : i32
    %dma_start3A_107 = tpu.memref_slice %arg3[%add3A, %dma_start3A_105, %dma_start3A_106] : memref<32x82x128xi32, #tpu.memory_space<hbm>> -> memref<1x1x128xi32, #tpu.memory_space<hbm>>
    %dma_start3A_108 = tpu.memref_squeeze %dma_start3A_107 : memref<1x1x128xi32, #tpu.memory_space<hbm>> -> memref<1x128xi32, #tpu.memory_space<hbm>>
    tpu.enqueue_dma source(%dma_start3A_108 : memref<1x128xi32, #tpu.memory_space<hbm>>) target(%arg12 : memref<1x128xi32, #tpu.memory_space<vmem>>) target_semaphore(%arg17 : memref<!tpu.dma_semaphore, #tpu.memory_space<semaphore_mem>>)
    %dma_wait3A_109 = arith.constant 0 : i32
    %dma_wait3A_110 = arith.constant 0 : i32
    %dma_wait3A_111 = tpu.memref_slice %arg3[%add3A, %dma_wait3A_109, %dma_wait3A_110] : memref<32x82x128xi32, #tpu.memory_space<hbm>> -> memref<1x1x128xi32, #tpu.memory_space<hbm>>
    %dma_wait3A_112 = tpu.memref_squeeze %dma_wait3A_111 : memref<1x1x128xi32, #tpu.memory_space<hbm>> -> memref<1x128xi32, #tpu.memory_space<hbm>>
    %dma_wait3A_113 = arith.constant 0 : i32
    %dma_wait3A_114 = arith.constant 0 : i32
    %dma_wait3A_115 = tpu.memref_slice %arg3[%add3A, %dma_wait3A_113, %dma_wait3A_114] : memref<32x82x128xi32, #tpu.memory_space<hbm>> -> memref<1x1x128xi32, #tpu.memory_space<hbm>>
    %dma_wait3A_116 = tpu.memref_squeeze %dma_wait3A_115 : memref<1x1x128xi32, #tpu.memory_space<hbm>> -> memref<1x128xi32, #tpu.memory_space<hbm>>
    tpu.wait_dma2 semaphore(%arg17 : memref<!tpu.dma_semaphore, #tpu.memory_space<semaphore_mem>>) src(%dma_wait3A_116 : memref<1x128xi32, #tpu.memory_space<hbm>>) dst(%arg7 : memref<1x128xi32, #tpu.memory_space<vmem>>)
    %dma_start3A_117 = arith.constant 74 : i32
    %dma_start3A_118 = arith.constant 0 : i32
    %dma_start3A_119 = tpu.memref_slice %arg13[%dma_start3A_117, %dma_start3A_118] : memref<80x128xi32, #tpu.memory_space<vmem>> -> memref<1x128xi32, #tpu.memory_space<vmem>>
    %dma_start3A_120 = tpu.memref_squeeze %dma_start3A_119 : memref<1x128xi32, #tpu.memory_space<vmem>> -> memref<128xi32, #tpu.memory_space<vmem>>
    %dma_start3A_121 = arith.constant 0 : i32
    %dma_start3A_122 = arith.constant 0 : i32
    %dma_start3A_123 = tpu.memref_slice %arg2[%dma_start3A_121, %dma_start3A_122] : memref<10240x128xf32, #tpu.memory_space<hbm>> -> memref<10240x128xf32, #tpu.memory_space<hbm>>
    tpu.enqueue_indirect_dma source(%dma_start3A_123 : memref<10240x128xf32, #tpu.memory_space<hbm>>) target(%arg14 : memref<128x128xf32, #tpu.memory_space<vmem>>) offsets(%dma_start3A_120 : memref<128xi32, #tpu.memory_space<vmem>>) semaphore(%arg18 : memref<!tpu.dma_semaphore, #tpu.memory_space<semaphore_mem>>)
    %dma_wait3A_124 = arith.constant 0 : i32
    %dma_wait3A_125 = arith.constant 0 : i32
    %dma_wait3A_126 = tpu.memref_slice %arg2[%dma_wait3A_124, %dma_wait3A_125] : memref<10240x128xf32, #tpu.memory_space<hbm>> -> memref<128x128xf32, #tpu.memory_space<hbm>>
    %dma_wait3A_127 = arith.constant 0 : i32
    %dma_wait3A_128 = arith.constant 0 : i32
    %dma_wait3A_129 = tpu.memref_slice %arg2[%dma_wait3A_127, %dma_wait3A_128] : memref<10240x128xf32, #tpu.memory_space<hbm>> -> memref<128x128xf32, #tpu.memory_space<hbm>>
    tpu.wait_dma2 semaphore(%arg18 : memref<!tpu.dma_semaphore, #tpu.memory_space<semaphore_mem>>) src(%dma_wait3A_129 : memref<128x128xf32, #tpu.memory_space<hbm>>) dst(%arg14 : memref<128x128xf32, #tpu.memory_space<vmem>>)
    %dma_start3A_130 = arith.constant 0 : i32
    %dma_start3A_131 = arith.constant 0 : i32
    %dma_start3A_132 = tpu.memref_slice %arg8[%dma_start3A_130, %dma_start3A_131] : memref<1x128xi32, #tpu.memory_space<vmem>> -> memref<1x128xi32, #tpu.memory_space<vmem>>
    %dma_start3A_133 = tpu.memref_squeeze %dma_start3A_132 : memref<1x128xi32, #tpu.memory_space<vmem>> -> memref<128xi32, #tpu.memory_space<vmem>>
    %dma_start3A_134 = arith.constant 0 : i32
    %dma_start3A_135 = arith.constant 0 : i32
    %dma_start3A_136 = tpu.memref_slice %arg16[%dma_start3A_134, %dma_start3A_135] : memref<10240x128xf32, #tpu.memory_space<vmem_shared>> -> memref<10240x128xf32, #tpu.memory_space<vmem_shared>>
    tpu.enqueue_indirect_dma source(%arg15 : memref<128x128xf32, #tpu.memory_space<vmem>>) target(%dma_start3A_136 : memref<10240x128xf32, #tpu.memory_space<vmem_shared>>) offsets(%dma_start3A_133 : memref<128xi32, #tpu.memory_space<vmem>>) semaphore(%arg19 : memref<!tpu.dma_semaphore, #tpu.memory_space<semaphore_mem>>) {add = true}
    %dma_wait3A_137 = arith.constant 0 : i32
    %dma_wait3A_138 = arith.constant 0 : i32
    %dma_wait3A_139 = tpu.memref_slice %arg16[%dma_wait3A_137, %dma_wait3A_138] : memref<10240x128xf32, #tpu.memory_space<vmem_shared>> -> memref<128x128xf32, #tpu.memory_space<vmem_shared>>
    %dma_wait3A_140 = arith.constant 0 : i32
    %dma_wait3A_141 = arith.constant 0 : i32
    %dma_wait3A_142 = tpu.memref_slice %arg16[%dma_wait3A_140, %dma_wait3A_141] : memref<10240x128xf32, #tpu.memory_space<vmem_shared>> -> memref<128x128xf32, #tpu.memory_space<vmem_shared>>
    tpu.wait_dma2 semaphore(%arg19 : memref<!tpu.dma_semaphore, #tpu.memory_space<semaphore_mem>>) src(%arg14 : memref<128x128xf32, #tpu.memory_space<vmem>>) dst(%dma_wait3A_142 : memref<128x128xf32, #tpu.memory_space<vmem_shared>>)
    %dma_start3A_143 = arith.constant 78 : i32
    %dma_start3A_144 = arith.constant 0 : i32
    %dma_start3A_145 = tpu.memref_slice %arg3[%add3A, %dma_start3A_143, %dma_start3A_144] : memref<32x82x128xi32, #tpu.memory_space<hbm>> -> memref<1x1x128xi32, #tpu.memory_space<hbm>>
    %dma_start3A_146 = tpu.memref_squeeze %dma_start3A_145 : memref<1x1x128xi32, #tpu.memory_space<hbm>> -> memref<1x128xi32, #tpu.memory_space<hbm>>
    %dma_start3A_147 = arith.constant 78 : i32
    %dma_start3A_148 = arith.constant 0 : i32
    %dma_start3A_149 = tpu.memref_slice %arg3[%add3A, %dma_start3A_147, %dma_start3A_148] : memref<32x82x128xi32, #tpu.memory_space<hbm>> -> memref<1x1x128xi32, #tpu.memory_space<hbm>>
    %dma_start3A_150 = tpu.memref_squeeze %dma_start3A_149 : memref<1x1x128xi32, #tpu.memory_space<hbm>> -> memref<1x128xi32, #tpu.memory_space<hbm>>
    tpu.enqueue_dma source(%dma_start3A_150 : memref<1x128xi32, #tpu.memory_space<hbm>>) target(%arg7 : memref<1x128xi32, #tpu.memory_space<vmem>>) target_semaphore(%arg17 : memref<!tpu.dma_semaphore, #tpu.memory_space<semaphore_mem>>)
    %dma_wait3A_151 = arith.constant 0 : i32
    %dma_wait3A_152 = arith.constant 0 : i32
    %dma_wait3A_153 = tpu.memref_slice %arg3[%add3A, %dma_wait3A_151, %dma_wait3A_152] : memref<32x82x128xi32, #tpu.memory_space<hbm>> -> memref<1x1x128xi32, #tpu.memory_space<hbm>>
    %dma_wait3A_154 = tpu.memref_squeeze %dma_wait3A_153 : memref<1x1x128xi32, #tpu.memory_space<hbm>> -> memref<1x128xi32, #tpu.memory_space<hbm>>
    %dma_wait3A_155 = arith.constant 0 : i32
    %dma_wait3A_156 = arith.constant 0 : i32
    %dma_wait3A_157 = tpu.memref_slice %arg3[%add3A, %dma_wait3A_155, %dma_wait3A_156] : memref<32x82x128xi32, #tpu.memory_space<hbm>> -> memref<1x1x128xi32, #tpu.memory_space<hbm>>
    %dma_wait3A_158 = tpu.memref_squeeze %dma_wait3A_157 : memref<1x1x128xi32, #tpu.memory_space<hbm>> -> memref<1x128xi32, #tpu.memory_space<hbm>>
    tpu.wait_dma2 semaphore(%arg17 : memref<!tpu.dma_semaphore, #tpu.memory_space<semaphore_mem>>) src(%dma_wait3A_158 : memref<1x128xi32, #tpu.memory_space<hbm>>) dst(%arg7 : memref<1x128xi32, #tpu.memory_space<vmem>>)
    %dma_start3A_159 = arith.constant 75 : i32
    %dma_start3A_160 = arith.constant 0 : i32
    %dma_start3A_161 = tpu.memref_slice %arg13[%dma_start3A_159, %dma_start3A_160] : memref<80x128xi32, #tpu.memory_space<vmem>> -> memref<1x128xi32, #tpu.memory_space<vmem>>
    %dma_start3A_162 = tpu.memref_squeeze %dma_start3A_161 : memref<1x128xi32, #tpu.memory_space<vmem>> -> memref<128xi32, #tpu.memory_space<vmem>>
    %dma_start3A_163 = arith.constant 0 : i32
    %dma_start3A_164 = arith.constant 0 : i32
    %dma_start3A_165 = tpu.memref_slice %arg2[%dma_start3A_163, %dma_start3A_164] : memref<10240x128xf32, #tpu.memory_space<hbm>> -> memref<10240x128xf32, #tpu.memory_space<hbm>>
    tpu.enqueue_indirect_dma source(%dma_start3A_165 : memref<10240x128xf32, #tpu.memory_space<hbm>>) target(%arg15 : memref<128x128xf32, #tpu.memory_space<vmem>>) offsets(%dma_start3A_162 : memref<128xi32, #tpu.memory_space<vmem>>) semaphore(%arg18 : memref<!tpu.dma_semaphore, #tpu.memory_space<semaphore_mem>>)
    %dma_wait3A_166 = arith.constant 0 : i32
    %dma_wait3A_167 = arith.constant 0 : i32
    %dma_wait3A_168 = tpu.memref_slice %arg2[%dma_wait3A_166, %dma_wait3A_167] : memref<10240x128xf32, #tpu.memory_space<hbm>> -> memref<128x128xf32, #tpu.memory_space<hbm>>
    %dma_wait3A_169 = arith.constant 0 : i32
    %dma_wait3A_170 = arith.constant 0 : i32
    %dma_wait3A_171 = tpu.memref_slice %arg2[%dma_wait3A_169, %dma_wait3A_170] : memref<10240x128xf32, #tpu.memory_space<hbm>> -> memref<128x128xf32, #tpu.memory_space<hbm>>
    tpu.wait_dma2 semaphore(%arg18 : memref<!tpu.dma_semaphore, #tpu.memory_space<semaphore_mem>>) src(%dma_wait3A_171 : memref<128x128xf32, #tpu.memory_space<hbm>>) dst(%arg14 : memref<128x128xf32, #tpu.memory_space<vmem>>)
    %dma_start3A_172 = arith.constant 0 : i32
    %dma_start3A_173 = arith.constant 0 : i32
    %dma_start3A_174 = tpu.memref_slice %arg9[%dma_start3A_172, %dma_start3A_173] : memref<1x128xi32, #tpu.memory_space<vmem>> -> memref<1x128xi32, #tpu.memory_space<vmem>>
    %dma_start3A_175 = tpu.memref_squeeze %dma_start3A_174 : memref<1x128xi32, #tpu.memory_space<vmem>> -> memref<128xi32, #tpu.memory_space<vmem>>
    %dma_start3A_176 = arith.constant 0 : i32
    %dma_start3A_177 = arith.constant 0 : i32
    %dma_start3A_178 = tpu.memref_slice %arg16[%dma_start3A_176, %dma_start3A_177] : memref<10240x128xf32, #tpu.memory_space<vmem_shared>> -> memref<10240x128xf32, #tpu.memory_space<vmem_shared>>
    tpu.enqueue_indirect_dma source(%arg14 : memref<128x128xf32, #tpu.memory_space<vmem>>) target(%dma_start3A_178 : memref<10240x128xf32, #tpu.memory_space<vmem_shared>>) offsets(%dma_start3A_175 : memref<128xi32, #tpu.memory_space<vmem>>) semaphore(%arg19 : memref<!tpu.dma_semaphore, #tpu.memory_space<semaphore_mem>>) {add = true}
    %dma_wait3A_179 = arith.constant 0 : i32
    %dma_wait3A_180 = arith.constant 0 : i32
    %dma_wait3A_181 = tpu.memref_slice %arg16[%dma_wait3A_179, %dma_wait3A_180] : memref<10240x128xf32, #tpu.memory_space<vmem_shared>> -> memref<128x128xf32, #tpu.memory_space<vmem_shared>>
    %dma_wait3A_182 = arith.constant 0 : i32
    %dma_wait3A_183 = arith.constant 0 : i32
    %dma_wait3A_184 = tpu.memref_slice %arg16[%dma_wait3A_182, %dma_wait3A_183] : memref<10240x128xf32, #tpu.memory_space<vmem_shared>> -> memref<128x128xf32, #tpu.memory_space<vmem_shared>>
    tpu.wait_dma2 semaphore(%arg19 : memref<!tpu.dma_semaphore, #tpu.memory_space<semaphore_mem>>) src(%arg14 : memref<128x128xf32, #tpu.memory_space<vmem>>) dst(%dma_wait3A_184 : memref<128x128xf32, #tpu.memory_space<vmem_shared>>)
    %dma_start3A_185 = arith.constant 79 : i32
    %dma_start3A_186 = arith.constant 0 : i32
    %dma_start3A_187 = tpu.memref_slice %arg3[%add3A, %dma_start3A_185, %dma_start3A_186] : memref<32x82x128xi32, #tpu.memory_space<hbm>> -> memref<1x1x128xi32, #tpu.memory_space<hbm>>
    %dma_start3A_188 = tpu.memref_squeeze %dma_start3A_187 : memref<1x1x128xi32, #tpu.memory_space<hbm>> -> memref<1x128xi32, #tpu.memory_space<hbm>>
    %dma_start3A_189 = arith.constant 79 : i32
    %dma_start3A_190 = arith.constant 0 : i32
    %dma_start3A_191 = tpu.memref_slice %arg3[%add3A, %dma_start3A_189, %dma_start3A_190] : memref<32x82x128xi32, #tpu.memory_space<hbm>> -> memref<1x1x128xi32, #tpu.memory_space<hbm>>
    %dma_start3A_192 = tpu.memref_squeeze %dma_start3A_191 : memref<1x1x128xi32, #tpu.memory_space<hbm>> -> memref<1x128xi32, #tpu.memory_space<hbm>>
    tpu.enqueue_dma source(%dma_start3A_192 : memref<1x128xi32, #tpu.memory_space<hbm>>) target(%arg8 : memref<1x128xi32, #tpu.memory_space<vmem>>) target_semaphore(%arg17 : memref<!tpu.dma_semaphore, #tpu.memory_space<semaphore_mem>>)
    %dma_wait3A_193 = arith.constant 0 : i32
    %dma_wait3A_194 = arith.constant 0 : i32
    %dma_wait3A_195 = tpu.memref_slice %arg3[%add3A, %dma_wait3A_193, %dma_wait3A_194] : memref<32x82x128xi32, #tpu.memory_space<hbm>> -> memref<1x1x128xi32, #tpu.memory_space<hbm>>
    %dma_wait3A_196 = tpu.memref_squeeze %dma_wait3A_195 : memref<1x1x128xi32, #tpu.memory_space<hbm>> -> memref<1x128xi32, #tpu.memory_space<hbm>>
    %dma_wait3A_197 = arith.constant 0 : i32
    %dma_wait3A_198 = arith.constant 0 : i32
    %dma_wait3A_199 = tpu.memref_slice %arg3[%add3A, %dma_wait3A_197, %dma_wait3A_198] : memref<32x82x128xi32, #tpu.memory_space<hbm>> -> memref<1x1x128xi32, #tpu.memory_space<hbm>>
    %dma_wait3A_200 = tpu.memref_squeeze %dma_wait3A_199 : memref<1x1x128xi32, #tpu.memory_space<hbm>> -> memref<1x128xi32, #tpu.memory_space<hbm>>
    tpu.wait_dma2 semaphore(%arg17 : memref<!tpu.dma_semaphore, #tpu.memory_space<semaphore_mem>>) src(%dma_wait3A_200 : memref<1x128xi32, #tpu.memory_space<hbm>>) dst(%arg7 : memref<1x128xi32, #tpu.memory_space<vmem>>)
    %dma_start3A_201 = arith.constant 76 : i32
    %dma_start3A_202 = arith.constant 0 : i32
    %dma_start3A_203 = tpu.memref_slice %arg13[%dma_start3A_201, %dma_start3A_202] : memref<80x128xi32, #tpu.memory_space<vmem>> -> memref<1x128xi32, #tpu.memory_space<vmem>>
    %dma_start3A_204 = tpu.memref_squeeze %dma_start3A_203 : memref<1x128xi32, #tpu.memory_space<vmem>> -> memref<128xi32, #tpu.memory_space<vmem>>
    %dma_start3A_205 = arith.constant 0 : i32
    %dma_start3A_206 = arith.constant 0 : i32
    %dma_start3A_207 = tpu.memref_slice %arg2[%dma_start3A_205, %dma_start3A_206] : memref<10240x128xf32, #tpu.memory_space<hbm>> -> memref<10240x128xf32, #tpu.memory_space<hbm>>
    tpu.enqueue_indirect_dma source(%dma_start3A_207 : memref<10240x128xf32, #tpu.memory_space<hbm>>) target(%arg14 : memref<128x128xf32, #tpu.memory_space<vmem>>) offsets(%dma_start3A_204 : memref<128xi32, #tpu.memory_space<vmem>>) semaphore(%arg18 : memref<!tpu.dma_semaphore, #tpu.memory_space<semaphore_mem>>)
    %dma_wait3A_208 = arith.constant 0 : i32
    %dma_wait3A_209 = arith.constant 0 : i32
    %dma_wait3A_210 = tpu.memref_slice %arg2[%dma_wait3A_208, %dma_wait3A_209] : memref<10240x128xf32, #tpu.memory_space<hbm>> -> memref<128x128xf32, #tpu.memory_space<hbm>>
    %dma_wait3A_211 = arith.constant 0 : i32
    %dma_wait3A_212 = arith.constant 0 : i32
    %dma_wait3A_213 = tpu.memref_slice %arg2[%dma_wait3A_211, %dma_wait3A_212] : memref<10240x128xf32, #tpu.memory_space<hbm>> -> memref<128x128xf32, #tpu.memory_space<hbm>>
    tpu.wait_dma2 semaphore(%arg18 : memref<!tpu.dma_semaphore, #tpu.memory_space<semaphore_mem>>) src(%dma_wait3A_213 : memref<128x128xf32, #tpu.memory_space<hbm>>) dst(%arg14 : memref<128x128xf32, #tpu.memory_space<vmem>>)
    %dma_start3A_214 = arith.constant 0 : i32
    %dma_start3A_215 = arith.constant 0 : i32
    %dma_start3A_216 = tpu.memref_slice %arg10[%dma_start3A_214, %dma_start3A_215] : memref<1x128xi32, #tpu.memory_space<vmem>> -> memref<1x128xi32, #tpu.memory_space<vmem>>
    %dma_start3A_217 = tpu.memref_squeeze %dma_start3A_216 : memref<1x128xi32, #tpu.memory_space<vmem>> -> memref<128xi32, #tpu.memory_space<vmem>>
    %dma_start3A_218 = arith.constant 0 : i32
    %dma_start3A_219 = arith.constant 0 : i32
    %dma_start3A_220 = tpu.memref_slice %arg16[%dma_start3A_218, %dma_start3A_219] : memref<10240x128xf32, #tpu.memory_space<vmem_shared>> -> memref<10240x128xf32, #tpu.memory_space<vmem_shared>>
    tpu.enqueue_indirect_dma source(%arg15 : memref<128x128xf32, #tpu.memory_space<vmem>>) target(%dma_start3A_220 : memref<10240x128xf32, #tpu.memory_space<vmem_shared>>) offsets(%dma_start3A_217 : memref<128xi32, #tpu.memory_space<vmem>>) semaphore(%arg19 : memref<!tpu.dma_semaphore, #tpu.memory_space<semaphore_mem>>) {add = true}
    %dma_wait3A_221 = arith.constant 0 : i32
    %dma_wait3A_222 = arith.constant 0 : i32
    %dma_wait3A_223 = tpu.memref_slice %arg16[%dma_wait3A_221, %dma_wait3A_222] : memref<10240x128xf32, #tpu.memory_space<vmem_shared>> -> memref<128x128xf32, #tpu.memory_space<vmem_shared>>
    %dma_wait3A_224 = arith.constant 0 : i32
    %dma_wait3A_225 = arith.constant 0 : i32
    %dma_wait3A_226 = tpu.memref_slice %arg16[%dma_wait3A_224, %dma_wait3A_225] : memref<10240x128xf32, #tpu.memory_space<vmem_shared>> -> memref<128x128xf32, #tpu.memory_space<vmem_shared>>
    tpu.wait_dma2 semaphore(%arg19 : memref<!tpu.dma_semaphore, #tpu.memory_space<semaphore_mem>>) src(%arg14 : memref<128x128xf32, #tpu.memory_space<vmem>>) dst(%dma_wait3A_226 : memref<128x128xf32, #tpu.memory_space<vmem_shared>>)
    %dma_start3A_227 = arith.constant 80 : i32
    %dma_start3A_228 = arith.constant 0 : i32
    %dma_start3A_229 = tpu.memref_slice %arg3[%add3A, %dma_start3A_227, %dma_start3A_228] : memref<32x82x128xi32, #tpu.memory_space<hbm>> -> memref<1x1x128xi32, #tpu.memory_space<hbm>>
    %dma_start3A_230 = tpu.memref_squeeze %dma_start3A_229 : memref<1x1x128xi32, #tpu.memory_space<hbm>> -> memref<1x128xi32, #tpu.memory_space<hbm>>
    %dma_start3A_231 = arith.constant 80 : i32
    %dma_start3A_232 = arith.constant 0 : i32
    %dma_start3A_233 = tpu.memref_slice %arg3[%add3A, %dma_start3A_231, %dma_start3A_232] : memref<32x82x128xi32, #tpu.memory_space<hbm>> -> memref<1x1x128xi32, #tpu.memory_space<hbm>>
    %dma_start3A_234 = tpu.memref_squeeze %dma_start3A_233 : memref<1x1x128xi32, #tpu.memory_space<hbm>> -> memref<1x128xi32, #tpu.memory_space<hbm>>
    tpu.enqueue_dma source(%dma_start3A_234 : memref<1x128xi32, #tpu.memory_space<hbm>>) target(%arg9 : memref<1x128xi32, #tpu.memory_space<vmem>>) target_semaphore(%arg17 : memref<!tpu.dma_semaphore, #tpu.memory_space<semaphore_mem>>)
    %dma_wait3A_235 = arith.constant 0 : i32
    %dma_wait3A_236 = arith.constant 0 : i32
    %dma_wait3A_237 = tpu.memref_slice %arg3[%add3A, %dma_wait3A_235, %dma_wait3A_236] : memref<32x82x128xi32, #tpu.memory_space<hbm>> -> memref<1x1x128xi32, #tpu.memory_space<hbm>>
    %dma_wait3A_238 = tpu.memref_squeeze %dma_wait3A_237 : memref<1x1x128xi32, #tpu.memory_space<hbm>> -> memref<1x128xi32, #tpu.memory_space<hbm>>
    %dma_wait3A_239 = arith.constant 0 : i32
    %dma_wait3A_240 = arith.constant 0 : i32
    %dma_wait3A_241 = tpu.memref_slice %arg3[%add3A, %dma_wait3A_239, %dma_wait3A_240] : memref<32x82x128xi32, #tpu.memory_space<hbm>> -> memref<1x1x128xi32, #tpu.memory_space<hbm>>
    %dma_wait3A_242 = tpu.memref_squeeze %dma_wait3A_241 : memref<1x1x128xi32, #tpu.memory_space<hbm>> -> memref<1x128xi32, #tpu.memory_space<hbm>>
    tpu.wait_dma2 semaphore(%arg17 : memref<!tpu.dma_semaphore, #tpu.memory_space<semaphore_mem>>) src(%dma_wait3A_242 : memref<1x128xi32, #tpu.memory_space<hbm>>) dst(%arg7 : memref<1x128xi32, #tpu.memory_space<vmem>>)
    %dma_start3A_243 = arith.constant 77 : i32
    %dma_start3A_244 = arith.constant 0 : i32
    %dma_start3A_245 = tpu.memref_slice %arg13[%dma_start3A_243, %dma_start3A_244] : memref<80x128xi32, #tpu.memory_space<vmem>> -> memref<1x128xi32, #tpu.memory_space<vmem>>
    %dma_start3A_246 = tpu.memref_squeeze %dma_start3A_245 : memref<1x128xi32, #tpu.memory_space<vmem>> -> memref<128xi32, #tpu.memory_space<vmem>>
    %dma_start3A_247 = arith.constant 0 : i32
    %dma_start3A_248 = arith.constant 0 : i32
    %dma_start3A_249 = tpu.memref_slice %arg2[%dma_start3A_247, %dma_start3A_248] : memref<10240x128xf32, #tpu.memory_space<hbm>> -> memref<10240x128xf32, #tpu.memory_space<hbm>>
    tpu.enqueue_indirect_dma source(%dma_start3A_249 : memref<10240x128xf32, #tpu.memory_space<hbm>>) target(%arg15 : memref<128x128xf32, #tpu.memory_space<vmem>>) offsets(%dma_start3A_246 : memref<128xi32, #tpu.memory_space<vmem>>) semaphore(%arg18 : memref<!tpu.dma_semaphore, #tpu.memory_space<semaphore_mem>>)
    %dma_wait3A_250 = arith.constant 0 : i32
    %dma_wait3A_251 = arith.constant 0 : i32
    %dma_wait3A_252 = tpu.memref_slice %arg2[%dma_wait3A_250, %dma_wait3A_251] : memref<10240x128xf32, #tpu.memory_space<hbm>> -> memref<128x128xf32, #tpu.memory_space<hbm>>
    %dma_wait3A_253 = arith.constant 0 : i32
    %dma_wait3A_254 = arith.constant 0 : i32
    %dma_wait3A_255 = tpu.memref_slice %arg2[%dma_wait3A_253, %dma_wait3A_254] : memref<10240x128xf32, #tpu.memory_space<hbm>> -> memref<128x128xf32, #tpu.memory_space<hbm>>
    tpu.wait_dma2 semaphore(%arg18 : memref<!tpu.dma_semaphore, #tpu.memory_space<semaphore_mem>>) src(%dma_wait3A_255 : memref<128x128xf32, #tpu.memory_space<hbm>>) dst(%arg14 : memref<128x128xf32, #tpu.memory_space<vmem>>)
    %dma_start3A_256 = arith.constant 0 : i32
    %dma_start3A_257 = arith.constant 0 : i32
    %dma_start3A_258 = tpu.memref_slice %arg11[%dma_start3A_256, %dma_start3A_257] : memref<1x128xi32, #tpu.memory_space<vmem>> -> memref<1x128xi32, #tpu.memory_space<vmem>>
    %dma_start3A_259 = tpu.memref_squeeze %dma_start3A_258 : memref<1x128xi32, #tpu.memory_space<vmem>> -> memref<128xi32, #tpu.memory_space<vmem>>
    %dma_start3A_260 = arith.constant 0 : i32
    %dma_start3A_261 = arith.constant 0 : i32
    %dma_start3A_262 = tpu.memref_slice %arg16[%dma_start3A_260, %dma_start3A_261] : memref<10240x128xf32, #tpu.memory_space<vmem_shared>> -> memref<10240x128xf32, #tpu.memory_space<vmem_shared>>
    tpu.enqueue_indirect_dma source(%arg14 : memref<128x128xf32, #tpu.memory_space<vmem>>) target(%dma_start3A_262 : memref<10240x128xf32, #tpu.memory_space<vmem_shared>>) offsets(%dma_start3A_259 : memref<128xi32, #tpu.memory_space<vmem>>) semaphore(%arg19 : memref<!tpu.dma_semaphore, #tpu.memory_space<semaphore_mem>>) {add = true}
    %dma_wait3A_263 = arith.constant 0 : i32
    %dma_wait3A_264 = arith.constant 0 : i32
    %dma_wait3A_265 = tpu.memref_slice %arg16[%dma_wait3A_263, %dma_wait3A_264] : memref<10240x128xf32, #tpu.memory_space<vmem_shared>> -> memref<128x128xf32, #tpu.memory_space<vmem_shared>>
    %dma_wait3A_266 = arith.constant 0 : i32
    %dma_wait3A_267 = arith.constant 0 : i32
    %dma_wait3A_268 = tpu.memref_slice %arg16[%dma_wait3A_266, %dma_wait3A_267] : memref<10240x128xf32, #tpu.memory_space<vmem_shared>> -> memref<128x128xf32, #tpu.memory_space<vmem_shared>>
    tpu.wait_dma2 semaphore(%arg19 : memref<!tpu.dma_semaphore, #tpu.memory_space<semaphore_mem>>) src(%arg14 : memref<128x128xf32, #tpu.memory_space<vmem>>) dst(%dma_wait3A_268 : memref<128x128xf32, #tpu.memory_space<vmem_shared>>)
    %dma_start3A_269 = arith.constant 81 : i32
    %dma_start3A_270 = arith.constant 0 : i32
    %dma_start3A_271 = tpu.memref_slice %arg3[%add3A, %dma_start3A_269, %dma_start3A_270] : memref<32x82x128xi32, #tpu.memory_space<hbm>> -> memref<1x1x128xi32, #tpu.memory_space<hbm>>
    %dma_start3A_272 = tpu.memref_squeeze %dma_start3A_271 : memref<1x1x128xi32, #tpu.memory_space<hbm>> -> memref<1x128xi32, #tpu.memory_space<hbm>>
    %dma_start3A_273 = arith.constant 81 : i32
    %dma_start3A_274 = arith.constant 0 : i32
    %dma_start3A_275 = tpu.memref_slice %arg3[%add3A, %dma_start3A_273, %dma_start3A_274] : memref<32x82x128xi32, #tpu.memory_space<hbm>> -> memref<1x1x128xi32, #tpu.memory_space<hbm>>
    %dma_start3A_276 = tpu.memref_squeeze %dma_start3A_275 : memref<1x1x128xi32, #tpu.memory_space<hbm>> -> memref<1x128xi32, #tpu.memory_space<hbm>>
    tpu.enqueue_dma source(%dma_start3A_276 : memref<1x128xi32, #tpu.memory_space<hbm>>) target(%arg10 : memref<1x128xi32, #tpu.memory_space<vmem>>) target_semaphore(%arg17 : memref<!tpu.dma_semaphore, #tpu.memory_space<semaphore_mem>>)
    %dma_wait3A_277 = arith.constant 0 : i32
    %dma_wait3A_278 = arith.constant 0 : i32
    %dma_wait3A_279 = tpu.memref_slice %arg3[%add3A, %dma_wait3A_277, %dma_wait3A_278] : memref<32x82x128xi32, #tpu.memory_space<hbm>> -> memref<1x1x128xi32, #tpu.memory_space<hbm>>
    %dma_wait3A_280 = tpu.memref_squeeze %dma_wait3A_279 : memref<1x1x128xi32, #tpu.memory_space<hbm>> -> memref<1x128xi32, #tpu.memory_space<hbm>>
    %dma_wait3A_281 = arith.constant 0 : i32
    %dma_wait3A_282 = arith.constant 0 : i32
    %dma_wait3A_283 = tpu.memref_slice %arg3[%add3A, %dma_wait3A_281, %dma_wait3A_282] : memref<32x82x128xi32, #tpu.memory_space<hbm>> -> memref<1x1x128xi32, #tpu.memory_space<hbm>>
    %dma_wait3A_284 = tpu.memref_squeeze %dma_wait3A_283 : memref<1x1x128xi32, #tpu.memory_space<hbm>> -> memref<1x128xi32, #tpu.memory_space<hbm>>
    tpu.wait_dma2 semaphore(%arg17 : memref<!tpu.dma_semaphore, #tpu.memory_space<semaphore_mem>>) src(%dma_wait3A_284 : memref<1x128xi32, #tpu.memory_space<hbm>>) dst(%arg7 : memref<1x128xi32, #tpu.memory_space<vmem>>)
    %dma_start3A_285 = arith.constant 78 : i32
    %dma_start3A_286 = arith.constant 0 : i32
    %dma_start3A_287 = tpu.memref_slice %arg13[%dma_start3A_285, %dma_start3A_286] : memref<80x128xi32, #tpu.memory_space<vmem>> -> memref<1x128xi32, #tpu.memory_space<vmem>>
    %dma_start3A_288 = tpu.memref_squeeze %dma_start3A_287 : memref<1x128xi32, #tpu.memory_space<vmem>> -> memref<128xi32, #tpu.memory_space<vmem>>
    %dma_start3A_289 = arith.constant 0 : i32
    %dma_start3A_290 = arith.constant 0 : i32
    %dma_start3A_291 = tpu.memref_slice %arg2[%dma_start3A_289, %dma_start3A_290] : memref<10240x128xf32, #tpu.memory_space<hbm>> -> memref<10240x128xf32, #tpu.memory_space<hbm>>
    tpu.enqueue_indirect_dma source(%dma_start3A_291 : memref<10240x128xf32, #tpu.memory_space<hbm>>) target(%arg14 : memref<128x128xf32, #tpu.memory_space<vmem>>) offsets(%dma_start3A_288 : memref<128xi32, #tpu.memory_space<vmem>>) semaphore(%arg18 : memref<!tpu.dma_semaphore, #tpu.memory_space<semaphore_mem>>)
    %dma_wait3A_292 = arith.constant 0 : i32
    %dma_wait3A_293 = arith.constant 0 : i32
    %dma_wait3A_294 = tpu.memref_slice %arg2[%dma_wait3A_292, %dma_wait3A_293] : memref<10240x128xf32, #tpu.memory_space<hbm>> -> memref<128x128xf32, #tpu.memory_space<hbm>>
    %dma_wait3A_295 = arith.constant 0 : i32
    %dma_wait3A_296 = arith.constant 0 : i32
    %dma_wait3A_297 = tpu.memref_slice %arg2[%dma_wait3A_295, %dma_wait3A_296] : memref<10240x128xf32, #tpu.memory_space<hbm>> -> memref<128x128xf32, #tpu.memory_space<hbm>>
    tpu.wait_dma2 semaphore(%arg18 : memref<!tpu.dma_semaphore, #tpu.memory_space<semaphore_mem>>) src(%dma_wait3A_297 : memref<128x128xf32, #tpu.memory_space<hbm>>) dst(%arg14 : memref<128x128xf32, #tpu.memory_space<vmem>>)
    %dma_start3A_298 = arith.constant 0 : i32
    %dma_start3A_299 = arith.constant 0 : i32
    %dma_start3A_300 = tpu.memref_slice %arg12[%dma_start3A_298, %dma_start3A_299] : memref<1x128xi32, #tpu.memory_space<vmem>> -> memref<1x128xi32, #tpu.memory_space<vmem>>
    %dma_start3A_301 = tpu.memref_squeeze %dma_start3A_300 : memref<1x128xi32, #tpu.memory_space<vmem>> -> memref<128xi32, #tpu.memory_space<vmem>>
    %dma_start3A_302 = arith.constant 0 : i32
    %dma_start3A_303 = arith.constant 0 : i32
    %dma_start3A_304 = tpu.memref_slice %arg16[%dma_start3A_302, %dma_start3A_303] : memref<10240x128xf32, #tpu.memory_space<vmem_shared>> -> memref<10240x128xf32, #tpu.memory_space<vmem_shared>>
    tpu.enqueue_indirect_dma source(%arg15 : memref<128x128xf32, #tpu.memory_space<vmem>>) target(%dma_start3A_304 : memref<10240x128xf32, #tpu.memory_space<vmem_shared>>) offsets(%dma_start3A_301 : memref<128xi32, #tpu.memory_space<vmem>>) semaphore(%arg19 : memref<!tpu.dma_semaphore, #tpu.memory_space<semaphore_mem>>) {add = true}
    %dma_wait3A_305 = arith.constant 0 : i32
    %dma_wait3A_306 = arith.constant 0 : i32
    %dma_wait3A_307 = tpu.memref_slice %arg2[%dma_wait3A_305, %dma_wait3A_306] : memref<10240x128xf32, #tpu.memory_space<hbm>> -> memref<128x128xf32, #tpu.memory_space<hbm>>
    %dma_wait3A_308 = arith.constant 0 : i32
    %dma_wait3A_309 = arith.constant 0 : i32
    %dma_wait3A_310 = tpu.memref_slice %arg2[%dma_wait3A_308, %dma_wait3A_309] : memref<10240x128xf32, #tpu.memory_space<hbm>> -> memref<128x128xf32, #tpu.memory_space<hbm>>
    tpu.wait_dma2 semaphore(%arg18 : memref<!tpu.dma_semaphore, #tpu.memory_space<semaphore_mem>>) src(%dma_wait3A_310 : memref<128x128xf32, #tpu.memory_space<hbm>>) dst(%arg14 : memref<128x128xf32, #tpu.memory_space<vmem>>)
    %dma_start3A_311 = arith.constant 0 : i32
    %dma_start3A_312 = arith.constant 0 : i32
    %dma_start3A_313 = tpu.memref_slice %arg7[%dma_start3A_311, %dma_start3A_312] : memref<1x128xi32, #tpu.memory_space<vmem>> -> memref<1x128xi32, #tpu.memory_space<vmem>>
    %dma_start3A_314 = tpu.memref_squeeze %dma_start3A_313 : memref<1x128xi32, #tpu.memory_space<vmem>> -> memref<128xi32, #tpu.memory_space<vmem>>
    %dma_start3A_315 = arith.constant 0 : i32
    %dma_start3A_316 = arith.constant 0 : i32
    %dma_start3A_317 = tpu.memref_slice %arg16[%dma_start3A_315, %dma_start3A_316] : memref<10240x128xf32, #tpu.memory_space<vmem_shared>> -> memref<10240x128xf32, #tpu.memory_space<vmem_shared>>
    tpu.enqueue_indirect_dma source(%arg14 : memref<128x128xf32, #tpu.memory_space<vmem>>) target(%dma_start3A_317 : memref<10240x128xf32, #tpu.memory_space<vmem_shared>>) offsets(%dma_start3A_314 : memref<128xi32, #tpu.memory_space<vmem>>) semaphore(%arg19 : memref<!tpu.dma_semaphore, #tpu.memory_space<semaphore_mem>>) {add = true}
    %dma_wait3A_318 = arith.constant 0 : i32
    %dma_wait3A_319 = arith.constant 0 : i32
    %dma_wait3A_320 = tpu.memref_slice %arg16[%dma_wait3A_318, %dma_wait3A_319] : memref<10240x128xf32, #tpu.memory_space<vmem_shared>> -> memref<128x128xf32, #tpu.memory_space<vmem_shared>>
    %dma_wait3A_321 = arith.constant 0 : i32
    %dma_wait3A_322 = arith.constant 0 : i32
    %dma_wait3A_323 = tpu.memref_slice %arg16[%dma_wait3A_321, %dma_wait3A_322] : memref<10240x128xf32, #tpu.memory_space<vmem_shared>> -> memref<128x128xf32, #tpu.memory_space<vmem_shared>>
    tpu.wait_dma2 semaphore(%arg19 : memref<!tpu.dma_semaphore, #tpu.memory_space<semaphore_mem>>) src(%arg14 : memref<128x128xf32, #tpu.memory_space<vmem>>) dst(%dma_wait3A_323 : memref<128x128xf32, #tpu.memory_space<vmem_shared>>)
    %dma_wait3A_324 = arith.constant 0 : i32
    %dma_wait3A_325 = arith.constant 0 : i32
    %dma_wait3A_326 = tpu.memref_slice %arg16[%dma_wait3A_324, %dma_wait3A_325] : memref<10240x128xf32, #tpu.memory_space<vmem_shared>> -> memref<128x128xf32, #tpu.memory_space<vmem_shared>>
    %dma_wait3A_327 = arith.constant 0 : i32
    %dma_wait3A_328 = arith.constant 0 : i32
    %dma_wait3A_329 = tpu.memref_slice %arg16[%dma_wait3A_327, %dma_wait3A_328] : memref<10240x128xf32, #tpu.memory_space<vmem_shared>> -> memref<128x128xf32, #tpu.memory_space<vmem_shared>>
    tpu.wait_dma2 semaphore(%arg19 : memref<!tpu.dma_semaphore, #tpu.memory_space<semaphore_mem>>) src(%arg14 : memref<128x128xf32, #tpu.memory_space<vmem>>) dst(%dma_wait3A_329 : memref<128x128xf32, #tpu.memory_space<vmem_shared>>)
    %dma_wait3A_330 = arith.constant 0 : i32
    %dma_wait3A_331 = arith.constant 0 : i32
    %dma_wait3A_332 = tpu.memref_slice %arg3[%add3A, %dma_wait3A_330, %dma_wait3A_331] : memref<32x82x128xi32, #tpu.memory_space<hbm>> -> memref<1x1x128xi32, #tpu.memory_space<hbm>>
    %dma_wait3A_333 = tpu.memref_squeeze %dma_wait3A_332 : memref<1x1x128xi32, #tpu.memory_space<hbm>> -> memref<1x128xi32, #tpu.memory_space<hbm>>
    %dma_wait3A_334 = arith.constant 0 : i32
    %dma_wait3A_335 = arith.constant 0 : i32
    %dma_wait3A_336 = tpu.memref_slice %arg3[%add3A, %dma_wait3A_334, %dma_wait3A_335] : memref<32x82x128xi32, #tpu.memory_space<hbm>> -> memref<1x1x128xi32, #tpu.memory_space<hbm>>
    %dma_wait3A_337 = tpu.memref_squeeze %dma_wait3A_336 : memref<1x1x128xi32, #tpu.memory_space<hbm>> -> memref<1x128xi32, #tpu.memory_space<hbm>>
    tpu.wait_dma2 semaphore(%arg17 : memref<!tpu.dma_semaphore, #tpu.memory_space<semaphore_mem>>) src(%dma_wait3A_337 : memref<1x128xi32, #tpu.memory_space<hbm>>) dst(%arg7 : memref<1x128xi32, #tpu.memory_space<vmem>>)
    %dma_wait3A_338 = arith.constant 0 : i32
    %dma_wait3A_339 = arith.constant 0 : i32
    %dma_wait3A_340 = tpu.memref_slice %arg3[%add3A, %dma_wait3A_338, %dma_wait3A_339] : memref<32x82x128xi32, #tpu.memory_space<hbm>> -> memref<1x1x128xi32, #tpu.memory_space<hbm>>
    %dma_wait3A_341 = tpu.memref_squeeze %dma_wait3A_340 : memref<1x1x128xi32, #tpu.memory_space<hbm>> -> memref<1x128xi32, #tpu.memory_space<hbm>>
    %dma_wait3A_342 = arith.constant 0 : i32
    %dma_wait3A_343 = arith.constant 0 : i32
    %dma_wait3A_344 = tpu.memref_slice %arg3[%add3A, %dma_wait3A_342, %dma_wait3A_343] : memref<32x82x128xi32, #tpu.memory_space<hbm>> -> memref<1x1x128xi32, #tpu.memory_space<hbm>>
    %dma_wait3A_345 = tpu.memref_squeeze %dma_wait3A_344 : memref<1x1x128xi32, #tpu.memory_space<hbm>> -> memref<1x128xi32, #tpu.memory_space<hbm>>
    tpu.wait_dma2 semaphore(%arg17 : memref<!tpu.dma_semaphore, #tpu.memory_space<semaphore_mem>>) src(%dma_wait3A_345 : memref<1x128xi32, #tpu.memory_space<hbm>>) dst(%arg7 : memref<1x128xi32, #tpu.memory_space<vmem>>)
    %dma_wait3A_346 = arith.constant 0 : i32
    %dma_wait3A_347 = arith.constant 0 : i32
    %dma_wait3A_348 = tpu.memref_slice %arg3[%add3A, %dma_wait3A_346, %dma_wait3A_347] : memref<32x82x128xi32, #tpu.memory_space<hbm>> -> memref<1x1x128xi32, #tpu.memory_space<hbm>>
    %dma_wait3A_349 = tpu.memref_squeeze %dma_wait3A_348 : memref<1x1x128xi32, #tpu.memory_space<hbm>> -> memref<1x128xi32, #tpu.memory_space<hbm>>
    %dma_wait3A_350 = arith.constant 0 : i32
    %dma_wait3A_351 = arith.constant 0 : i32
    %dma_wait3A_352 = tpu.memref_slice %arg3[%add3A, %dma_wait3A_350, %dma_wait3A_351] : memref<32x82x128xi32, #tpu.memory_space<hbm>> -> memref<1x1x128xi32, #tpu.memory_space<hbm>>
    %dma_wait3A_353 = tpu.memref_squeeze %dma_wait3A_352 : memref<1x1x128xi32, #tpu.memory_space<hbm>> -> memref<1x128xi32, #tpu.memory_space<hbm>>
    tpu.wait_dma2 semaphore(%arg17 : memref<!tpu.dma_semaphore, #tpu.memory_space<semaphore_mem>>) src(%dma_wait3A_353 : memref<1x128xi32, #tpu.memory_space<hbm>>) dst(%arg7 : memref<1x128xi32, #tpu.memory_space<vmem>>)
    %barrier3A_354 = arith.constant 0 : index
    tpu.barrier barrier_id(%barrier3A_354)
    %mul3A_355 = arith.constant 10240 : i32
    %mul3A_356 = arith.muli %arg0, %mul3A_355 : i32
    %mul3A_357 = arith.constant 640 : i32
    %mul3A_358 = arith.muli %arg1, %mul3A_357 : i32
    %add3A_359 = arith.addi %mul3A_356, %mul3A_358 : i32
    "tpu.region"() ({
      %run_scoped3A = tpu.sem_alloc : memref<!tpu.dma_semaphore, #tpu.memory_space<semaphore_mem>>
      %dma_start3A_360 = arith.constant 0 : i32
      %dma_start3A_361 = tpu.memref_slice %arg6[%add3A_359, %dma_start3A_360] : memref<20480x128xf32, #tpu.memory_space<hbm>> -> memref<640x128xf32, #tpu.memory_space<hbm>>
      %dma_start3A_362 = arith.constant 0 : i32
      %dma_start3A_363 = tpu.memref_slice %arg16[%mul3A_25, %dma_start3A_362] : memref<10240x128xf32, #tpu.memory_space<vmem_shared>> -> memref<640x128xf32, #tpu.memory_space<vmem_shared>>
      tpu.enqueue_dma source(%dma_start3A_363 : memref<640x128xf32, #tpu.memory_space<vmem_shared>>) target(%dma_start3A_361 : memref<640x128xf32, #tpu.memory_space<hbm>>) target_semaphore(%run_scoped3A : memref<!tpu.dma_semaphore, #tpu.memory_space<semaphore_mem>>)
      %dma_wait3A_364 = arith.constant 0 : i32
      %dma_wait3A_365 = tpu.memref_slice %arg6[%add3A_359, %dma_wait3A_364] : memref<20480x128xf32, #tpu.memory_space<hbm>> -> memref<640x128xf32, #tpu.memory_space<hbm>>
      %dma_wait3A_366 = arith.constant 0 : i32
      %dma_wait3A_367 = tpu.memref_slice %arg16[%mul3A_25, %dma_wait3A_366] : memref<10240x128xf32, #tpu.memory_space<vmem_shared>> -> memref<640x128xf32, #tpu.memory_space<vmem_shared>>
      tpu.wait_dma2 semaphore(%run_scoped3A : memref<!tpu.dma_semaphore, #tpu.memory_space<semaphore_mem>>) src(%dma_wait3A_367 : memref<640x128xf32, #tpu.memory_space<vmem_shared>>) dst(%dma_wait3A_365 : memref<640x128xf32, #tpu.memory_space<hbm>>)
      tpu.yield
    }) : () -> ()
    return
  }
}

#map = affine_map<(d0, d1) -> (0, 0)>
#map1 = affine_map<(d0, d1) -> (0, 0, 0)>
module attributes {stable_mosaic.version = 14 : i64} {
  func.func @_sc_msg(%arg0: i32, %arg1: i32, %arg2: memref<10240x128xf32, #tpu.memory_space<hbm>>, %arg3: memref<32x82x128xi32, #tpu.memory_space<hbm>>, %arg4: memref<32x82x128xi32, #tpu.memory_space<hbm>>, %arg5: memref<10240x128xf32, #tpu.memory_space<hbm>>, %arg6: memref<20480x128xf32, #tpu.memory_space<hbm>>, %arg7: memref<1x128xi32, #tpu.memory_space<vmem>>, %arg8: memref<1x128xi32, #tpu.memory_space<vmem>>, %arg9: memref<1x128xi32, #tpu.memory_space<vmem>>, %arg10: memref<1x128xi32, #tpu.memory_space<vmem>>, %arg11: memref<1x128xi32, #tpu.memory_space<vmem>>, %arg12: memref<1x128xi32, #tpu.memory_space<vmem>>, %arg13: memref<80x128xi32, #tpu.memory_space<vmem>>, %arg14: memref<128x128xf32, #tpu.memory_space<vmem>>, %arg15: memref<128x128xf32, #tpu.memory_space<vmem>>, %arg16: memref<10240x128xf32, #tpu.memory_space<vmem_shared>>, %arg17: memref<!tpu.dma_semaphore, #tpu.memory_space<semaphore_mem>>, %arg18: memref<!tpu.dma_semaphore, #tpu.memory_space<semaphore_mem>>, %arg19: memref<!tpu.dma_semaphore, #tpu.memory_space<semaphore_mem>>) attributes {dimension_semantics = [#tpu.dimension_semantics<core_parallel>, #tpu.dimension_semantics<subcore_parallel>], iteration_bounds = array<i64: 2, 16>, scalar_prefetch = 0 : i64, scratch_operands = 13 : i64, tpu.core_type = #tpu.core_type<sc_vector_subcore>, window_params = [{transform_indices = #map}, {transform_indices = #map1}, {transform_indices = #map1}, {transform_indices = #map}, {transform_indices = #map}]} {
    %mul3A = arith.constant 2 : i32
    %mul3A_0 = arith.muli %arg1, %mul3A : i32
    %add3A = arith.addi %mul3A_0, %arg0 : i32
    %dma_start3A = arith.constant 0 : i32
    %dma_start3A_1 = arith.constant 0 : i32
    %dma_start3A_2 = tpu.memref_slice %arg3[%add3A, %dma_start3A, %dma_start3A_1] : memref<32x82x128xi32, #tpu.memory_space<hbm>> -> memref<1x1x128xi32, #tpu.memory_space<hbm>>
    %dma_start3A_3 = tpu.memref_squeeze %dma_start3A_2 : memref<1x1x128xi32, #tpu.memory_space<hbm>> -> memref<1x128xi32, #tpu.memory_space<hbm>>
    %dma_start3A_4 = arith.constant 0 : i32
    %dma_start3A_5 = arith.constant 0 : i32
    %dma_start3A_6 = tpu.memref_slice %arg3[%add3A, %dma_start3A_4, %dma_start3A_5] : memref<32x82x128xi32, #tpu.memory_space<hbm>> -> memref<1x1x128xi32, #tpu.memory_space<hbm>>
    %dma_start3A_7 = tpu.memref_squeeze %dma_start3A_6 : memref<1x1x128xi32, #tpu.memory_space<hbm>> -> memref<1x128xi32, #tpu.memory_space<hbm>>
    tpu.enqueue_dma source(%dma_start3A_7 : memref<1x128xi32, #tpu.memory_space<hbm>>) target(%arg7 : memref<1x128xi32, #tpu.memory_space<vmem>>) target_semaphore(%arg17 : memref<!tpu.dma_semaphore, #tpu.memory_space<semaphore_mem>>)
    %dma_start3A_8 = arith.constant 1 : i32
    %dma_start3A_9 = arith.constant 0 : i32
    %dma_start3A_10 = tpu.memref_slice %arg3[%add3A, %dma_start3A_8, %dma_start3A_9] : memref<32x82x128xi32, #tpu.memory_space<hbm>> -> memref<1x1x128xi32, #tpu.memory_space<hbm>>
    %dma_start3A_11 = tpu.memref_squeeze %dma_start3A_10 : memref<1x1x128xi32, #tpu.memory_space<hbm>> -> memref<1x128xi32, #tpu.memory_space<hbm>>
    %dma_start3A_12 = arith.constant 1 : i32
    %dma_start3A_13 = arith.constant 0 : i32
    %dma_start3A_14 = tpu.memref_slice %arg3[%add3A, %dma_start3A_12, %dma_start3A_13] : memref<32x82x128xi32, #tpu.memory_space<hbm>> -> memref<1x1x128xi32, #tpu.memory_space<hbm>>
    %dma_start3A_15 = tpu.memref_squeeze %dma_start3A_14 : memref<1x1x128xi32, #tpu.memory_space<hbm>> -> memref<1x128xi32, #tpu.memory_space<hbm>>
    tpu.enqueue_dma source(%dma_start3A_15 : memref<1x128xi32, #tpu.memory_space<hbm>>) target(%arg8 : memref<1x128xi32, #tpu.memory_space<vmem>>) target_semaphore(%arg17 : memref<!tpu.dma_semaphore, #tpu.memory_space<semaphore_mem>>)
    %dma_start3A_16 = arith.constant 2 : i32
    %dma_start3A_17 = arith.constant 0 : i32
    %dma_start3A_18 = tpu.memref_slice %arg3[%add3A, %dma_start3A_16, %dma_start3A_17] : memref<32x82x128xi32, #tpu.memory_space<hbm>> -> memref<1x1x128xi32, #tpu.memory_space<hbm>>
    %dma_start3A_19 = tpu.memref_squeeze %dma_start3A_18 : memref<1x1x128xi32, #tpu.memory_space<hbm>> -> memref<1x128xi32, #tpu.memory_space<hbm>>
    %dma_start3A_20 = arith.constant 2 : i32
    %dma_start3A_21 = arith.constant 0 : i32
    %dma_start3A_22 = tpu.memref_slice %arg3[%add3A, %dma_start3A_20, %dma_start3A_21] : memref<32x82x128xi32, #tpu.memory_space<hbm>> -> memref<1x1x128xi32, #tpu.memory_space<hbm>>
    %dma_start3A_23 = tpu.memref_squeeze %dma_start3A_22 : memref<1x1x128xi32, #tpu.memory_space<hbm>> -> memref<1x128xi32, #tpu.memory_space<hbm>>
    tpu.enqueue_dma source(%dma_start3A_23 : memref<1x128xi32, #tpu.memory_space<hbm>>) target(%arg9 : memref<1x128xi32, #tpu.memory_space<vmem>>) target_semaphore(%arg17 : memref<!tpu.dma_semaphore, #tpu.memory_space<semaphore_mem>>)
    "tpu.region"() ({
      %run_scoped3A = tpu.sem_alloc : memref<!tpu.dma_semaphore, #tpu.memory_space<semaphore_mem>>
      %dma_start3A_360 = arith.constant 0 : i32
      %dma_start3A_361 = arith.constant 0 : i32
      %dma_start3A_362 = tpu.memref_slice %arg4[%add3A, %dma_start3A_360, %dma_start3A_361] : memref<32x82x128xi32, #tpu.memory_space<hbm>> -> memref<1x80x128xi32, #tpu.memory_space<hbm>>
      %dma_start3A_363 = tpu.memref_squeeze %dma_start3A_362 : memref<1x80x128xi32, #tpu.memory_space<hbm>> -> memref<80x128xi32, #tpu.memory_space<hbm>>
      %dma_start3A_364 = arith.constant 0 : i32
      %dma_start3A_365 = arith.constant 0 : i32
      %dma_start3A_366 = tpu.memref_slice %arg4[%add3A, %dma_start3A_364, %dma_start3A_365] : memref<32x82x128xi32, #tpu.memory_space<hbm>> -> memref<1x80x128xi32, #tpu.memory_space<hbm>>
      %dma_start3A_367 = tpu.memref_squeeze %dma_start3A_366 : memref<1x80x128xi32, #tpu.memory_space<hbm>> -> memref<80x128xi32, #tpu.memory_space<hbm>>
      tpu.enqueue_dma source(%dma_start3A_367 : memref<80x128xi32, #tpu.memory_space<hbm>>) target(%arg13 : memref<80x128xi32, #tpu.memory_space<vmem>>) target_semaphore(%run_scoped3A : memref<!tpu.dma_semaphore, #tpu.memory_space<semaphore_mem>>)
      %dma_wait3A_368 = arith.constant 0 : i32
      %dma_wait3A_369 = arith.constant 0 : i32
      %dma_wait3A_370 = tpu.memref_slice %arg4[%add3A, %dma_wait3A_368, %dma_wait3A_369] : memref<32x82x128xi32, #tpu.memory_space<hbm>> -> memref<1x80x128xi32, #tpu.memory_space<hbm>>
      %dma_wait3A_371 = tpu.memref_squeeze %dma_wait3A_370 : memref<1x80x128xi32, #tpu.memory_space<hbm>> -> memref<80x128xi32, #tpu.memory_space<hbm>>
      %dma_wait3A_372 = arith.constant 0 : i32
      %dma_wait3A_373 = arith.constant 0 : i32
      %dma_wait3A_374 = tpu.memref_slice %arg4[%add3A, %dma_wait3A_372, %dma_wait3A_373] : memref<32x82x128xi32, #tpu.memory_space<hbm>> -> memref<1x80x128xi32, #tpu.memory_space<hbm>>
      %dma_wait3A_375 = tpu.memref_squeeze %dma_wait3A_374 : memref<1x80x128xi32, #tpu.memory_space<hbm>> -> memref<80x128xi32, #tpu.memory_space<hbm>>
      tpu.wait_dma2 semaphore(%run_scoped3A : memref<!tpu.dma_semaphore, #tpu.memory_space<semaphore_mem>>) src(%dma_wait3A_375 : memref<80x128xi32, #tpu.memory_space<hbm>>) dst(%arg13 : memref<80x128xi32, #tpu.memory_space<vmem>>)
      tpu.yield
    }) : () -> ()
    %mul3A_24 = arith.constant 640 : i32
    %mul3A_25 = arith.muli %arg1, %mul3A_24 : i32
    %eq3A = arith.constant 0 : i32
    %eq3A_26 = arith.cmpi eq, %arg0, %eq3A : i32
    %convert_element_type3A = arith.extui %eq3A_26 : i1 to i32
    %cond3A = arith.constant 0 : i32
    %cond3A_27 = arith.cmpi ne, %convert_element_type3A, %cond3A : i32
    scf.if %cond3A_27 {
      "tpu.region"() ({
        %run_scoped3A = tpu.sem_alloc : memref<!tpu.dma_semaphore, #tpu.memory_space<semaphore_mem>>
        %dma_start3A_360 = arith.constant 0 : i32
        %dma_start3A_361 = tpu.memref_slice %arg16[%mul3A_25, %dma_start3A_360] : memref<10240x128xf32, #tpu.memory_space<vmem_shared>> -> memref<640x128xf32, #tpu.memory_space<vmem_shared>>
        %dma_start3A_362 = arith.constant 0 : i32
        %dma_start3A_363 = tpu.memref_slice %arg2[%mul3A_25, %dma_start3A_362] : memref<10240x128xf32, #tpu.memory_space<hbm>> -> memref<640x128xf32, #tpu.memory_space<hbm>>
        tpu.enqueue_dma source(%dma_start3A_363 : memref<640x128xf32, #tpu.memory_space<hbm>>) target(%dma_start3A_361 : memref<640x128xf32, #tpu.memory_space<vmem_shared>>) target_semaphore(%run_scoped3A : memref<!tpu.dma_semaphore, #tpu.memory_space<semaphore_mem>>)
        %dma_wait3A_364 = arith.constant 0 : i32
        %dma_wait3A_365 = tpu.memref_slice %arg16[%mul3A_25, %dma_wait3A_364] : memref<10240x128xf32, #tpu.memory_space<vmem_shared>> -> memref<640x128xf32, #tpu.memory_space<vmem_shared>>
        %dma_wait3A_366 = arith.constant 0 : i32
        %dma_wait3A_367 = tpu.memref_slice %arg2[%mul3A_25, %dma_wait3A_366] : memref<10240x128xf32, #tpu.memory_space<hbm>> -> memref<640x128xf32, #tpu.memory_space<hbm>>
        tpu.wait_dma2 semaphore(%run_scoped3A : memref<!tpu.dma_semaphore, #tpu.memory_space<semaphore_mem>>) src(%dma_wait3A_367 : memref<640x128xf32, #tpu.memory_space<hbm>>) dst(%dma_wait3A_365 : memref<640x128xf32, #tpu.memory_space<vmem_shared>>)
        tpu.yield
      }) : () -> ()
    } else {
    }
    %ne3A = arith.constant 0 : i32
    %ne3A_28 = arith.cmpi ne, %arg0, %ne3A : i32
    %convert_element_type3A_29 = arith.extui %ne3A_28 : i1 to i32
    %cond3A_30 = arith.constant 0 : i32
    %cond3A_31 = arith.cmpi ne, %convert_element_type3A_29, %cond3A_30 : i32
    scf.if %cond3A_31 {
      "tpu.region"() ({
        %run_scoped3A = tpu.sem_alloc : memref<!tpu.dma_semaphore, #tpu.memory_space<semaphore_mem>>
        %dma_start3A_360 = arith.constant 0 : i32
        %dma_start3A_361 = tpu.memref_slice %arg16[%mul3A_25, %dma_start3A_360] : memref<10240x128xf32, #tpu.memory_space<vmem_shared>> -> memref<640x128xf32, #tpu.memory_space<vmem_shared>>
        %dma_start3A_362 = arith.constant 0 : i32
        %dma_start3A_363 = tpu.memref_slice %arg5[%mul3A_25, %dma_start3A_362] : memref<10240x128xf32, #tpu.memory_space<hbm>> -> memref<640x128xf32, #tpu.memory_space<hbm>>
        tpu.enqueue_dma source(%dma_start3A_363 : memref<640x128xf32, #tpu.memory_space<hbm>>) target(%dma_start3A_361 : memref<640x128xf32, #tpu.memory_space<vmem_shared>>) target_semaphore(%run_scoped3A : memref<!tpu.dma_semaphore, #tpu.memory_space<semaphore_mem>>)
        %dma_wait3A_364 = arith.constant 0 : i32
        %dma_wait3A_365 = tpu.memref_slice %arg16[%mul3A_25, %dma_wait3A_364] : memref<10240x128xf32, #tpu.memory_space<vmem_shared>> -> memref<640x128xf32, #tpu.memory_space<vmem_shared>>
        %dma_wait3A_366 = arith.constant 0 : i32
        %dma_wait3A_367 = tpu.memref_slice %arg5[%mul3A_25, %dma_wait3A_366] : memref<10240x128xf32, #tpu.memory_space<hbm>> -> memref<640x128xf32, #tpu.memory_space<hbm>>
        tpu.wait_dma2 semaphore(%run_scoped3A : memref<!tpu.dma_semaphore, #tpu.memory_space<semaphore_mem>>) src(%dma_wait3A_367 : memref<640x128xf32, #tpu.memory_space<hbm>>) dst(%dma_wait3A_365 : memref<640x128xf32, #tpu.memory_space<vmem_shared>>)
        tpu.yield
      }) : () -> ()
    } else {
    }
    %barrier3A = arith.constant 0 : index
    tpu.barrier barrier_id(%barrier3A)
    %dma_wait3A = arith.constant 0 : i32
    %dma_wait3A_32 = arith.constant 0 : i32
    %dma_wait3A_33 = tpu.memref_slice %arg3[%add3A, %dma_wait3A, %dma_wait3A_32] : memref<32x82x128xi32, #tpu.memory_space<hbm>> -> memref<1x1x128xi32, #tpu.memory_space<hbm>>
    %dma_wait3A_34 = tpu.memref_squeeze %dma_wait3A_33 : memref<1x1x128xi32, #tpu.memory_space<hbm>> -> memref<1x128xi32, #tpu.memory_space<hbm>>
    %dma_wait3A_35 = arith.constant 0 : i32
    %dma_wait3A_36 = arith.constant 0 : i32
    %dma_wait3A_37 = tpu.memref_slice %arg3[%add3A, %dma_wait3A_35, %dma_wait3A_36] : memref<32x82x128xi32, #tpu.memory_space<hbm>> -> memref<1x1x128xi32, #tpu.memory_space<hbm>>
    %dma_wait3A_38 = tpu.memref_squeeze %dma_wait3A_37 : memref<1x1x128xi32, #tpu.memory_space<hbm>> -> memref<1x128xi32, #tpu.memory_space<hbm>>
    tpu.wait_dma2 semaphore(%arg17 : memref<!tpu.dma_semaphore, #tpu.memory_space<semaphore_mem>>) src(%dma_wait3A_38 : memref<1x128xi32, #tpu.memory_space<hbm>>) dst(%arg7 : memref<1x128xi32, #tpu.memory_space<vmem>>)
    %dma_start3A_39 = arith.constant 0 : i32
    %dma_start3A_40 = arith.constant 0 : i32
    %dma_start3A_41 = tpu.memref_slice %arg13[%dma_start3A_39, %dma_start3A_40] : memref<80x128xi32, #tpu.memory_space<vmem>> -> memref<1x128xi32, #tpu.memory_space<vmem>>
    %dma_start3A_42 = tpu.memref_squeeze %dma_start3A_41 : memref<1x128xi32, #tpu.memory_space<vmem>> -> memref<128xi32, #tpu.memory_space<vmem>>
    %dma_start3A_43 = arith.constant 0 : i32
    %dma_start3A_44 = arith.constant 0 : i32
    %dma_start3A_45 = tpu.memref_slice %arg2[%dma_start3A_43, %dma_start3A_44] : memref<10240x128xf32, #tpu.memory_space<hbm>> -> memref<10240x128xf32, #tpu.memory_space<hbm>>
    tpu.enqueue_indirect_dma source(%dma_start3A_45 : memref<10240x128xf32, #tpu.memory_space<hbm>>) target(%arg14 : memref<128x128xf32, #tpu.memory_space<vmem>>) offsets(%dma_start3A_42 : memref<128xi32, #tpu.memory_space<vmem>>) semaphore(%arg18 : memref<!tpu.dma_semaphore, #tpu.memory_space<semaphore_mem>>)
    %dma_start3A_46 = arith.constant 3 : i32
    %dma_start3A_47 = arith.constant 0 : i32
    %dma_start3A_48 = tpu.memref_slice %arg3[%add3A, %dma_start3A_46, %dma_start3A_47] : memref<32x82x128xi32, #tpu.memory_space<hbm>> -> memref<1x1x128xi32, #tpu.memory_space<hbm>>
    %dma_start3A_49 = tpu.memref_squeeze %dma_start3A_48 : memref<1x1x128xi32, #tpu.memory_space<hbm>> -> memref<1x128xi32, #tpu.memory_space<hbm>>
    %dma_start3A_50 = arith.constant 3 : i32
    %dma_start3A_51 = arith.constant 0 : i32
    %dma_start3A_52 = tpu.memref_slice %arg3[%add3A, %dma_start3A_50, %dma_start3A_51] : memref<32x82x128xi32, #tpu.memory_space<hbm>> -> memref<1x1x128xi32, #tpu.memory_space<hbm>>
    %dma_start3A_53 = tpu.memref_squeeze %dma_start3A_52 : memref<1x1x128xi32, #tpu.memory_space<hbm>> -> memref<1x128xi32, #tpu.memory_space<hbm>>
    tpu.enqueue_dma source(%dma_start3A_53 : memref<1x128xi32, #tpu.memory_space<hbm>>) target(%arg10 : memref<1x128xi32, #tpu.memory_space<vmem>>) target_semaphore(%arg17 : memref<!tpu.dma_semaphore, #tpu.memory_space<semaphore_mem>>)
    %dma_wait3A_54 = arith.constant 0 : i32
    %dma_wait3A_55 = arith.constant 0 : i32
    %dma_wait3A_56 = tpu.memref_slice %arg3[%add3A, %dma_wait3A_54, %dma_wait3A_55] : memref<32x82x128xi32, #tpu.memory_space<hbm>> -> memref<1x1x128xi32, #tpu.memory_space<hbm>>
    %dma_wait3A_57 = tpu.memref_squeeze %dma_wait3A_56 : memref<1x1x128xi32, #tpu.memory_space<hbm>> -> memref<1x128xi32, #tpu.memory_space<hbm>>
    %dma_wait3A_58 = arith.constant 0 : i32
    %dma_wait3A_59 = arith.constant 0 : i32
    %dma_wait3A_60 = tpu.memref_slice %arg3[%add3A, %dma_wait3A_58, %dma_wait3A_59] : memref<32x82x128xi32, #tpu.memory_space<hbm>> -> memref<1x1x128xi32, #tpu.memory_space<hbm>>
    %dma_wait3A_61 = tpu.memref_squeeze %dma_wait3A_60 : memref<1x1x128xi32, #tpu.memory_space<hbm>> -> memref<1x128xi32, #tpu.memory_space<hbm>>
    tpu.wait_dma2 semaphore(%arg17 : memref<!tpu.dma_semaphore, #tpu.memory_space<semaphore_mem>>) src(%dma_wait3A_61 : memref<1x128xi32, #tpu.memory_space<hbm>>) dst(%arg7 : memref<1x128xi32, #tpu.memory_space<vmem>>)
    %dma_start3A_62 = arith.constant 1 : i32
    %dma_start3A_63 = arith.constant 0 : i32
    %dma_start3A_64 = tpu.memref_slice %arg13[%dma_start3A_62, %dma_start3A_63] : memref<80x128xi32, #tpu.memory_space<vmem>> -> memref<1x128xi32, #tpu.memory_space<vmem>>
    %dma_start3A_65 = tpu.memref_squeeze %dma_start3A_64 : memref<1x128xi32, #tpu.memory_space<vmem>> -> memref<128xi32, #tpu.memory_space<vmem>>
    %dma_start3A_66 = arith.constant 0 : i32
    %dma_start3A_67 = arith.constant 0 : i32
    %dma_start3A_68 = tpu.memref_slice %arg2[%dma_start3A_66, %dma_start3A_67] : memref<10240x128xf32, #tpu.memory_space<hbm>> -> memref<10240x128xf32, #tpu.memory_space<hbm>>
    tpu.enqueue_indirect_dma source(%dma_start3A_68 : memref<10240x128xf32, #tpu.memory_space<hbm>>) target(%arg15 : memref<128x128xf32, #tpu.memory_space<vmem>>) offsets(%dma_start3A_65 : memref<128xi32, #tpu.memory_space<vmem>>) semaphore(%arg18 : memref<!tpu.dma_semaphore, #tpu.memory_space<semaphore_mem>>)
    %dma_wait3A_69 = arith.constant 0 : i32
    %dma_wait3A_70 = arith.constant 0 : i32
    %dma_wait3A_71 = tpu.memref_slice %arg2[%dma_wait3A_69, %dma_wait3A_70] : memref<10240x128xf32, #tpu.memory_space<hbm>> -> memref<128x128xf32, #tpu.memory_space<hbm>>
    %dma_wait3A_72 = arith.constant 0 : i32
    %dma_wait3A_73 = arith.constant 0 : i32
    %dma_wait3A_74 = tpu.memref_slice %arg2[%dma_wait3A_72, %dma_wait3A_73] : memref<10240x128xf32, #tpu.memory_space<hbm>> -> memref<128x128xf32, #tpu.memory_space<hbm>>
    tpu.wait_dma2 semaphore(%arg18 : memref<!tpu.dma_semaphore, #tpu.memory_space<semaphore_mem>>) src(%dma_wait3A_74 : memref<128x128xf32, #tpu.memory_space<hbm>>) dst(%arg14 : memref<128x128xf32, #tpu.memory_space<vmem>>)
    %dma_start3A_75 = arith.constant 0 : i32
    %dma_start3A_76 = arith.constant 0 : i32
    %dma_start3A_77 = tpu.memref_slice %arg7[%dma_start3A_75, %dma_start3A_76] : memref<1x128xi32, #tpu.memory_space<vmem>> -> memref<1x128xi32, #tpu.memory_space<vmem>>
    %dma_start3A_78 = tpu.memref_squeeze %dma_start3A_77 : memref<1x128xi32, #tpu.memory_space<vmem>> -> memref<128xi32, #tpu.memory_space<vmem>>
    %dma_start3A_79 = arith.constant 0 : i32
    %dma_start3A_80 = arith.constant 0 : i32
    %dma_start3A_81 = tpu.memref_slice %arg16[%dma_start3A_79, %dma_start3A_80] : memref<10240x128xf32, #tpu.memory_space<vmem_shared>> -> memref<10240x128xf32, #tpu.memory_space<vmem_shared>>
    tpu.enqueue_indirect_dma source(%arg14 : memref<128x128xf32, #tpu.memory_space<vmem>>) target(%dma_start3A_81 : memref<10240x128xf32, #tpu.memory_space<vmem_shared>>) offsets(%dma_start3A_78 : memref<128xi32, #tpu.memory_space<vmem>>) semaphore(%arg19 : memref<!tpu.dma_semaphore, #tpu.memory_space<semaphore_mem>>) {add = true}
    %dma_start3A_82 = arith.constant 4 : i32
    %dma_start3A_83 = arith.constant 0 : i32
    %dma_start3A_84 = tpu.memref_slice %arg3[%add3A, %dma_start3A_82, %dma_start3A_83] : memref<32x82x128xi32, #tpu.memory_space<hbm>> -> memref<1x1x128xi32, #tpu.memory_space<hbm>>
    %dma_start3A_85 = tpu.memref_squeeze %dma_start3A_84 : memref<1x1x128xi32, #tpu.memory_space<hbm>> -> memref<1x128xi32, #tpu.memory_space<hbm>>
    %dma_start3A_86 = arith.constant 4 : i32
    %dma_start3A_87 = arith.constant 0 : i32
    %dma_start3A_88 = tpu.memref_slice %arg3[%add3A, %dma_start3A_86, %dma_start3A_87] : memref<32x82x128xi32, #tpu.memory_space<hbm>> -> memref<1x1x128xi32, #tpu.memory_space<hbm>>
    %dma_start3A_89 = tpu.memref_squeeze %dma_start3A_88 : memref<1x1x128xi32, #tpu.memory_space<hbm>> -> memref<1x128xi32, #tpu.memory_space<hbm>>
    tpu.enqueue_dma source(%dma_start3A_89 : memref<1x128xi32, #tpu.memory_space<hbm>>) target(%arg11 : memref<1x128xi32, #tpu.memory_space<vmem>>) target_semaphore(%arg17 : memref<!tpu.dma_semaphore, #tpu.memory_space<semaphore_mem>>)
    %scan3A = arith.constant 0 : i32
    %scan3A_90 = arith.constant 0 : i32
    %scan3A_91 = arith.constant 12 : i32
    %scan3A_92 = arith.addi %scan3A_90, %scan3A_91 : i32
    %scan3A_93 = arith.constant 1 : i32
    scf.for %scan3A_360 = %scan3A_90 to %scan3A_92 step %scan3A_93  : i32 {
      %mul3A_361 = arith.constant 6 : i32
      %mul3A_362 = arith.muli %scan3A_360, %mul3A_361 : i32
      %add3A_363 = arith.constant 2 : i32
      %add3A_364 = arith.addi %mul3A_362, %add3A_363 : i32
      %dma_wait3A_365 = arith.constant 0 : i32
      %dma_wait3A_366 = arith.constant 0 : i32
      %dma_wait3A_367 = tpu.memref_slice %arg16[%dma_wait3A_365, %dma_wait3A_366] : memref<10240x128xf32, #tpu.memory_space<vmem_shared>> -> memref<128x128xf32, #tpu.memory_space<vmem_shared>>
      %dma_wait3A_368 = arith.constant 0 : i32
      %dma_wait3A_369 = arith.constant 0 : i32
      %dma_wait3A_370 = tpu.memref_slice %arg16[%dma_wait3A_368, %dma_wait3A_369] : memref<10240x128xf32, #tpu.memory_space<vmem_shared>> -> memref<128x128xf32, #tpu.memory_space<vmem_shared>>
      tpu.wait_dma2 semaphore(%arg19 : memref<!tpu.dma_semaphore, #tpu.memory_space<semaphore_mem>>) src(%arg14 : memref<128x128xf32, #tpu.memory_space<vmem>>) dst(%dma_wait3A_370 : memref<128x128xf32, #tpu.memory_space<vmem_shared>>)
      %add3A_371 = arith.constant 3 : i32
      %add3A_372 = arith.addi %add3A_364, %add3A_371 : i32
      %dma_start3A_373 = arith.constant 0 : i32
      %dma_start3A_374 = tpu.memref_slice %arg3[%add3A, %add3A_372, %dma_start3A_373] : memref<32x82x128xi32, #tpu.memory_space<hbm>> -> memref<1x1x128xi32, #tpu.memory_space<hbm>>
      %dma_start3A_375 = tpu.memref_squeeze %dma_start3A_374 : memref<1x1x128xi32, #tpu.memory_space<hbm>> -> memref<1x128xi32, #tpu.memory_space<hbm>>
      %dma_start3A_376 = arith.constant 0 : i32
      %dma_start3A_377 = tpu.memref_slice %arg3[%add3A, %add3A_372, %dma_start3A_376] : memref<32x82x128xi32, #tpu.memory_space<hbm>> -> memref<1x1x128xi32, #tpu.memory_space<hbm>>
      %dma_start3A_378 = tpu.memref_squeeze %dma_start3A_377 : memref<1x1x128xi32, #tpu.memory_space<hbm>> -> memref<1x128xi32, #tpu.memory_space<hbm>>
      tpu.enqueue_dma source(%dma_start3A_378 : memref<1x128xi32, #tpu.memory_space<hbm>>) target(%arg12 : memref<1x128xi32, #tpu.memory_space<vmem>>) target_semaphore(%arg17 : memref<!tpu.dma_semaphore, #tpu.memory_space<semaphore_mem>>)
      %dma_wait3A_379 = arith.constant 0 : i32
      %dma_wait3A_380 = arith.constant 0 : i32
      %dma_wait3A_381 = tpu.memref_slice %arg3[%add3A, %dma_wait3A_379, %dma_wait3A_380] : memref<32x82x128xi32, #tpu.memory_space<hbm>> -> memref<1x1x128xi32, #tpu.memory_space<hbm>>
      %dma_wait3A_382 = tpu.memref_squeeze %dma_wait3A_381 : memref<1x1x128xi32, #tpu.memory_space<hbm>> -> memref<1x128xi32, #tpu.memory_space<hbm>>
      %dma_wait3A_383 = arith.constant 0 : i32
      %dma_wait3A_384 = arith.constant 0 : i32
      %dma_wait3A_385 = tpu.memref_slice %arg3[%add3A, %dma_wait3A_383, %dma_wait3A_384] : memref<32x82x128xi32, #tpu.memory_space<hbm>> -> memref<1x1x128xi32, #tpu.memory_space<hbm>>
      %dma_wait3A_386 = tpu.memref_squeeze %dma_wait3A_385 : memref<1x1x128xi32, #tpu.memory_space<hbm>> -> memref<1x128xi32, #tpu.memory_space<hbm>>
      tpu.wait_dma2 semaphore(%arg17 : memref<!tpu.dma_semaphore, #tpu.memory_space<semaphore_mem>>) src(%dma_wait3A_386 : memref<1x128xi32, #tpu.memory_space<hbm>>) dst(%arg7 : memref<1x128xi32, #tpu.memory_space<vmem>>)
      %dma_start3A_387 = arith.constant 0 : i32
      %dma_start3A_388 = tpu.memref_slice %arg13[%add3A_364, %dma_start3A_387] : memref<80x128xi32, #tpu.memory_space<vmem>> -> memref<1x128xi32, #tpu.memory_space<vmem>>
      %dma_start3A_389 = tpu.memref_squeeze %dma_start3A_388 : memref<1x128xi32, #tpu.memory_space<vmem>> -> memref<128xi32, #tpu.memory_space<vmem>>
      %dma_start3A_390 = arith.constant 0 : i32
      %dma_start3A_391 = arith.constant 0 : i32
      %dma_start3A_392 = tpu.memref_slice %arg2[%dma_start3A_390, %dma_start3A_391] : memref<10240x128xf32, #tpu.memory_space<hbm>> -> memref<10240x128xf32, #tpu.memory_space<hbm>>
      tpu.enqueue_indirect_dma source(%dma_start3A_392 : memref<10240x128xf32, #tpu.memory_space<hbm>>) target(%arg14 : memref<128x128xf32, #tpu.memory_space<vmem>>) offsets(%dma_start3A_389 : memref<128xi32, #tpu.memory_space<vmem>>) semaphore(%arg18 : memref<!tpu.dma_semaphore, #tpu.memory_space<semaphore_mem>>)
      %dma_wait3A_393 = arith.constant 0 : i32
      %dma_wait3A_394 = arith.constant 0 : i32
      %dma_wait3A_395 = tpu.memref_slice %arg2[%dma_wait3A_393, %dma_wait3A_394] : memref<10240x128xf32, #tpu.memory_space<hbm>> -> memref<128x128xf32, #tpu.memory_space<hbm>>
      %dma_wait3A_396 = arith.constant 0 : i32
      %dma_wait3A_397 = arith.constant 0 : i32
      %dma_wait3A_398 = tpu.memref_slice %arg2[%dma_wait3A_396, %dma_wait3A_397] : memref<10240x128xf32, #tpu.memory_space<hbm>> -> memref<128x128xf32, #tpu.memory_space<hbm>>
      tpu.wait_dma2 semaphore(%arg18 : memref<!tpu.dma_semaphore, #tpu.memory_space<semaphore_mem>>) src(%dma_wait3A_398 : memref<128x128xf32, #tpu.memory_space<hbm>>) dst(%arg14 : memref<128x128xf32, #tpu.memory_space<vmem>>)
      %dma_start3A_399 = arith.constant 0 : i32
      %dma_start3A_400 = arith.constant 0 : i32
      %dma_start3A_401 = tpu.memref_slice %arg8[%dma_start3A_399, %dma_start3A_400] : memref<1x128xi32, #tpu.memory_space<vmem>> -> memref<1x128xi32, #tpu.memory_space<vmem>>
      %dma_start3A_402 = tpu.memref_squeeze %dma_start3A_401 : memref<1x128xi32, #tpu.memory_space<vmem>> -> memref<128xi32, #tpu.memory_space<vmem>>
      %dma_start3A_403 = arith.constant 0 : i32
      %dma_start3A_404 = arith.constant 0 : i32
      %dma_start3A_405 = tpu.memref_slice %arg16[%dma_start3A_403, %dma_start3A_404] : memref<10240x128xf32, #tpu.memory_space<vmem_shared>> -> memref<10240x128xf32, #tpu.memory_space<vmem_shared>>
      tpu.enqueue_indirect_dma source(%arg15 : memref<128x128xf32, #tpu.memory_space<vmem>>) target(%dma_start3A_405 : memref<10240x128xf32, #tpu.memory_space<vmem_shared>>) offsets(%dma_start3A_402 : memref<128xi32, #tpu.memory_space<vmem>>) semaphore(%arg19 : memref<!tpu.dma_semaphore, #tpu.memory_space<semaphore_mem>>) {add = true}
      %mul3A_406 = arith.constant 6 : i32
      %mul3A_407 = arith.muli %scan3A_360, %mul3A_406 : i32
      %add3A_408 = arith.constant 3 : i32
      %add3A_409 = arith.addi %mul3A_407, %add3A_408 : i32
      %dma_wait3A_410 = arith.constant 0 : i32
      %dma_wait3A_411 = arith.constant 0 : i32
      %dma_wait3A_412 = tpu.memref_slice %arg16[%dma_wait3A_410, %dma_wait3A_411] : memref<10240x128xf32, #tpu.memory_space<vmem_shared>> -> memref<128x128xf32, #tpu.memory_space<vmem_shared>>
      %dma_wait3A_413 = arith.constant 0 : i32
      %dma_wait3A_414 = arith.constant 0 : i32
      %dma_wait3A_415 = tpu.memref_slice %arg16[%dma_wait3A_413, %dma_wait3A_414] : memref<10240x128xf32, #tpu.memory_space<vmem_shared>> -> memref<128x128xf32, #tpu.memory_space<vmem_shared>>
      tpu.wait_dma2 semaphore(%arg19 : memref<!tpu.dma_semaphore, #tpu.memory_space<semaphore_mem>>) src(%arg14 : memref<128x128xf32, #tpu.memory_space<vmem>>) dst(%dma_wait3A_415 : memref<128x128xf32, #tpu.memory_space<vmem_shared>>)
      %add3A_416 = arith.constant 3 : i32
      %add3A_417 = arith.addi %add3A_409, %add3A_416 : i32
      %dma_start3A_418 = arith.constant 0 : i32
      %dma_start3A_419 = tpu.memref_slice %arg3[%add3A, %add3A_417, %dma_start3A_418] : memref<32x82x128xi32, #tpu.memory_space<hbm>> -> memref<1x1x128xi32, #tpu.memory_space<hbm>>
      %dma_start3A_420 = tpu.memref_squeeze %dma_start3A_419 : memref<1x1x128xi32, #tpu.memory_space<hbm>> -> memref<1x128xi32, #tpu.memory_space<hbm>>
      %dma_start3A_421 = arith.constant 0 : i32
      %dma_start3A_422 = tpu.memref_slice %arg3[%add3A, %add3A_417, %dma_start3A_421] : memref<32x82x128xi32, #tpu.memory_space<hbm>> -> memref<1x1x128xi32, #tpu.memory_space<hbm>>
      %dma_start3A_423 = tpu.memref_squeeze %dma_start3A_422 : memref<1x1x128xi32, #tpu.memory_space<hbm>> -> memref<1x128xi32, #tpu.memory_space<hbm>>
      tpu.enqueue_dma source(%dma_start3A_423 : memref<1x128xi32, #tpu.memory_space<hbm>>) target(%arg7 : memref<1x128xi32, #tpu.memory_space<vmem>>) target_semaphore(%arg17 : memref<!tpu.dma_semaphore, #tpu.memory_space<semaphore_mem>>)
      %dma_wait3A_424 = arith.constant 0 : i32
      %dma_wait3A_425 = arith.constant 0 : i32
      %dma_wait3A_426 = tpu.memref_slice %arg3[%add3A, %dma_wait3A_424, %dma_wait3A_425] : memref<32x82x128xi32, #tpu.memory_space<hbm>> -> memref<1x1x128xi32, #tpu.memory_space<hbm>>
      %dma_wait3A_427 = tpu.memref_squeeze %dma_wait3A_426 : memref<1x1x128xi32, #tpu.memory_space<hbm>> -> memref<1x128xi32, #tpu.memory_space<hbm>>
      %dma_wait3A_428 = arith.constant 0 : i32
      %dma_wait3A_429 = arith.constant 0 : i32
      %dma_wait3A_430 = tpu.memref_slice %arg3[%add3A, %dma_wait3A_428, %dma_wait3A_429] : memref<32x82x128xi32, #tpu.memory_space<hbm>> -> memref<1x1x128xi32, #tpu.memory_space<hbm>>
      %dma_wait3A_431 = tpu.memref_squeeze %dma_wait3A_430 : memref<1x1x128xi32, #tpu.memory_space<hbm>> -> memref<1x128xi32, #tpu.memory_space<hbm>>
      tpu.wait_dma2 semaphore(%arg17 : memref<!tpu.dma_semaphore, #tpu.memory_space<semaphore_mem>>) src(%dma_wait3A_431 : memref<1x128xi32, #tpu.memory_space<hbm>>) dst(%arg7 : memref<1x128xi32, #tpu.memory_space<vmem>>)
      %dma_start3A_432 = arith.constant 0 : i32
      %dma_start3A_433 = tpu.memref_slice %arg13[%add3A_409, %dma_start3A_432] : memref<80x128xi32, #tpu.memory_space<vmem>> -> memref<1x128xi32, #tpu.memory_space<vmem>>
      %dma_start3A_434 = tpu.memref_squeeze %dma_start3A_433 : memref<1x128xi32, #tpu.memory_space<vmem>> -> memref<128xi32, #tpu.memory_space<vmem>>
      %dma_start3A_435 = arith.constant 0 : i32
      %dma_start3A_436 = arith.constant 0 : i32
      %dma_start3A_437 = tpu.memref_slice %arg2[%dma_start3A_435, %dma_start3A_436] : memref<10240x128xf32, #tpu.memory_space<hbm>> -> memref<10240x128xf32, #tpu.memory_space<hbm>>
      tpu.enqueue_indirect_dma source(%dma_start3A_437 : memref<10240x128xf32, #tpu.memory_space<hbm>>) target(%arg15 : memref<128x128xf32, #tpu.memory_space<vmem>>) offsets(%dma_start3A_434 : memref<128xi32, #tpu.memory_space<vmem>>) semaphore(%arg18 : memref<!tpu.dma_semaphore, #tpu.memory_space<semaphore_mem>>)
      %dma_wait3A_438 = arith.constant 0 : i32
      %dma_wait3A_439 = arith.constant 0 : i32
      %dma_wait3A_440 = tpu.memref_slice %arg2[%dma_wait3A_438, %dma_wait3A_439] : memref<10240x128xf32, #tpu.memory_space<hbm>> -> memref<128x128xf32, #tpu.memory_space<hbm>>
      %dma_wait3A_441 = arith.constant 0 : i32
      %dma_wait3A_442 = arith.constant 0 : i32
      %dma_wait3A_443 = tpu.memref_slice %arg2[%dma_wait3A_441, %dma_wait3A_442] : memref<10240x128xf32, #tpu.memory_space<hbm>> -> memref<128x128xf32, #tpu.memory_space<hbm>>
      tpu.wait_dma2 semaphore(%arg18 : memref<!tpu.dma_semaphore, #tpu.memory_space<semaphore_mem>>) src(%dma_wait3A_443 : memref<128x128xf32, #tpu.memory_space<hbm>>) dst(%arg14 : memref<128x128xf32, #tpu.memory_space<vmem>>)
      %dma_start3A_444 = arith.constant 0 : i32
      %dma_start3A_445 = arith.constant 0 : i32
      %dma_start3A_446 = tpu.memref_slice %arg9[%dma_start3A_444, %dma_start3A_445] : memref<1x128xi32, #tpu.memory_space<vmem>> -> memref<1x128xi32, #tpu.memory_space<vmem>>
      %dma_start3A_447 = tpu.memref_squeeze %dma_start3A_446 : memref<1x128xi32, #tpu.memory_space<vmem>> -> memref<128xi32, #tpu.memory_space<vmem>>
      %dma_start3A_448 = arith.constant 0 : i32
      %dma_start3A_449 = arith.constant 0 : i32
      %dma_start3A_450 = tpu.memref_slice %arg16[%dma_start3A_448, %dma_start3A_449] : memref<10240x128xf32, #tpu.memory_space<vmem_shared>> -> memref<10240x128xf32, #tpu.memory_space<vmem_shared>>
      tpu.enqueue_indirect_dma source(%arg14 : memref<128x128xf32, #tpu.memory_space<vmem>>) target(%dma_start3A_450 : memref<10240x128xf32, #tpu.memory_space<vmem_shared>>) offsets(%dma_start3A_447 : memref<128xi32, #tpu.memory_space<vmem>>) semaphore(%arg19 : memref<!tpu.dma_semaphore, #tpu.memory_space<semaphore_mem>>) {add = true}
      %mul3A_451 = arith.constant 6 : i32
      %mul3A_452 = arith.muli %scan3A_360, %mul3A_451 : i32
      %add3A_453 = arith.constant 4 : i32
      %add3A_454 = arith.addi %mul3A_452, %add3A_453 : i32
      %dma_wait3A_455 = arith.constant 0 : i32
      %dma_wait3A_456 = arith.constant 0 : i32
      %dma_wait3A_457 = tpu.memref_slice %arg16[%dma_wait3A_455, %dma_wait3A_456] : memref<10240x128xf32, #tpu.memory_space<vmem_shared>> -> memref<128x128xf32, #tpu.memory_space<vmem_shared>>
      %dma_wait3A_458 = arith.constant 0 : i32
      %dma_wait3A_459 = arith.constant 0 : i32
      %dma_wait3A_460 = tpu.memref_slice %arg16[%dma_wait3A_458, %dma_wait3A_459] : memref<10240x128xf32, #tpu.memory_space<vmem_shared>> -> memref<128x128xf32, #tpu.memory_space<vmem_shared>>
      tpu.wait_dma2 semaphore(%arg19 : memref<!tpu.dma_semaphore, #tpu.memory_space<semaphore_mem>>) src(%arg14 : memref<128x128xf32, #tpu.memory_space<vmem>>) dst(%dma_wait3A_460 : memref<128x128xf32, #tpu.memory_space<vmem_shared>>)
      %add3A_461 = arith.constant 3 : i32
      %add3A_462 = arith.addi %add3A_454, %add3A_461 : i32
      %dma_start3A_463 = arith.constant 0 : i32
      %dma_start3A_464 = tpu.memref_slice %arg3[%add3A, %add3A_462, %dma_start3A_463] : memref<32x82x128xi32, #tpu.memory_space<hbm>> -> memref<1x1x128xi32, #tpu.memory_space<hbm>>
      %dma_start3A_465 = tpu.memref_squeeze %dma_start3A_464 : memref<1x1x128xi32, #tpu.memory_space<hbm>> -> memref<1x128xi32, #tpu.memory_space<hbm>>
      %dma_start3A_466 = arith.constant 0 : i32
      %dma_start3A_467 = tpu.memref_slice %arg3[%add3A, %add3A_462, %dma_start3A_466] : memref<32x82x128xi32, #tpu.memory_space<hbm>> -> memref<1x1x128xi32, #tpu.memory_space<hbm>>
      %dma_start3A_468 = tpu.memref_squeeze %dma_start3A_467 : memref<1x1x128xi32, #tpu.memory_space<hbm>> -> memref<1x128xi32, #tpu.memory_space<hbm>>
      tpu.enqueue_dma source(%dma_start3A_468 : memref<1x128xi32, #tpu.memory_space<hbm>>) target(%arg8 : memref<1x128xi32, #tpu.memory_space<vmem>>) target_semaphore(%arg17 : memref<!tpu.dma_semaphore, #tpu.memory_space<semaphore_mem>>)
      %dma_wait3A_469 = arith.constant 0 : i32
      %dma_wait3A_470 = arith.constant 0 : i32
      %dma_wait3A_471 = tpu.memref_slice %arg3[%add3A, %dma_wait3A_469, %dma_wait3A_470] : memref<32x82x128xi32, #tpu.memory_space<hbm>> -> memref<1x1x128xi32, #tpu.memory_space<hbm>>
      %dma_wait3A_472 = tpu.memref_squeeze %dma_wait3A_471 : memref<1x1x128xi32, #tpu.memory_space<hbm>> -> memref<1x128xi32, #tpu.memory_space<hbm>>
      %dma_wait3A_473 = arith.constant 0 : i32
      %dma_wait3A_474 = arith.constant 0 : i32
      %dma_wait3A_475 = tpu.memref_slice %arg3[%add3A, %dma_wait3A_473, %dma_wait3A_474] : memref<32x82x128xi32, #tpu.memory_space<hbm>> -> memref<1x1x128xi32, #tpu.memory_space<hbm>>
      %dma_wait3A_476 = tpu.memref_squeeze %dma_wait3A_475 : memref<1x1x128xi32, #tpu.memory_space<hbm>> -> memref<1x128xi32, #tpu.memory_space<hbm>>
      tpu.wait_dma2 semaphore(%arg17 : memref<!tpu.dma_semaphore, #tpu.memory_space<semaphore_mem>>) src(%dma_wait3A_476 : memref<1x128xi32, #tpu.memory_space<hbm>>) dst(%arg7 : memref<1x128xi32, #tpu.memory_space<vmem>>)
      %dma_start3A_477 = arith.constant 0 : i32
      %dma_start3A_478 = tpu.memref_slice %arg13[%add3A_454, %dma_start3A_477] : memref<80x128xi32, #tpu.memory_space<vmem>> -> memref<1x128xi32, #tpu.memory_space<vmem>>
      %dma_start3A_479 = tpu.memref_squeeze %dma_start3A_478 : memref<1x128xi32, #tpu.memory_space<vmem>> -> memref<128xi32, #tpu.memory_space<vmem>>
      %dma_start3A_480 = arith.constant 0 : i32
      %dma_start3A_481 = arith.constant 0 : i32
      %dma_start3A_482 = tpu.memref_slice %arg2[%dma_start3A_480, %dma_start3A_481] : memref<10240x128xf32, #tpu.memory_space<hbm>> -> memref<10240x128xf32, #tpu.memory_space<hbm>>
      tpu.enqueue_indirect_dma source(%dma_start3A_482 : memref<10240x128xf32, #tpu.memory_space<hbm>>) target(%arg14 : memref<128x128xf32, #tpu.memory_space<vmem>>) offsets(%dma_start3A_479 : memref<128xi32, #tpu.memory_space<vmem>>) semaphore(%arg18 : memref<!tpu.dma_semaphore, #tpu.memory_space<semaphore_mem>>)
      %dma_wait3A_483 = arith.constant 0 : i32
      %dma_wait3A_484 = arith.constant 0 : i32
      %dma_wait3A_485 = tpu.memref_slice %arg2[%dma_wait3A_483, %dma_wait3A_484] : memref<10240x128xf32, #tpu.memory_space<hbm>> -> memref<128x128xf32, #tpu.memory_space<hbm>>
      %dma_wait3A_486 = arith.constant 0 : i32
      %dma_wait3A_487 = arith.constant 0 : i32
      %dma_wait3A_488 = tpu.memref_slice %arg2[%dma_wait3A_486, %dma_wait3A_487] : memref<10240x128xf32, #tpu.memory_space<hbm>> -> memref<128x128xf32, #tpu.memory_space<hbm>>
      tpu.wait_dma2 semaphore(%arg18 : memref<!tpu.dma_semaphore, #tpu.memory_space<semaphore_mem>>) src(%dma_wait3A_488 : memref<128x128xf32, #tpu.memory_space<hbm>>) dst(%arg14 : memref<128x128xf32, #tpu.memory_space<vmem>>)
      %dma_start3A_489 = arith.constant 0 : i32
      %dma_start3A_490 = arith.constant 0 : i32
      %dma_start3A_491 = tpu.memref_slice %arg10[%dma_start3A_489, %dma_start3A_490] : memref<1x128xi32, #tpu.memory_space<vmem>> -> memref<1x128xi32, #tpu.memory_space<vmem>>
      %dma_start3A_492 = tpu.memref_squeeze %dma_start3A_491 : memref<1x128xi32, #tpu.memory_space<vmem>> -> memref<128xi32, #tpu.memory_space<vmem>>
      %dma_start3A_493 = arith.constant 0 : i32
      %dma_start3A_494 = arith.constant 0 : i32
      %dma_start3A_495 = tpu.memref_slice %arg16[%dma_start3A_493, %dma_start3A_494] : memref<10240x128xf32, #tpu.memory_space<vmem_shared>> -> memref<10240x128xf32, #tpu.memory_space<vmem_shared>>
      tpu.enqueue_indirect_dma source(%arg15 : memref<128x128xf32, #tpu.memory_space<vmem>>) target(%dma_start3A_495 : memref<10240x128xf32, #tpu.memory_space<vmem_shared>>) offsets(%dma_start3A_492 : memref<128xi32, #tpu.memory_space<vmem>>) semaphore(%arg19 : memref<!tpu.dma_semaphore, #tpu.memory_space<semaphore_mem>>) {add = true}
      %mul3A_496 = arith.constant 6 : i32
      %mul3A_497 = arith.muli %scan3A_360, %mul3A_496 : i32
      %add3A_498 = arith.constant 5 : i32
      %add3A_499 = arith.addi %mul3A_497, %add3A_498 : i32
      %dma_wait3A_500 = arith.constant 0 : i32
      %dma_wait3A_501 = arith.constant 0 : i32
      %dma_wait3A_502 = tpu.memref_slice %arg16[%dma_wait3A_500, %dma_wait3A_501] : memref<10240x128xf32, #tpu.memory_space<vmem_shared>> -> memref<128x128xf32, #tpu.memory_space<vmem_shared>>
      %dma_wait3A_503 = arith.constant 0 : i32
      %dma_wait3A_504 = arith.constant 0 : i32
      %dma_wait3A_505 = tpu.memref_slice %arg16[%dma_wait3A_503, %dma_wait3A_504] : memref<10240x128xf32, #tpu.memory_space<vmem_shared>> -> memref<128x128xf32, #tpu.memory_space<vmem_shared>>
      tpu.wait_dma2 semaphore(%arg19 : memref<!tpu.dma_semaphore, #tpu.memory_space<semaphore_mem>>) src(%arg14 : memref<128x128xf32, #tpu.memory_space<vmem>>) dst(%dma_wait3A_505 : memref<128x128xf32, #tpu.memory_space<vmem_shared>>)
      %add3A_506 = arith.constant 3 : i32
      %add3A_507 = arith.addi %add3A_499, %add3A_506 : i32
      %dma_start3A_508 = arith.constant 0 : i32
      %dma_start3A_509 = tpu.memref_slice %arg3[%add3A, %add3A_507, %dma_start3A_508] : memref<32x82x128xi32, #tpu.memory_space<hbm>> -> memref<1x1x128xi32, #tpu.memory_space<hbm>>
      %dma_start3A_510 = tpu.memref_squeeze %dma_start3A_509 : memref<1x1x128xi32, #tpu.memory_space<hbm>> -> memref<1x128xi32, #tpu.memory_space<hbm>>
      %dma_start3A_511 = arith.constant 0 : i32
      %dma_start3A_512 = tpu.memref_slice %arg3[%add3A, %add3A_507, %dma_start3A_511] : memref<32x82x128xi32, #tpu.memory_space<hbm>> -> memref<1x1x128xi32, #tpu.memory_space<hbm>>
      %dma_start3A_513 = tpu.memref_squeeze %dma_start3A_512 : memref<1x1x128xi32, #tpu.memory_space<hbm>> -> memref<1x128xi32, #tpu.memory_space<hbm>>
      tpu.enqueue_dma source(%dma_start3A_513 : memref<1x128xi32, #tpu.memory_space<hbm>>) target(%arg9 : memref<1x128xi32, #tpu.memory_space<vmem>>) target_semaphore(%arg17 : memref<!tpu.dma_semaphore, #tpu.memory_space<semaphore_mem>>)
      %dma_wait3A_514 = arith.constant 0 : i32
      %dma_wait3A_515 = arith.constant 0 : i32
      %dma_wait3A_516 = tpu.memref_slice %arg3[%add3A, %dma_wait3A_514, %dma_wait3A_515] : memref<32x82x128xi32, #tpu.memory_space<hbm>> -> memref<1x1x128xi32, #tpu.memory_space<hbm>>
      %dma_wait3A_517 = tpu.memref_squeeze %dma_wait3A_516 : memref<1x1x128xi32, #tpu.memory_space<hbm>> -> memref<1x128xi32, #tpu.memory_space<hbm>>
      %dma_wait3A_518 = arith.constant 0 : i32
      %dma_wait3A_519 = arith.constant 0 : i32
      %dma_wait3A_520 = tpu.memref_slice %arg3[%add3A, %dma_wait3A_518, %dma_wait3A_519] : memref<32x82x128xi32, #tpu.memory_space<hbm>> -> memref<1x1x128xi32, #tpu.memory_space<hbm>>
      %dma_wait3A_521 = tpu.memref_squeeze %dma_wait3A_520 : memref<1x1x128xi32, #tpu.memory_space<hbm>> -> memref<1x128xi32, #tpu.memory_space<hbm>>
      tpu.wait_dma2 semaphore(%arg17 : memref<!tpu.dma_semaphore, #tpu.memory_space<semaphore_mem>>) src(%dma_wait3A_521 : memref<1x128xi32, #tpu.memory_space<hbm>>) dst(%arg7 : memref<1x128xi32, #tpu.memory_space<vmem>>)
      %dma_start3A_522 = arith.constant 0 : i32
      %dma_start3A_523 = tpu.memref_slice %arg13[%add3A_499, %dma_start3A_522] : memref<80x128xi32, #tpu.memory_space<vmem>> -> memref<1x128xi32, #tpu.memory_space<vmem>>
      %dma_start3A_524 = tpu.memref_squeeze %dma_start3A_523 : memref<1x128xi32, #tpu.memory_space<vmem>> -> memref<128xi32, #tpu.memory_space<vmem>>
      %dma_start3A_525 = arith.constant 0 : i32
      %dma_start3A_526 = arith.constant 0 : i32
      %dma_start3A_527 = tpu.memref_slice %arg2[%dma_start3A_525, %dma_start3A_526] : memref<10240x128xf32, #tpu.memory_space<hbm>> -> memref<10240x128xf32, #tpu.memory_space<hbm>>
      tpu.enqueue_indirect_dma source(%dma_start3A_527 : memref<10240x128xf32, #tpu.memory_space<hbm>>) target(%arg15 : memref<128x128xf32, #tpu.memory_space<vmem>>) offsets(%dma_start3A_524 : memref<128xi32, #tpu.memory_space<vmem>>) semaphore(%arg18 : memref<!tpu.dma_semaphore, #tpu.memory_space<semaphore_mem>>)
      %dma_wait3A_528 = arith.constant 0 : i32
      %dma_wait3A_529 = arith.constant 0 : i32
      %dma_wait3A_530 = tpu.memref_slice %arg2[%dma_wait3A_528, %dma_wait3A_529] : memref<10240x128xf32, #tpu.memory_space<hbm>> -> memref<128x128xf32, #tpu.memory_space<hbm>>
      %dma_wait3A_531 = arith.constant 0 : i32
      %dma_wait3A_532 = arith.constant 0 : i32
      %dma_wait3A_533 = tpu.memref_slice %arg2[%dma_wait3A_531, %dma_wait3A_532] : memref<10240x128xf32, #tpu.memory_space<hbm>> -> memref<128x128xf32, #tpu.memory_space<hbm>>
      tpu.wait_dma2 semaphore(%arg18 : memref<!tpu.dma_semaphore, #tpu.memory_space<semaphore_mem>>) src(%dma_wait3A_533 : memref<128x128xf32, #tpu.memory_space<hbm>>) dst(%arg14 : memref<128x128xf32, #tpu.memory_space<vmem>>)
      %dma_start3A_534 = arith.constant 0 : i32
      %dma_start3A_535 = arith.constant 0 : i32
      %dma_start3A_536 = tpu.memref_slice %arg11[%dma_start3A_534, %dma_start3A_535] : memref<1x128xi32, #tpu.memory_space<vmem>> -> memref<1x128xi32, #tpu.memory_space<vmem>>
      %dma_start3A_537 = tpu.memref_squeeze %dma_start3A_536 : memref<1x128xi32, #tpu.memory_space<vmem>> -> memref<128xi32, #tpu.memory_space<vmem>>
      %dma_start3A_538 = arith.constant 0 : i32
      %dma_start3A_539 = arith.constant 0 : i32
      %dma_start3A_540 = tpu.memref_slice %arg16[%dma_start3A_538, %dma_start3A_539] : memref<10240x128xf32, #tpu.memory_space<vmem_shared>> -> memref<10240x128xf32, #tpu.memory_space<vmem_shared>>
      tpu.enqueue_indirect_dma source(%arg14 : memref<128x128xf32, #tpu.memory_space<vmem>>) target(%dma_start3A_540 : memref<10240x128xf32, #tpu.memory_space<vmem_shared>>) offsets(%dma_start3A_537 : memref<128xi32, #tpu.memory_space<vmem>>) semaphore(%arg19 : memref<!tpu.dma_semaphore, #tpu.memory_space<semaphore_mem>>) {add = true}
      %mul3A_541 = arith.constant 6 : i32
      %mul3A_542 = arith.muli %scan3A_360, %mul3A_541 : i32
      %add3A_543 = arith.constant 6 : i32
      %add3A_544 = arith.addi %mul3A_542, %add3A_543 : i32
      %dma_wait3A_545 = arith.constant 0 : i32
      %dma_wait3A_546 = arith.constant 0 : i32
      %dma_wait3A_547 = tpu.memref_slice %arg16[%dma_wait3A_545, %dma_wait3A_546] : memref<10240x128xf32, #tpu.memory_space<vmem_shared>> -> memref<128x128xf32, #tpu.memory_space<vmem_shared>>
      %dma_wait3A_548 = arith.constant 0 : i32
      %dma_wait3A_549 = arith.constant 0 : i32
      %dma_wait3A_550 = tpu.memref_slice %arg16[%dma_wait3A_548, %dma_wait3A_549] : memref<10240x128xf32, #tpu.memory_space<vmem_shared>> -> memref<128x128xf32, #tpu.memory_space<vmem_shared>>
      tpu.wait_dma2 semaphore(%arg19 : memref<!tpu.dma_semaphore, #tpu.memory_space<semaphore_mem>>) src(%arg14 : memref<128x128xf32, #tpu.memory_space<vmem>>) dst(%dma_wait3A_550 : memref<128x128xf32, #tpu.memory_space<vmem_shared>>)
      %add3A_551 = arith.constant 3 : i32
      %add3A_552 = arith.addi %add3A_544, %add3A_551 : i32
      %dma_start3A_553 = arith.constant 0 : i32
      %dma_start3A_554 = tpu.memref_slice %arg3[%add3A, %add3A_552, %dma_start3A_553] : memref<32x82x128xi32, #tpu.memory_space<hbm>> -> memref<1x1x128xi32, #tpu.memory_space<hbm>>
      %dma_start3A_555 = tpu.memref_squeeze %dma_start3A_554 : memref<1x1x128xi32, #tpu.memory_space<hbm>> -> memref<1x128xi32, #tpu.memory_space<hbm>>
      %dma_start3A_556 = arith.constant 0 : i32
      %dma_start3A_557 = tpu.memref_slice %arg3[%add3A, %add3A_552, %dma_start3A_556] : memref<32x82x128xi32, #tpu.memory_space<hbm>> -> memref<1x1x128xi32, #tpu.memory_space<hbm>>
      %dma_start3A_558 = tpu.memref_squeeze %dma_start3A_557 : memref<1x1x128xi32, #tpu.memory_space<hbm>> -> memref<1x128xi32, #tpu.memory_space<hbm>>
      tpu.enqueue_dma source(%dma_start3A_558 : memref<1x128xi32, #tpu.memory_space<hbm>>) target(%arg10 : memref<1x128xi32, #tpu.memory_space<vmem>>) target_semaphore(%arg17 : memref<!tpu.dma_semaphore, #tpu.memory_space<semaphore_mem>>)
      %dma_wait3A_559 = arith.constant 0 : i32
      %dma_wait3A_560 = arith.constant 0 : i32
      %dma_wait3A_561 = tpu.memref_slice %arg3[%add3A, %dma_wait3A_559, %dma_wait3A_560] : memref<32x82x128xi32, #tpu.memory_space<hbm>> -> memref<1x1x128xi32, #tpu.memory_space<hbm>>
      %dma_wait3A_562 = tpu.memref_squeeze %dma_wait3A_561 : memref<1x1x128xi32, #tpu.memory_space<hbm>> -> memref<1x128xi32, #tpu.memory_space<hbm>>
      %dma_wait3A_563 = arith.constant 0 : i32
      %dma_wait3A_564 = arith.constant 0 : i32
      %dma_wait3A_565 = tpu.memref_slice %arg3[%add3A, %dma_wait3A_563, %dma_wait3A_564] : memref<32x82x128xi32, #tpu.memory_space<hbm>> -> memref<1x1x128xi32, #tpu.memory_space<hbm>>
      %dma_wait3A_566 = tpu.memref_squeeze %dma_wait3A_565 : memref<1x1x128xi32, #tpu.memory_space<hbm>> -> memref<1x128xi32, #tpu.memory_space<hbm>>
      tpu.wait_dma2 semaphore(%arg17 : memref<!tpu.dma_semaphore, #tpu.memory_space<semaphore_mem>>) src(%dma_wait3A_566 : memref<1x128xi32, #tpu.memory_space<hbm>>) dst(%arg7 : memref<1x128xi32, #tpu.memory_space<vmem>>)
      %dma_start3A_567 = arith.constant 0 : i32
      %dma_start3A_568 = tpu.memref_slice %arg13[%add3A_544, %dma_start3A_567] : memref<80x128xi32, #tpu.memory_space<vmem>> -> memref<1x128xi32, #tpu.memory_space<vmem>>
      %dma_start3A_569 = tpu.memref_squeeze %dma_start3A_568 : memref<1x128xi32, #tpu.memory_space<vmem>> -> memref<128xi32, #tpu.memory_space<vmem>>
      %dma_start3A_570 = arith.constant 0 : i32
      %dma_start3A_571 = arith.constant 0 : i32
      %dma_start3A_572 = tpu.memref_slice %arg2[%dma_start3A_570, %dma_start3A_571] : memref<10240x128xf32, #tpu.memory_space<hbm>> -> memref<10240x128xf32, #tpu.memory_space<hbm>>
      tpu.enqueue_indirect_dma source(%dma_start3A_572 : memref<10240x128xf32, #tpu.memory_space<hbm>>) target(%arg14 : memref<128x128xf32, #tpu.memory_space<vmem>>) offsets(%dma_start3A_569 : memref<128xi32, #tpu.memory_space<vmem>>) semaphore(%arg18 : memref<!tpu.dma_semaphore, #tpu.memory_space<semaphore_mem>>)
      %dma_wait3A_573 = arith.constant 0 : i32
      %dma_wait3A_574 = arith.constant 0 : i32
      %dma_wait3A_575 = tpu.memref_slice %arg2[%dma_wait3A_573, %dma_wait3A_574] : memref<10240x128xf32, #tpu.memory_space<hbm>> -> memref<128x128xf32, #tpu.memory_space<hbm>>
      %dma_wait3A_576 = arith.constant 0 : i32
      %dma_wait3A_577 = arith.constant 0 : i32
      %dma_wait3A_578 = tpu.memref_slice %arg2[%dma_wait3A_576, %dma_wait3A_577] : memref<10240x128xf32, #tpu.memory_space<hbm>> -> memref<128x128xf32, #tpu.memory_space<hbm>>
      tpu.wait_dma2 semaphore(%arg18 : memref<!tpu.dma_semaphore, #tpu.memory_space<semaphore_mem>>) src(%dma_wait3A_578 : memref<128x128xf32, #tpu.memory_space<hbm>>) dst(%arg14 : memref<128x128xf32, #tpu.memory_space<vmem>>)
      %dma_start3A_579 = arith.constant 0 : i32
      %dma_start3A_580 = arith.constant 0 : i32
      %dma_start3A_581 = tpu.memref_slice %arg12[%dma_start3A_579, %dma_start3A_580] : memref<1x128xi32, #tpu.memory_space<vmem>> -> memref<1x128xi32, #tpu.memory_space<vmem>>
      %dma_start3A_582 = tpu.memref_squeeze %dma_start3A_581 : memref<1x128xi32, #tpu.memory_space<vmem>> -> memref<128xi32, #tpu.memory_space<vmem>>
      %dma_start3A_583 = arith.constant 0 : i32
      %dma_start3A_584 = arith.constant 0 : i32
      %dma_start3A_585 = tpu.memref_slice %arg16[%dma_start3A_583, %dma_start3A_584] : memref<10240x128xf32, #tpu.memory_space<vmem_shared>> -> memref<10240x128xf32, #tpu.memory_space<vmem_shared>>
      tpu.enqueue_indirect_dma source(%arg15 : memref<128x128xf32, #tpu.memory_space<vmem>>) target(%dma_start3A_585 : memref<10240x128xf32, #tpu.memory_space<vmem_shared>>) offsets(%dma_start3A_582 : memref<128xi32, #tpu.memory_space<vmem>>) semaphore(%arg19 : memref<!tpu.dma_semaphore, #tpu.memory_space<semaphore_mem>>) {add = true}
      %mul3A_586 = arith.constant 6 : i32
      %mul3A_587 = arith.muli %scan3A_360, %mul3A_586 : i32
      %add3A_588 = arith.constant 7 : i32
      %add3A_589 = arith.addi %mul3A_587, %add3A_588 : i32
      %dma_wait3A_590 = arith.constant 0 : i32
      %dma_wait3A_591 = arith.constant 0 : i32
      %dma_wait3A_592 = tpu.memref_slice %arg16[%dma_wait3A_590, %dma_wait3A_591] : memref<10240x128xf32, #tpu.memory_space<vmem_shared>> -> memref<128x128xf32, #tpu.memory_space<vmem_shared>>
      %dma_wait3A_593 = arith.constant 0 : i32
      %dma_wait3A_594 = arith.constant 0 : i32
      %dma_wait3A_595 = tpu.memref_slice %arg16[%dma_wait3A_593, %dma_wait3A_594] : memref<10240x128xf32, #tpu.memory_space<vmem_shared>> -> memref<128x128xf32, #tpu.memory_space<vmem_shared>>
      tpu.wait_dma2 semaphore(%arg19 : memref<!tpu.dma_semaphore, #tpu.memory_space<semaphore_mem>>) src(%arg14 : memref<128x128xf32, #tpu.memory_space<vmem>>) dst(%dma_wait3A_595 : memref<128x128xf32, #tpu.memory_space<vmem_shared>>)
      %add3A_596 = arith.constant 3 : i32
      %add3A_597 = arith.addi %add3A_589, %add3A_596 : i32
      %dma_start3A_598 = arith.constant 0 : i32
      %dma_start3A_599 = tpu.memref_slice %arg3[%add3A, %add3A_597, %dma_start3A_598] : memref<32x82x128xi32, #tpu.memory_space<hbm>> -> memref<1x1x128xi32, #tpu.memory_space<hbm>>
      %dma_start3A_600 = tpu.memref_squeeze %dma_start3A_599 : memref<1x1x128xi32, #tpu.memory_space<hbm>> -> memref<1x128xi32, #tpu.memory_space<hbm>>
      %dma_start3A_601 = arith.constant 0 : i32
      %dma_start3A_602 = tpu.memref_slice %arg3[%add3A, %add3A_597, %dma_start3A_601] : memref<32x82x128xi32, #tpu.memory_space<hbm>> -> memref<1x1x128xi32, #tpu.memory_space<hbm>>
      %dma_start3A_603 = tpu.memref_squeeze %dma_start3A_602 : memref<1x1x128xi32, #tpu.memory_space<hbm>> -> memref<1x128xi32, #tpu.memory_space<hbm>>
      tpu.enqueue_dma source(%dma_start3A_603 : memref<1x128xi32, #tpu.memory_space<hbm>>) target(%arg11 : memref<1x128xi32, #tpu.memory_space<vmem>>) target_semaphore(%arg17 : memref<!tpu.dma_semaphore, #tpu.memory_space<semaphore_mem>>)
      %dma_wait3A_604 = arith.constant 0 : i32
      %dma_wait3A_605 = arith.constant 0 : i32
      %dma_wait3A_606 = tpu.memref_slice %arg3[%add3A, %dma_wait3A_604, %dma_wait3A_605] : memref<32x82x128xi32, #tpu.memory_space<hbm>> -> memref<1x1x128xi32, #tpu.memory_space<hbm>>
      %dma_wait3A_607 = tpu.memref_squeeze %dma_wait3A_606 : memref<1x1x128xi32, #tpu.memory_space<hbm>> -> memref<1x128xi32, #tpu.memory_space<hbm>>
      %dma_wait3A_608 = arith.constant 0 : i32
      %dma_wait3A_609 = arith.constant 0 : i32
      %dma_wait3A_610 = tpu.memref_slice %arg3[%add3A, %dma_wait3A_608, %dma_wait3A_609] : memref<32x82x128xi32, #tpu.memory_space<hbm>> -> memref<1x1x128xi32, #tpu.memory_space<hbm>>
      %dma_wait3A_611 = tpu.memref_squeeze %dma_wait3A_610 : memref<1x1x128xi32, #tpu.memory_space<hbm>> -> memref<1x128xi32, #tpu.memory_space<hbm>>
      tpu.wait_dma2 semaphore(%arg17 : memref<!tpu.dma_semaphore, #tpu.memory_space<semaphore_mem>>) src(%dma_wait3A_611 : memref<1x128xi32, #tpu.memory_space<hbm>>) dst(%arg7 : memref<1x128xi32, #tpu.memory_space<vmem>>)
      %dma_start3A_612 = arith.constant 0 : i32
      %dma_start3A_613 = tpu.memref_slice %arg13[%add3A_589, %dma_start3A_612] : memref<80x128xi32, #tpu.memory_space<vmem>> -> memref<1x128xi32, #tpu.memory_space<vmem>>
      %dma_start3A_614 = tpu.memref_squeeze %dma_start3A_613 : memref<1x128xi32, #tpu.memory_space<vmem>> -> memref<128xi32, #tpu.memory_space<vmem>>
      %dma_start3A_615 = arith.constant 0 : i32
      %dma_start3A_616 = arith.constant 0 : i32
      %dma_start3A_617 = tpu.memref_slice %arg2[%dma_start3A_615, %dma_start3A_616] : memref<10240x128xf32, #tpu.memory_space<hbm>> -> memref<10240x128xf32, #tpu.memory_space<hbm>>
      tpu.enqueue_indirect_dma source(%dma_start3A_617 : memref<10240x128xf32, #tpu.memory_space<hbm>>) target(%arg15 : memref<128x128xf32, #tpu.memory_space<vmem>>) offsets(%dma_start3A_614 : memref<128xi32, #tpu.memory_space<vmem>>) semaphore(%arg18 : memref<!tpu.dma_semaphore, #tpu.memory_space<semaphore_mem>>)
      %dma_wait3A_618 = arith.constant 0 : i32
      %dma_wait3A_619 = arith.constant 0 : i32
      %dma_wait3A_620 = tpu.memref_slice %arg2[%dma_wait3A_618, %dma_wait3A_619] : memref<10240x128xf32, #tpu.memory_space<hbm>> -> memref<128x128xf32, #tpu.memory_space<hbm>>
      %dma_wait3A_621 = arith.constant 0 : i32
      %dma_wait3A_622 = arith.constant 0 : i32
      %dma_wait3A_623 = tpu.memref_slice %arg2[%dma_wait3A_621, %dma_wait3A_622] : memref<10240x128xf32, #tpu.memory_space<hbm>> -> memref<128x128xf32, #tpu.memory_space<hbm>>
      tpu.wait_dma2 semaphore(%arg18 : memref<!tpu.dma_semaphore, #tpu.memory_space<semaphore_mem>>) src(%dma_wait3A_623 : memref<128x128xf32, #tpu.memory_space<hbm>>) dst(%arg14 : memref<128x128xf32, #tpu.memory_space<vmem>>)
      %dma_start3A_624 = arith.constant 0 : i32
      %dma_start3A_625 = arith.constant 0 : i32
      %dma_start3A_626 = tpu.memref_slice %arg7[%dma_start3A_624, %dma_start3A_625] : memref<1x128xi32, #tpu.memory_space<vmem>> -> memref<1x128xi32, #tpu.memory_space<vmem>>
      %dma_start3A_627 = tpu.memref_squeeze %dma_start3A_626 : memref<1x128xi32, #tpu.memory_space<vmem>> -> memref<128xi32, #tpu.memory_space<vmem>>
      %dma_start3A_628 = arith.constant 0 : i32
      %dma_start3A_629 = arith.constant 0 : i32
      %dma_start3A_630 = tpu.memref_slice %arg16[%dma_start3A_628, %dma_start3A_629] : memref<10240x128xf32, #tpu.memory_space<vmem_shared>> -> memref<10240x128xf32, #tpu.memory_space<vmem_shared>>
      tpu.enqueue_indirect_dma source(%arg14 : memref<128x128xf32, #tpu.memory_space<vmem>>) target(%dma_start3A_630 : memref<10240x128xf32, #tpu.memory_space<vmem_shared>>) offsets(%dma_start3A_627 : memref<128xi32, #tpu.memory_space<vmem>>) semaphore(%arg19 : memref<!tpu.dma_semaphore, #tpu.memory_space<semaphore_mem>>) {add = true}
    }
    %scan3A_94 = arith.constant 12 : i32
    %dma_wait3A_95 = arith.constant 0 : i32
    %dma_wait3A_96 = arith.constant 0 : i32
    %dma_wait3A_97 = tpu.memref_slice %arg16[%dma_wait3A_95, %dma_wait3A_96] : memref<10240x128xf32, #tpu.memory_space<vmem_shared>> -> memref<128x128xf32, #tpu.memory_space<vmem_shared>>
    %dma_wait3A_98 = arith.constant 0 : i32
    %dma_wait3A_99 = arith.constant 0 : i32
    %dma_wait3A_100 = tpu.memref_slice %arg16[%dma_wait3A_98, %dma_wait3A_99] : memref<10240x128xf32, #tpu.memory_space<vmem_shared>> -> memref<128x128xf32, #tpu.memory_space<vmem_shared>>
    tpu.wait_dma2 semaphore(%arg19 : memref<!tpu.dma_semaphore, #tpu.memory_space<semaphore_mem>>) src(%arg14 : memref<128x128xf32, #tpu.memory_space<vmem>>) dst(%dma_wait3A_100 : memref<128x128xf32, #tpu.memory_space<vmem_shared>>)
    %dma_start3A_101 = arith.constant 77 : i32
    %dma_start3A_102 = arith.constant 0 : i32
    %dma_start3A_103 = tpu.memref_slice %arg3[%add3A, %dma_start3A_101, %dma_start3A_102] : memref<32x82x128xi32, #tpu.memory_space<hbm>> -> memref<1x1x128xi32, #tpu.memory_space<hbm>>
    %dma_start3A_104 = tpu.memref_squeeze %dma_start3A_103 : memref<1x1x128xi32, #tpu.memory_space<hbm>> -> memref<1x128xi32, #tpu.memory_space<hbm>>
    %dma_start3A_105 = arith.constant 77 : i32
    %dma_start3A_106 = arith.constant 0 : i32
    %dma_start3A_107 = tpu.memref_slice %arg3[%add3A, %dma_start3A_105, %dma_start3A_106] : memref<32x82x128xi32, #tpu.memory_space<hbm>> -> memref<1x1x128xi32, #tpu.memory_space<hbm>>
    %dma_start3A_108 = tpu.memref_squeeze %dma_start3A_107 : memref<1x1x128xi32, #tpu.memory_space<hbm>> -> memref<1x128xi32, #tpu.memory_space<hbm>>
    tpu.enqueue_dma source(%dma_start3A_108 : memref<1x128xi32, #tpu.memory_space<hbm>>) target(%arg12 : memref<1x128xi32, #tpu.memory_space<vmem>>) target_semaphore(%arg17 : memref<!tpu.dma_semaphore, #tpu.memory_space<semaphore_mem>>)
    %dma_wait3A_109 = arith.constant 0 : i32
    %dma_wait3A_110 = arith.constant 0 : i32
    %dma_wait3A_111 = tpu.memref_slice %arg3[%add3A, %dma_wait3A_109, %dma_wait3A_110] : memref<32x82x128xi32, #tpu.memory_space<hbm>> -> memref<1x1x128xi32, #tpu.memory_space<hbm>>
    %dma_wait3A_112 = tpu.memref_squeeze %dma_wait3A_111 : memref<1x1x128xi32, #tpu.memory_space<hbm>> -> memref<1x128xi32, #tpu.memory_space<hbm>>
    %dma_wait3A_113 = arith.constant 0 : i32
    %dma_wait3A_114 = arith.constant 0 : i32
    %dma_wait3A_115 = tpu.memref_slice %arg3[%add3A, %dma_wait3A_113, %dma_wait3A_114] : memref<32x82x128xi32, #tpu.memory_space<hbm>> -> memref<1x1x128xi32, #tpu.memory_space<hbm>>
    %dma_wait3A_116 = tpu.memref_squeeze %dma_wait3A_115 : memref<1x1x128xi32, #tpu.memory_space<hbm>> -> memref<1x128xi32, #tpu.memory_space<hbm>>
    tpu.wait_dma2 semaphore(%arg17 : memref<!tpu.dma_semaphore, #tpu.memory_space<semaphore_mem>>) src(%dma_wait3A_116 : memref<1x128xi32, #tpu.memory_space<hbm>>) dst(%arg7 : memref<1x128xi32, #tpu.memory_space<vmem>>)
    %dma_start3A_117 = arith.constant 74 : i32
    %dma_start3A_118 = arith.constant 0 : i32
    %dma_start3A_119 = tpu.memref_slice %arg13[%dma_start3A_117, %dma_start3A_118] : memref<80x128xi32, #tpu.memory_space<vmem>> -> memref<1x128xi32, #tpu.memory_space<vmem>>
    %dma_start3A_120 = tpu.memref_squeeze %dma_start3A_119 : memref<1x128xi32, #tpu.memory_space<vmem>> -> memref<128xi32, #tpu.memory_space<vmem>>
    %dma_start3A_121 = arith.constant 0 : i32
    %dma_start3A_122 = arith.constant 0 : i32
    %dma_start3A_123 = tpu.memref_slice %arg2[%dma_start3A_121, %dma_start3A_122] : memref<10240x128xf32, #tpu.memory_space<hbm>> -> memref<10240x128xf32, #tpu.memory_space<hbm>>
    tpu.enqueue_indirect_dma source(%dma_start3A_123 : memref<10240x128xf32, #tpu.memory_space<hbm>>) target(%arg14 : memref<128x128xf32, #tpu.memory_space<vmem>>) offsets(%dma_start3A_120 : memref<128xi32, #tpu.memory_space<vmem>>) semaphore(%arg18 : memref<!tpu.dma_semaphore, #tpu.memory_space<semaphore_mem>>)
    %dma_wait3A_124 = arith.constant 0 : i32
    %dma_wait3A_125 = arith.constant 0 : i32
    %dma_wait3A_126 = tpu.memref_slice %arg2[%dma_wait3A_124, %dma_wait3A_125] : memref<10240x128xf32, #tpu.memory_space<hbm>> -> memref<128x128xf32, #tpu.memory_space<hbm>>
    %dma_wait3A_127 = arith.constant 0 : i32
    %dma_wait3A_128 = arith.constant 0 : i32
    %dma_wait3A_129 = tpu.memref_slice %arg2[%dma_wait3A_127, %dma_wait3A_128] : memref<10240x128xf32, #tpu.memory_space<hbm>> -> memref<128x128xf32, #tpu.memory_space<hbm>>
    tpu.wait_dma2 semaphore(%arg18 : memref<!tpu.dma_semaphore, #tpu.memory_space<semaphore_mem>>) src(%dma_wait3A_129 : memref<128x128xf32, #tpu.memory_space<hbm>>) dst(%arg14 : memref<128x128xf32, #tpu.memory_space<vmem>>)
    %dma_start3A_130 = arith.constant 0 : i32
    %dma_start3A_131 = arith.constant 0 : i32
    %dma_start3A_132 = tpu.memref_slice %arg8[%dma_start3A_130, %dma_start3A_131] : memref<1x128xi32, #tpu.memory_space<vmem>> -> memref<1x128xi32, #tpu.memory_space<vmem>>
    %dma_start3A_133 = tpu.memref_squeeze %dma_start3A_132 : memref<1x128xi32, #tpu.memory_space<vmem>> -> memref<128xi32, #tpu.memory_space<vmem>>
    %dma_start3A_134 = arith.constant 0 : i32
    %dma_start3A_135 = arith.constant 0 : i32
    %dma_start3A_136 = tpu.memref_slice %arg16[%dma_start3A_134, %dma_start3A_135] : memref<10240x128xf32, #tpu.memory_space<vmem_shared>> -> memref<10240x128xf32, #tpu.memory_space<vmem_shared>>
    tpu.enqueue_indirect_dma source(%arg15 : memref<128x128xf32, #tpu.memory_space<vmem>>) target(%dma_start3A_136 : memref<10240x128xf32, #tpu.memory_space<vmem_shared>>) offsets(%dma_start3A_133 : memref<128xi32, #tpu.memory_space<vmem>>) semaphore(%arg19 : memref<!tpu.dma_semaphore, #tpu.memory_space<semaphore_mem>>) {add = true}
    %dma_wait3A_137 = arith.constant 0 : i32
    %dma_wait3A_138 = arith.constant 0 : i32
    %dma_wait3A_139 = tpu.memref_slice %arg16[%dma_wait3A_137, %dma_wait3A_138] : memref<10240x128xf32, #tpu.memory_space<vmem_shared>> -> memref<128x128xf32, #tpu.memory_space<vmem_shared>>
    %dma_wait3A_140 = arith.constant 0 : i32
    %dma_wait3A_141 = arith.constant 0 : i32
    %dma_wait3A_142 = tpu.memref_slice %arg16[%dma_wait3A_140, %dma_wait3A_141] : memref<10240x128xf32, #tpu.memory_space<vmem_shared>> -> memref<128x128xf32, #tpu.memory_space<vmem_shared>>
    tpu.wait_dma2 semaphore(%arg19 : memref<!tpu.dma_semaphore, #tpu.memory_space<semaphore_mem>>) src(%arg14 : memref<128x128xf32, #tpu.memory_space<vmem>>) dst(%dma_wait3A_142 : memref<128x128xf32, #tpu.memory_space<vmem_shared>>)
    %dma_start3A_143 = arith.constant 78 : i32
    %dma_start3A_144 = arith.constant 0 : i32
    %dma_start3A_145 = tpu.memref_slice %arg3[%add3A, %dma_start3A_143, %dma_start3A_144] : memref<32x82x128xi32, #tpu.memory_space<hbm>> -> memref<1x1x128xi32, #tpu.memory_space<hbm>>
    %dma_start3A_146 = tpu.memref_squeeze %dma_start3A_145 : memref<1x1x128xi32, #tpu.memory_space<hbm>> -> memref<1x128xi32, #tpu.memory_space<hbm>>
    %dma_start3A_147 = arith.constant 78 : i32
    %dma_start3A_148 = arith.constant 0 : i32
    %dma_start3A_149 = tpu.memref_slice %arg3[%add3A, %dma_start3A_147, %dma_start3A_148] : memref<32x82x128xi32, #tpu.memory_space<hbm>> -> memref<1x1x128xi32, #tpu.memory_space<hbm>>
    %dma_start3A_150 = tpu.memref_squeeze %dma_start3A_149 : memref<1x1x128xi32, #tpu.memory_space<hbm>> -> memref<1x128xi32, #tpu.memory_space<hbm>>
    tpu.enqueue_dma source(%dma_start3A_150 : memref<1x128xi32, #tpu.memory_space<hbm>>) target(%arg7 : memref<1x128xi32, #tpu.memory_space<vmem>>) target_semaphore(%arg17 : memref<!tpu.dma_semaphore, #tpu.memory_space<semaphore_mem>>)
    %dma_wait3A_151 = arith.constant 0 : i32
    %dma_wait3A_152 = arith.constant 0 : i32
    %dma_wait3A_153 = tpu.memref_slice %arg3[%add3A, %dma_wait3A_151, %dma_wait3A_152] : memref<32x82x128xi32, #tpu.memory_space<hbm>> -> memref<1x1x128xi32, #tpu.memory_space<hbm>>
    %dma_wait3A_154 = tpu.memref_squeeze %dma_wait3A_153 : memref<1x1x128xi32, #tpu.memory_space<hbm>> -> memref<1x128xi32, #tpu.memory_space<hbm>>
    %dma_wait3A_155 = arith.constant 0 : i32
    %dma_wait3A_156 = arith.constant 0 : i32
    %dma_wait3A_157 = tpu.memref_slice %arg3[%add3A, %dma_wait3A_155, %dma_wait3A_156] : memref<32x82x128xi32, #tpu.memory_space<hbm>> -> memref<1x1x128xi32, #tpu.memory_space<hbm>>
    %dma_wait3A_158 = tpu.memref_squeeze %dma_wait3A_157 : memref<1x1x128xi32, #tpu.memory_space<hbm>> -> memref<1x128xi32, #tpu.memory_space<hbm>>
    tpu.wait_dma2 semaphore(%arg17 : memref<!tpu.dma_semaphore, #tpu.memory_space<semaphore_mem>>) src(%dma_wait3A_158 : memref<1x128xi32, #tpu.memory_space<hbm>>) dst(%arg7 : memref<1x128xi32, #tpu.memory_space<vmem>>)
    %dma_start3A_159 = arith.constant 75 : i32
    %dma_start3A_160 = arith.constant 0 : i32
    %dma_start3A_161 = tpu.memref_slice %arg13[%dma_start3A_159, %dma_start3A_160] : memref<80x128xi32, #tpu.memory_space<vmem>> -> memref<1x128xi32, #tpu.memory_space<vmem>>
    %dma_start3A_162 = tpu.memref_squeeze %dma_start3A_161 : memref<1x128xi32, #tpu.memory_space<vmem>> -> memref<128xi32, #tpu.memory_space<vmem>>
    %dma_start3A_163 = arith.constant 0 : i32
    %dma_start3A_164 = arith.constant 0 : i32
    %dma_start3A_165 = tpu.memref_slice %arg2[%dma_start3A_163, %dma_start3A_164] : memref<10240x128xf32, #tpu.memory_space<hbm>> -> memref<10240x128xf32, #tpu.memory_space<hbm>>
    tpu.enqueue_indirect_dma source(%dma_start3A_165 : memref<10240x128xf32, #tpu.memory_space<hbm>>) target(%arg15 : memref<128x128xf32, #tpu.memory_space<vmem>>) offsets(%dma_start3A_162 : memref<128xi32, #tpu.memory_space<vmem>>) semaphore(%arg18 : memref<!tpu.dma_semaphore, #tpu.memory_space<semaphore_mem>>)
    %dma_wait3A_166 = arith.constant 0 : i32
    %dma_wait3A_167 = arith.constant 0 : i32
    %dma_wait3A_168 = tpu.memref_slice %arg2[%dma_wait3A_166, %dma_wait3A_167] : memref<10240x128xf32, #tpu.memory_space<hbm>> -> memref<128x128xf32, #tpu.memory_space<hbm>>
    %dma_wait3A_169 = arith.constant 0 : i32
    %dma_wait3A_170 = arith.constant 0 : i32
    %dma_wait3A_171 = tpu.memref_slice %arg2[%dma_wait3A_169, %dma_wait3A_170] : memref<10240x128xf32, #tpu.memory_space<hbm>> -> memref<128x128xf32, #tpu.memory_space<hbm>>
    tpu.wait_dma2 semaphore(%arg18 : memref<!tpu.dma_semaphore, #tpu.memory_space<semaphore_mem>>) src(%dma_wait3A_171 : memref<128x128xf32, #tpu.memory_space<hbm>>) dst(%arg14 : memref<128x128xf32, #tpu.memory_space<vmem>>)
    %dma_start3A_172 = arith.constant 0 : i32
    %dma_start3A_173 = arith.constant 0 : i32
    %dma_start3A_174 = tpu.memref_slice %arg9[%dma_start3A_172, %dma_start3A_173] : memref<1x128xi32, #tpu.memory_space<vmem>> -> memref<1x128xi32, #tpu.memory_space<vmem>>
    %dma_start3A_175 = tpu.memref_squeeze %dma_start3A_174 : memref<1x128xi32, #tpu.memory_space<vmem>> -> memref<128xi32, #tpu.memory_space<vmem>>
    %dma_start3A_176 = arith.constant 0 : i32
    %dma_start3A_177 = arith.constant 0 : i32
    %dma_start3A_178 = tpu.memref_slice %arg16[%dma_start3A_176, %dma_start3A_177] : memref<10240x128xf32, #tpu.memory_space<vmem_shared>> -> memref<10240x128xf32, #tpu.memory_space<vmem_shared>>
    tpu.enqueue_indirect_dma source(%arg14 : memref<128x128xf32, #tpu.memory_space<vmem>>) target(%dma_start3A_178 : memref<10240x128xf32, #tpu.memory_space<vmem_shared>>) offsets(%dma_start3A_175 : memref<128xi32, #tpu.memory_space<vmem>>) semaphore(%arg19 : memref<!tpu.dma_semaphore, #tpu.memory_space<semaphore_mem>>) {add = true}
    %dma_wait3A_179 = arith.constant 0 : i32
    %dma_wait3A_180 = arith.constant 0 : i32
    %dma_wait3A_181 = tpu.memref_slice %arg16[%dma_wait3A_179, %dma_wait3A_180] : memref<10240x128xf32, #tpu.memory_space<vmem_shared>> -> memref<128x128xf32, #tpu.memory_space<vmem_shared>>
    %dma_wait3A_182 = arith.constant 0 : i32
    %dma_wait3A_183 = arith.constant 0 : i32
    %dma_wait3A_184 = tpu.memref_slice %arg16[%dma_wait3A_182, %dma_wait3A_183] : memref<10240x128xf32, #tpu.memory_space<vmem_shared>> -> memref<128x128xf32, #tpu.memory_space<vmem_shared>>
    tpu.wait_dma2 semaphore(%arg19 : memref<!tpu.dma_semaphore, #tpu.memory_space<semaphore_mem>>) src(%arg14 : memref<128x128xf32, #tpu.memory_space<vmem>>) dst(%dma_wait3A_184 : memref<128x128xf32, #tpu.memory_space<vmem_shared>>)
    %dma_start3A_185 = arith.constant 79 : i32
    %dma_start3A_186 = arith.constant 0 : i32
    %dma_start3A_187 = tpu.memref_slice %arg3[%add3A, %dma_start3A_185, %dma_start3A_186] : memref<32x82x128xi32, #tpu.memory_space<hbm>> -> memref<1x1x128xi32, #tpu.memory_space<hbm>>
    %dma_start3A_188 = tpu.memref_squeeze %dma_start3A_187 : memref<1x1x128xi32, #tpu.memory_space<hbm>> -> memref<1x128xi32, #tpu.memory_space<hbm>>
    %dma_start3A_189 = arith.constant 79 : i32
    %dma_start3A_190 = arith.constant 0 : i32
    %dma_start3A_191 = tpu.memref_slice %arg3[%add3A, %dma_start3A_189, %dma_start3A_190] : memref<32x82x128xi32, #tpu.memory_space<hbm>> -> memref<1x1x128xi32, #tpu.memory_space<hbm>>
    %dma_start3A_192 = tpu.memref_squeeze %dma_start3A_191 : memref<1x1x128xi32, #tpu.memory_space<hbm>> -> memref<1x128xi32, #tpu.memory_space<hbm>>
    tpu.enqueue_dma source(%dma_start3A_192 : memref<1x128xi32, #tpu.memory_space<hbm>>) target(%arg8 : memref<1x128xi32, #tpu.memory_space<vmem>>) target_semaphore(%arg17 : memref<!tpu.dma_semaphore, #tpu.memory_space<semaphore_mem>>)
    %dma_wait3A_193 = arith.constant 0 : i32
    %dma_wait3A_194 = arith.constant 0 : i32
    %dma_wait3A_195 = tpu.memref_slice %arg3[%add3A, %dma_wait3A_193, %dma_wait3A_194] : memref<32x82x128xi32, #tpu.memory_space<hbm>> -> memref<1x1x128xi32, #tpu.memory_space<hbm>>
    %dma_wait3A_196 = tpu.memref_squeeze %dma_wait3A_195 : memref<1x1x128xi32, #tpu.memory_space<hbm>> -> memref<1x128xi32, #tpu.memory_space<hbm>>
    %dma_wait3A_197 = arith.constant 0 : i32
    %dma_wait3A_198 = arith.constant 0 : i32
    %dma_wait3A_199 = tpu.memref_slice %arg3[%add3A, %dma_wait3A_197, %dma_wait3A_198] : memref<32x82x128xi32, #tpu.memory_space<hbm>> -> memref<1x1x128xi32, #tpu.memory_space<hbm>>
    %dma_wait3A_200 = tpu.memref_squeeze %dma_wait3A_199 : memref<1x1x128xi32, #tpu.memory_space<hbm>> -> memref<1x128xi32, #tpu.memory_space<hbm>>
    tpu.wait_dma2 semaphore(%arg17 : memref<!tpu.dma_semaphore, #tpu.memory_space<semaphore_mem>>) src(%dma_wait3A_200 : memref<1x128xi32, #tpu.memory_space<hbm>>) dst(%arg7 : memref<1x128xi32, #tpu.memory_space<vmem>>)
    %dma_start3A_201 = arith.constant 76 : i32
    %dma_start3A_202 = arith.constant 0 : i32
    %dma_start3A_203 = tpu.memref_slice %arg13[%dma_start3A_201, %dma_start3A_202] : memref<80x128xi32, #tpu.memory_space<vmem>> -> memref<1x128xi32, #tpu.memory_space<vmem>>
    %dma_start3A_204 = tpu.memref_squeeze %dma_start3A_203 : memref<1x128xi32, #tpu.memory_space<vmem>> -> memref<128xi32, #tpu.memory_space<vmem>>
    %dma_start3A_205 = arith.constant 0 : i32
    %dma_start3A_206 = arith.constant 0 : i32
    %dma_start3A_207 = tpu.memref_slice %arg2[%dma_start3A_205, %dma_start3A_206] : memref<10240x128xf32, #tpu.memory_space<hbm>> -> memref<10240x128xf32, #tpu.memory_space<hbm>>
    tpu.enqueue_indirect_dma source(%dma_start3A_207 : memref<10240x128xf32, #tpu.memory_space<hbm>>) target(%arg14 : memref<128x128xf32, #tpu.memory_space<vmem>>) offsets(%dma_start3A_204 : memref<128xi32, #tpu.memory_space<vmem>>) semaphore(%arg18 : memref<!tpu.dma_semaphore, #tpu.memory_space<semaphore_mem>>)
    %dma_wait3A_208 = arith.constant 0 : i32
    %dma_wait3A_209 = arith.constant 0 : i32
    %dma_wait3A_210 = tpu.memref_slice %arg2[%dma_wait3A_208, %dma_wait3A_209] : memref<10240x128xf32, #tpu.memory_space<hbm>> -> memref<128x128xf32, #tpu.memory_space<hbm>>
    %dma_wait3A_211 = arith.constant 0 : i32
    %dma_wait3A_212 = arith.constant 0 : i32
    %dma_wait3A_213 = tpu.memref_slice %arg2[%dma_wait3A_211, %dma_wait3A_212] : memref<10240x128xf32, #tpu.memory_space<hbm>> -> memref<128x128xf32, #tpu.memory_space<hbm>>
    tpu.wait_dma2 semaphore(%arg18 : memref<!tpu.dma_semaphore, #tpu.memory_space<semaphore_mem>>) src(%dma_wait3A_213 : memref<128x128xf32, #tpu.memory_space<hbm>>) dst(%arg14 : memref<128x128xf32, #tpu.memory_space<vmem>>)
    %dma_start3A_214 = arith.constant 0 : i32
    %dma_start3A_215 = arith.constant 0 : i32
    %dma_start3A_216 = tpu.memref_slice %arg10[%dma_start3A_214, %dma_start3A_215] : memref<1x128xi32, #tpu.memory_space<vmem>> -> memref<1x128xi32, #tpu.memory_space<vmem>>
    %dma_start3A_217 = tpu.memref_squeeze %dma_start3A_216 : memref<1x128xi32, #tpu.memory_space<vmem>> -> memref<128xi32, #tpu.memory_space<vmem>>
    %dma_start3A_218 = arith.constant 0 : i32
    %dma_start3A_219 = arith.constant 0 : i32
    %dma_start3A_220 = tpu.memref_slice %arg16[%dma_start3A_218, %dma_start3A_219] : memref<10240x128xf32, #tpu.memory_space<vmem_shared>> -> memref<10240x128xf32, #tpu.memory_space<vmem_shared>>
    tpu.enqueue_indirect_dma source(%arg15 : memref<128x128xf32, #tpu.memory_space<vmem>>) target(%dma_start3A_220 : memref<10240x128xf32, #tpu.memory_space<vmem_shared>>) offsets(%dma_start3A_217 : memref<128xi32, #tpu.memory_space<vmem>>) semaphore(%arg19 : memref<!tpu.dma_semaphore, #tpu.memory_space<semaphore_mem>>) {add = true}
    %dma_wait3A_221 = arith.constant 0 : i32
    %dma_wait3A_222 = arith.constant 0 : i32
    %dma_wait3A_223 = tpu.memref_slice %arg16[%dma_wait3A_221, %dma_wait3A_222] : memref<10240x128xf32, #tpu.memory_space<vmem_shared>> -> memref<128x128xf32, #tpu.memory_space<vmem_shared>>
    %dma_wait3A_224 = arith.constant 0 : i32
    %dma_wait3A_225 = arith.constant 0 : i32
    %dma_wait3A_226 = tpu.memref_slice %arg16[%dma_wait3A_224, %dma_wait3A_225] : memref<10240x128xf32, #tpu.memory_space<vmem_shared>> -> memref<128x128xf32, #tpu.memory_space<vmem_shared>>
    tpu.wait_dma2 semaphore(%arg19 : memref<!tpu.dma_semaphore, #tpu.memory_space<semaphore_mem>>) src(%arg14 : memref<128x128xf32, #tpu.memory_space<vmem>>) dst(%dma_wait3A_226 : memref<128x128xf32, #tpu.memory_space<vmem_shared>>)
    %dma_start3A_227 = arith.constant 80 : i32
    %dma_start3A_228 = arith.constant 0 : i32
    %dma_start3A_229 = tpu.memref_slice %arg3[%add3A, %dma_start3A_227, %dma_start3A_228] : memref<32x82x128xi32, #tpu.memory_space<hbm>> -> memref<1x1x128xi32, #tpu.memory_space<hbm>>
    %dma_start3A_230 = tpu.memref_squeeze %dma_start3A_229 : memref<1x1x128xi32, #tpu.memory_space<hbm>> -> memref<1x128xi32, #tpu.memory_space<hbm>>
    %dma_start3A_231 = arith.constant 80 : i32
    %dma_start3A_232 = arith.constant 0 : i32
    %dma_start3A_233 = tpu.memref_slice %arg3[%add3A, %dma_start3A_231, %dma_start3A_232] : memref<32x82x128xi32, #tpu.memory_space<hbm>> -> memref<1x1x128xi32, #tpu.memory_space<hbm>>
    %dma_start3A_234 = tpu.memref_squeeze %dma_start3A_233 : memref<1x1x128xi32, #tpu.memory_space<hbm>> -> memref<1x128xi32, #tpu.memory_space<hbm>>
    tpu.enqueue_dma source(%dma_start3A_234 : memref<1x128xi32, #tpu.memory_space<hbm>>) target(%arg9 : memref<1x128xi32, #tpu.memory_space<vmem>>) target_semaphore(%arg17 : memref<!tpu.dma_semaphore, #tpu.memory_space<semaphore_mem>>)
    %dma_wait3A_235 = arith.constant 0 : i32
    %dma_wait3A_236 = arith.constant 0 : i32
    %dma_wait3A_237 = tpu.memref_slice %arg3[%add3A, %dma_wait3A_235, %dma_wait3A_236] : memref<32x82x128xi32, #tpu.memory_space<hbm>> -> memref<1x1x128xi32, #tpu.memory_space<hbm>>
    %dma_wait3A_238 = tpu.memref_squeeze %dma_wait3A_237 : memref<1x1x128xi32, #tpu.memory_space<hbm>> -> memref<1x128xi32, #tpu.memory_space<hbm>>
    %dma_wait3A_239 = arith.constant 0 : i32
    %dma_wait3A_240 = arith.constant 0 : i32
    %dma_wait3A_241 = tpu.memref_slice %arg3[%add3A, %dma_wait3A_239, %dma_wait3A_240] : memref<32x82x128xi32, #tpu.memory_space<hbm>> -> memref<1x1x128xi32, #tpu.memory_space<hbm>>
    %dma_wait3A_242 = tpu.memref_squeeze %dma_wait3A_241 : memref<1x1x128xi32, #tpu.memory_space<hbm>> -> memref<1x128xi32, #tpu.memory_space<hbm>>
    tpu.wait_dma2 semaphore(%arg17 : memref<!tpu.dma_semaphore, #tpu.memory_space<semaphore_mem>>) src(%dma_wait3A_242 : memref<1x128xi32, #tpu.memory_space<hbm>>) dst(%arg7 : memref<1x128xi32, #tpu.memory_space<vmem>>)
    %dma_start3A_243 = arith.constant 77 : i32
    %dma_start3A_244 = arith.constant 0 : i32
    %dma_start3A_245 = tpu.memref_slice %arg13[%dma_start3A_243, %dma_start3A_244] : memref<80x128xi32, #tpu.memory_space<vmem>> -> memref<1x128xi32, #tpu.memory_space<vmem>>
    %dma_start3A_246 = tpu.memref_squeeze %dma_start3A_245 : memref<1x128xi32, #tpu.memory_space<vmem>> -> memref<128xi32, #tpu.memory_space<vmem>>
    %dma_start3A_247 = arith.constant 0 : i32
    %dma_start3A_248 = arith.constant 0 : i32
    %dma_start3A_249 = tpu.memref_slice %arg2[%dma_start3A_247, %dma_start3A_248] : memref<10240x128xf32, #tpu.memory_space<hbm>> -> memref<10240x128xf32, #tpu.memory_space<hbm>>
    tpu.enqueue_indirect_dma source(%dma_start3A_249 : memref<10240x128xf32, #tpu.memory_space<hbm>>) target(%arg15 : memref<128x128xf32, #tpu.memory_space<vmem>>) offsets(%dma_start3A_246 : memref<128xi32, #tpu.memory_space<vmem>>) semaphore(%arg18 : memref<!tpu.dma_semaphore, #tpu.memory_space<semaphore_mem>>)
    %dma_wait3A_250 = arith.constant 0 : i32
    %dma_wait3A_251 = arith.constant 0 : i32
    %dma_wait3A_252 = tpu.memref_slice %arg2[%dma_wait3A_250, %dma_wait3A_251] : memref<10240x128xf32, #tpu.memory_space<hbm>> -> memref<128x128xf32, #tpu.memory_space<hbm>>
    %dma_wait3A_253 = arith.constant 0 : i32
    %dma_wait3A_254 = arith.constant 0 : i32
    %dma_wait3A_255 = tpu.memref_slice %arg2[%dma_wait3A_253, %dma_wait3A_254] : memref<10240x128xf32, #tpu.memory_space<hbm>> -> memref<128x128xf32, #tpu.memory_space<hbm>>
    tpu.wait_dma2 semaphore(%arg18 : memref<!tpu.dma_semaphore, #tpu.memory_space<semaphore_mem>>) src(%dma_wait3A_255 : memref<128x128xf32, #tpu.memory_space<hbm>>) dst(%arg14 : memref<128x128xf32, #tpu.memory_space<vmem>>)
    %dma_start3A_256 = arith.constant 0 : i32
    %dma_start3A_257 = arith.constant 0 : i32
    %dma_start3A_258 = tpu.memref_slice %arg11[%dma_start3A_256, %dma_start3A_257] : memref<1x128xi32, #tpu.memory_space<vmem>> -> memref<1x128xi32, #tpu.memory_space<vmem>>
    %dma_start3A_259 = tpu.memref_squeeze %dma_start3A_258 : memref<1x128xi32, #tpu.memory_space<vmem>> -> memref<128xi32, #tpu.memory_space<vmem>>
    %dma_start3A_260 = arith.constant 0 : i32
    %dma_start3A_261 = arith.constant 0 : i32
    %dma_start3A_262 = tpu.memref_slice %arg16[%dma_start3A_260, %dma_start3A_261] : memref<10240x128xf32, #tpu.memory_space<vmem_shared>> -> memref<10240x128xf32, #tpu.memory_space<vmem_shared>>
    tpu.enqueue_indirect_dma source(%arg14 : memref<128x128xf32, #tpu.memory_space<vmem>>) target(%dma_start3A_262 : memref<10240x128xf32, #tpu.memory_space<vmem_shared>>) offsets(%dma_start3A_259 : memref<128xi32, #tpu.memory_space<vmem>>) semaphore(%arg19 : memref<!tpu.dma_semaphore, #tpu.memory_space<semaphore_mem>>) {add = true}
    %dma_wait3A_263 = arith.constant 0 : i32
    %dma_wait3A_264 = arith.constant 0 : i32
    %dma_wait3A_265 = tpu.memref_slice %arg16[%dma_wait3A_263, %dma_wait3A_264] : memref<10240x128xf32, #tpu.memory_space<vmem_shared>> -> memref<128x128xf32, #tpu.memory_space<vmem_shared>>
    %dma_wait3A_266 = arith.constant 0 : i32
    %dma_wait3A_267 = arith.constant 0 : i32
    %dma_wait3A_268 = tpu.memref_slice %arg16[%dma_wait3A_266, %dma_wait3A_267] : memref<10240x128xf32, #tpu.memory_space<vmem_shared>> -> memref<128x128xf32, #tpu.memory_space<vmem_shared>>
    tpu.wait_dma2 semaphore(%arg19 : memref<!tpu.dma_semaphore, #tpu.memory_space<semaphore_mem>>) src(%arg14 : memref<128x128xf32, #tpu.memory_space<vmem>>) dst(%dma_wait3A_268 : memref<128x128xf32, #tpu.memory_space<vmem_shared>>)
    %dma_start3A_269 = arith.constant 81 : i32
    %dma_start3A_270 = arith.constant 0 : i32
    %dma_start3A_271 = tpu.memref_slice %arg3[%add3A, %dma_start3A_269, %dma_start3A_270] : memref<32x82x128xi32, #tpu.memory_space<hbm>> -> memref<1x1x128xi32, #tpu.memory_space<hbm>>
    %dma_start3A_272 = tpu.memref_squeeze %dma_start3A_271 : memref<1x1x128xi32, #tpu.memory_space<hbm>> -> memref<1x128xi32, #tpu.memory_space<hbm>>
    %dma_start3A_273 = arith.constant 81 : i32
    %dma_start3A_274 = arith.constant 0 : i32
    %dma_start3A_275 = tpu.memref_slice %arg3[%add3A, %dma_start3A_273, %dma_start3A_274] : memref<32x82x128xi32, #tpu.memory_space<hbm>> -> memref<1x1x128xi32, #tpu.memory_space<hbm>>
    %dma_start3A_276 = tpu.memref_squeeze %dma_start3A_275 : memref<1x1x128xi32, #tpu.memory_space<hbm>> -> memref<1x128xi32, #tpu.memory_space<hbm>>
    tpu.enqueue_dma source(%dma_start3A_276 : memref<1x128xi32, #tpu.memory_space<hbm>>) target(%arg10 : memref<1x128xi32, #tpu.memory_space<vmem>>) target_semaphore(%arg17 : memref<!tpu.dma_semaphore, #tpu.memory_space<semaphore_mem>>)
    %dma_wait3A_277 = arith.constant 0 : i32
    %dma_wait3A_278 = arith.constant 0 : i32
    %dma_wait3A_279 = tpu.memref_slice %arg3[%add3A, %dma_wait3A_277, %dma_wait3A_278] : memref<32x82x128xi32, #tpu.memory_space<hbm>> -> memref<1x1x128xi32, #tpu.memory_space<hbm>>
    %dma_wait3A_280 = tpu.memref_squeeze %dma_wait3A_279 : memref<1x1x128xi32, #tpu.memory_space<hbm>> -> memref<1x128xi32, #tpu.memory_space<hbm>>
    %dma_wait3A_281 = arith.constant 0 : i32
    %dma_wait3A_282 = arith.constant 0 : i32
    %dma_wait3A_283 = tpu.memref_slice %arg3[%add3A, %dma_wait3A_281, %dma_wait3A_282] : memref<32x82x128xi32, #tpu.memory_space<hbm>> -> memref<1x1x128xi32, #tpu.memory_space<hbm>>
    %dma_wait3A_284 = tpu.memref_squeeze %dma_wait3A_283 : memref<1x1x128xi32, #tpu.memory_space<hbm>> -> memref<1x128xi32, #tpu.memory_space<hbm>>
    tpu.wait_dma2 semaphore(%arg17 : memref<!tpu.dma_semaphore, #tpu.memory_space<semaphore_mem>>) src(%dma_wait3A_284 : memref<1x128xi32, #tpu.memory_space<hbm>>) dst(%arg7 : memref<1x128xi32, #tpu.memory_space<vmem>>)
    %dma_start3A_285 = arith.constant 78 : i32
    %dma_start3A_286 = arith.constant 0 : i32
    %dma_start3A_287 = tpu.memref_slice %arg13[%dma_start3A_285, %dma_start3A_286] : memref<80x128xi32, #tpu.memory_space<vmem>> -> memref<1x128xi32, #tpu.memory_space<vmem>>
    %dma_start3A_288 = tpu.memref_squeeze %dma_start3A_287 : memref<1x128xi32, #tpu.memory_space<vmem>> -> memref<128xi32, #tpu.memory_space<vmem>>
    %dma_start3A_289 = arith.constant 0 : i32
    %dma_start3A_290 = arith.constant 0 : i32
    %dma_start3A_291 = tpu.memref_slice %arg2[%dma_start3A_289, %dma_start3A_290] : memref<10240x128xf32, #tpu.memory_space<hbm>> -> memref<10240x128xf32, #tpu.memory_space<hbm>>
    tpu.enqueue_indirect_dma source(%dma_start3A_291 : memref<10240x128xf32, #tpu.memory_space<hbm>>) target(%arg14 : memref<128x128xf32, #tpu.memory_space<vmem>>) offsets(%dma_start3A_288 : memref<128xi32, #tpu.memory_space<vmem>>) semaphore(%arg18 : memref<!tpu.dma_semaphore, #tpu.memory_space<semaphore_mem>>)
    %dma_wait3A_292 = arith.constant 0 : i32
    %dma_wait3A_293 = arith.constant 0 : i32
    %dma_wait3A_294 = tpu.memref_slice %arg2[%dma_wait3A_292, %dma_wait3A_293] : memref<10240x128xf32, #tpu.memory_space<hbm>> -> memref<128x128xf32, #tpu.memory_space<hbm>>
    %dma_wait3A_295 = arith.constant 0 : i32
    %dma_wait3A_296 = arith.constant 0 : i32
    %dma_wait3A_297 = tpu.memref_slice %arg2[%dma_wait3A_295, %dma_wait3A_296] : memref<10240x128xf32, #tpu.memory_space<hbm>> -> memref<128x128xf32, #tpu.memory_space<hbm>>
    tpu.wait_dma2 semaphore(%arg18 : memref<!tpu.dma_semaphore, #tpu.memory_space<semaphore_mem>>) src(%dma_wait3A_297 : memref<128x128xf32, #tpu.memory_space<hbm>>) dst(%arg14 : memref<128x128xf32, #tpu.memory_space<vmem>>)
    %dma_start3A_298 = arith.constant 0 : i32
    %dma_start3A_299 = arith.constant 0 : i32
    %dma_start3A_300 = tpu.memref_slice %arg12[%dma_start3A_298, %dma_start3A_299] : memref<1x128xi32, #tpu.memory_space<vmem>> -> memref<1x128xi32, #tpu.memory_space<vmem>>
    %dma_start3A_301 = tpu.memref_squeeze %dma_start3A_300 : memref<1x128xi32, #tpu.memory_space<vmem>> -> memref<128xi32, #tpu.memory_space<vmem>>
    %dma_start3A_302 = arith.constant 0 : i32
    %dma_start3A_303 = arith.constant 0 : i32
    %dma_start3A_304 = tpu.memref_slice %arg16[%dma_start3A_302, %dma_start3A_303] : memref<10240x128xf32, #tpu.memory_space<vmem_shared>> -> memref<10240x128xf32, #tpu.memory_space<vmem_shared>>
    tpu.enqueue_indirect_dma source(%arg15 : memref<128x128xf32, #tpu.memory_space<vmem>>) target(%dma_start3A_304 : memref<10240x128xf32, #tpu.memory_space<vmem_shared>>) offsets(%dma_start3A_301 : memref<128xi32, #tpu.memory_space<vmem>>) semaphore(%arg19 : memref<!tpu.dma_semaphore, #tpu.memory_space<semaphore_mem>>) {add = true}
    %dma_wait3A_305 = arith.constant 0 : i32
    %dma_wait3A_306 = arith.constant 0 : i32
    %dma_wait3A_307 = tpu.memref_slice %arg2[%dma_wait3A_305, %dma_wait3A_306] : memref<10240x128xf32, #tpu.memory_space<hbm>> -> memref<128x128xf32, #tpu.memory_space<hbm>>
    %dma_wait3A_308 = arith.constant 0 : i32
    %dma_wait3A_309 = arith.constant 0 : i32
    %dma_wait3A_310 = tpu.memref_slice %arg2[%dma_wait3A_308, %dma_wait3A_309] : memref<10240x128xf32, #tpu.memory_space<hbm>> -> memref<128x128xf32, #tpu.memory_space<hbm>>
    tpu.wait_dma2 semaphore(%arg18 : memref<!tpu.dma_semaphore, #tpu.memory_space<semaphore_mem>>) src(%dma_wait3A_310 : memref<128x128xf32, #tpu.memory_space<hbm>>) dst(%arg14 : memref<128x128xf32, #tpu.memory_space<vmem>>)
    %dma_start3A_311 = arith.constant 0 : i32
    %dma_start3A_312 = arith.constant 0 : i32
    %dma_start3A_313 = tpu.memref_slice %arg7[%dma_start3A_311, %dma_start3A_312] : memref<1x128xi32, #tpu.memory_space<vmem>> -> memref<1x128xi32, #tpu.memory_space<vmem>>
    %dma_start3A_314 = tpu.memref_squeeze %dma_start3A_313 : memref<1x128xi32, #tpu.memory_space<vmem>> -> memref<128xi32, #tpu.memory_space<vmem>>
    %dma_start3A_315 = arith.constant 0 : i32
    %dma_start3A_316 = arith.constant 0 : i32
    %dma_start3A_317 = tpu.memref_slice %arg16[%dma_start3A_315, %dma_start3A_316] : memref<10240x128xf32, #tpu.memory_space<vmem_shared>> -> memref<10240x128xf32, #tpu.memory_space<vmem_shared>>
    tpu.enqueue_indirect_dma source(%arg14 : memref<128x128xf32, #tpu.memory_space<vmem>>) target(%dma_start3A_317 : memref<10240x128xf32, #tpu.memory_space<vmem_shared>>) offsets(%dma_start3A_314 : memref<128xi32, #tpu.memory_space<vmem>>) semaphore(%arg19 : memref<!tpu.dma_semaphore, #tpu.memory_space<semaphore_mem>>) {add = true}
    %dma_wait3A_318 = arith.constant 0 : i32
    %dma_wait3A_319 = arith.constant 0 : i32
    %dma_wait3A_320 = tpu.memref_slice %arg16[%dma_wait3A_318, %dma_wait3A_319] : memref<10240x128xf32, #tpu.memory_space<vmem_shared>> -> memref<128x128xf32, #tpu.memory_space<vmem_shared>>
    %dma_wait3A_321 = arith.constant 0 : i32
    %dma_wait3A_322 = arith.constant 0 : i32
    %dma_wait3A_323 = tpu.memref_slice %arg16[%dma_wait3A_321, %dma_wait3A_322] : memref<10240x128xf32, #tpu.memory_space<vmem_shared>> -> memref<128x128xf32, #tpu.memory_space<vmem_shared>>
    tpu.wait_dma2 semaphore(%arg19 : memref<!tpu.dma_semaphore, #tpu.memory_space<semaphore_mem>>) src(%arg14 : memref<128x128xf32, #tpu.memory_space<vmem>>) dst(%dma_wait3A_323 : memref<128x128xf32, #tpu.memory_space<vmem_shared>>)
    %dma_wait3A_324 = arith.constant 0 : i32
    %dma_wait3A_325 = arith.constant 0 : i32
    %dma_wait3A_326 = tpu.memref_slice %arg16[%dma_wait3A_324, %dma_wait3A_325] : memref<10240x128xf32, #tpu.memory_space<vmem_shared>> -> memref<128x128xf32, #tpu.memory_space<vmem_shared>>
    %dma_wait3A_327 = arith.constant 0 : i32
    %dma_wait3A_328 = arith.constant 0 : i32
    %dma_wait3A_329 = tpu.memref_slice %arg16[%dma_wait3A_327, %dma_wait3A_328] : memref<10240x128xf32, #tpu.memory_space<vmem_shared>> -> memref<128x128xf32, #tpu.memory_space<vmem_shared>>
    tpu.wait_dma2 semaphore(%arg19 : memref<!tpu.dma_semaphore, #tpu.memory_space<semaphore_mem>>) src(%arg14 : memref<128x128xf32, #tpu.memory_space<vmem>>) dst(%dma_wait3A_329 : memref<128x128xf32, #tpu.memory_space<vmem_shared>>)
    %dma_wait3A_330 = arith.constant 0 : i32
    %dma_wait3A_331 = arith.constant 0 : i32
    %dma_wait3A_332 = tpu.memref_slice %arg3[%add3A, %dma_wait3A_330, %dma_wait3A_331] : memref<32x82x128xi32, #tpu.memory_space<hbm>> -> memref<1x1x128xi32, #tpu.memory_space<hbm>>
    %dma_wait3A_333 = tpu.memref_squeeze %dma_wait3A_332 : memref<1x1x128xi32, #tpu.memory_space<hbm>> -> memref<1x128xi32, #tpu.memory_space<hbm>>
    %dma_wait3A_334 = arith.constant 0 : i32
    %dma_wait3A_335 = arith.constant 0 : i32
    %dma_wait3A_336 = tpu.memref_slice %arg3[%add3A, %dma_wait3A_334, %dma_wait3A_335] : memref<32x82x128xi32, #tpu.memory_space<hbm>> -> memref<1x1x128xi32, #tpu.memory_space<hbm>>
    %dma_wait3A_337 = tpu.memref_squeeze %dma_wait3A_336 : memref<1x1x128xi32, #tpu.memory_space<hbm>> -> memref<1x128xi32, #tpu.memory_space<hbm>>
    tpu.wait_dma2 semaphore(%arg17 : memref<!tpu.dma_semaphore, #tpu.memory_space<semaphore_mem>>) src(%dma_wait3A_337 : memref<1x128xi32, #tpu.memory_space<hbm>>) dst(%arg7 : memref<1x128xi32, #tpu.memory_space<vmem>>)
    %dma_wait3A_338 = arith.constant 0 : i32
    %dma_wait3A_339 = arith.constant 0 : i32
    %dma_wait3A_340 = tpu.memref_slice %arg3[%add3A, %dma_wait3A_338, %dma_wait3A_339] : memref<32x82x128xi32, #tpu.memory_space<hbm>> -> memref<1x1x128xi32, #tpu.memory_space<hbm>>
    %dma_wait3A_341 = tpu.memref_squeeze %dma_wait3A_340 : memref<1x1x128xi32, #tpu.memory_space<hbm>> -> memref<1x128xi32, #tpu.memory_space<hbm>>
    %dma_wait3A_342 = arith.constant 0 : i32
    %dma_wait3A_343 = arith.constant 0 : i32
    %dma_wait3A_344 = tpu.memref_slice %arg3[%add3A, %dma_wait3A_342, %dma_wait3A_343] : memref<32x82x128xi32, #tpu.memory_space<hbm>> -> memref<1x1x128xi32, #tpu.memory_space<hbm>>
    %dma_wait3A_345 = tpu.memref_squeeze %dma_wait3A_344 : memref<1x1x128xi32, #tpu.memory_space<hbm>> -> memref<1x128xi32, #tpu.memory_space<hbm>>
    tpu.wait_dma2 semaphore(%arg17 : memref<!tpu.dma_semaphore, #tpu.memory_space<semaphore_mem>>) src(%dma_wait3A_345 : memref<1x128xi32, #tpu.memory_space<hbm>>) dst(%arg7 : memref<1x128xi32, #tpu.memory_space<vmem>>)
    %dma_wait3A_346 = arith.constant 0 : i32
    %dma_wait3A_347 = arith.constant 0 : i32
    %dma_wait3A_348 = tpu.memref_slice %arg3[%add3A, %dma_wait3A_346, %dma_wait3A_347] : memref<32x82x128xi32, #tpu.memory_space<hbm>> -> memref<1x1x128xi32, #tpu.memory_space<hbm>>
    %dma_wait3A_349 = tpu.memref_squeeze %dma_wait3A_348 : memref<1x1x128xi32, #tpu.memory_space<hbm>> -> memref<1x128xi32, #tpu.memory_space<hbm>>
    %dma_wait3A_350 = arith.constant 0 : i32
    %dma_wait3A_351 = arith.constant 0 : i32
    %dma_wait3A_352 = tpu.memref_slice %arg3[%add3A, %dma_wait3A_350, %dma_wait3A_351] : memref<32x82x128xi32, #tpu.memory_space<hbm>> -> memref<1x1x128xi32, #tpu.memory_space<hbm>>
    %dma_wait3A_353 = tpu.memref_squeeze %dma_wait3A_352 : memref<1x1x128xi32, #tpu.memory_space<hbm>> -> memref<1x128xi32, #tpu.memory_space<hbm>>
    tpu.wait_dma2 semaphore(%arg17 : memref<!tpu.dma_semaphore, #tpu.memory_space<semaphore_mem>>) src(%dma_wait3A_353 : memref<1x128xi32, #tpu.memory_space<hbm>>) dst(%arg7 : memref<1x128xi32, #tpu.memory_space<vmem>>)
    %barrier3A_354 = arith.constant 0 : index
    tpu.barrier barrier_id(%barrier3A_354)
    %mul3A_355 = arith.constant 10240 : i32
    %mul3A_356 = arith.muli %arg0, %mul3A_355 : i32
    %mul3A_357 = arith.constant 640 : i32
    %mul3A_358 = arith.muli %arg1, %mul3A_357 : i32
    %add3A_359 = arith.addi %mul3A_356, %mul3A_358 : i32
    "tpu.region"() ({
      %run_scoped3A = tpu.sem_alloc : memref<!tpu.dma_semaphore, #tpu.memory_space<semaphore_mem>>
      %dma_start3A_360 = arith.constant 0 : i32
      %dma_start3A_361 = tpu.memref_slice %arg6[%add3A_359, %dma_start3A_360] : memref<20480x128xf32, #tpu.memory_space<hbm>> -> memref<640x128xf32, #tpu.memory_space<hbm>>
      %dma_start3A_362 = arith.constant 0 : i32
      %dma_start3A_363 = tpu.memref_slice %arg16[%mul3A_25, %dma_start3A_362] : memref<10240x128xf32, #tpu.memory_space<vmem_shared>> -> memref<640x128xf32, #tpu.memory_space<vmem_shared>>
      tpu.enqueue_dma source(%dma_start3A_363 : memref<640x128xf32, #tpu.memory_space<vmem_shared>>) target(%dma_start3A_361 : memref<640x128xf32, #tpu.memory_space<hbm>>) target_semaphore(%run_scoped3A : memref<!tpu.dma_semaphore, #tpu.memory_space<semaphore_mem>>)
      %dma_wait3A_364 = arith.constant 0 : i32
      %dma_wait3A_365 = tpu.memref_slice %arg6[%add3A_359, %dma_wait3A_364] : memref<20480x128xf32, #tpu.memory_space<hbm>> -> memref<640x128xf32, #tpu.memory_space<hbm>>
      %dma_wait3A_366 = arith.constant 0 : i32
      %dma_wait3A_367 = tpu.memref_slice %arg16[%mul3A_25, %dma_wait3A_366] : memref<10240x128xf32, #tpu.memory_space<vmem_shared>> -> memref<640x128xf32, #tpu.memory_space<vmem_shared>>
      tpu.wait_dma2 semaphore(%run_scoped3A : memref<!tpu.dma_semaphore, #tpu.memory_space<semaphore_mem>>) src(%dma_wait3A_367 : memref<640x128xf32, #tpu.memory_space<vmem_shared>>) dst(%dma_wait3A_365 : memref<640x128xf32, #tpu.memory_space<hbm>>)
      tpu.yield
    }) : () -> ()
    return
  }
}

module attributes {stable_mosaic.version = 14 : i64} {
  func.func @_tc_pre_body(%arg0: i32, %arg1: memref<512x128xf32, #tpu.memory_space<vmem>>, %arg2: memref<128x128xf32, #tpu.memory_space<vmem>>, %arg3: memref<2x512xf32, #tpu.memory_space<vmem>>, %arg4: memref<2x512xf32, #tpu.memory_space<vmem>>, %arg5: memref<512x128xf32, #tpu.memory_space<vmem>>, %arg6: memref<512x1xf32, #tpu.memory_space<vmem>>, %arg7: memref<512x1xf32, #tpu.memory_space<vmem>>) attributes {dimension_semantics = [#tpu.dimension_semantics<arbitrary>], iteration_bounds = array<i64: 20>, scalar_prefetch = 0 : i64, scratch_operands = 0 : i64, tpu.core_type = #tpu.core_type<tc>, window_params = [{transform_indices = @transform_0, window_bounds = array<i64: 512, 128>}, {pipeline_mode = #tpu.pipeline_mode<synchronous>, transform_indices = @transform_1, window_bounds = array<i64: 128, 128>}, {transform_indices = @transform_2, window_bounds = array<i64: 2, 512>}, {transform_indices = @transform_3, window_bounds = array<i64: 2, 512>}, {transform_indices = @transform_4, window_bounds = array<i64: 512, 128>}, {transform_indices = @transform_5, window_bounds = array<i64: 512, 1>}, {transform_indices = @transform_6, window_bounds = array<i64: 512, 1>}]} {
    %get3A = arith.constant 0 : index
    %get3A_0 = arith.constant 0 : index
    %get3A_1 = vector.load %arg4[%get3A, %get3A_0] : memref<2x512xf32, #tpu.memory_space<vmem>>, vector<1x512xf32>
    %get3A_2 = vector.shape_cast %get3A_1 : vector<1x512xf32> to vector<512xf32>
    %get3A_3 = arith.constant 1 : index
    %get3A_4 = arith.constant 0 : index
    %get3A_5 = vector.load %arg4[%get3A_3, %get3A_4] : memref<2x512xf32, #tpu.memory_space<vmem>>, vector<1x512xf32>
    %get3A_6 = vector.shape_cast %get3A_5 : vector<1x512xf32> to vector<512xf32>
    %add3A = arith.addf %get3A_2, %get3A_6 : vector<512xf32>
    %add3A_7 = arith.constant 1.000000e+00 : f32
    %add3A_8 = vector.broadcast %add3A_7 : f32 to vector<512xf32>
    %add3A_9 = arith.addf %add3A, %add3A_8 : vector<512xf32>
    %rsqrt3A = math.rsqrt %add3A_9 : vector<512xf32>
    %reshape3A = vector.shape_cast %rsqrt3A : vector<512xf32> to vector<1x512xf32>
    %transpose3A = tpu.transpose %reshape3A, [1, 0] : vector<1x512xf32> -> vector<512x1xf32>
    %get3A_10 = arith.constant 0 : index
    %get3A_11 = arith.constant 0 : index
    %get3A_12 = vector.load %arg3[%get3A_10, %get3A_11] : memref<2x512xf32, #tpu.memory_space<vmem>>, vector<1x512xf32>
    %get3A_13 = vector.shape_cast %get3A_12 : vector<1x512xf32> to vector<512xf32>
    %get3A_14 = arith.constant 1 : index
    %get3A_15 = arith.constant 0 : index
    %get3A_16 = vector.load %arg3[%get3A_14, %get3A_15] : memref<2x512xf32, #tpu.memory_space<vmem>>, vector<1x512xf32>
    %get3A_17 = vector.shape_cast %get3A_16 : vector<1x512xf32> to vector<512xf32>
    %add3A_18 = arith.addf %get3A_13, %get3A_17 : vector<512xf32>
    %add3A_19 = arith.constant 1.000000e+00 : f32
    %add3A_20 = vector.broadcast %add3A_19 : f32 to vector<512xf32>
    %add3A_21 = arith.addf %add3A_18, %add3A_20 : vector<512xf32>
    %div3A = arith.constant 1.000000e+00 : f32
    %div3A_22 = vector.broadcast %div3A : f32 to vector<512xf32>
    %div3A_23 = arith.divf %div3A_22, %add3A_21 : vector<512xf32>
    %reshape3A_24 = vector.shape_cast %div3A_23 : vector<512xf32> to vector<1x512xf32>
    %transpose3A_25 = tpu.transpose %reshape3A_24, [1, 0] : vector<1x512xf32> -> vector<512x1xf32>
    %get3A_26 = arith.constant 0 : index
    %get3A_27 = arith.constant 0 : index
    %get3A_28 = vector.load %arg1[%get3A_26, %get3A_27] : memref<512x128xf32, #tpu.memory_space<vmem>>, vector<512x128xf32>
    %get3A_29 = arith.constant 0 : index
    %get3A_30 = arith.constant 0 : index
    %get3A_31 = vector.load %arg2[%get3A_29, %get3A_30] : memref<128x128xf32, #tpu.memory_space<vmem>>, vector<128x128xf32>
    %dot_general3A = arith.constant dense<0.000000e+00> : vector<512x128xf32>
    %dot_general3A_32 = tpu.matmul %get3A_28, %get3A_31, %dot_general3A {dimension_numbers = #tpu.dot_dimension_numbers<[1], [0], [0], [1], [0, 0, 1, 1], [], []>, transpose_lhs_hint = false} : vector<512x128xf32>, vector<128x128xf32>, vector<512x128xf32> -> vector<512x128xf32>
    %mul3A = vector.broadcast %transpose3A : vector<512x1xf32> to vector<512x128xf32>
    %mul3A_33 = arith.mulf %dot_general3A_32, %mul3A : vector<512x128xf32>
    %swap3A = arith.constant 0 : index
    %swap3A_34 = arith.constant 0 : index
    %swap3A_35 = vector.load %arg5[%swap3A, %swap3A_34] : memref<512x128xf32, #tpu.memory_space<vmem>>, vector<512x128xf32>
    tpu.vector_store %arg5[%swap3A, %swap3A_34], %mul3A_33 {strides = array<i32>} : memref<512x128xf32, #tpu.memory_space<vmem>>, vector<512x128xf32>,
    %swap3A_36 = arith.constant 0 : index
    %swap3A_37 = arith.constant 0 : index
    %swap3A_38 = vector.load %arg6[%swap3A_36, %swap3A_37] : memref<512x1xf32, #tpu.memory_space<vmem>>, vector<512x1xf32>
    tpu.vector_store %arg6[%swap3A_36, %swap3A_37], %transpose3A {strides = array<i32>} : memref<512x1xf32, #tpu.memory_space<vmem>>, vector<512x1xf32>,
    %swap3A_39 = arith.constant 0 : index
    %swap3A_40 = arith.constant 0 : index
    %swap3A_41 = vector.load %arg7[%swap3A_39, %swap3A_40] : memref<512x1xf32, #tpu.memory_space<vmem>>, vector<512x1xf32>
    tpu.vector_store %arg7[%swap3A_39, %swap3A_40], %transpose3A_25 {strides = array<i32>} : memref<512x1xf32, #tpu.memory_space<vmem>>, vector<512x1xf32>,
    return
  }
  func.func @transform_0(%arg0: i32) -> (i32, i32) {
    %c0_i32 = arith.constant 0 : i32
    %c0_i32_0 = arith.constant 0 : i32
    return %arg0, %c0_i32 : i32, i32
  }
  func.func @transform_1(%arg0: i32) -> (i32, i32) {
    %c0_i32 = arith.constant 0 : i32
    %c0_i32_0 = arith.constant 0 : i32
    %c0_i32_1 = arith.constant 0 : i32
    return %c0_i32, %c0_i32_0 : i32, i32
  }
  func.func @transform_2(%arg0: i32) -> (i32, i32) {
    %c0_i32 = arith.constant 0 : i32
    %c0_i32_0 = arith.constant 0 : i32
    return %c0_i32, %arg0 : i32, i32
  }
  func.func @transform_3(%arg0: i32) -> (i32, i32) {
    %add3A = arith.constant 20 : i32
    %add3A_0 = arith.addi %arg0, %add3A : i32
    %c0_i32 = arith.constant 0 : i32
    %c0_i32_1 = arith.constant 0 : i32
    return %c0_i32, %add3A_0 : i32, i32
  }
  func.func @transform_4(%arg0: i32) -> (i32, i32) {
    %c0_i32 = arith.constant 0 : i32
    %c0_i32_0 = arith.constant 0 : i32
    return %arg0, %c0_i32 : i32, i32
  }
  func.func @transform_5(%arg0: i32) -> (i32, i32) {
    %c0_i32 = arith.constant 0 : i32
    %c0_i32_0 = arith.constant 0 : i32
    return %arg0, %c0_i32 : i32, i32
  }
  func.func @transform_6(%arg0: i32) -> (i32, i32) {
    %c0_i32 = arith.constant 0 : i32
    %c0_i32_0 = arith.constant 0 : i32
    return %arg0, %c0_i32 : i32, i32
  }
}

module attributes {stable_mosaic.version = 14 : i64} {
  func.func @_tc_step_body(%arg0: i32, %arg1: memref<2x512x128xf32, #tpu.memory_space<vmem>>, %arg2: memref<512x128xf32, #tpu.memory_space<vmem>>, %arg3: memref<512x1xf32, #tpu.memory_space<vmem>>, %arg4: memref<512x1xf32, #tpu.memory_space<vmem>>, %arg5: memref<1x128xf32, #tpu.memory_space<vmem>>, %arg6: memref<1x128xf32, #tpu.memory_space<vmem>>, %arg7: memref<128x128xf32, #tpu.memory_space<vmem>>, %arg8: memref<512x128xf32, #tpu.memory_space<vmem>>, %arg9: memref<512x128xf32, #tpu.memory_space<vmem>>) attributes {dimension_semantics = [#tpu.dimension_semantics<arbitrary>], iteration_bounds = array<i64: 20>, scalar_prefetch = 0 : i64, scratch_operands = 0 : i64, tpu.core_type = #tpu.core_type<tc>, window_params = [{transform_indices = @transform_0, window_bounds = array<i64: 2, 512, 128>}, {transform_indices = @transform_1, window_bounds = array<i64: 512, 128>}, {transform_indices = @transform_2, window_bounds = array<i64: 512, 1>}, {transform_indices = @transform_3, window_bounds = array<i64: 512, 1>}, {pipeline_mode = #tpu.pipeline_mode<synchronous>, transform_indices = @transform_4, window_bounds = array<i64: 1, 128>}, {pipeline_mode = #tpu.pipeline_mode<synchronous>, transform_indices = @transform_5, window_bounds = array<i64: 1, 128>}, {pipeline_mode = #tpu.pipeline_mode<synchronous>, transform_indices = @transform_6, window_bounds = array<i64: 128, 128>}, {transform_indices = @transform_7, window_bounds = array<i64: 512, 128>}, {transform_indices = @transform_8, window_bounds = array<i64: 512, 128>}]} {
    %get3A = arith.constant 0 : index
    %get3A_0 = arith.constant 0 : index
    %get3A_1 = arith.constant 0 : index
    %get3A_2 = vector.load %arg1[%get3A, %get3A_0, %get3A_1] : memref<2x512x128xf32, #tpu.memory_space<vmem>>, vector<1x512x128xf32>
    %get3A_3 = vector.shape_cast %get3A_2 : vector<1x512x128xf32> to vector<512x128xf32>
    %get3A_4 = arith.constant 1 : index
    %get3A_5 = arith.constant 0 : index
    %get3A_6 = arith.constant 0 : index
    %get3A_7 = vector.load %arg1[%get3A_4, %get3A_5, %get3A_6] : memref<2x512x128xf32, #tpu.memory_space<vmem>>, vector<1x512x128xf32>
    %get3A_8 = vector.shape_cast %get3A_7 : vector<1x512x128xf32> to vector<512x128xf32>
    %add3A = arith.addf %get3A_3, %get3A_8 : vector<512x128xf32>
    %get3A_9 = arith.constant 0 : index
    %get3A_10 = arith.constant 0 : index
    %get3A_11 = vector.load %arg3[%get3A_9, %get3A_10] : memref<512x1xf32, #tpu.memory_space<vmem>>, vector<512x1xf32>
    %mul3A = vector.broadcast %get3A_11 : vector<512x1xf32> to vector<512x128xf32>
    %mul3A_12 = arith.mulf %mul3A, %add3A : vector<512x128xf32>
    %get3A_13 = arith.constant 0 : index
    %get3A_14 = arith.constant 0 : index
    %get3A_15 = vector.load %arg5[%get3A_13, %get3A_14] : memref<1x128xf32, #tpu.memory_space<vmem>>, vector<1x128xf32>
    %add3A_16 = vector.broadcast %get3A_15 : vector<1x128xf32> to vector<512x128xf32>
    %add3A_17 = arith.addf %mul3A_12, %add3A_16 : vector<512x128xf32>
    %get3A_18 = arith.constant 0 : index
    %get3A_19 = arith.constant 0 : index
    %get3A_20 = vector.load %arg2[%get3A_18, %get3A_19] : memref<512x128xf32, #tpu.memory_space<vmem>>, vector<512x128xf32>
    %get3A_21 = arith.constant 0 : index
    %get3A_22 = arith.constant 0 : index
    %get3A_23 = vector.load %arg6[%get3A_21, %get3A_22] : memref<1x128xf32, #tpu.memory_space<vmem>>, vector<1x128xf32>
    %add3A_24 = vector.broadcast %get3A_23 : vector<1x128xf32> to vector<512x128xf32>
    %add3A_25 = arith.addf %get3A_20, %add3A_24 : vector<512x128xf32>
    %max3A = arith.constant 0.000000e+00 : f32
    %max3A_26 = vector.broadcast %max3A : f32 to vector<512x128xf32>
    %max3A_27 = arith.maximumf %add3A_25, %max3A_26 : vector<512x128xf32>
    %get3A_28 = arith.constant 0 : index
    %get3A_29 = arith.constant 0 : index
    %get3A_30 = vector.load %arg4[%get3A_28, %get3A_29] : memref<512x1xf32, #tpu.memory_space<vmem>>, vector<512x1xf32>
    %mul3A_31 = vector.broadcast %get3A_30 : vector<512x1xf32> to vector<512x128xf32>
    %mul3A_32 = arith.mulf %max3A_27, %mul3A_31 : vector<512x128xf32>
    %add3A_33 = arith.addf %add3A_17, %mul3A_32 : vector<512x128xf32>
    %swap3A = arith.constant 0 : index
    %swap3A_34 = arith.constant 0 : index
    %swap3A_35 = vector.load %arg8[%swap3A, %swap3A_34] : memref<512x128xf32, #tpu.memory_space<vmem>>, vector<512x128xf32>
    tpu.vector_store %arg8[%swap3A, %swap3A_34], %add3A_33 {strides = array<i32>} : memref<512x128xf32, #tpu.memory_space<vmem>>, vector<512x128xf32>,
    %get3A_36 = arith.constant 0 : index
    %get3A_37 = arith.constant 0 : index
    %get3A_38 = vector.load %arg7[%get3A_36, %get3A_37] : memref<128x128xf32, #tpu.memory_space<vmem>>, vector<128x128xf32>
    %dot_general3A = arith.constant dense<0.000000e+00> : vector<512x128xf32>
    %dot_general3A_39 = tpu.matmul %add3A_33, %get3A_38, %dot_general3A {dimension_numbers = #tpu.dot_dimension_numbers<[1], [0], [0], [1], [0, 0, 1, 1], [], []>, transpose_lhs_hint = false} : vector<512x128xf32>, vector<128x128xf32>, vector<512x128xf32> -> vector<512x128xf32>
    %get3A_40 = arith.constant 0 : index
    %get3A_41 = arith.constant 0 : index
    %get3A_42 = vector.load %arg3[%get3A_40, %get3A_41] : memref<512x1xf32, #tpu.memory_space<vmem>>, vector<512x1xf32>
    %mul3A_43 = vector.broadcast %get3A_42 : vector<512x1xf32> to vector<512x128xf32>
    %mul3A_44 = arith.mulf %dot_general3A_39, %mul3A_43 : vector<512x128xf32>
    %swap3A_45 = arith.constant 0 : index
    %swap3A_46 = arith.constant 0 : index
    %swap3A_47 = vector.load %arg9[%swap3A_45, %swap3A_46] : memref<512x128xf32, #tpu.memory_space<vmem>>, vector<512x128xf32>
    tpu.vector_store %arg9[%swap3A_45, %swap3A_46], %mul3A_44 {strides = array<i32>} : memref<512x128xf32, #tpu.memory_space<vmem>>, vector<512x128xf32>,
    return
  }
  func.func @transform_0(%arg0: i32) -> (i32, i32, i32) {
    %c0_i32 = arith.constant 0 : i32
    %c0_i32_0 = arith.constant 0 : i32
    %c0_i32_1 = arith.constant 0 : i32
    return %c0_i32, %arg0, %c0_i32_0 : i32, i32, i32
  }
  func.func @transform_1(%arg0: i32) -> (i32, i32) {
    %c0_i32 = arith.constant 0 : i32
    %c0_i32_0 = arith.constant 0 : i32
    return %arg0, %c0_i32 : i32, i32
  }
  func.func @transform_2(%arg0: i32) -> (i32, i32) {
    %c0_i32 = arith.constant 0 : i32
    %c0_i32_0 = arith.constant 0 : i32
    return %arg0, %c0_i32 : i32, i32
  }
  func.func @transform_3(%arg0: i32) -> (i32, i32) {
    %c0_i32 = arith.constant 0 : i32
    %c0_i32_0 = arith.constant 0 : i32
    return %arg0, %c0_i32 : i32, i32
  }
  func.func @transform_4(%arg0: i32) -> (i32, i32) {
    %c0_i32 = arith.constant 0 : i32
    %c0_i32_0 = arith.constant 0 : i32
    %c0_i32_1 = arith.constant 0 : i32
    return %c0_i32, %c0_i32_0 : i32, i32
  }
  func.func @transform_5(%arg0: i32) -> (i32, i32) {
    %c0_i32 = arith.constant 0 : i32
    %c0_i32_0 = arith.constant 0 : i32
    %c0_i32_1 = arith.constant 0 : i32
    return %c0_i32, %c0_i32_0 : i32, i32
  }
  func.func @transform_6(%arg0: i32) -> (i32, i32) {
    %c0_i32 = arith.constant 0 : i32
    %c0_i32_0 = arith.constant 0 : i32
    %c0_i32_1 = arith.constant 0 : i32
    return %c0_i32, %c0_i32_0 : i32, i32
  }
  func.func @transform_7(%arg0: i32) -> (i32, i32) {
    %c0_i32 = arith.constant 0 : i32
    %c0_i32_0 = arith.constant 0 : i32
    return %arg0, %c0_i32 : i32, i32
  }
  func.func @transform_8(%arg0: i32) -> (i32, i32) {
    %c0_i32 = arith.constant 0 : i32
    %c0_i32_0 = arith.constant 0 : i32
    return %arg0, %c0_i32 : i32, i32
  }
}

module attributes {stable_mosaic.version = 14 : i64} {
  func.func @_tc_final_body(%arg0: i32, %arg1: memref<2x512x128xf32, #tpu.memory_space<vmem>>, %arg2: memref<512x128xf32, #tpu.memory_space<vmem>>, %arg3: memref<512x1xf32, #tpu.memory_space<vmem>>, %arg4: memref<512x1xf32, #tpu.memory_space<vmem>>, %arg5: memref<1x128xf32, #tpu.memory_space<vmem>>, %arg6: memref<1x128xf32, #tpu.memory_space<vmem>>, %arg7: memref<512x128xf32, #tpu.memory_space<vmem>>) attributes {dimension_semantics = [#tpu.dimension_semantics<arbitrary>], iteration_bounds = array<i64: 20>, scalar_prefetch = 0 : i64, scratch_operands = 0 : i64, tpu.core_type = #tpu.core_type<tc>, window_params = [{transform_indices = @transform_0, window_bounds = array<i64: 2, 512, 128>}, {transform_indices = @transform_1, window_bounds = array<i64: 512, 128>}, {transform_indices = @transform_2, window_bounds = array<i64: 512, 1>}, {transform_indices = @transform_3, window_bounds = array<i64: 512, 1>}, {pipeline_mode = #tpu.pipeline_mode<synchronous>, transform_indices = @transform_4, window_bounds = array<i64: 1, 128>}, {pipeline_mode = #tpu.pipeline_mode<synchronous>, transform_indices = @transform_5, window_bounds = array<i64: 1, 128>}, {transform_indices = @transform_6, window_bounds = array<i64: 512, 128>}]} {
    %get3A = arith.constant 0 : index
    %get3A_0 = arith.constant 0 : index
    %get3A_1 = arith.constant 0 : index
    %get3A_2 = vector.load %arg1[%get3A, %get3A_0, %get3A_1] : memref<2x512x128xf32, #tpu.memory_space<vmem>>, vector<1x512x128xf32>
    %get3A_3 = vector.shape_cast %get3A_2 : vector<1x512x128xf32> to vector<512x128xf32>
    %get3A_4 = arith.constant 1 : index
    %get3A_5 = arith.constant 0 : index
    %get3A_6 = arith.constant 0 : index
    %get3A_7 = vector.load %arg1[%get3A_4, %get3A_5, %get3A_6] : memref<2x512x128xf32, #tpu.memory_space<vmem>>, vector<1x512x128xf32>
    %get3A_8 = vector.shape_cast %get3A_7 : vector<1x512x128xf32> to vector<512x128xf32>
    %add3A = arith.addf %get3A_3, %get3A_8 : vector<512x128xf32>
    %get3A_9 = arith.constant 0 : index
    %get3A_10 = arith.constant 0 : index
    %get3A_11 = vector.load %arg3[%get3A_9, %get3A_10] : memref<512x1xf32, #tpu.memory_space<vmem>>, vector<512x1xf32>
    %mul3A = vector.broadcast %get3A_11 : vector<512x1xf32> to vector<512x128xf32>
    %mul3A_12 = arith.mulf %mul3A, %add3A : vector<512x128xf32>
    %get3A_13 = arith.constant 0 : index
    %get3A_14 = arith.constant 0 : index
    %get3A_15 = vector.load %arg5[%get3A_13, %get3A_14] : memref<1x128xf32, #tpu.memory_space<vmem>>, vector<1x128xf32>
    %add3A_16 = vector.broadcast %get3A_15 : vector<1x128xf32> to vector<512x128xf32>
    %add3A_17 = arith.addf %mul3A_12, %add3A_16 : vector<512x128xf32>
    %get3A_18 = arith.constant 0 : index
    %get3A_19 = arith.constant 0 : index
    %get3A_20 = vector.load %arg2[%get3A_18, %get3A_19] : memref<512x128xf32, #tpu.memory_space<vmem>>, vector<512x128xf32>
    %get3A_21 = arith.constant 0 : index
    %get3A_22 = arith.constant 0 : index
    %get3A_23 = vector.load %arg6[%get3A_21, %get3A_22] : memref<1x128xf32, #tpu.memory_space<vmem>>, vector<1x128xf32>
    %add3A_24 = vector.broadcast %get3A_23 : vector<1x128xf32> to vector<512x128xf32>
    %add3A_25 = arith.addf %get3A_20, %add3A_24 : vector<512x128xf32>
    %max3A = arith.constant 0.000000e+00 : f32
    %max3A_26 = vector.broadcast %max3A : f32 to vector<512x128xf32>
    %max3A_27 = arith.maximumf %add3A_25, %max3A_26 : vector<512x128xf32>
    %get3A_28 = arith.constant 0 : index
    %get3A_29 = arith.constant 0 : index
    %get3A_30 = vector.load %arg4[%get3A_28, %get3A_29] : memref<512x1xf32, #tpu.memory_space<vmem>>, vector<512x1xf32>
    %mul3A_31 = vector.broadcast %get3A_30 : vector<512x1xf32> to vector<512x128xf32>
    %mul3A_32 = arith.mulf %max3A_27, %mul3A_31 : vector<512x128xf32>
    %add3A_33 = arith.addf %add3A_17, %mul3A_32 : vector<512x128xf32>
    %swap3A = arith.constant 0 : index
    %swap3A_34 = arith.constant 0 : index
    %swap3A_35 = vector.load %arg7[%swap3A, %swap3A_34] : memref<512x128xf32, #tpu.memory_space<vmem>>, vector<512x128xf32>
    tpu.vector_store %arg7[%swap3A, %swap3A_34], %add3A_33 {strides = array<i32>} : memref<512x128xf32, #tpu.memory_space<vmem>>, vector<512x128xf32>,
    return
  }
  func.func @transform_0(%arg0: i32) -> (i32, i32, i32) {
    %c0_i32 = arith.constant 0 : i32
    %c0_i32_0 = arith.constant 0 : i32
    %c0_i32_1 = arith.constant 0 : i32
    return %c0_i32, %arg0, %c0_i32_0 : i32, i32, i32
  }
  func.func @transform_1(%arg0: i32) -> (i32, i32) {
    %c0_i32 = arith.constant 0 : i32
    %c0_i32_0 = arith.constant 0 : i32
    return %arg0, %c0_i32 : i32, i32
  }
  func.func @transform_2(%arg0: i32) -> (i32, i32) {
    %c0_i32 = arith.constant 0 : i32
    %c0_i32_0 = arith.constant 0 : i32
    return %arg0, %c0_i32 : i32, i32
  }
  func.func @transform_3(%arg0: i32) -> (i32, i32) {
    %c0_i32 = arith.constant 0 : i32
    %c0_i32_0 = arith.constant 0 : i32
    return %arg0, %c0_i32 : i32, i32
  }
  func.func @transform_4(%arg0: i32) -> (i32, i32) {
    %c0_i32 = arith.constant 0 : i32
    %c0_i32_0 = arith.constant 0 : i32
    %c0_i32_1 = arith.constant 0 : i32
    return %c0_i32, %c0_i32_0 : i32, i32
  }
  func.func @transform_5(%arg0: i32) -> (i32, i32) {
    %c0_i32 = arith.constant 0 : i32
    %c0_i32_0 = arith.constant 0 : i32
    %c0_i32_1 = arith.constant 0 : i32
    return %c0_i32, %c0_i32_0 : i32, i32
  }
  func.func @transform_6(%arg0: i32) -> (i32, i32) {
    %c0_i32 = arith.constant 0 : i32
    %c0_i32_0 = arith.constant 0 : i32
    return %arg0, %c0_i32 : i32, i32
  }
}

</mosaic_0001>

<sc_bundles>
// kernel: kernel.11.cloned.1.call-start
scs
__scs_entry_jumppad:
0x0: {  	(pc) =	sbr.rel $0x88, $3  }
0x1: {  	(tag) =	ssettag $0x0;
	lr =	simm.s32 $0x1  }
0x2: {  	[smem:$0x3F9C] =	sst lr;
	_ =	strace $0xD0000000  }
0x3: {  	_ = 	snop  }
0x4: {  	_ = 	snop  }
0x5: {  	_ = 	snop  }
0x6: {  	_ = 	snop  }
0x7: {  	_ = 	snop  }
__scs_overlays_trampoline_lowered:
0x8: {  	[smem:$0x3FAB] =	sst s0  }
0x9: {  	[smem:$0x3FAC] =	sst s1  }
0xa: {  	[smem:$0x3FAD] =	sst s2  }
0xb: {  	[smem:$0x3FAE] =	sst s3  }
0xc: {  	[smem:$0x3FAF] =	sst s4  }
0xd: {  	[smem:$0x3FB0] =	sst s5  }
0xe: {  	[smem:$0x3FB1] =	sst s6  }
0xf: {  	[smem:$0x3FB2] =	sst s7  }
0x10: {  	[smem:$0x3FB3] =	sst s8  }
0x11: {  	[smem:$0x3FB4] =	sst s9;
	s0 =	simm.s32 @!p0 $0x0  }
0x12: {  	s1 =	sld [smem:$0x3F9A];
	s0 =	simm.s32 @p0 $0x1  }
0x13: {  	[smem:$0x3FB5] =	sst s0;
	s0 =	simm.s32 @!p1 $0x0  }
0x14: {  	s2 =	sld [smem:$0x3F99];
	s0 =	simm.s32 @p1 $0x1  }
0x15: {  	[smem:$0x3FB6] =	sst s0;
	s0 =	simm.s32 @!p2 $0x0  }
0x16: {  	s3 =	sld [smem:$0x3FDB];
	s0 =	simm.s32 @p2 $0x1  }
0x17: {  	s4 =	simm.s32 $0x1BF5;
	[smem:$0x3FB8] =	sst s0  }
0x18: {  	s0 =	sld [smem:$0x3F9B];
	_ =	swait.ge [sflag:s4], $0x0  }
0x19: {  	s7 =	sld [smem:$0x3F9C]  }
0x1a: {  	s8 =	sadd.s32 $0xFFFFE003, lr  }
0x1b: {  	s9 =	sadd.s32 $0xFFFFFEF7, lr;
	s5 =	simm.s32 $0xFFFFFFFF;
	p2 =	slt.u32 s8, $0xFFFFF086  }
0x1c: {  	p1 =	slt.u32 s9, $0xF7A;
	s5 =	simm.s32 @!p2 $0x0  }
0x1d: {  	s5 =	simm.s32 @p1 $0x1;
	p0 =	seq.s32 s7, s2  }
0x1e: {  	s7 =	smul.u32 @!p0 $0xF7A, s2;
	p2 =	seq.s32 @!p0 s5, $0x0  }
0x1f: {  	s9 =	smul.u32 $0xF7A, s1;
	s8 =	simm.s32 @!p0 $0x1BF5;
	p2 =	por !p2, p0  }
0x20: {  	[sflag:s8] =	ssyncset.s32 @!p0 $0xFFFFF086;
	s6 =	sadd.s32 @!p0 s3, s7;
	s7 =	simm.s32 @!p0 $0x108  }
0x21: {  	s3 =	sadd.s32 s3, s9;
	s6 =	sadd.s32 @!p0 $0x88, s6;
	s7 =	simm.s32 @p2 $0x1082  }
0x22: {  	[simem:s7], [sflag:s8] =	dma.local @!p0 [hbm:s6], $0xF7A  }
0x23: {  	s9 =	sor.u32 $0xD0000000, s2;
	s6 =	simm.s32 $0x108;
	_ =	swait.ge @!p0 [sflag:s8], $0x0  }
0x24: {  	s3 =	sadd.s32 $0x88, s3;
	s6 =	simm.s32 @!p1 $0x1082;
	[sflag:s4] =	ssyncset.s32 $0xFFFFF086  }
0x25: {  	[simem:s6], [sflag:s4] =	dma.local [hbm:s3], $0xF7A  }
0x26: {  	[smem:$0x3F9C] =	sst s1;
	(tag) =	ssettag s2;
	_ =	strace s9  }
0x27: {  	s1 =	sld [smem:$0x3FAC]  }
0x28: {  	s2 =	sld [smem:$0x3FAD]  }
0x29: {  	s4 =	sld [smem:$0x3FAF]  }
0x2a: {  	p0 =	seq.s32 s5, $0x0;
	s5 =	sld [smem:$0x3FB0]  }
0x2b: {  	s6 =	sld [smem:$0x3FB1]  }
0x2c: {  	s7 =	sld [smem:$0x3FB2]  }
0x2d: {  	s3 =	simm.s32 $0x108;
	s8 =	sld [smem:$0x3FB3]  }
0x2e: {  	s3 =	simm.s32 @!p0 $0x1082;
	s9 =	sld [smem:$0x3FB4]  }
0x2f: {  	lr =	sadd.s32 s0, s3;
	s0 =	sld [smem:$0x3FAB]  }
0x30: {  	s3 =	sld [smem:$0x3FAE]  }
0x31: {  	[smem:$0x3FB7] =	sst s10  }
0x32: {  	s10 =	sld [smem:$0x3FB5];
	_ =	sdelay $0x3  }
0x33: {  	p0 =	seq.s32 s10, $0x1;
	s10 =	sld [smem:$0x3FB7];
	_ =	sdelay $0x3  }
0x34: {  	[smem:$0x3FB7] =	sst s10  }
0x35: {  	s10 =	sld [smem:$0x3FB6];
	_ =	sdelay $0x3  }
0x36: {  	p1 =	seq.s32 s10, $0x1;
	s10 =	sld [smem:$0x3FB7];
	_ =	sdelay $0x3  }
0x37: {  	[smem:$0x3FB7] =	sst s10  }
0x38: {  	s10 =	sld [smem:$0x3FB8]  }
0x39: {  	_ = 	snop;
	(pc) =	sbr.ind lr, $3  }
0x3a: {  	_ = 	snop  }
0x3b: {  	_ = 	snop  }
0x3c: {  	p2 =	seq.s32 s10, $0x1;
	s10 =	sld [smem:$0x3FB7]  }
0x3d: {  	_ =	shalt  }
0x3e: {  	_ =	shalt  }
0x3f: {  	_ =	shalt  }
0x40: {  	_ =	shalt  }
0x41: {  	_ =	shalt  }
0x42: {  	_ =	shalt  }
0x43: {  	_ =	shalt  }
0x44: {  	_ =	shalt  }
0x45: {  	_ =	shalt  }
0x46: {  	_ =	shalt  }
0x47: {  	_ =	shalt  }
0x48: {  	_ =	shalt  }
0x49: {  	_ =	shalt  }
0x4a: {  	_ =	shalt  }
0x4b: {  	_ =	shalt  }
0x4c: {  	_ =	shalt  }
0x4d: {  	_ =	shalt  }
0x4e: {  	_ =	shalt  }
0x4f: {  	_ =	shalt  }
0x50: {  	_ =	shalt  }
0x51: {  	_ =	shalt  }
0x52: {  	_ =	shalt  }
0x53: {  	_ =	shalt  }
0x54: {  	_ =	shalt  }
0x55: {  	_ =	shalt  }
0x56: {  	_ =	shalt  }
0x57: {  	_ =	shalt  }
0x58: {  	_ =	shalt  }
0x59: {  	_ =	shalt  }
0x5a: {  	_ =	shalt  }
0x5b: {  	_ =	shalt  }
0x5c: {  	_ =	shalt  }
0x5d: {  	_ =	shalt  }
0x5e: {  	_ =	shalt  }
0x5f: {  	_ =	shalt  }
0x60: {  	_ =	shalt  }
0x61: {  	_ =	shalt  }
0x62: {  	_ =	shalt  }
0x63: {  	_ =	shalt  }
0x64: {  	_ =	shalt  }
0x65: {  	_ =	shalt  }
0x66: {  	_ =	shalt  }
0x67: {  	_ =	shalt  }
0x68: {  	_ =	shalt  }
0x69: {  	_ =	shalt  }
0x6a: {  	_ =	shalt  }
0x6b: {  	_ =	shalt  }
0x6c: {  	_ =	shalt  }
0x6d: {  	_ =	shalt  }
0x6e: {  	_ =	shalt  }
0x6f: {  	_ =	shalt  }
0x70: {  	_ =	shalt  }
0x71: {  	_ =	shalt  }
0x72: {  	_ =	shalt  }
0x73: {  	_ =	shalt  }
0x74: {  	_ =	shalt  }
0x75: {  	_ =	shalt  }
0x76: {  	_ =	shalt  }
0x77: {  	_ =	shalt  }
0x78: {  	_ =	shalt  }
0x79: {  	_ =	shalt  }
0x7a: {  	_ =	shalt  }
0x7b: {  	_ =	shalt  }
0x7c: {  	_ =	shalt  }
0x7d: {  	_ =	shalt  }
0x7e: {  	_ =	shalt  }
0x7f: {  	_ =	shalt  }
0x80: {  	_ =	shalt  }
0x81: {  	_ =	shalt  }
0x82: {  	_ =	shalt  }
0x83: {  	_ =	shalt  }
0x84: {  	_ =	shalt  }
0x85: {  	_ =	shalt  }
0x86: {  	_ =	shalt  }
0x87: {  	_ =	shalt  }
.Lfunc_end0:
.L_simem_size_0:
called_computation.1_lowered:
.L_overlay_start_0:
0x88: {  	s2 =	sld [smem:$0x3FD9]  }
0x89: {  	s3 =	sld [smem:$0x3FFE];
	_ =	sdelay $0x1  }
0x8a: {  	s1 =	srdreg.scid  }
0x8b: {  	s0 =	sand.u32 $0x1, s1  }
0x8c: {  	s17 =	sshll.u32 s0, $0xA;
	s2 =	sadd.s32 s3, s2  }
0x8d: {  	s2 =	sadd.s32 s2, s17  }
0x8e: {  	[smem:$0x3FC3] =	sst s2  }
0x8f: {  	_ = 	snop  }
0x90: {  	s2 =	sld [smem:$0x3FD0];
	(tm) =	ssettm $0x1  }
0x91: {  	s18 =	sld [smem:$0x3FFB];
	_ =	sdelay $0x3  }
0x92: {  	_ =	strace s18  }
0x93: {  	s3 =	sld [smem:$0x3FFC];
	_ =	sdelay $0x3  }
0x94: {  	_ =	strace s3  }
0x95: {  	s3 =	sld [smem:$0x3FFD];
	_ =	sdelay $0x3  }
0x96: {  	_ =	strace s3  }
0x97: {  	_ =	strace $0x8FFFFFFF  }
0x98: {  	s19 =	sld [smem:$0x3FDB];
	_ =	sdelay $0x1  }
0x99: {  	s4 =	simm.s32 $_scs_section_size  }
0x9a: {  	s5 =	simm.s32 $_size__tile_overlayer_lowered;
	s6 =	simm.s32 $_tile_overlayer_lowered  }
0x9b: {  	s22 =	simm.s32 $0x1BFF;
	s21 =	sshll.u32 s6, $0x1;
	s3 =	sadd.s32 s4, s19  }
0x9c: {  	s7 =	simm.s32 $0x0;
	s20 =	sshll.u32 s5, $0x1;
	s5 =	sadd.s32 s21, s3  }
0x9d: {  	[timem:s7], [sflag:s22] =	dma.local [hbm:s5], s20  }
0x9e: {  	_ =	swait.ge [sflag:s22], s20  }
0x9f: {  	s4 =	ssub.s32 $0x0, s20;
	[sflag:s22] =	ssyncset.done $0x0  }
0xa0: {  	[sflag:s22] =	ssyncadd.s32 s4;
	_ =	sdelay $0x1  }
0xa1: {  	s23 =	simm.s32 $0x1B8B  }
0xa2: {  	_ =	swait.ge [sflag:s23], $0x1  }
0xa3: {  	[sflag:s23] =	ssyncset.done $0x0  }
0xa4: {  	s25 =	simm.s32 $0x1B8E;
	s24 =	sld [smem:$0x3FFE];
	[sflag:s23] =	ssyncadd.s32 $0xFFFFFFFF  }
0xa5: {  	s26 =	simm.s32 $execute0_lowered;
	[smem:$0x3FD2] =	sst s25  }
0xa6: {  	s5 =	sshll.u32 s26, $0x1;
	_ =	strace $0x80000049;
	[dreg:$0x1] =	wrdreg $0xFFFFFFFF  }
0xa7: {  	s28 =	simm.s32 $_size_execute0_lowered;
	s3 =	sadd.s32 s3, s5;
	[dreg:$0x0] =	wrdreg $0x0  }
0xa8: {  	s5 =	sshll.u32 s28, $0x1;
	[dreg:$0x2] =	wrdreg s3  }
0xa9: {  	[dreg:$0x3] =	wrdreg s5  }
0xaa: {  	[dreg:$0x4] =	wrdreg $0xC0  }
0xab: {  	_ =	task [dreg:s7], $0x5FFFF  }
0xac: {  	[dreg:$0x1] =	wrdreg $0xFFFFFFFF  }
0xad: {  	[dreg:$0x0] =	wrdreg $0x60  }
0xae: {  	[dreg:$0x2] =	wrdreg s24  }
0xaf: {  	[dreg:$0x3] =	wrdreg s2  }
0xb0: {  	[dreg:$0x4] =	wrdreg $0xAB000  }
0xb1: {  	[dreg:$0x5] =	wrdreg $0x9  }
0xb2: {  	_ =	task.clear_ibuf [dreg:s7], $0x6FFFF;
	_ =	strace $0x90000049  }
0xb3: {  	s29 =	simm.s32 $0x9;
	_ =	strace $0x8000004B  }
0xb4: {  	_ =	swait.ge [sflag:s29], $0x1  }
0xb5: {  	[sflag:s29] =	ssyncadd.s32 $0xFFFFFFFF  }
0xb6: {  	_ =	strace $0x9000004B  }
0xb7: {  	_ =	sfence  }
0xb8: {  	s30 =	sld [smem:$0x0];
	_ =	sdelay $0x2  }
0xb9: {  	s31 =	sshll.u32 s1, $0xD;
	s1 =	sshrl.u32 s1, $0x2  }
0xba: {  	s3 =	sand.u32 $0x4000, s31;
	s1 =	sadd.s32 s1, s30  }
0xbb: {  	s0 =	sor.u32 s3, s0;
	s1 =	sshll.u32 s1, $0x11  }
0xbc: {  	s0 =	sor.u32 s1, s0  }
0xbd: {  	s0 =	sadd.s32 $0x8F2B, s0  }
0xbe: {  	[sflag:s0] =	ssyncadd.remote.s32 $0x1  }
0xbf: {  	_ =	sfence.sel $0xFFFF  }
0xc0: {  	[dreg:$0x0] =	wrdreg $0xFFFFFFFF;
	(pc) =	sbr.abs _section_cstart, $3  }
0xc1: {  	[dreg:$0x1] =	wrdreg $0xFFFFFFFF  }
0xc2: {  	_ =	task.clear_ibuf [dreg:s7], $0x2FFFF;
	_ =	strace $0x9FFFFFFF  }
0xc3: {  	(tm) =	ssettm $0x7FFFFFFF  }
tec
execute0_lowered:
.L_overlay_start_1:
0x0: {  	(tag) =	ssettag $0x1  }
0x1: {  	s0 =	srdreg.scid;
	s1 =	rddreg [dreg:$0x0]  }
0x2: {  	s14 =	stileid.u32;
	s2 =	rddreg [dreg:$0x1]  }
0x3: {  	s5 =	simm.s32 $0x0;
	s0 =	sand.u32 $0x1, s0;
	s3 =	sshll.u32 s14, $0x1  }
0x4: {  	s8 =	smul.u32 $0x2800, s14;
	[smem:$0x7FF] =	sst s5;
	s6 =	sadd.s32 $0x35C00, s1  }
0x5: {  	s11 =	sadd.s32 $0x5DC00, s1;
	s14 =	smul.u32 $0x50000, s14;
	s4 =	sor.u32 s0, s3  }
0x6: {  	s3 =	rddreg [dreg:$0x2];
	s7 =	smul.u32 $0x28000, s0;
	_ =	strace $0x8000004A  }
0x7: {  	s12 =	ssub.s32 $0x2, s0;
	s4 =	smul.u32 $0x2C00, s4;
	s17 =	sshrl.u32 s14, $0x2  }
0x8: {  	p0 =	seq.s32 s0, $0x0;
	s7 =	sadd.s32 s8, s7;
	s0 =	sadd.s32 s17, s3  }
0x9: {  	s9 =	sshrl.u32 s4, $0x3;
	[dreg:$0x8] =	wrdreg s0;
	s19 =	sadd.s32 $0x400, s4  }
0xa: {  	s10 =	sadd.s32 s9, s1;
	s1 =	sadd.s32 s7, s1;
	s7 =	sadd.s32 s2, s9  }
0xb: {  	[dreg:$0x4] =	wrdreg s19;
	s15 =	sadd.s32 $0x10, s7  }
0xc: {  	s16 =	sadd.s32 $0x20, s7;
	[dreg:$0x5] =	wrdreg s15  }
0xd: {  	s28 =	simm.s32 $0x2B00;
	s10 =	sadd.s32 $0x2C00, s10;
	[dreg:$0x6] =	wrdreg s16  }
0xe: {  	s29 =	simm.s32 $0x180;
	s18 =	sadd.s32 $0x30, s7;
	[dreg:$0x7] =	wrdreg s10  }
0xf: {  	s31 =	simm.s32 $0x6B00;
	s20 =	sadd.s32 $0x40, s7;
	[dreg:$0x9] =	wrdreg s18  }
0x10: {  	s30 =	simm.s32 $0x200;
	s21 =	sadd.s32 $0x4D0, s7;
	[dreg:$0xa] =	wrdreg s20  }
0x11: {  	s13 =	sshrl.u32 s12, $0x1;
	s22 =	sadd.s32 $0x4E0, s7;
	[dreg:$0xb] =	wrdreg s21  }
0x12: {  	s11 =	smov.u32 @p0 s6;
	s23 =	sadd.s32 $0x4F0, s7;
	[dreg:$0xc] =	wrdreg s22  }
0x13: {  	s12 =	ssub.s32 s12, s13;
	s24 =	sadd.s32 $0x500, s7;
	[dreg:$0xd] =	wrdreg s23  }
0x14: {  	s0 =	simm.s32 $0x3;
	s25 =	sadd.s32 $0x510, s7;
	[dreg:$0xe] =	wrdreg s24  }
0x15: {  	s9 =	simm.s32 $0x0;
	s26 =	sadd.s32 $0x85C00, s1;
	[dreg:$0xf] =	wrdreg s25  }
0x16: {  	s1 =	simm.s32 $0x2;
	[dreg:$0x10] =	wrdreg s26;
	s20 =	smax.u32 s12, $0x1  }
0x17: {  	s21 =	sadd.s32 s11, s8;
	s22 =	simm.s32 $0x80;
	s23 =	simm.s32 $0x100  }
0x18: {  	s25 =	simm.s32 $0x4;
	s26 =	simm.s32 $0x1;
	s8 =	simm.s32 $0x280  }
.LBB2_1:
0x19: {  	[tilespmem:s5], [sflag:$0x1] =	stream.linear.gather [hbm4b:s7+s5], $0x80, $0x38;
	[tilespmem:$0x1EB00] =	vst v63  }
0x1a: {  	s10 =	rddreg [dreg:$0x5]  }
0x1b: {  	[tilespmem:s22], [sflag:$0x1] =	stream.linear.gather [hbm4b:s10+s5], $0x80, $0x38;
	[tilespmem:$0x1EB00] =	vst v63  }
0x1c: {  	s14 =	rddreg [dreg:$0x6]  }
0x1d: {  	[tilespmem:s23], [sflag:$0x1] =	stream.linear.gather [hbm4b:s14+s5], $0x80, $0x38;
	[tilespmem:$0x1EB00] =	vst v63  }
0x1e: {  	s15 =	rddreg [dreg:$0x7];
	s12 =	simm.s32 $0x300  }
0x1f: {  	[tilespmem:s12], [sflag:$0x4] =	stream.linear.gather [hbm4b:s15+s5], $0x2800, $0x38;
	[tilespmem:$0x1EB00] =	vst v63  }
0x20: {  	s16 =	stileid.u32;
	_ =	swait.ge [sflag:s25], $0x2800  }
0x21: {  	s10 =	sshll.u32 s16, $0x6;
	[sflag:s25] =	ssyncset.done $0x0;
	s11 =	rddreg [dreg:$0x8]  }
0x22: {  	s10 =	sor.u32 $0x1C04, s10;
	[sflag:s25] =	ssyncadd.s32 $0xFFFFD800;
	s11 =	sshrl.u32 s11, $0x3  }
0x23: {  	[spmem:s11], [sflag:s10] =	dma.local [hbm:s21], $0x2800  }
0x24: {  	_ =	swait.ge [sflag:s25], $0x2800  }
0x25: {  	[sflag:s25] =	ssyncset.done $0x0  }
0x26: {  	[sflag:s25] =	ssyncadd.s32 $0xFFFFD800  }
0x27: {  	[bflag:$0x0] =	sbarrier.arrive $0xFFFF  }
0x28: {  	_ =	swait.ge [sflag:s26], $0x80  }
0x29: {  	[sflag:s26] =	ssyncset.done $0x0  }
0x2a: {  	[sflag:s26] =	ssyncadd.s32 $0xFFFFFF80  }
0x2b: {  	[tilespmem:s28], [sflag:$0x2] =	stream.indirect.gather [hbm4b:s6+s22], $0x80, s12, s22, $0xb8;
	[tilespmem:$0x1EB00] =	vst v63  }
0x2c: {  	s17 =	rddreg [dreg:$0x9]  }
0x2d: {  	[tilespmem:s29], [sflag:$0x1] =	stream.linear.gather [hbm4b:s17+s5], $0x80, $0x38;
	[tilespmem:$0x1EB00] =	vst v63  }
0x2e: {  	_ =	swait.ge [sflag:s26], $0x80  }
0x2f: {  	[sflag:s26] =	ssyncset.done $0x0  }
0x30: {  	s18 =	simm.s32 $0x380;
	[sflag:s26] =	ssyncadd.s32 $0xFFFFFF80  }
0x31: {  	[tilespmem:s31], [sflag:$0x2] =	stream.indirect.gather [hbm4b:s6+s22], $0x80, s18, s22, $0xb8;
	[tilespmem:$0x1EB00] =	vst v63  }
0x32: {  	_ =	swait.ge [sflag:s1], $0x4000  }
0x33: {  	s24 =	simm.s32 $0x280;
	[sflag:s1] =	ssyncset.done $0x0  }
0x34: {  	s13 =	sand.u32 $0x7C00, s24;
	[sflag:s1] =	ssyncadd.s32 $0xFFFFC000  }
0x35: {  	[spmem:s3] =	stream.indirect.scatter.add.f32 [tilespmem:s28], [sflag:$0x3], $0x80, s5, s22, $0xb8;
	[tilespmem:$0x1EB00] =	vst v63  }
0x36: {  	s13 =	sadd.s32 s4, s13;
	s12 =	sand.u32 $0x380, s24;
	s19 =	rddreg [dreg:$0xa]  }
0x37: {  	[tilespmem:s30], [sflag:$0x1] =	stream.linear.gather [hbm4b:s19+s5], $0x80, $0x38;
	[tilespmem:$0x1EB00] =	vst v63  }
0x38: {  	s12 =	sor.u32 s12, s13;
	_ =	swait.ge [sflag:s0], $0x4000  }
0x39: {  	s12 =	sshrl.u32 s12, $0x3;
	[sflag:s0] =	ssyncset.done $0x0  }
0x3a: {  	s12 =	sadd.s32 s2, s12;
	[sflag:s0] =	ssyncadd.s32 $0xFFFFC000  }
0x3b: {  	[tilespmem:s8], [sflag:$0x1] =	stream.linear.gather [hbm4b:s12+s5], $0x80, $0x38;
	[tilespmem:$0x1EB00] =	vst v63  }
0x3c: {  	_ =	swait.ge [sflag:s26], $0x80  }
0x3d: {  	[sflag:s26] =	ssyncset.done $0x0  }
0x3e: {  	s14 =	simm.s32 $0x400;
	[sflag:s26] =	ssyncadd.s32 $0xFFFFFF80  }
0x3f: {  	[tilespmem:s28], [sflag:$0x2] =	stream.indirect.gather [hbm4b:s6+s22], $0x80, s14, s22, $0xb8;
	[tilespmem:$0x1EB00] =	vst v63  }
0x40: {  	s15 =	simm.s32 $0x300;
	_ =	swait.ge [sflag:s1], $0x4000  }
0x41: {  	s16 =	sand.u32 $0x7C00, s15;
	[sflag:s1] =	ssyncset.done $0x0  }
0x42: {  	s13 =	sadd.s32 s4, s16;
	s12 =	sand.u32 $0x300, s15;
	[sflag:s1] =	ssyncadd.s32 $0xFFFFC000  }
0x43: {  	[spmem:s3] =	stream.indirect.scatter.add.f32 [tilespmem:s31], [sflag:$0x3], $0x80, s22, s22, $0xb8;
	[tilespmem:$0x1EB00] =	vst v63  }
0x44: {  	s12 =	sor.u32 s12, s13;
	_ =	swait.ge [sflag:s0], $0x4000  }
0x45: {  	s12 =	sshrl.u32 s12, $0x3;
	[sflag:s0] =	ssyncset.done $0x0  }
0x46: {  	s12 =	sadd.s32 s2, s12;
	[sflag:s0] =	ssyncadd.s32 $0xFFFFC000  }
0x47: {  	[tilespmem:s5], [sflag:$0x1] =	stream.linear.gather [hbm4b:s12+s5], $0x80, $0x38;
	[tilespmem:$0x1EB00] =	vst v63  }
0x48: {  	_ =	swait.ge [sflag:s26], $0x80  }
0x49: {  	[sflag:s26] =	ssyncset.done $0x0  }
0x4a: {  	s17 =	simm.s32 $0x480;
	[sflag:s26] =	ssyncadd.s32 $0xFFFFFF80  }
0x4b: {  	[tilespmem:s31], [sflag:$0x2] =	stream.indirect.gather [hbm4b:s6+s22], $0x80, s17, s22, $0xb8;
	[tilespmem:$0x1EB00] =	vst v63  }
0x4c: {  	s18 =	simm.s32 $0x380;
	_ =	swait.ge [sflag:s1], $0x4000  }
0x4d: {  	s19 =	sand.u32 $0x7C00, s18;
	[sflag:s1] =	ssyncset.done $0x0  }
0x4e: {  	s13 =	sadd.s32 s4, s19;
	s12 =	sand.u32 $0x380, s18;
	[sflag:s1] =	ssyncadd.s32 $0xFFFFC000  }
0x4f: {  	[spmem:s3] =	stream.indirect.scatter.add.f32 [tilespmem:s28], [sflag:$0x3], $0x80, s23, s22, $0xb8;
	[tilespmem:$0x1EB00] =	vst v63  }
0x50: {  	s12 =	sor.u32 s12, s13;
	_ =	swait.ge [sflag:s0], $0x4000  }
0x51: {  	s12 =	sshrl.u32 s12, $0x3;
	[sflag:s0] =	ssyncset.done $0x0  }
0x52: {  	s12 =	sadd.s32 s2, s12;
	[sflag:s0] =	ssyncadd.s32 $0xFFFFC000  }
0x53: {  	[tilespmem:s22], [sflag:$0x1] =	stream.linear.gather [hbm4b:s12+s5], $0x80, $0x38;
	[tilespmem:$0x1EB00] =	vst v63  }
0x54: {  	_ =	swait.ge [sflag:s26], $0x80  }
0x55: {  	[sflag:s26] =	ssyncset.done $0x0  }
0x56: {  	s12 =	simm.s32 $0x500;
	[sflag:s26] =	ssyncadd.s32 $0xFFFFFF80  }
0x57: {  	[tilespmem:s28], [sflag:$0x2] =	stream.indirect.gather [hbm4b:s6+s22], $0x80, s12, s22, $0xb8;
	[tilespmem:$0x1EB00] =	vst v63  }
0x58: {  	_ =	swait.ge [sflag:s1], $0x4000  }
0x59: {  	[sflag:s1] =	ssyncset.done $0x0  }
0x5a: {  	[sflag:s1] =	ssyncadd.s32 $0xFFFFC000  }
0x5b: {  	[spmem:s3] =	stream.indirect.scatter.add.f32 [tilespmem:s31], [sflag:$0x3], $0x80, s29, s22, $0xb8;
	[tilespmem:$0x1EB00] =	vst v63  }
0x5c: {  	s14 =	simm.s32 $0x0;
	_ =	swait.ge [sflag:s0], $0x4000  }
0x5d: {  	s15 =	sand.u32 $0x3C00, s14;
	s24 =	rddreg [dreg:$0x4]  }
0x5e: {  	s14 =	sand.u32 $0x300, s14;
	s13 =	sadd.s32 s15, s24  }
0x5f: {  	s13 =	sor.u32 s14, s13  }
0x60: {  	[sflag:s0] =	ssyncset.done $0x0;
	s13 =	sshrl.u32 s13, $0x3  }
0x61: {  	[sflag:s0] =	ssyncadd.s32 $0xFFFFC000;
	s13 =	sadd.s32 s2, s13  }
0x62: {  	[tilespmem:s23], [sflag:$0x1] =	stream.linear.gather [hbm4b:s13+s5], $0x80, $0x38;
	[tilespmem:$0x1EB00] =	vst v63  }
0x63: {  	_ =	swait.ge [sflag:s26], $0x80  }
0x64: {  	[sflag:s26] =	ssyncset.done $0x0  }
0x65: {  	s16 =	simm.s32 $0x580;
	[sflag:s26] =	ssyncadd.s32 $0xFFFFFF80  }
0x66: {  	[tilespmem:s31], [sflag:$0x2] =	stream.indirect.gather [hbm4b:s6+s22], $0x80, s16, s22, $0xb8;
	[tilespmem:$0x1EB00] =	vst v63  }
0x67: {  	s17 =	simm.s32 $0x480;
	_ =	swait.ge [sflag:s1], $0x4000  }
0x68: {  	s18 =	sand.u32 $0x7C00, s17;
	[sflag:s1] =	ssyncset.done $0x0  }
0x69: {  	s14 =	sadd.s32 s4, s18;
	s13 =	sand.u32 $0x380, s17;
	[sflag:s1] =	ssyncadd.s32 $0xFFFFC000  }
0x6a: {  	[spmem:s3] =	stream.indirect.scatter.add.f32 [tilespmem:s28], [sflag:$0x3], $0x80, s30, s22, $0xb8;
	[tilespmem:$0x1EB00] =	vst v63  }
0x6b: {  	s13 =	sor.u32 s13, s14;
	_ =	swait.ge [sflag:s0], $0x4000  }
0x6c: {  	s13 =	sshrl.u32 s13, $0x3;
	[sflag:s0] =	ssyncset.done $0x0  }
0x6d: {  	s13 =	sadd.s32 s2, s13;
	[sflag:s0] =	ssyncadd.s32 $0xFFFFC000  }
0x6e: {  	[tilespmem:s29], [sflag:$0x1] =	stream.linear.gather [hbm4b:s13+s5], $0x80, $0x38;
	[tilespmem:$0x1EB00] =	vst v63  }
0x6f: {  	_ =	swait.ge [sflag:s26], $0x80  }
0x70: {  	[sflag:s26] =	ssyncset.done $0x0  }
0x71: {  	s19 =	simm.s32 $0x600;
	[sflag:s26] =	ssyncadd.s32 $0xFFFFFF80  }
0x72: {  	[tilespmem:s28], [sflag:$0x2] =	stream.indirect.gather [hbm4b:s6+s22], $0x80, s19, s22, $0xb8;
	[tilespmem:$0x1EB00] =	vst v63  }
0x73: {  	_ =	swait.ge [sflag:s1], $0x4000  }
0x74: {  	s24 =	sand.u32 $0x7C00, s12;
	[sflag:s1] =	ssyncset.done $0x0  }
0x75: {  	s12 =	sand.u32 $0x300, s12;
	s13 =	sadd.s32 s4, s24;
	[sflag:s1] =	ssyncadd.s32 $0xFFFFC000  }
0x76: {  	[spmem:s3] =	stream.indirect.scatter.add.f32 [tilespmem:s31], [sflag:$0x3], $0x80, s8, s22, $0xb8;
	[tilespmem:$0x1EB00] =	vst v63  }
0x77: {  	s12 =	sor.u32 s12, s13;
	_ =	swait.ge [sflag:s0], $0x4000  }
0x78: {  	s15 =	simm.s32 $0xB00;
	s12 =	sshrl.u32 s12, $0x3;
	[sflag:s0] =	ssyncset.done $0x0  }
0x79: {  	s24 =	simm.s32 $0x580;
	s12 =	sadd.s32 s2, s12;
	[sflag:s0] =	ssyncadd.s32 $0xFFFFC000  }
0x7a: {  	[tilespmem:s30], [sflag:$0x1] =	stream.linear.gather [hbm4b:s12+s5], $0x80, $0x38;
	[tilespmem:$0x1EB00] =	vst v63  }
0x7b: {  	s18 =	simm.s32 $0x680;
	s17 =	sand.u32 $0x7C00, s24;
	_ =	swait.ge [sflag:s26], $0x80  }
0x7c: {  	s13 =	simm.s32 $0x800;
	s12 =	simm.s32 $0x800;
	[sflag:s26] =	ssyncset.done $0x0  }
.LBB2_2:
0x7d: {  	[sflag:s26] =	ssyncadd.s32 $0xFFFFFF80  }
0x7e: {  	[tilespmem:s31], [sflag:$0x2] =	stream.indirect.gather [hbm4b:s6+s22], $0x80, s18, s22, $0xb8;
	[tilespmem:$0x1EB00] =	vst v63  }
0x7f: {  	_ =	swait.ge [sflag:s1], $0x4000  }
0x80: {  	[sflag:s1] =	ssyncset.done $0x0  }
0x81: {  	s17 =	sadd.s32 s4, s17;
	s19 =	sand.u32 $0x380, s24;
	[sflag:s1] =	ssyncadd.s32 $0xFFFFC000  }
0x82: {  	[spmem:s3] =	stream.indirect.scatter.add.f32 [tilespmem:s28], [sflag:$0x3], $0x80, s5, s22, $0xb8;
	[tilespmem:$0x1EB00] =	vst v63  }
0x83: {  	s24 =	smov.u32 s15;
	s17 =	sor.u32 s19, s17;
	_ =	swait.ge [sflag:s0], $0x4000  }
0x84: {  	s16 =	sadd.s32 $0x300, s15;
	s19 =	sshrl.u32 s17, $0x3;
	[sflag:s0] =	ssyncset.done $0x0  }
0x85: {  	p0 =	sne.s32 s15, $0x2600;
	s15 =	sadd.s32 s2, s19;
	[sflag:s0] =	ssyncadd.s32 $0xFFFFC000  }
0x86: {  	[tilespmem:s8], [sflag:$0x1] =	stream.linear.gather [hbm4b:s15+s5], $0x80, $0x38;
	[tilespmem:$0x1EB00] =	vst v63  }
0x87: {  	_ =	swait.ge [sflag:s26], $0x80  }
0x88: {  	[sflag:s26] =	ssyncset.done $0x0  }
0x89: {  	s17 =	sadd.s32 $0xFFFFFF00, s12;
	[sflag:s26] =	ssyncadd.s32 $0xFFFFFF80  }
0x8a: {  	[tilespmem:s28], [sflag:$0x2] =	stream.indirect.gather [hbm4b:s6+s22], $0x80, s17, s22, $0xb8;
	[tilespmem:$0x1EB00] =	vst v63  }
0x8b: {  	s18 =	sadd.s32 $0xFFFFFE00, s13;
	_ =	swait.ge [sflag:s1], $0x4000  }
0x8c: {  	s19 =	sand.u32 $0x7C00, s18;
	[sflag:s1] =	ssyncset.done $0x0  }
0x8d: {  	s15 =	sand.u32 $0x300, s18;
	s17 =	sadd.s32 s4, s19;
	[sflag:s1] =	ssyncadd.s32 $0xFFFFC000  }
0x8e: {  	[spmem:s3] =	stream.indirect.scatter.add.f32 [tilespmem:s31], [sflag:$0x3], $0x80, s22, s22, $0xb8;
	[tilespmem:$0x1EB00] =	vst v63  }
0x8f: {  	s15 =	sor.u32 s15, s17;
	_ =	swait.ge [sflag:s0], $0x4000  }
0x90: {  	s15 =	sshrl.u32 s15, $0x3;
	[sflag:s0] =	ssyncset.done $0x0  }
0x91: {  	s15 =	sadd.s32 s2, s15;
	[sflag:s0] =	ssyncadd.s32 $0xFFFFC000  }
0x92: {  	[tilespmem:s5], [sflag:$0x1] =	stream.linear.gather [hbm4b:s15+s5], $0x80, $0x38;
	[tilespmem:$0x1EB00] =	vst v63  }
0x93: {  	_ =	swait.ge [sflag:s26], $0x80  }
0x94: {  	[sflag:s26] =	ssyncset.done $0x0  }
0x95: {  	s17 =	sadd.s32 $0xFFFFFF80, s12;
	[sflag:s26] =	ssyncadd.s32 $0xFFFFFF80  }
0x96: {  	[tilespmem:s31], [sflag:$0x2] =	stream.indirect.gather [hbm4b:s6+s22], $0x80, s17, s22, $0xb8;
	[tilespmem:$0x1EB00] =	vst v63  }
0x97: {  	s18 =	sadd.s32 $0xFFFFFE80, s13;
	_ =	swait.ge [sflag:s1], $0x4000  }
0x98: {  	s19 =	sand.u32 $0x7C00, s18;
	[sflag:s1] =	ssyncset.done $0x0  }
0x99: {  	s15 =	sand.u32 $0x380, s18;
	s17 =	sadd.s32 s4, s19;
	[sflag:s1] =	ssyncadd.s32 $0xFFFFC000  }
0x9a: {  	[spmem:s3] =	stream.indirect.scatter.add.f32 [tilespmem:s28], [sflag:$0x3], $0x80, s23, s22, $0xb8;
	[tilespmem:$0x1EB00] =	vst v63  }
0x9b: {  	s15 =	sor.u32 s15, s17;
	_ =	swait.ge [sflag:s0], $0x4000  }
0x9c: {  	s15 =	sshrl.u32 s15, $0x3;
	[sflag:s0] =	ssyncset.done $0x0  }
0x9d: {  	s15 =	sadd.s32 s2, s15;
	[sflag:s0] =	ssyncadd.s32 $0xFFFFC000  }
0x9e: {  	[tilespmem:s22], [sflag:$0x1] =	stream.linear.gather [hbm4b:s15+s5], $0x80, $0x38;
	[tilespmem:$0x1EB00] =	vst v63  }
0x9f: {  	_ =	swait.ge [sflag:s26], $0x80  }
0xa0: {  	[sflag:s26] =	ssyncset.done $0x0  }
0xa1: {  	[sflag:s26] =	ssyncadd.s32 $0xFFFFFF80  }
0xa2: {  	[tilespmem:s28], [sflag:$0x2] =	stream.indirect.gather [hbm4b:s6+s22], $0x80, s12, s22, $0xb8;
	[tilespmem:$0x1EB00] =	vst v63  }
0xa3: {  	_ =	swait.ge [sflag:s1], $0x4000  }
0xa4: {  	[sflag:s1] =	ssyncset.done $0x0  }
0xa5: {  	[sflag:s1] =	ssyncadd.s32 $0xFFFFC000  }
0xa6: {  	[spmem:s3] =	stream.indirect.scatter.add.f32 [tilespmem:s31], [sflag:$0x3], $0x80, s29, s22, $0xb8;
	[tilespmem:$0x1EB00] =	vst v63  }
0xa7: {  	s17 =	sadd.s32 $0xFFFFFB00, s13;
	_ =	swait.ge [sflag:s0], $0x4000  }
0xa8: {  	s19 =	sand.u32 $0x3C00, s17;
	s18 =	rddreg [dreg:$0x4]  }
0xa9: {  	s15 =	sand.u32 $0x300, s17;
	s17 =	sadd.s32 s19, s18  }
0xaa: {  	s15 =	sor.u32 s15, s17  }
0xab: {  	[sflag:s0] =	ssyncset.done $0x0;
	s15 =	sshrl.u32 s15, $0x3  }
0xac: {  	[sflag:s0] =	ssyncadd.s32 $0xFFFFC000;
	s15 =	sadd.s32 s2, s15  }
0xad: {  	[tilespmem:s23], [sflag:$0x1] =	stream.linear.gather [hbm4b:s15+s5], $0x80, $0x38;
	[tilespmem:$0x1EB00] =	vst v63  }
0xae: {  	_ =	swait.ge [sflag:s26], $0x80  }
0xaf: {  	[sflag:s26] =	ssyncset.done $0x0  }
0xb0: {  	s17 =	sadd.s32 $0x80, s12;
	[sflag:s26] =	ssyncadd.s32 $0xFFFFFF80  }
0xb1: {  	[tilespmem:s31], [sflag:$0x2] =	stream.indirect.gather [hbm4b:s6+s22], $0x80, s17, s22, $0xb8;
	[tilespmem:$0x1EB00] =	vst v63  }
0xb2: {  	s18 =	sadd.s32 $0xFFFFFF80, s13;
	_ =	swait.ge [sflag:s1], $0x4000  }
0xb3: {  	s19 =	sand.u32 $0x7C00, s18;
	[sflag:s1] =	ssyncset.done $0x0  }
0xb4: {  	s15 =	sand.u32 $0x380, s18;
	s17 =	sadd.s32 s4, s19;
	[sflag:s1] =	ssyncadd.s32 $0xFFFFC000  }
0xb5: {  	[spmem:s3] =	stream.indirect.scatter.add.f32 [tilespmem:s28], [sflag:$0x3], $0x80, s30, s22, $0xb8;
	[tilespmem:$0x1EB00] =	vst v63  }
0xb6: {  	s15 =	sor.u32 s15, s17;
	_ =	swait.ge [sflag:s0], $0x4000  }
0xb7: {  	s15 =	sshrl.u32 s15, $0x3;
	[sflag:s0] =	ssyncset.done $0x0  }
0xb8: {  	s15 =	sadd.s32 s2, s15;
	[sflag:s0] =	ssyncadd.s32 $0xFFFFC000  }
0xb9: {  	[tilespmem:s29], [sflag:$0x1] =	stream.linear.gather [hbm4b:s15+s5], $0x80, $0x38;
	[tilespmem:$0x1EB00] =	vst v63  }
0xba: {  	_ =	swait.ge [sflag:s26], $0x80  }
0xbb: {  	[sflag:s26] =	ssyncset.done $0x0  }
0xbc: {  	s17 =	sadd.s32 $0x100, s12;
	[sflag:s26] =	ssyncadd.s32 $0xFFFFFF80  }
0xbd: {  	[tilespmem:s28], [sflag:$0x2] =	stream.indirect.gather [hbm4b:s6+s22], $0x80, s17, s22, $0xb8;
	[tilespmem:$0x1EB00] =	vst v63  }
0xbe: {  	_ =	swait.ge [sflag:s1], $0x4000  }
0xbf: {  	s14 =	smov.u32 s12;
	s18 =	sand.u32 $0x7C00, s13;
	[sflag:s1] =	ssyncset.done $0x0  }
0xc0: {  	s19 =	sand.u32 $0x300, s13;
	s15 =	sadd.s32 s4, s18;
	[sflag:s1] =	ssyncadd.s32 $0xFFFFC000  }
0xc1: {  	[spmem:s3] =	stream.indirect.scatter.add.f32 [tilespmem:s31], [sflag:$0x3], $0x80, s8, s22, $0xb8;
	[tilespmem:$0x1EB00] =	vst v63  }
0xc2: {  	s13 =	smov.u32 s24;
	s15 =	sor.u32 s19, s15;
	_ =	swait.ge [sflag:s0], $0x4000  }
.Ltmp0:
0xc3: {  	s15 =	sshrl.u32 s15, $0x3;
	[sflag:s0] =	ssyncset.done $0x0;
	(pc) =	sbr.rel @p0 .LBB2_2-.Ltmp0, $4  }
0xc4: {  	s24 =	sadd.s32 $0xFFFFFD80, s13;
	s15 =	sadd.s32 s2, s15;
	[sflag:s0] =	ssyncadd.s32 $0xFFFFC000  }
0xc5: {  	[tilespmem:s30], [sflag:$0x1] =	stream.linear.gather [hbm4b:s15+s5], $0x80, $0x38;
	[tilespmem:$0x1EB00] =	vst v63  }
0xc6: {  	s12 =	sadd.s32 $0x300, s12;
	s18 =	sadd.s32 $0x180, s14;
	_ =	swait.ge [sflag:s26], $0x80  }
0xc7: {  	s17 =	sand.u32 $0x7C00, s24;
	s15 =	smov.u32 s16;
	[sflag:s26] =	ssyncset.done $0x0  }
0xc8: {  	[sflag:s26] =	ssyncadd.s32 $0xFFFFFF80  }
0xc9: {  	[tilespmem:s31], [sflag:$0x2] =	stream.indirect.gather [hbm4b:s6+s22], $0x80, s18, s22, $0xb8;
	[tilespmem:$0x1EB00] =	vst v63  }
0xca: {  	_ =	swait.ge [sflag:s1], $0x4000  }
0xcb: {  	[sflag:s1] =	ssyncset.done $0x0  }
0xcc: {  	s14 =	sadd.s32 s4, s17;
	s15 =	sand.u32 $0x380, s24;
	[sflag:s1] =	ssyncadd.s32 $0xFFFFC000  }
0xcd: {  	[spmem:s3] =	stream.indirect.scatter.add.f32 [tilespmem:s28], [sflag:$0x3], $0x80, s5, s22, $0xb8;
	[tilespmem:$0x1EB00] =	vst v63  }
0xce: {  	s14 =	sor.u32 s15, s14;
	_ =	swait.ge [sflag:s0], $0x4000  }
0xcf: {  	s14 =	sshrl.u32 s14, $0x3;
	[sflag:s0] =	ssyncset.done $0x0  }
0xd0: {  	s14 =	sadd.s32 s2, s14;
	[sflag:s0] =	ssyncadd.s32 $0xFFFFC000  }
0xd1: {  	[tilespmem:s8], [sflag:$0x1] =	stream.linear.gather [hbm4b:s14+s5], $0x80, $0x38;
	[tilespmem:$0x1EB00] =	vst v63  }
0xd2: {  	_ =	swait.ge [sflag:s26], $0x80  }
0xd3: {  	[sflag:s26] =	ssyncset.done $0x0  }
0xd4: {  	s18 =	sadd.s32 $0xFFFFFF00, s12;
	[sflag:s26] =	ssyncadd.s32 $0xFFFFFF80  }
0xd5: {  	[tilespmem:s28], [sflag:$0x2] =	stream.indirect.gather [hbm4b:s6+s22], $0x80, s18, s22, $0xb8;
	[tilespmem:$0x1EB00] =	vst v63  }
0xd6: {  	s19 =	sadd.s32 $0xFFFFFE00, s13;
	_ =	swait.ge [sflag:s1], $0x4000  }
0xd7: {  	s24 =	sand.u32 $0x7C00, s19;
	[sflag:s1] =	ssyncset.done $0x0  }
0xd8: {  	s15 =	sadd.s32 s4, s24;
	s14 =	sand.u32 $0x300, s19;
	[sflag:s1] =	ssyncadd.s32 $0xFFFFC000  }
0xd9: {  	[spmem:s3] =	stream.indirect.scatter.add.f32 [tilespmem:s31], [sflag:$0x3], $0x80, s22, s22, $0xb8;
	[tilespmem:$0x1EB00] =	vst v63  }
0xda: {  	s14 =	sor.u32 s14, s15;
	_ =	swait.ge [sflag:s0], $0x4000  }
0xdb: {  	s14 =	sshrl.u32 s14, $0x3;
	[sflag:s0] =	ssyncset.done $0x0  }
0xdc: {  	s14 =	sadd.s32 s2, s14;
	[sflag:s0] =	ssyncadd.s32 $0xFFFFC000  }
0xdd: {  	[tilespmem:s5], [sflag:$0x1] =	stream.linear.gather [hbm4b:s14+s5], $0x80, $0x38;
	[tilespmem:$0x1EB00] =	vst v63  }
0xde: {  	_ =	swait.ge [sflag:s26], $0x80  }
0xdf: {  	[sflag:s26] =	ssyncset.done $0x0  }
0xe0: {  	s16 =	sadd.s32 $0xFFFFFF80, s12;
	[sflag:s26] =	ssyncadd.s32 $0xFFFFFF80  }
0xe1: {  	[tilespmem:s31], [sflag:$0x2] =	stream.indirect.gather [hbm4b:s6+s22], $0x80, s16, s22, $0xb8;
	[tilespmem:$0x1EB00] =	vst v63  }
0xe2: {  	s17 =	sadd.s32 $0xFFFFFE80, s13;
	_ =	swait.ge [sflag:s1], $0x4000  }
0xe3: {  	s18 =	sand.u32 $0x7C00, s17;
	[sflag:s1] =	ssyncset.done $0x0  }
0xe4: {  	s15 =	sadd.s32 s4, s18;
	s14 =	sand.u32 $0x380, s17;
	[sflag:s1] =	ssyncadd.s32 $0xFFFFC000  }
0xe5: {  	[spmem:s3] =	stream.indirect.scatter.add.f32 [tilespmem:s28], [sflag:$0x3], $0x80, s23, s22, $0xb8;
	[tilespmem:$0x1EB00] =	vst v63  }
0xe6: {  	s14 =	sor.u32 s14, s15;
	_ =	swait.ge [sflag:s0], $0x4000  }
0xe7: {  	s14 =	sshrl.u32 s14, $0x3;
	[sflag:s0] =	ssyncset.done $0x0  }
0xe8: {  	s14 =	sadd.s32 s2, s14;
	[sflag:s0] =	ssyncadd.s32 $0xFFFFC000  }
0xe9: {  	[tilespmem:s22], [sflag:$0x1] =	stream.linear.gather [hbm4b:s14+s5], $0x80, $0x38;
	[tilespmem:$0x1EB00] =	vst v63  }
0xea: {  	_ =	swait.ge [sflag:s26], $0x80  }
0xeb: {  	[sflag:s26] =	ssyncset.done $0x0  }
0xec: {  	[sflag:s26] =	ssyncadd.s32 $0xFFFFFF80  }
0xed: {  	[tilespmem:s28], [sflag:$0x2] =	stream.indirect.gather [hbm4b:s6+s22], $0x80, s12, s22, $0xb8;
	[tilespmem:$0x1EB00] =	vst v63  }
0xee: {  	_ =	swait.ge [sflag:s1], $0x4000  }
0xef: {  	[sflag:s1] =	ssyncset.done $0x0  }
0xf0: {  	[sflag:s1] =	ssyncadd.s32 $0xFFFFC000  }
0xf1: {  	[spmem:s3] =	stream.indirect.scatter.add.f32 [tilespmem:s31], [sflag:$0x3], $0x80, s29, s22, $0xb8;
	[tilespmem:$0x1EB00] =	vst v63  }
0xf2: {  	s24 =	sadd.s32 $0xFFFFFB00, s13;
	_ =	swait.ge [sflag:s0], $0x4000  }
0xf3: {  	s16 =	sand.u32 $0x3C00, s24;
	s19 =	rddreg [dreg:$0x4]  }
0xf4: {  	s15 =	sand.u32 $0x300, s24;
	s14 =	sadd.s32 s16, s19  }
0xf5: {  	s14 =	sor.u32 s15, s14  }
0xf6: {  	[sflag:s0] =	ssyncset.done $0x0;
	s14 =	sshrl.u32 s14, $0x3  }
0xf7: {  	[sflag:s0] =	ssyncadd.s32 $0xFFFFC000;
	s14 =	sadd.s32 s2, s14  }
0xf8: {  	[tilespmem:s23], [sflag:$0x1] =	stream.linear.gather [hbm4b:s14+s5], $0x80, $0x38;
	[tilespmem:$0x1EB00] =	vst v63  }
0xf9: {  	_ =	swait.ge [sflag:s26], $0x80  }
0xfa: {  	[sflag:s26] =	ssyncset.done $0x0  }
0xfb: {  	s17 =	sadd.s32 $0x80, s12;
	[sflag:s26] =	ssyncadd.s32 $0xFFFFFF80  }
0xfc: {  	[tilespmem:s31], [sflag:$0x2] =	stream.indirect.gather [hbm4b:s6+s22], $0x80, s17, s22, $0xb8;
	[tilespmem:$0x1EB00] =	vst v63  }
0xfd: {  	s18 =	sadd.s32 $0xFFFFFF80, s13;
	_ =	swait.ge [sflag:s1], $0x4000  }
0xfe: {  	s19 =	sand.u32 $0x7C00, s18;
	[sflag:s1] =	ssyncset.done $0x0  }
0xff: {  	s15 =	sadd.s32 s4, s19;
	s14 =	sand.u32 $0x380, s18;
	[sflag:s1] =	ssyncadd.s32 $0xFFFFC000  }
0x100: {  	[spmem:s3] =	stream.indirect.scatter.add.f32 [tilespmem:s28], [sflag:$0x3], $0x80, s30, s22, $0xb8;
	[tilespmem:$0x1EB00] =	vst v63  }
0x101: {  	s14 =	sor.u32 s14, s15;
	_ =	swait.ge [sflag:s0], $0x4000  }
0x102: {  	s14 =	sshrl.u32 s14, $0x3;
	[sflag:s0] =	ssyncset.done $0x0  }
0x103: {  	s14 =	sadd.s32 s2, s14;
	[sflag:s0] =	ssyncadd.s32 $0xFFFFC000  }
0x104: {  	[tilespmem:s29], [sflag:$0x1] =	stream.linear.gather [hbm4b:s14+s5], $0x80, $0x38;
	[tilespmem:$0x1EB00] =	vst v63  }
0x105: {  	_ =	swait.ge [sflag:s26], $0x80  }
0x106: {  	[sflag:s26] =	ssyncset.done $0x0  }
0x107: {  	s24 =	sadd.s32 $0x100, s12;
	[sflag:s26] =	ssyncadd.s32 $0xFFFFFF80  }
0x108: {  	[tilespmem:s28], [sflag:$0x2] =	stream.indirect.gather [hbm4b:s6+s22], $0x80, s24, s22, $0xb8;
	[tilespmem:$0x1EB00] =	vst v63  }
0x109: {  	_ =	swait.ge [sflag:s1], $0x4000  }
0x10a: {  	s15 =	sand.u32 $0x7C00, s13;
	[sflag:s1] =	ssyncset.done $0x0  }
0x10b: {  	s16 =	sand.u32 $0x300, s13;
	s14 =	sadd.s32 s4, s15;
	[sflag:s1] =	ssyncadd.s32 $0xFFFFC000  }
0x10c: {  	[spmem:s3] =	stream.indirect.scatter.add.f32 [tilespmem:s31], [sflag:$0x3], $0x80, s8, s22, $0xb8;
	[tilespmem:$0x1EB00] =	vst v63  }
0x10d: {  	s13 =	sor.u32 s16, s14;
	_ =	swait.ge [sflag:s0], $0x4000  }
0x10e: {  	s13 =	sshrl.u32 s13, $0x3;
	[sflag:s0] =	ssyncset.done $0x0  }
0x10f: {  	s13 =	sadd.s32 s2, s13;
	[sflag:s0] =	ssyncadd.s32 $0xFFFFC000  }
0x110: {  	[tilespmem:s30], [sflag:$0x1] =	stream.linear.gather [hbm4b:s13+s5], $0x80, $0x38;
	[tilespmem:$0x1EB00] =	vst v63  }
0x111: {  	_ =	swait.ge [sflag:s26], $0x80  }
0x112: {  	[sflag:s26] =	ssyncset.done $0x0  }
0x113: {  	s17 =	sadd.s32 $0x180, s12;
	[sflag:s26] =	ssyncadd.s32 $0xFFFFFF80  }
0x114: {  	[tilespmem:s31], [sflag:$0x2] =	stream.indirect.gather [hbm4b:s6+s22], $0x80, s17, s22, $0xb8;
	[tilespmem:$0x1EB00] =	vst v63  }
0x115: {  	_ =	swait.ge [sflag:s1], $0x4000  }
0x116: {  	[sflag:s1] =	ssyncset.done $0x0  }
0x117: {  	[sflag:s1] =	ssyncadd.s32 $0xFFFFC000  }
0x118: {  	[spmem:s3] =	stream.indirect.scatter.add.f32 [tilespmem:s28], [sflag:$0x3], $0x80, s5, s22, $0xb8;
	[tilespmem:$0x1EB00] =	vst v63  }
0x119: {  	_ =	swait.ge [sflag:s0], $0x4000  }
0x11a: {  	[sflag:s0] =	ssyncset.done $0x0  }
0x11b: {  	s18 =	rddreg [dreg:$0xb];
	[sflag:s0] =	ssyncadd.s32 $0xFFFFC000  }
0x11c: {  	[tilespmem:s8], [sflag:$0x1] =	stream.linear.gather [hbm4b:s18+s5], $0x80, $0x38;
	[tilespmem:$0x1EB00] =	vst v63  }
0x11d: {  	_ =	swait.ge [sflag:s26], $0x80  }
0x11e: {  	[sflag:s26] =	ssyncset.done $0x0  }
0x11f: {  	s19 =	simm.s32 $0x2800;
	[sflag:s26] =	ssyncadd.s32 $0xFFFFFF80  }
0x120: {  	[tilespmem:s28], [sflag:$0x2] =	stream.indirect.gather [hbm4b:s6+s22], $0x80, s19, s22, $0xb8;
	[tilespmem:$0x1EB00] =	vst v63  }
0x121: {  	_ =	swait.ge [sflag:s1], $0x4000  }
0x122: {  	[sflag:s1] =	ssyncset.done $0x0  }
0x123: {  	[sflag:s1] =	ssyncadd.s32 $0xFFFFC000  }
0x124: {  	[spmem:s3] =	stream.indirect.scatter.add.f32 [tilespmem:s31], [sflag:$0x3], $0x80, s22, s22, $0xb8;
	[tilespmem:$0x1EB00] =	vst v63  }
0x125: {  	_ =	swait.ge [sflag:s0], $0x4000  }
0x126: {  	[sflag:s0] =	ssyncset.done $0x0  }
0x127: {  	s24 =	rddreg [dreg:$0xc];
	[sflag:s0] =	ssyncadd.s32 $0xFFFFC000  }
0x128: {  	[tilespmem:s5], [sflag:$0x1] =	stream.linear.gather [hbm4b:s24+s5], $0x80, $0x38;
	[tilespmem:$0x1EB00] =	vst v63  }
0x129: {  	_ =	swait.ge [sflag:s26], $0x80  }
0x12a: {  	[sflag:s26] =	ssyncset.done $0x0  }
0x12b: {  	s13 =	simm.s32 $0x2880;
	[sflag:s26] =	ssyncadd.s32 $0xFFFFFF80  }
0x12c: {  	[tilespmem:s31], [sflag:$0x2] =	stream.indirect.gather [hbm4b:s6+s22], $0x80, s13, s22, $0xb8;
	[tilespmem:$0x1EB00] =	vst v63  }
0x12d: {  	_ =	swait.ge [sflag:s1], $0x4000  }
0x12e: {  	[sflag:s1] =	ssyncset.done $0x0  }
0x12f: {  	[sflag:s1] =	ssyncadd.s32 $0xFFFFC000  }
0x130: {  	[spmem:s3] =	stream.indirect.scatter.add.f32 [tilespmem:s28], [sflag:$0x3], $0x80, s23, s22, $0xb8;
	[tilespmem:$0x1EB00] =	vst v63  }
0x131: {  	_ =	swait.ge [sflag:s0], $0x4000  }
0x132: {  	[sflag:s0] =	ssyncset.done $0x0  }
0x133: {  	s14 =	rddreg [dreg:$0xd];
	[sflag:s0] =	ssyncadd.s32 $0xFFFFC000  }
0x134: {  	[tilespmem:s22], [sflag:$0x1] =	stream.linear.gather [hbm4b:s14+s5], $0x80, $0x38;
	[tilespmem:$0x1EB00] =	vst v63  }
0x135: {  	_ =	swait.ge [sflag:s26], $0x80  }
0x136: {  	[sflag:s26] =	ssyncset.done $0x0  }
0x137: {  	s15 =	simm.s32 $0x2900;
	[sflag:s26] =	ssyncadd.s32 $0xFFFFFF80  }
0x138: {  	[tilespmem:s28], [sflag:$0x2] =	stream.indirect.gather [hbm4b:s6+s22], $0x80, s15, s22, $0xb8;
	[tilespmem:$0x1EB00] =	vst v63  }
0x139: {  	_ =	swait.ge [sflag:s1], $0x4000  }
0x13a: {  	[sflag:s1] =	ssyncset.done $0x0  }
0x13b: {  	[sflag:s1] =	ssyncadd.s32 $0xFFFFC000  }
0x13c: {  	[spmem:s3] =	stream.indirect.scatter.add.f32 [tilespmem:s31], [sflag:$0x3], $0x80, s29, s22, $0xb8;
	[tilespmem:$0x1EB00] =	vst v63  }
0x13d: {  	_ =	swait.ge [sflag:s0], $0x4000  }
0x13e: {  	[sflag:s0] =	ssyncset.done $0x0  }
0x13f: {  	s16 =	rddreg [dreg:$0xe];
	[sflag:s0] =	ssyncadd.s32 $0xFFFFC000  }
0x140: {  	[tilespmem:s23], [sflag:$0x1] =	stream.linear.gather [hbm4b:s16+s5], $0x80, $0x38;
	[tilespmem:$0x1EB00] =	vst v63  }
0x141: {  	_ =	swait.ge [sflag:s26], $0x80  }
0x142: {  	[sflag:s26] =	ssyncset.done $0x0  }
0x143: {  	s17 =	simm.s32 $0x2980;
	[sflag:s26] =	ssyncadd.s32 $0xFFFFFF80  }
0x144: {  	[tilespmem:s31], [sflag:$0x2] =	stream.indirect.gather [hbm4b:s6+s22], $0x80, s17, s22, $0xb8;
	[tilespmem:$0x1EB00] =	vst v63  }
0x145: {  	_ =	swait.ge [sflag:s1], $0x4000  }
0x146: {  	[sflag:s1] =	ssyncset.done $0x0  }
0x147: {  	[sflag:s1] =	ssyncadd.s32 $0xFFFFC000  }
0x148: {  	[spmem:s3] =	stream.indirect.scatter.add.f32 [tilespmem:s28], [sflag:$0x3], $0x80, s30, s22, $0xb8;
	[tilespmem:$0x1EB00] =	vst v63  }
0x149: {  	_ =	swait.ge [sflag:s0], $0x4000  }
0x14a: {  	[sflag:s0] =	ssyncset.done $0x0  }
0x14b: {  	s18 =	rddreg [dreg:$0xf];
	[sflag:s0] =	ssyncadd.s32 $0xFFFFC000  }
0x14c: {  	[tilespmem:s29], [sflag:$0x1] =	stream.linear.gather [hbm4b:s18+s5], $0x80, $0x38;
	[tilespmem:$0x1EB00] =	vst v63  }
0x14d: {  	_ =	swait.ge [sflag:s26], $0x80  }
0x14e: {  	[sflag:s26] =	ssyncset.done $0x0  }
0x14f: {  	s19 =	simm.s32 $0x2A00;
	[sflag:s26] =	ssyncadd.s32 $0xFFFFFF80  }
0x150: {  	[tilespmem:s28], [sflag:$0x2] =	stream.indirect.gather [hbm4b:s6+s22], $0x80, s19, s22, $0xb8;
	[tilespmem:$0x1EB00] =	vst v63  }
0x151: {  	_ =	swait.ge [sflag:s1], $0x4000  }
0x152: {  	[sflag:s1] =	ssyncset.done $0x0  }
0x153: {  	[sflag:s1] =	ssyncadd.s32 $0xFFFFC000  }
0x154: {  	[spmem:s3] =	stream.indirect.scatter.add.f32 [tilespmem:s31], [sflag:$0x3], $0x80, s8, s22, $0xb8;
	[tilespmem:$0x1EB00] =	vst v63  }
0x155: {  	_ =	swait.ge [sflag:s1], $0x4000  }
0x156: {  	[sflag:s1] =	ssyncset.done $0x0  }
0x157: {  	[sflag:s1] =	ssyncadd.s32 $0xFFFFC000  }
0x158: {  	[spmem:s3] =	stream.indirect.scatter.add.f32 [tilespmem:s28], [sflag:$0x3], $0x80, s5, s22, $0xb8;
	[tilespmem:$0x1EB00] =	vst v63  }
0x159: {  	_ =	swait.ge [sflag:s0], $0x4000  }
0x15a: {  	[sflag:s0] =	ssyncset.done $0x0  }
0x15b: {  	[sflag:s0] =	ssyncadd.s32 $0xFFFFC000  }
0x15c: {  	_ =	swait.ge [sflag:s0], $0x4000  }
0x15d: {  	[sflag:s0] =	ssyncset.done $0x0  }
0x15e: {  	[sflag:s0] =	ssyncadd.s32 $0xFFFFC000  }
0x15f: {  	_ =	swait.ge [sflag:s26], $0x80  }
0x160: {  	[sflag:s26] =	ssyncset.done $0x0  }
0x161: {  	[sflag:s26] =	ssyncadd.s32 $0xFFFFFF80  }
0x162: {  	_ =	swait.ge [sflag:s26], $0x80  }
0x163: {  	[sflag:s26] =	ssyncset.done $0x0  }
0x164: {  	[sflag:s26] =	ssyncadd.s32 $0xFFFFFF80  }
0x165: {  	_ =	swait.ge [sflag:s26], $0x80  }
0x166: {  	[sflag:s26] =	ssyncset.done $0x0  }
0x167: {  	s9 =	sadd.s32 $0x1, s9;
	[sflag:s26] =	ssyncadd.s32 $0xFFFFFF80  }
0x168: {  	p0 =	sne.s32 s9, s20;
	[bflag:$0x0] =	sbarrier.arrive $0xFFFF  }
.Ltmp1:
0x169: {  	s24 =	rddreg [dreg:$0x10];
	(pc) =	sbr.rel @p0 .LBB2_1-.Ltmp1, $4  }
0x16a: {  	[hbm:s24], [sflag:s10] =	dma.local [spmem:s11], $0x2800  }
0x16b: {  	_ =	swait.ge [sflag:s25], $0x2800  }
0x16c: {  	[sflag:s25] =	ssyncset.done $0x0  }
0x16d: {  	[sflag:s25] =	ssyncadd.s32 $0xFFFFD800  }
0x16e: {  	_ =	sfence.sel $0x180000  }
0x16f: {  	[bflag:$0x0] =	sbarrier.arrive $0xFFFF  }
0x170: {  	_ =	strace $0x9000004A  }
0x171: {  	s0 =	stileid.u32;
	[bflag:$0x2] =	sbarrier.arrive $0xFFFF  }
0x172: {  	p0 =	sne.s32 s0, $0x0;
	s0 =	rddreg [dreg:$0x3]  }
0x173: {  	s0 =	sadd.s32 @!p0 $0x100000, s0  }
0x174: {  	[sflag:s0] =	ssyncadd.tile.s32 @!p0 $0x1;
	_ =	shalt  }
.Lfunc_end2:
_tile_overlayer_lowered:
.L_overlay_start_2:
0x175: {  	(tag) =	ssettag $0x2  }
0x176: {  	s0 =	rddreg [dreg:$0x0];
	s2 =	stileid.u32  }
0x177: {  	s1 =	rddreg [dreg:$0x1];
	p0 =	sne.s32 s2, $0x0  }
0x178: {  	s3 =	rddreg [dreg:$0x2];
	[bflag:$0x3] =	sbarrier.arrive $0xFFFF;
	s2 =	simm.s32 @!p0 $0x1C04  }
0x179: {  	[timem:s3], [sflag:s2] =	dma.local @!p0 [hbm:s0], s1  }
0x17a: {  	s0 =	simm.s32 @!p0 $0x4  }
0x17b: {  	_ =	swait.ge @!p0 [sflag:s0], s1  }
0x17c: {  	s1 =	ssub.s32 @!p0 $0x0, s1;
	[sflag:s0] =	ssyncset.done @!p0 $0x0  }
0x17d: {  	[sflag:s0] =	ssyncadd.s32 @!p0 s1  }
0x17e: {  	[bflag:$0x3] =	sbarrier.arrive $0xFFFF  }
0x17f: {  	_ =	shalt  }

// kernel: kernel.14.cloned.1.call-start
scs
__scs_entry_jumppad:
0x0: {  	(pc) =	sbr.rel $0x88, $3  }
0x1: {  	(tag) =	ssettag $0x0;
	lr =	simm.s32 $0x1  }
0x2: {  	[smem:$0x3F9C] =	sst lr;
	_ =	strace $0xD0000000  }
0x3: {  	_ = 	snop  }
0x4: {  	_ = 	snop  }
0x5: {  	_ = 	snop  }
0x6: {  	_ = 	snop  }
0x7: {  	_ = 	snop  }
__scs_overlays_trampoline_lowered:
0x8: {  	[smem:$0x3FAB] =	sst s0  }
0x9: {  	[smem:$0x3FAC] =	sst s1  }
0xa: {  	[smem:$0x3FAD] =	sst s2  }
0xb: {  	[smem:$0x3FAE] =	sst s3  }
0xc: {  	[smem:$0x3FAF] =	sst s4  }
0xd: {  	[smem:$0x3FB0] =	sst s5  }
0xe: {  	[smem:$0x3FB1] =	sst s6  }
0xf: {  	[smem:$0x3FB2] =	sst s7  }
0x10: {  	[smem:$0x3FB3] =	sst s8  }
0x11: {  	[smem:$0x3FB4] =	sst s9;
	s0 =	simm.s32 @!p0 $0x0  }
0x12: {  	s1 =	sld [smem:$0x3F9A];
	s0 =	simm.s32 @p0 $0x1  }
0x13: {  	[smem:$0x3FB5] =	sst s0;
	s0 =	simm.s32 @!p1 $0x0  }
0x14: {  	s2 =	sld [smem:$0x3F99];
	s0 =	simm.s32 @p1 $0x1  }
0x15: {  	[smem:$0x3FB6] =	sst s0;
	s0 =	simm.s32 @!p2 $0x0  }
0x16: {  	s3 =	sld [smem:$0x3FDB];
	s0 =	simm.s32 @p2 $0x1  }
0x17: {  	s4 =	simm.s32 $0x1BF5;
	[smem:$0x3FB8] =	sst s0  }
0x18: {  	s0 =	sld [smem:$0x3F9B];
	_ =	swait.ge [sflag:s4], $0x0  }
0x19: {  	s7 =	sld [smem:$0x3F9C]  }
0x1a: {  	s8 =	sadd.s32 $0xFFFFE003, lr  }
0x1b: {  	s9 =	sadd.s32 $0xFFFFFEF7, lr;
	s5 =	simm.s32 $0xFFFFFFFF;
	p2 =	slt.u32 s8, $0xFFFFF086  }
0x1c: {  	p1 =	slt.u32 s9, $0xF7A;
	s5 =	simm.s32 @!p2 $0x0  }
0x1d: {  	s5 =	simm.s32 @p1 $0x1;
	p0 =	seq.s32 s7, s2  }
0x1e: {  	s7 =	smul.u32 @!p0 $0xF7A, s2;
	p2 =	seq.s32 @!p0 s5, $0x0  }
0x1f: {  	s9 =	smul.u32 $0xF7A, s1;
	s8 =	simm.s32 @!p0 $0x1BF5;
	p2 =	por !p2, p0  }
0x20: {  	[sflag:s8] =	ssyncset.s32 @!p0 $0xFFFFF086;
	s6 =	sadd.s32 @!p0 s3, s7;
	s7 =	simm.s32 @!p0 $0x108  }
0x21: {  	s3 =	sadd.s32 s3, s9;
	s6 =	sadd.s32 @!p0 $0x88, s6;
	s7 =	simm.s32 @p2 $0x1082  }
0x22: {  	[simem:s7], [sflag:s8] =	dma.local @!p0 [hbm:s6], $0xF7A  }
0x23: {  	s9 =	sor.u32 $0xD0000000, s2;
	s6 =	simm.s32 $0x108;
	_ =	swait.ge @!p0 [sflag:s8], $0x0  }
0x24: {  	s3 =	sadd.s32 $0x88, s3;
	s6 =	simm.s32 @!p1 $0x1082;
	[sflag:s4] =	ssyncset.s32 $0xFFFFF086  }
0x25: {  	[simem:s6], [sflag:s4] =	dma.local [hbm:s3], $0xF7A  }
0x26: {  	[smem:$0x3F9C] =	sst s1;
	(tag) =	ssettag s2;
	_ =	strace s9  }
0x27: {  	s1 =	sld [smem:$0x3FAC]  }
0x28: {  	s2 =	sld [smem:$0x3FAD]  }
0x29: {  	s4 =	sld [smem:$0x3FAF]  }
0x2a: {  	p0 =	seq.s32 s5, $0x0;
	s5 =	sld [smem:$0x3FB0]  }
0x2b: {  	s6 =	sld [smem:$0x3FB1]  }
0x2c: {  	s7 =	sld [smem:$0x3FB2]  }
0x2d: {  	s3 =	simm.s32 $0x108;
	s8 =	sld [smem:$0x3FB3]  }
0x2e: {  	s3 =	simm.s32 @!p0 $0x1082;
	s9 =	sld [smem:$0x3FB4]  }
0x2f: {  	lr =	sadd.s32 s0, s3;
	s0 =	sld [smem:$0x3FAB]  }
0x30: {  	s3 =	sld [smem:$0x3FAE]  }
0x31: {  	[smem:$0x3FB7] =	sst s10  }
0x32: {  	s10 =	sld [smem:$0x3FB5];
	_ =	sdelay $0x3  }
0x33: {  	p0 =	seq.s32 s10, $0x1;
	s10 =	sld [smem:$0x3FB7];
	_ =	sdelay $0x3  }
0x34: {  	[smem:$0x3FB7] =	sst s10  }
0x35: {  	s10 =	sld [smem:$0x3FB6];
	_ =	sdelay $0x3  }
0x36: {  	p1 =	seq.s32 s10, $0x1;
	s10 =	sld [smem:$0x3FB7];
	_ =	sdelay $0x3  }
0x37: {  	[smem:$0x3FB7] =	sst s10  }
0x38: {  	s10 =	sld [smem:$0x3FB8]  }
0x39: {  	_ = 	snop;
	(pc) =	sbr.ind lr, $3  }
0x3a: {  	_ = 	snop  }
0x3b: {  	_ = 	snop  }
0x3c: {  	p2 =	seq.s32 s10, $0x1;
	s10 =	sld [smem:$0x3FB7]  }
0x3d: {  	_ =	shalt  }
0x3e: {  	_ =	shalt  }
0x3f: {  	_ =	shalt  }
0x40: {  	_ =	shalt  }
0x41: {  	_ =	shalt  }
0x42: {  	_ =	shalt  }
0x43: {  	_ =	shalt  }
0x44: {  	_ =	shalt  }
0x45: {  	_ =	shalt  }
0x46: {  	_ =	shalt  }
0x47: {  	_ =	shalt  }
0x48: {  	_ =	shalt  }
0x49: {  	_ =	shalt  }
0x4a: {  	_ =	shalt  }
0x4b: {  	_ =	shalt  }
0x4c: {  	_ =	shalt  }
0x4d: {  	_ =	shalt  }
0x4e: {  	_ =	shalt  }
0x4f: {  	_ =	shalt  }
0x50: {  	_ =	shalt  }
0x51: {  	_ =	shalt  }
0x52: {  	_ =	shalt  }
0x53: {  	_ =	shalt  }
0x54: {  	_ =	shalt  }
0x55: {  	_ =	shalt  }
0x56: {  	_ =	shalt  }
0x57: {  	_ =	shalt  }
0x58: {  	_ =	shalt  }
0x59: {  	_ =	shalt  }
0x5a: {  	_ =	shalt  }
0x5b: {  	_ =	shalt  }
0x5c: {  	_ =	shalt  }
0x5d: {  	_ =	shalt  }
0x5e: {  	_ =	shalt  }
0x5f: {  	_ =	shalt  }
0x60: {  	_ =	shalt  }
0x61: {  	_ =	shalt  }
0x62: {  	_ =	shalt  }
0x63: {  	_ =	shalt  }
0x64: {  	_ =	shalt  }
0x65: {  	_ =	shalt  }
0x66: {  	_ =	shalt  }
0x67: {  	_ =	shalt  }
0x68: {  	_ =	shalt  }
0x69: {  	_ =	shalt  }
0x6a: {  	_ =	shalt  }
0x6b: {  	_ =	shalt  }
0x6c: {  	_ =	shalt  }
0x6d: {  	_ =	shalt  }
0x6e: {  	_ =	shalt  }
0x6f: {  	_ =	shalt  }
0x70: {  	_ =	shalt  }
0x71: {  	_ =	shalt  }
0x72: {  	_ =	shalt  }
0x73: {  	_ =	shalt  }
0x74: {  	_ =	shalt  }
0x75: {  	_ =	shalt  }
0x76: {  	_ =	shalt  }
0x77: {  	_ =	shalt  }
0x78: {  	_ =	shalt  }
0x79: {  	_ =	shalt  }
0x7a: {  	_ =	shalt  }
0x7b: {  	_ =	shalt  }
0x7c: {  	_ =	shalt  }
0x7d: {  	_ =	shalt  }
0x7e: {  	_ =	shalt  }
0x7f: {  	_ =	shalt  }
0x80: {  	_ =	shalt  }
0x81: {  	_ =	shalt  }
0x82: {  	_ =	shalt  }
0x83: {  	_ =	shalt  }
0x84: {  	_ =	shalt  }
0x85: {  	_ =	shalt  }
0x86: {  	_ =	shalt  }
0x87: {  	_ =	shalt  }
.Lfunc_end0:
.L_simem_size_0:
called_computation.2_lowered:
.L_overlay_start_0:
0x88: {  	s2 =	sld [smem:$0x3FD9]  }
0x89: {  	s3 =	sld [smem:$0x3FFE];
	_ =	sdelay $0x1  }
0x8a: {  	s1 =	srdreg.scid  }
0x8b: {  	s0 =	sand.u32 $0x1, s1  }
0x8c: {  	s17 =	sshll.u32 s0, $0xA;
	s2 =	sadd.s32 s3, s2  }
0x8d: {  	s2 =	sadd.s32 s2, s17  }
0x8e: {  	[smem:$0x3FC3] =	sst s2  }
0x8f: {  	_ = 	snop  }
0x90: {  	s2 =	sld [smem:$0x3FD0];
	(tm) =	ssettm $0x1  }
0x91: {  	s18 =	sld [smem:$0x3FFB];
	_ =	sdelay $0x3  }
0x92: {  	_ =	strace s18  }
0x93: {  	s3 =	sld [smem:$0x3FFC];
	_ =	sdelay $0x3  }
0x94: {  	_ =	strace s3  }
0x95: {  	s3 =	sld [smem:$0x3FFD];
	_ =	sdelay $0x3  }
0x96: {  	_ =	strace s3  }
0x97: {  	_ =	strace $0x8FFFFFFF  }
0x98: {  	s19 =	sld [smem:$0x3FDB];
	_ =	sdelay $0x1  }
0x99: {  	s4 =	simm.s32 $_scs_section_size  }
0x9a: {  	s5 =	simm.s32 $_size__tile_overlayer_lowered;
	s6 =	simm.s32 $_tile_overlayer_lowered  }
0x9b: {  	s22 =	simm.s32 $0x1BFF;
	s21 =	sshll.u32 s6, $0x1;
	s3 =	sadd.s32 s4, s19  }
0x9c: {  	s7 =	simm.s32 $0x0;
	s20 =	sshll.u32 s5, $0x1;
	s5 =	sadd.s32 s21, s3  }
0x9d: {  	[timem:s7], [sflag:s22] =	dma.local [hbm:s5], s20  }
0x9e: {  	_ =	swait.ge [sflag:s22], s20  }
0x9f: {  	s4 =	ssub.s32 $0x0, s20;
	[sflag:s22] =	ssyncset.done $0x0  }
0xa0: {  	[sflag:s22] =	ssyncadd.s32 s4;
	_ =	sdelay $0x1  }
0xa1: {  	s23 =	simm.s32 $0x1B8B  }
0xa2: {  	_ =	swait.ge [sflag:s23], $0x1  }
0xa3: {  	[sflag:s23] =	ssyncset.done $0x0  }
0xa4: {  	s25 =	simm.s32 $0x1B8E;
	s24 =	sld [smem:$0x3FFE];
	[sflag:s23] =	ssyncadd.s32 $0xFFFFFFFF  }
0xa5: {  	s26 =	simm.s32 $execute0_lowered;
	[smem:$0x3FD2] =	sst s25  }
0xa6: {  	s5 =	sshll.u32 s26, $0x1;
	_ =	strace $0x8000004C;
	[dreg:$0x1] =	wrdreg $0xFFFFFFFF  }
0xa7: {  	s28 =	simm.s32 $_size_execute0_lowered;
	s3 =	sadd.s32 s3, s5;
	[dreg:$0x0] =	wrdreg $0x0  }
0xa8: {  	s5 =	sshll.u32 s28, $0x1;
	[dreg:$0x2] =	wrdreg s3  }
0xa9: {  	[dreg:$0x3] =	wrdreg s5  }
0xaa: {  	[dreg:$0x4] =	wrdreg $0xC0  }
0xab: {  	_ =	task [dreg:s7], $0x5FFFF  }
0xac: {  	[dreg:$0x1] =	wrdreg $0xFFFFFFFF  }
0xad: {  	[dreg:$0x0] =	wrdreg $0x60  }
0xae: {  	[dreg:$0x2] =	wrdreg s24  }
0xaf: {  	[dreg:$0x3] =	wrdreg s2  }
0xb0: {  	[dreg:$0x4] =	wrdreg $0xAB000  }
0xb1: {  	[dreg:$0x5] =	wrdreg $0x9  }
0xb2: {  	_ =	task.clear_ibuf [dreg:s7], $0x6FFFF;
	_ =	strace $0x9000004C  }
0xb3: {  	s29 =	simm.s32 $0x9;
	_ =	strace $0x8000004E  }
0xb4: {  	_ =	swait.ge [sflag:s29], $0x1  }
0xb5: {  	[sflag:s29] =	ssyncadd.s32 $0xFFFFFFFF  }
0xb6: {  	_ =	strace $0x9000004E  }
0xb7: {  	_ =	sfence  }
0xb8: {  	s30 =	sld [smem:$0x0];
	_ =	sdelay $0x2  }
0xb9: {  	s31 =	sshll.u32 s1, $0xD;
	s1 =	sshrl.u32 s1, $0x2  }
0xba: {  	s3 =	sand.u32 $0x4000, s31;
	s1 =	sadd.s32 s1, s30  }
0xbb: {  	s0 =	sor.u32 s3, s0;
	s1 =	sshll.u32 s1, $0x11  }
0xbc: {  	s0 =	sor.u32 s1, s0  }
0xbd: {  	s0 =	sadd.s32 $0x8F2B, s0  }
0xbe: {  	[sflag:s0] =	ssyncadd.remote.s32 $0x1  }
0xbf: {  	_ =	sfence.sel $0xFFFF  }
0xc0: {  	[dreg:$0x0] =	wrdreg $0xFFFFFFFF;
	(pc) =	sbr.abs _section_cstart, $3  }
0xc1: {  	[dreg:$0x1] =	wrdreg $0xFFFFFFFF  }
0xc2: {  	_ =	task.clear_ibuf [dreg:s7], $0x2FFFF;
	_ =	strace $0x9FFFFFFF  }
0xc3: {  	(tm) =	ssettm $0x7FFFFFFF  }
tec
execute0_lowered:
.L_overlay_start_1:
0x0: {  	(tag) =	ssettag $0x1  }
0x1: {  	s0 =	srdreg.scid;
	s1 =	rddreg [dreg:$0x0]  }
0x2: {  	s14 =	stileid.u32;
	s2 =	rddreg [dreg:$0x1]  }
0x3: {  	s5 =	simm.s32 $0x0;
	s0 =	sand.u32 $0x1, s0;
	s3 =	sshll.u32 s14, $0x1  }
0x4: {  	s8 =	smul.u32 $0x2800, s14;
	[smem:$0x7FF] =	sst s5;
	s6 =	sadd.s32 $0x35C00, s1  }
0x5: {  	s11 =	sadd.s32 $0x5DC00, s1;
	s14 =	smul.u32 $0x50000, s14;
	s4 =	sor.u32 s0, s3  }
0x6: {  	s3 =	rddreg [dreg:$0x2];
	s7 =	smul.u32 $0x28000, s0;
	_ =	strace $0x8000004D  }
0x7: {  	s12 =	ssub.s32 $0x2, s0;
	s4 =	smul.u32 $0x2C00, s4;
	s17 =	sshrl.u32 s14, $0x2  }
0x8: {  	p0 =	seq.s32 s0, $0x0;
	s7 =	sadd.s32 s8, s7;
	s0 =	sadd.s32 s17, s3  }
0x9: {  	s9 =	sshrl.u32 s4, $0x3;
	[dreg:$0x8] =	wrdreg s0;
	s19 =	sadd.s32 $0x400, s4  }
0xa: {  	s10 =	sadd.s32 s9, s1;
	s1 =	sadd.s32 s7, s1;
	s7 =	sadd.s32 s2, s9  }
0xb: {  	[dreg:$0x4] =	wrdreg s19;
	s15 =	sadd.s32 $0x10, s7  }
0xc: {  	s16 =	sadd.s32 $0x20, s7;
	[dreg:$0x5] =	wrdreg s15  }
0xd: {  	s28 =	simm.s32 $0x2B00;
	s10 =	sadd.s32 $0x2C00, s10;
	[dreg:$0x6] =	wrdreg s16  }
0xe: {  	s29 =	simm.s32 $0x180;
	s18 =	sadd.s32 $0x30, s7;
	[dreg:$0x7] =	wrdreg s10  }
0xf: {  	s31 =	simm.s32 $0x6B00;
	s20 =	sadd.s32 $0x40, s7;
	[dreg:$0x9] =	wrdreg s18  }
0x10: {  	s30 =	simm.s32 $0x200;
	s21 =	sadd.s32 $0x4D0, s7;
	[dreg:$0xa] =	wrdreg s20  }
0x11: {  	s13 =	sshrl.u32 s12, $0x1;
	s22 =	sadd.s32 $0x4E0, s7;
	[dreg:$0xb] =	wrdreg s21  }
0x12: {  	s11 =	smov.u32 @p0 s6;
	s23 =	sadd.s32 $0x4F0, s7;
	[dreg:$0xc] =	wrdreg s22  }
0x13: {  	s12 =	ssub.s32 s12, s13;
	s24 =	sadd.s32 $0x500, s7;
	[dreg:$0xd] =	wrdreg s23  }
0x14: {  	s0 =	simm.s32 $0x3;
	s25 =	sadd.s32 $0x510, s7;
	[dreg:$0xe] =	wrdreg s24  }
0x15: {  	s9 =	simm.s32 $0x0;
	s26 =	sadd.s32 $0xADC00, s1;
	[dreg:$0xf] =	wrdreg s25  }
0x16: {  	s1 =	simm.s32 $0x2;
	[dreg:$0x10] =	wrdreg s26;
	s20 =	smax.u32 s12, $0x1  }
0x17: {  	s21 =	sadd.s32 s11, s8;
	s22 =	simm.s32 $0x80;
	s23 =	simm.s32 $0x100  }
0x18: {  	s25 =	simm.s32 $0x4;
	s26 =	simm.s32 $0x1;
	s8 =	simm.s32 $0x280  }
.LBB2_1:
0x19: {  	[tilespmem:s5], [sflag:$0x1] =	stream.linear.gather [hbm4b:s7+s5], $0x80, $0x38;
	[tilespmem:$0x1EB00] =	vst v63  }
0x1a: {  	s10 =	rddreg [dreg:$0x5]  }
0x1b: {  	[tilespmem:s22], [sflag:$0x1] =	stream.linear.gather [hbm4b:s10+s5], $0x80, $0x38;
	[tilespmem:$0x1EB00] =	vst v63  }
0x1c: {  	s14 =	rddreg [dreg:$0x6]  }
0x1d: {  	[tilespmem:s23], [sflag:$0x1] =	stream.linear.gather [hbm4b:s14+s5], $0x80, $0x38;
	[tilespmem:$0x1EB00] =	vst v63  }
0x1e: {  	s15 =	rddreg [dreg:$0x7];
	s12 =	simm.s32 $0x300  }
0x1f: {  	[tilespmem:s12], [sflag:$0x4] =	stream.linear.gather [hbm4b:s15+s5], $0x2800, $0x38;
	[tilespmem:$0x1EB00] =	vst v63  }
0x20: {  	s16 =	stileid.u32;
	_ =	swait.ge [sflag:s25], $0x2800  }
0x21: {  	s10 =	sshll.u32 s16, $0x6;
	[sflag:s25] =	ssyncset.done $0x0;
	s11 =	rddreg [dreg:$0x8]  }
0x22: {  	s10 =	sor.u32 $0x1C04, s10;
	[sflag:s25] =	ssyncadd.s32 $0xFFFFD800;
	s11 =	sshrl.u32 s11, $0x3  }
0x23: {  	[spmem:s11], [sflag:s10] =	dma.local [hbm:s21], $0x2800  }
0x24: {  	_ =	swait.ge [sflag:s25], $0x2800  }
0x25: {  	[sflag:s25] =	ssyncset.done $0x0  }
0x26: {  	[sflag:s25] =	ssyncadd.s32 $0xFFFFD800  }
0x27: {  	[bflag:$0x0] =	sbarrier.arrive $0xFFFF  }
0x28: {  	_ =	swait.ge [sflag:s26], $0x80  }
0x29: {  	[sflag:s26] =	ssyncset.done $0x0  }
0x2a: {  	[sflag:s26] =	ssyncadd.s32 $0xFFFFFF80  }
0x2b: {  	[tilespmem:s28], [sflag:$0x2] =	stream.indirect.gather [hbm4b:s6+s22], $0x80, s12, s22, $0xb8;
	[tilespmem:$0x1EB00] =	vst v63  }
0x2c: {  	s17 =	rddreg [dreg:$0x9]  }
0x2d: {  	[tilespmem:s29], [sflag:$0x1] =	stream.linear.gather [hbm4b:s17+s5], $0x80, $0x38;
	[tilespmem:$0x1EB00] =	vst v63  }
0x2e: {  	_ =	swait.ge [sflag:s26], $0x80  }
0x2f: {  	[sflag:s26] =	ssyncset.done $0x0  }
0x30: {  	s18 =	simm.s32 $0x380;
	[sflag:s26] =	ssyncadd.s32 $0xFFFFFF80  }
0x31: {  	[tilespmem:s31], [sflag:$0x2] =	stream.indirect.gather [hbm4b:s6+s22], $0x80, s18, s22, $0xb8;
	[tilespmem:$0x1EB00] =	vst v63  }
0x32: {  	_ =	swait.ge [sflag:s1], $0x4000  }
0x33: {  	s24 =	simm.s32 $0x280;
	[sflag:s1] =	ssyncset.done $0x0  }
0x34: {  	s13 =	sand.u32 $0x7C00, s24;
	[sflag:s1] =	ssyncadd.s32 $0xFFFFC000  }
0x35: {  	[spmem:s3] =	stream.indirect.scatter.add.f32 [tilespmem:s28], [sflag:$0x3], $0x80, s5, s22, $0xb8;
	[tilespmem:$0x1EB00] =	vst v63  }
0x36: {  	s13 =	sadd.s32 s4, s13;
	s12 =	sand.u32 $0x380, s24;
	s19 =	rddreg [dreg:$0xa]  }
0x37: {  	[tilespmem:s30], [sflag:$0x1] =	stream.linear.gather [hbm4b:s19+s5], $0x80, $0x38;
	[tilespmem:$0x1EB00] =	vst v63  }
0x38: {  	s12 =	sor.u32 s12, s13;
	_ =	swait.ge [sflag:s0], $0x4000  }
0x39: {  	s12 =	sshrl.u32 s12, $0x3;
	[sflag:s0] =	ssyncset.done $0x0  }
0x3a: {  	s12 =	sadd.s32 s2, s12;
	[sflag:s0] =	ssyncadd.s32 $0xFFFFC000  }
0x3b: {  	[tilespmem:s8], [sflag:$0x1] =	stream.linear.gather [hbm4b:s12+s5], $0x80, $0x38;
	[tilespmem:$0x1EB00] =	vst v63  }
0x3c: {  	_ =	swait.ge [sflag:s26], $0x80  }
0x3d: {  	[sflag:s26] =	ssyncset.done $0x0  }
0x3e: {  	s14 =	simm.s32 $0x400;
	[sflag:s26] =	ssyncadd.s32 $0xFFFFFF80  }
0x3f: {  	[tilespmem:s28], [sflag:$0x2] =	stream.indirect.gather [hbm4b:s6+s22], $0x80, s14, s22, $0xb8;
	[tilespmem:$0x1EB00] =	vst v63  }
0x40: {  	s15 =	simm.s32 $0x300;
	_ =	swait.ge [sflag:s1], $0x4000  }
0x41: {  	s16 =	sand.u32 $0x7C00, s15;
	[sflag:s1] =	ssyncset.done $0x0  }
0x42: {  	s13 =	sadd.s32 s4, s16;
	s12 =	sand.u32 $0x300, s15;
	[sflag:s1] =	ssyncadd.s32 $0xFFFFC000  }
0x43: {  	[spmem:s3] =	stream.indirect.scatter.add.f32 [tilespmem:s31], [sflag:$0x3], $0x80, s22, s22, $0xb8;
	[tilespmem:$0x1EB00] =	vst v63  }
0x44: {  	s12 =	sor.u32 s12, s13;
	_ =	swait.ge [sflag:s0], $0x4000  }
0x45: {  	s12 =	sshrl.u32 s12, $0x3;
	[sflag:s0] =	ssyncset.done $0x0  }
0x46: {  	s12 =	sadd.s32 s2, s12;
	[sflag:s0] =	ssyncadd.s32 $0xFFFFC000  }
0x47: {  	[tilespmem:s5], [sflag:$0x1] =	stream.linear.gather [hbm4b:s12+s5], $0x80, $0x38;
	[tilespmem:$0x1EB00] =	vst v63  }
0x48: {  	_ =	swait.ge [sflag:s26], $0x80  }
0x49: {  	[sflag:s26] =	ssyncset.done $0x0  }
0x4a: {  	s17 =	simm.s32 $0x480;
	[sflag:s26] =	ssyncadd.s32 $0xFFFFFF80  }
0x4b: {  	[tilespmem:s31], [sflag:$0x2] =	stream.indirect.gather [hbm4b:s6+s22], $0x80, s17, s22, $0xb8;
	[tilespmem:$0x1EB00] =	vst v63  }
0x4c: {  	s18 =	simm.s32 $0x380;
	_ =	swait.ge [sflag:s1], $0x4000  }
0x4d: {  	s19 =	sand.u32 $0x7C00, s18;
	[sflag:s1] =	ssyncset.done $0x0  }
0x4e: {  	s13 =	sadd.s32 s4, s19;
	s12 =	sand.u32 $0x380, s18;
	[sflag:s1] =	ssyncadd.s32 $0xFFFFC000  }
0x4f: {  	[spmem:s3] =	stream.indirect.scatter.add.f32 [tilespmem:s28], [sflag:$0x3], $0x80, s23, s22, $0xb8;
	[tilespmem:$0x1EB00] =	vst v63  }
0x50: {  	s12 =	sor.u32 s12, s13;
	_ =	swait.ge [sflag:s0], $0x4000  }
0x51: {  	s12 =	sshrl.u32 s12, $0x3;
	[sflag:s0] =	ssyncset.done $0x0  }
0x52: {  	s12 =	sadd.s32 s2, s12;
	[sflag:s0] =	ssyncadd.s32 $0xFFFFC000  }
0x53: {  	[tilespmem:s22], [sflag:$0x1] =	stream.linear.gather [hbm4b:s12+s5], $0x80, $0x38;
	[tilespmem:$0x1EB00] =	vst v63  }
0x54: {  	_ =	swait.ge [sflag:s26], $0x80  }
0x55: {  	[sflag:s26] =	ssyncset.done $0x0  }
0x56: {  	s12 =	simm.s32 $0x500;
	[sflag:s26] =	ssyncadd.s32 $0xFFFFFF80  }
0x57: {  	[tilespmem:s28], [sflag:$0x2] =	stream.indirect.gather [hbm4b:s6+s22], $0x80, s12, s22, $0xb8;
	[tilespmem:$0x1EB00] =	vst v63  }
0x58: {  	_ =	swait.ge [sflag:s1], $0x4000  }
0x59: {  	[sflag:s1] =	ssyncset.done $0x0  }
0x5a: {  	[sflag:s1] =	ssyncadd.s32 $0xFFFFC000  }
0x5b: {  	[spmem:s3] =	stream.indirect.scatter.add.f32 [tilespmem:s31], [sflag:$0x3], $0x80, s29, s22, $0xb8;
	[tilespmem:$0x1EB00] =	vst v63  }
0x5c: {  	s14 =	simm.s32 $0x0;
	_ =	swait.ge [sflag:s0], $0x4000  }
0x5d: {  	s15 =	sand.u32 $0x3C00, s14;
	s24 =	rddreg [dreg:$0x4]  }
0x5e: {  	s14 =	sand.u32 $0x300, s14;
	s13 =	sadd.s32 s15, s24  }
0x5f: {  	s13 =	sor.u32 s14, s13  }
0x60: {  	[sflag:s0] =	ssyncset.done $0x0;
	s13 =	sshrl.u32 s13, $0x3  }
0x61: {  	[sflag:s0] =	ssyncadd.s32 $0xFFFFC000;
	s13 =	sadd.s32 s2, s13  }
0x62: {  	[tilespmem:s23], [sflag:$0x1] =	stream.linear.gather [hbm4b:s13+s5], $0x80, $0x38;
	[tilespmem:$0x1EB00] =	vst v63  }
0x63: {  	_ =	swait.ge [sflag:s26], $0x80  }
0x64: {  	[sflag:s26] =	ssyncset.done $0x0  }
0x65: {  	s16 =	simm.s32 $0x580;
	[sflag:s26] =	ssyncadd.s32 $0xFFFFFF80  }
0x66: {  	[tilespmem:s31], [sflag:$0x2] =	stream.indirect.gather [hbm4b:s6+s22], $0x80, s16, s22, $0xb8;
	[tilespmem:$0x1EB00] =	vst v63  }
0x67: {  	s17 =	simm.s32 $0x480;
	_ =	swait.ge [sflag:s1], $0x4000  }
0x68: {  	s18 =	sand.u32 $0x7C00, s17;
	[sflag:s1] =	ssyncset.done $0x0  }
0x69: {  	s14 =	sadd.s32 s4, s18;
	s13 =	sand.u32 $0x380, s17;
	[sflag:s1] =	ssyncadd.s32 $0xFFFFC000  }
0x6a: {  	[spmem:s3] =	stream.indirect.scatter.add.f32 [tilespmem:s28], [sflag:$0x3], $0x80, s30, s22, $0xb8;
	[tilespmem:$0x1EB00] =	vst v63  }
0x6b: {  	s13 =	sor.u32 s13, s14;
	_ =	swait.ge [sflag:s0], $0x4000  }
0x6c: {  	s13 =	sshrl.u32 s13, $0x3;
	[sflag:s0] =	ssyncset.done $0x0  }
0x6d: {  	s13 =	sadd.s32 s2, s13;
	[sflag:s0] =	ssyncadd.s32 $0xFFFFC000  }
0x6e: {  	[tilespmem:s29], [sflag:$0x1] =	stream.linear.gather [hbm4b:s13+s5], $0x80, $0x38;
	[tilespmem:$0x1EB00] =	vst v63  }
0x6f: {  	_ =	swait.ge [sflag:s26], $0x80  }
0x70: {  	[sflag:s26] =	ssyncset.done $0x0  }
0x71: {  	s19 =	simm.s32 $0x600;
	[sflag:s26] =	ssyncadd.s32 $0xFFFFFF80  }
0x72: {  	[tilespmem:s28], [sflag:$0x2] =	stream.indirect.gather [hbm4b:s6+s22], $0x80, s19, s22, $0xb8;
	[tilespmem:$0x1EB00] =	vst v63  }
0x73: {  	_ =	swait.ge [sflag:s1], $0x4000  }
0x74: {  	s24 =	sand.u32 $0x7C00, s12;
	[sflag:s1] =	ssyncset.done $0x0  }
0x75: {  	s12 =	sand.u32 $0x300, s12;
	s13 =	sadd.s32 s4, s24;
	[sflag:s1] =	ssyncadd.s32 $0xFFFFC000  }
0x76: {  	[spmem:s3] =	stream.indirect.scatter.add.f32 [tilespmem:s31], [sflag:$0x3], $0x80, s8, s22, $0xb8;
	[tilespmem:$0x1EB00] =	vst v63  }
0x77: {  	s12 =	sor.u32 s12, s13;
	_ =	swait.ge [sflag:s0], $0x4000  }
0x78: {  	s15 =	simm.s32 $0xB00;
	s12 =	sshrl.u32 s12, $0x3;
	[sflag:s0] =	ssyncset.done $0x0  }
0x79: {  	s24 =	simm.s32 $0x580;
	s12 =	sadd.s32 s2, s12;
	[sflag:s0] =	ssyncadd.s32 $0xFFFFC000  }
0x7a: {  	[tilespmem:s30], [sflag:$0x1] =	stream.linear.gather [hbm4b:s12+s5], $0x80, $0x38;
	[tilespmem:$0x1EB00] =	vst v63  }
0x7b: {  	s18 =	simm.s32 $0x680;
	s17 =	sand.u32 $0x7C00, s24;
	_ =	swait.ge [sflag:s26], $0x80  }
0x7c: {  	s13 =	simm.s32 $0x800;
	s12 =	simm.s32 $0x800;
	[sflag:s26] =	ssyncset.done $0x0  }
.LBB2_2:
0x7d: {  	[sflag:s26] =	ssyncadd.s32 $0xFFFFFF80  }
0x7e: {  	[tilespmem:s31], [sflag:$0x2] =	stream.indirect.gather [hbm4b:s6+s22], $0x80, s18, s22, $0xb8;
	[tilespmem:$0x1EB00] =	vst v63  }
0x7f: {  	_ =	swait.ge [sflag:s1], $0x4000  }
0x80: {  	[sflag:s1] =	ssyncset.done $0x0  }
0x81: {  	s17 =	sadd.s32 s4, s17;
	s19 =	sand.u32 $0x380, s24;
	[sflag:s1] =	ssyncadd.s32 $0xFFFFC000  }
0x82: {  	[spmem:s3] =	stream.indirect.scatter.add.f32 [tilespmem:s28], [sflag:$0x3], $0x80, s5, s22, $0xb8;
	[tilespmem:$0x1EB00] =	vst v63  }
0x83: {  	s24 =	smov.u32 s15;
	s17 =	sor.u32 s19, s17;
	_ =	swait.ge [sflag:s0], $0x4000  }
0x84: {  	s16 =	sadd.s32 $0x300, s15;
	s19 =	sshrl.u32 s17, $0x3;
	[sflag:s0] =	ssyncset.done $0x0  }
0x85: {  	p0 =	sne.s32 s15, $0x2600;
	s15 =	sadd.s32 s2, s19;
	[sflag:s0] =	ssyncadd.s32 $0xFFFFC000  }
0x86: {  	[tilespmem:s8], [sflag:$0x1] =	stream.linear.gather [hbm4b:s15+s5], $0x80, $0x38;
	[tilespmem:$0x1EB00] =	vst v63  }
0x87: {  	_ =	swait.ge [sflag:s26], $0x80  }
0x88: {  	[sflag:s26] =	ssyncset.done $0x0  }
0x89: {  	s17 =	sadd.s32 $0xFFFFFF00, s12;
	[sflag:s26] =	ssyncadd.s32 $0xFFFFFF80  }
0x8a: {  	[tilespmem:s28], [sflag:$0x2] =	stream.indirect.gather [hbm4b:s6+s22], $0x80, s17, s22, $0xb8;
	[tilespmem:$0x1EB00] =	vst v63  }
0x8b: {  	s18 =	sadd.s32 $0xFFFFFE00, s13;
	_ =	swait.ge [sflag:s1], $0x4000  }
0x8c: {  	s19 =	sand.u32 $0x7C00, s18;
	[sflag:s1] =	ssyncset.done $0x0  }
0x8d: {  	s15 =	sand.u32 $0x300, s18;
	s17 =	sadd.s32 s4, s19;
	[sflag:s1] =	ssyncadd.s32 $0xFFFFC000  }
0x8e: {  	[spmem:s3] =	stream.indirect.scatter.add.f32 [tilespmem:s31], [sflag:$0x3], $0x80, s22, s22, $0xb8;
	[tilespmem:$0x1EB00] =	vst v63  }
0x8f: {  	s15 =	sor.u32 s15, s17;
	_ =	swait.ge [sflag:s0], $0x4000  }
0x90: {  	s15 =	sshrl.u32 s15, $0x3;
	[sflag:s0] =	ssyncset.done $0x0  }
0x91: {  	s15 =	sadd.s32 s2, s15;
	[sflag:s0] =	ssyncadd.s32 $0xFFFFC000  }
0x92: {  	[tilespmem:s5], [sflag:$0x1] =	stream.linear.gather [hbm4b:s15+s5], $0x80, $0x38;
	[tilespmem:$0x1EB00] =	vst v63  }
0x93: {  	_ =	swait.ge [sflag:s26], $0x80  }
0x94: {  	[sflag:s26] =	ssyncset.done $0x0  }
0x95: {  	s17 =	sadd.s32 $0xFFFFFF80, s12;
	[sflag:s26] =	ssyncadd.s32 $0xFFFFFF80  }
0x96: {  	[tilespmem:s31], [sflag:$0x2] =	stream.indirect.gather [hbm4b:s6+s22], $0x80, s17, s22, $0xb8;
	[tilespmem:$0x1EB00] =	vst v63  }
0x97: {  	s18 =	sadd.s32 $0xFFFFFE80, s13;
	_ =	swait.ge [sflag:s1], $0x4000  }
0x98: {  	s19 =	sand.u32 $0x7C00, s18;
	[sflag:s1] =	ssyncset.done $0x0  }
0x99: {  	s15 =	sand.u32 $0x380, s18;
	s17 =	sadd.s32 s4, s19;
	[sflag:s1] =	ssyncadd.s32 $0xFFFFC000  }
0x9a: {  	[spmem:s3] =	stream.indirect.scatter.add.f32 [tilespmem:s28], [sflag:$0x3], $0x80, s23, s22, $0xb8;
	[tilespmem:$0x1EB00] =	vst v63  }
0x9b: {  	s15 =	sor.u32 s15, s17;
	_ =	swait.ge [sflag:s0], $0x4000  }
0x9c: {  	s15 =	sshrl.u32 s15, $0x3;
	[sflag:s0] =	ssyncset.done $0x0  }
0x9d: {  	s15 =	sadd.s32 s2, s15;
	[sflag:s0] =	ssyncadd.s32 $0xFFFFC000  }
0x9e: {  	[tilespmem:s22], [sflag:$0x1] =	stream.linear.gather [hbm4b:s15+s5], $0x80, $0x38;
	[tilespmem:$0x1EB00] =	vst v63  }
0x9f: {  	_ =	swait.ge [sflag:s26], $0x80  }
0xa0: {  	[sflag:s26] =	ssyncset.done $0x0  }
0xa1: {  	[sflag:s26] =	ssyncadd.s32 $0xFFFFFF80  }
0xa2: {  	[tilespmem:s28], [sflag:$0x2] =	stream.indirect.gather [hbm4b:s6+s22], $0x80, s12, s22, $0xb8;
	[tilespmem:$0x1EB00] =	vst v63  }
0xa3: {  	_ =	swait.ge [sflag:s1], $0x4000  }
0xa4: {  	[sflag:s1] =	ssyncset.done $0x0  }
0xa5: {  	[sflag:s1] =	ssyncadd.s32 $0xFFFFC000  }
0xa6: {  	[spmem:s3] =	stream.indirect.scatter.add.f32 [tilespmem:s31], [sflag:$0x3], $0x80, s29, s22, $0xb8;
	[tilespmem:$0x1EB00] =	vst v63  }
0xa7: {  	s17 =	sadd.s32 $0xFFFFFB00, s13;
	_ =	swait.ge [sflag:s0], $0x4000  }
0xa8: {  	s19 =	sand.u32 $0x3C00, s17;
	s18 =	rddreg [dreg:$0x4]  }
0xa9: {  	s15 =	sand.u32 $0x300, s17;
	s17 =	sadd.s32 s19, s18  }
0xaa: {  	s15 =	sor.u32 s15, s17  }
0xab: {  	[sflag:s0] =	ssyncset.done $0x0;
	s15 =	sshrl.u32 s15, $0x3  }
0xac: {  	[sflag:s0] =	ssyncadd.s32 $0xFFFFC000;
	s15 =	sadd.s32 s2, s15  }
0xad: {  	[tilespmem:s23], [sflag:$0x1] =	stream.linear.gather [hbm4b:s15+s5], $0x80, $0x38;
	[tilespmem:$0x1EB00] =	vst v63  }
0xae: {  	_ =	swait.ge [sflag:s26], $0x80  }
0xaf: {  	[sflag:s26] =	ssyncset.done $0x0  }
0xb0: {  	s17 =	sadd.s32 $0x80, s12;
	[sflag:s26] =	ssyncadd.s32 $0xFFFFFF80  }
0xb1: {  	[tilespmem:s31], [sflag:$0x2] =	stream.indirect.gather [hbm4b:s6+s22], $0x80, s17, s22, $0xb8;
	[tilespmem:$0x1EB00] =	vst v63  }
0xb2: {  	s18 =	sadd.s32 $0xFFFFFF80, s13;
	_ =	swait.ge [sflag:s1], $0x4000  }
0xb3: {  	s19 =	sand.u32 $0x7C00, s18;
	[sflag:s1] =	ssyncset.done $0x0  }
0xb4: {  	s15 =	sand.u32 $0x380, s18;
	s17 =	sadd.s32 s4, s19;
	[sflag:s1] =	ssyncadd.s32 $0xFFFFC000  }
0xb5: {  	[spmem:s3] =	stream.indirect.scatter.add.f32 [tilespmem:s28], [sflag:$0x3], $0x80, s30, s22, $0xb8;
	[tilespmem:$0x1EB00] =	vst v63  }
0xb6: {  	s15 =	sor.u32 s15, s17;
	_ =	swait.ge [sflag:s0], $0x4000  }
0xb7: {  	s15 =	sshrl.u32 s15, $0x3;
	[sflag:s0] =	ssyncset.done $0x0  }
0xb8: {  	s15 =	sadd.s32 s2, s15;
	[sflag:s0] =	ssyncadd.s32 $0xFFFFC000  }
0xb9: {  	[tilespmem:s29], [sflag:$0x1] =	stream.linear.gather [hbm4b:s15+s5], $0x80, $0x38;
	[tilespmem:$0x1EB00] =	vst v63  }
0xba: {  	_ =	swait.ge [sflag:s26], $0x80  }
0xbb: {  	[sflag:s26] =	ssyncset.done $0x0  }
0xbc: {  	s17 =	sadd.s32 $0x100, s12;
	[sflag:s26] =	ssyncadd.s32 $0xFFFFFF80  }
0xbd: {  	[tilespmem:s28], [sflag:$0x2] =	stream.indirect.gather [hbm4b:s6+s22], $0x80, s17, s22, $0xb8;
	[tilespmem:$0x1EB00] =	vst v63  }
0xbe: {  	_ =	swait.ge [sflag:s1], $0x4000  }
0xbf: {  	s14 =	smov.u32 s12;
	s18 =	sand.u32 $0x7C00, s13;
	[sflag:s1] =	ssyncset.done $0x0  }
0xc0: {  	s19 =	sand.u32 $0x300, s13;
	s15 =	sadd.s32 s4, s18;
	[sflag:s1] =	ssyncadd.s32 $0xFFFFC000  }
0xc1: {  	[spmem:s3] =	stream.indirect.scatter.add.f32 [tilespmem:s31], [sflag:$0x3], $0x80, s8, s22, $0xb8;
	[tilespmem:$0x1EB00] =	vst v63  }
0xc2: {  	s13 =	smov.u32 s24;
	s15 =	sor.u32 s19, s15;
	_ =	swait.ge [sflag:s0], $0x4000  }
.Ltmp0:
0xc3: {  	s15 =	sshrl.u32 s15, $0x3;
	[sflag:s0] =	ssyncset.done $0x0;
	(pc) =	sbr.rel @p0 .LBB2_2-.Ltmp0, $4  }
0xc4: {  	s24 =	sadd.s32 $0xFFFFFD80, s13;
	s15 =	sadd.s32 s2, s15;
	[sflag:s0] =	ssyncadd.s32 $0xFFFFC000  }
0xc5: {  	[tilespmem:s30], [sflag:$0x1] =	stream.linear.gather [hbm4b:s15+s5], $0x80, $0x38;
	[tilespmem:$0x1EB00] =	vst v63  }
0xc6: {  	s12 =	sadd.s32 $0x300, s12;
	s18 =	sadd.s32 $0x180, s14;
	_ =	swait.ge [sflag:s26], $0x80  }
0xc7: {  	s17 =	sand.u32 $0x7C00, s24;
	s15 =	smov.u32 s16;
	[sflag:s26] =	ssyncset.done $0x0  }
0xc8: {  	[sflag:s26] =	ssyncadd.s32 $0xFFFFFF80  }
0xc9: {  	[tilespmem:s31], [sflag:$0x2] =	stream.indirect.gather [hbm4b:s6+s22], $0x80, s18, s22, $0xb8;
	[tilespmem:$0x1EB00] =	vst v63  }
0xca: {  	_ =	swait.ge [sflag:s1], $0x4000  }
0xcb: {  	[sflag:s1] =	ssyncset.done $0x0  }
0xcc: {  	s14 =	sadd.s32 s4, s17;
	s15 =	sand.u32 $0x380, s24;
	[sflag:s1] =	ssyncadd.s32 $0xFFFFC000  }
0xcd: {  	[spmem:s3] =	stream.indirect.scatter.add.f32 [tilespmem:s28], [sflag:$0x3], $0x80, s5, s22, $0xb8;
	[tilespmem:$0x1EB00] =	vst v63  }
0xce: {  	s14 =	sor.u32 s15, s14;
	_ =	swait.ge [sflag:s0], $0x4000  }
0xcf: {  	s14 =	sshrl.u32 s14, $0x3;
	[sflag:s0] =	ssyncset.done $0x0  }
0xd0: {  	s14 =	sadd.s32 s2, s14;
	[sflag:s0] =	ssyncadd.s32 $0xFFFFC000  }
0xd1: {  	[tilespmem:s8], [sflag:$0x1] =	stream.linear.gather [hbm4b:s14+s5], $0x80, $0x38;
	[tilespmem:$0x1EB00] =	vst v63  }
0xd2: {  	_ =	swait.ge [sflag:s26], $0x80  }
0xd3: {  	[sflag:s26] =	ssyncset.done $0x0  }
0xd4: {  	s18 =	sadd.s32 $0xFFFFFF00, s12;
	[sflag:s26] =	ssyncadd.s32 $0xFFFFFF80  }
0xd5: {  	[tilespmem:s28], [sflag:$0x2] =	stream.indirect.gather [hbm4b:s6+s22], $0x80, s18, s22, $0xb8;
	[tilespmem:$0x1EB00] =	vst v63  }
0xd6: {  	s19 =	sadd.s32 $0xFFFFFE00, s13;
	_ =	swait.ge [sflag:s1], $0x4000  }
0xd7: {  	s24 =	sand.u32 $0x7C00, s19;
	[sflag:s1] =	ssyncset.done $0x0  }
0xd8: {  	s15 =	sadd.s32 s4, s24;
	s14 =	sand.u32 $0x300, s19;
	[sflag:s1] =	ssyncadd.s32 $0xFFFFC000  }
0xd9: {  	[spmem:s3] =	stream.indirect.scatter.add.f32 [tilespmem:s31], [sflag:$0x3], $0x80, s22, s22, $0xb8;
	[tilespmem:$0x1EB00] =	vst v63  }
0xda: {  	s14 =	sor.u32 s14, s15;
	_ =	swait.ge [sflag:s0], $0x4000  }
0xdb: {  	s14 =	sshrl.u32 s14, $0x3;
	[sflag:s0] =	ssyncset.done $0x0  }
0xdc: {  	s14 =	sadd.s32 s2, s14;
	[sflag:s0] =	ssyncadd.s32 $0xFFFFC000  }
0xdd: {  	[tilespmem:s5], [sflag:$0x1] =	stream.linear.gather [hbm4b:s14+s5], $0x80, $0x38;
	[tilespmem:$0x1EB00] =	vst v63  }
0xde: {  	_ =	swait.ge [sflag:s26], $0x80  }
0xdf: {  	[sflag:s26] =	ssyncset.done $0x0  }
0xe0: {  	s16 =	sadd.s32 $0xFFFFFF80, s12;
	[sflag:s26] =	ssyncadd.s32 $0xFFFFFF80  }
0xe1: {  	[tilespmem:s31], [sflag:$0x2] =	stream.indirect.gather [hbm4b:s6+s22], $0x80, s16, s22, $0xb8;
	[tilespmem:$0x1EB00] =	vst v63  }
0xe2: {  	s17 =	sadd.s32 $0xFFFFFE80, s13;
	_ =	swait.ge [sflag:s1], $0x4000  }
0xe3: {  	s18 =	sand.u32 $0x7C00, s17;
	[sflag:s1] =	ssyncset.done $0x0  }
0xe4: {  	s15 =	sadd.s32 s4, s18;
	s14 =	sand.u32 $0x380, s17;
	[sflag:s1] =	ssyncadd.s32 $0xFFFFC000  }
0xe5: {  	[spmem:s3] =	stream.indirect.scatter.add.f32 [tilespmem:s28], [sflag:$0x3], $0x80, s23, s22, $0xb8;
	[tilespmem:$0x1EB00] =	vst v63  }
0xe6: {  	s14 =	sor.u32 s14, s15;
	_ =	swait.ge [sflag:s0], $0x4000  }
0xe7: {  	s14 =	sshrl.u32 s14, $0x3;
	[sflag:s0] =	ssyncset.done $0x0  }
0xe8: {  	s14 =	sadd.s32 s2, s14;
	[sflag:s0] =	ssyncadd.s32 $0xFFFFC000  }
0xe9: {  	[tilespmem:s22], [sflag:$0x1] =	stream.linear.gather [hbm4b:s14+s5], $0x80, $0x38;
	[tilespmem:$0x1EB00] =	vst v63  }
0xea: {  	_ =	swait.ge [sflag:s26], $0x80  }
0xeb: {  	[sflag:s26] =	ssyncset.done $0x0  }
0xec: {  	[sflag:s26] =	ssyncadd.s32 $0xFFFFFF80  }
0xed: {  	[tilespmem:s28], [sflag:$0x2] =	stream.indirect.gather [hbm4b:s6+s22], $0x80, s12, s22, $0xb8;
	[tilespmem:$0x1EB00] =	vst v63  }
0xee: {  	_ =	swait.ge [sflag:s1], $0x4000  }
0xef: {  	[sflag:s1] =	ssyncset.done $0x0  }
0xf0: {  	[sflag:s1] =	ssyncadd.s32 $0xFFFFC000  }
0xf1: {  	[spmem:s3] =	stream.indirect.scatter.add.f32 [tilespmem:s31], [sflag:$0x3], $0x80, s29, s22, $0xb8;
	[tilespmem:$0x1EB00] =	vst v63  }
0xf2: {  	s24 =	sadd.s32 $0xFFFFFB00, s13;
	_ =	swait.ge [sflag:s0], $0x4000  }
0xf3: {  	s16 =	sand.u32 $0x3C00, s24;
	s19 =	rddreg [dreg:$0x4]  }
0xf4: {  	s15 =	sand.u32 $0x300, s24;
	s14 =	sadd.s32 s16, s19  }
0xf5: {  	s14 =	sor.u32 s15, s14  }
0xf6: {  	[sflag:s0] =	ssyncset.done $0x0;
	s14 =	sshrl.u32 s14, $0x3  }
0xf7: {  	[sflag:s0] =	ssyncadd.s32 $0xFFFFC000;
	s14 =	sadd.s32 s2, s14  }
0xf8: {  	[tilespmem:s23], [sflag:$0x1] =	stream.linear.gather [hbm4b:s14+s5], $0x80, $0x38;
	[tilespmem:$0x1EB00] =	vst v63  }
0xf9: {  	_ =	swait.ge [sflag:s26], $0x80  }
0xfa: {  	[sflag:s26] =	ssyncset.done $0x0  }
0xfb: {  	s17 =	sadd.s32 $0x80, s12;
	[sflag:s26] =	ssyncadd.s32 $0xFFFFFF80  }
0xfc: {  	[tilespmem:s31], [sflag:$0x2] =	stream.indirect.gather [hbm4b:s6+s22], $0x80, s17, s22, $0xb8;
	[tilespmem:$0x1EB00] =	vst v63  }
0xfd: {  	s18 =	sadd.s32 $0xFFFFFF80, s13;
	_ =	swait.ge [sflag:s1], $0x4000  }
0xfe: {  	s19 =	sand.u32 $0x7C00, s18;
	[sflag:s1] =	ssyncset.done $0x0  }
0xff: {  	s15 =	sadd.s32 s4, s19;
	s14 =	sand.u32 $0x380, s18;
	[sflag:s1] =	ssyncadd.s32 $0xFFFFC000  }
0x100: {  	[spmem:s3] =	stream.indirect.scatter.add.f32 [tilespmem:s28], [sflag:$0x3], $0x80, s30, s22, $0xb8;
	[tilespmem:$0x1EB00] =	vst v63  }
0x101: {  	s14 =	sor.u32 s14, s15;
	_ =	swait.ge [sflag:s0], $0x4000  }
0x102: {  	s14 =	sshrl.u32 s14, $0x3;
	[sflag:s0] =	ssyncset.done $0x0  }
0x103: {  	s14 =	sadd.s32 s2, s14;
	[sflag:s0] =	ssyncadd.s32 $0xFFFFC000  }
0x104: {  	[tilespmem:s29], [sflag:$0x1] =	stream.linear.gather [hbm4b:s14+s5], $0x80, $0x38;
	[tilespmem:$0x1EB00] =	vst v63  }
0x105: {  	_ =	swait.ge [sflag:s26], $0x80  }
0x106: {  	[sflag:s26] =	ssyncset.done $0x0  }
0x107: {  	s24 =	sadd.s32 $0x100, s12;
	[sflag:s26] =	ssyncadd.s32 $0xFFFFFF80  }
0x108: {  	[tilespmem:s28], [sflag:$0x2] =	stream.indirect.gather [hbm4b:s6+s22], $0x80, s24, s22, $0xb8;
	[tilespmem:$0x1EB00] =	vst v63  }
0x109: {  	_ =	swait.ge [sflag:s1], $0x4000  }
0x10a: {  	s15 =	sand.u32 $0x7C00, s13;
	[sflag:s1] =	ssyncset.done $0x0  }
0x10b: {  	s16 =	sand.u32 $0x300, s13;
	s14 =	sadd.s32 s4, s15;
	[sflag:s1] =	ssyncadd.s32 $0xFFFFC000  }
0x10c: {  	[spmem:s3] =	stream.indirect.scatter.add.f32 [tilespmem:s31], [sflag:$0x3], $0x80, s8, s22, $0xb8;
	[tilespmem:$0x1EB00] =	vst v63  }
0x10d: {  	s13 =	sor.u32 s16, s14;
	_ =	swait.ge [sflag:s0], $0x4000  }
0x10e: {  	s13 =	sshrl.u32 s13, $0x3;
	[sflag:s0] =	ssyncset.done $0x0  }
0x10f: {  	s13 =	sadd.s32 s2, s13;
	[sflag:s0] =	ssyncadd.s32 $0xFFFFC000  }
0x110: {  	[tilespmem:s30], [sflag:$0x1] =	stream.linear.gather [hbm4b:s13+s5], $0x80, $0x38;
	[tilespmem:$0x1EB00] =	vst v63  }
0x111: {  	_ =	swait.ge [sflag:s26], $0x80  }
0x112: {  	[sflag:s26] =	ssyncset.done $0x0  }
0x113: {  	s17 =	sadd.s32 $0x180, s12;
	[sflag:s26] =	ssyncadd.s32 $0xFFFFFF80  }
0x114: {  	[tilespmem:s31], [sflag:$0x2] =	stream.indirect.gather [hbm4b:s6+s22], $0x80, s17, s22, $0xb8;
	[tilespmem:$0x1EB00] =	vst v63  }
0x115: {  	_ =	swait.ge [sflag:s1], $0x4000  }
0x116: {  	[sflag:s1] =	ssyncset.done $0x0  }
0x117: {  	[sflag:s1] =	ssyncadd.s32 $0xFFFFC000  }
0x118: {  	[spmem:s3] =	stream.indirect.scatter.add.f32 [tilespmem:s28], [sflag:$0x3], $0x80, s5, s22, $0xb8;
	[tilespmem:$0x1EB00] =	vst v63  }
0x119: {  	_ =	swait.ge [sflag:s0], $0x4000  }
0x11a: {  	[sflag:s0] =	ssyncset.done $0x0  }
0x11b: {  	s18 =	rddreg [dreg:$0xb];
	[sflag:s0] =	ssyncadd.s32 $0xFFFFC000  }
0x11c: {  	[tilespmem:s8], [sflag:$0x1] =	stream.linear.gather [hbm4b:s18+s5], $0x80, $0x38;
	[tilespmem:$0x1EB00] =	vst v63  }
0x11d: {  	_ =	swait.ge [sflag:s26], $0x80  }
0x11e: {  	[sflag:s26] =	ssyncset.done $0x0  }
0x11f: {  	s19 =	simm.s32 $0x2800;
	[sflag:s26] =	ssyncadd.s32 $0xFFFFFF80  }
0x120: {  	[tilespmem:s28], [sflag:$0x2] =	stream.indirect.gather [hbm4b:s6+s22], $0x80, s19, s22, $0xb8;
	[tilespmem:$0x1EB00] =	vst v63  }
0x121: {  	_ =	swait.ge [sflag:s1], $0x4000  }
0x122: {  	[sflag:s1] =	ssyncset.done $0x0  }
0x123: {  	[sflag:s1] =	ssyncadd.s32 $0xFFFFC000  }
0x124: {  	[spmem:s3] =	stream.indirect.scatter.add.f32 [tilespmem:s31], [sflag:$0x3], $0x80, s22, s22, $0xb8;
	[tilespmem:$0x1EB00] =	vst v63  }
0x125: {  	_ =	swait.ge [sflag:s0], $0x4000  }
0x126: {  	[sflag:s0] =	ssyncset.done $0x0  }
0x127: {  	s24 =	rddreg [dreg:$0xc];
	[sflag:s0] =	ssyncadd.s32 $0xFFFFC000  }
0x128: {  	[tilespmem:s5], [sflag:$0x1] =	stream.linear.gather [hbm4b:s24+s5], $0x80, $0x38;
	[tilespmem:$0x1EB00] =	vst v63  }
0x129: {  	_ =	swait.ge [sflag:s26], $0x80  }
0x12a: {  	[sflag:s26] =	ssyncset.done $0x0  }
0x12b: {  	s13 =	simm.s32 $0x2880;
	[sflag:s26] =	ssyncadd.s32 $0xFFFFFF80  }
0x12c: {  	[tilespmem:s31], [sflag:$0x2] =	stream.indirect.gather [hbm4b:s6+s22], $0x80, s13, s22, $0xb8;
	[tilespmem:$0x1EB00] =	vst v63  }
0x12d: {  	_ =	swait.ge [sflag:s1], $0x4000  }
0x12e: {  	[sflag:s1] =	ssyncset.done $0x0  }
0x12f: {  	[sflag:s1] =	ssyncadd.s32 $0xFFFFC000  }
0x130: {  	[spmem:s3] =	stream.indirect.scatter.add.f32 [tilespmem:s28], [sflag:$0x3], $0x80, s23, s22, $0xb8;
	[tilespmem:$0x1EB00] =	vst v63  }
0x131: {  	_ =	swait.ge [sflag:s0], $0x4000  }
0x132: {  	[sflag:s0] =	ssyncset.done $0x0  }
0x133: {  	s14 =	rddreg [dreg:$0xd];
	[sflag:s0] =	ssyncadd.s32 $0xFFFFC000  }
0x134: {  	[tilespmem:s22], [sflag:$0x1] =	stream.linear.gather [hbm4b:s14+s5], $0x80, $0x38;
	[tilespmem:$0x1EB00] =	vst v63  }
0x135: {  	_ =	swait.ge [sflag:s26], $0x80  }
0x136: {  	[sflag:s26] =	ssyncset.done $0x0  }
0x137: {  	s15 =	simm.s32 $0x2900;
	[sflag:s26] =	ssyncadd.s32 $0xFFFFFF80  }
0x138: {  	[tilespmem:s28], [sflag:$0x2] =	stream.indirect.gather [hbm4b:s6+s22], $0x80, s15, s22, $0xb8;
	[tilespmem:$0x1EB00] =	vst v63  }
0x139: {  	_ =	swait.ge [sflag:s1], $0x4000  }
0x13a: {  	[sflag:s1] =	ssyncset.done $0x0  }
0x13b: {  	[sflag:s1] =	ssyncadd.s32 $0xFFFFC000  }
0x13c: {  	[spmem:s3] =	stream.indirect.scatter.add.f32 [tilespmem:s31], [sflag:$0x3], $0x80, s29, s22, $0xb8;
	[tilespmem:$0x1EB00] =	vst v63  }
0x13d: {  	_ =	swait.ge [sflag:s0], $0x4000  }
0x13e: {  	[sflag:s0] =	ssyncset.done $0x0  }
0x13f: {  	s16 =	rddreg [dreg:$0xe];
	[sflag:s0] =	ssyncadd.s32 $0xFFFFC000  }
0x140: {  	[tilespmem:s23], [sflag:$0x1] =	stream.linear.gather [hbm4b:s16+s5], $0x80, $0x38;
	[tilespmem:$0x1EB00] =	vst v63  }
0x141: {  	_ =	swait.ge [sflag:s26], $0x80  }
0x142: {  	[sflag:s26] =	ssyncset.done $0x0  }
0x143: {  	s17 =	simm.s32 $0x2980;
	[sflag:s26] =	ssyncadd.s32 $0xFFFFFF80  }
0x144: {  	[tilespmem:s31], [sflag:$0x2] =	stream.indirect.gather [hbm4b:s6+s22], $0x80, s17, s22, $0xb8;
	[tilespmem:$0x1EB00] =	vst v63  }
0x145: {  	_ =	swait.ge [sflag:s1], $0x4000  }
0x146: {  	[sflag:s1] =	ssyncset.done $0x0  }
0x147: {  	[sflag:s1] =	ssyncadd.s32 $0xFFFFC000  }
0x148: {  	[spmem:s3] =	stream.indirect.scatter.add.f32 [tilespmem:s28], [sflag:$0x3], $0x80, s30, s22, $0xb8;
	[tilespmem:$0x1EB00] =	vst v63  }
0x149: {  	_ =	swait.ge [sflag:s0], $0x4000  }
0x14a: {  	[sflag:s0] =	ssyncset.done $0x0  }
0x14b: {  	s18 =	rddreg [dreg:$0xf];
	[sflag:s0] =	ssyncadd.s32 $0xFFFFC000  }
0x14c: {  	[tilespmem:s29], [sflag:$0x1] =	stream.linear.gather [hbm4b:s18+s5], $0x80, $0x38;
	[tilespmem:$0x1EB00] =	vst v63  }
0x14d: {  	_ =	swait.ge [sflag:s26], $0x80  }
0x14e: {  	[sflag:s26] =	ssyncset.done $0x0  }
0x14f: {  	s19 =	simm.s32 $0x2A00;
	[sflag:s26] =	ssyncadd.s32 $0xFFFFFF80  }
0x150: {  	[tilespmem:s28], [sflag:$0x2] =	stream.indirect.gather [hbm4b:s6+s22], $0x80, s19, s22, $0xb8;
	[tilespmem:$0x1EB00] =	vst v63  }
0x151: {  	_ =	swait.ge [sflag:s1], $0x4000  }
0x152: {  	[sflag:s1] =	ssyncset.done $0x0  }
0x153: {  	[sflag:s1] =	ssyncadd.s32 $0xFFFFC000  }
0x154: {  	[spmem:s3] =	stream.indirect.scatter.add.f32 [tilespmem:s31], [sflag:$0x3], $0x80, s8, s22, $0xb8;
	[tilespmem:$0x1EB00] =	vst v63  }
0x155: {  	_ =	swait.ge [sflag:s1], $0x4000  }
0x156: {  	[sflag:s1] =	ssyncset.done $0x0  }
0x157: {  	[sflag:s1] =	ssyncadd.s32 $0xFFFFC000  }
0x158: {  	[spmem:s3] =	stream.indirect.scatter.add.f32 [tilespmem:s28], [sflag:$0x3], $0x80, s5, s22, $0xb8;
	[tilespmem:$0x1EB00] =	vst v63  }
0x159: {  	_ =	swait.ge [sflag:s0], $0x4000  }
0x15a: {  	[sflag:s0] =	ssyncset.done $0x0  }
0x15b: {  	[sflag:s0] =	ssyncadd.s32 $0xFFFFC000  }
0x15c: {  	_ =	swait.ge [sflag:s0], $0x4000  }
0x15d: {  	[sflag:s0] =	ssyncset.done $0x0  }
0x15e: {  	[sflag:s0] =	ssyncadd.s32 $0xFFFFC000  }
0x15f: {  	_ =	swait.ge [sflag:s26], $0x80  }
0x160: {  	[sflag:s26] =	ssyncset.done $0x0  }
0x161: {  	[sflag:s26] =	ssyncadd.s32 $0xFFFFFF80  }
0x162: {  	_ =	swait.ge [sflag:s26], $0x80  }
0x163: {  	[sflag:s26] =	ssyncset.done $0x0  }
0x164: {  	[sflag:s26] =	ssyncadd.s32 $0xFFFFFF80  }
0x165: {  	_ =	swait.ge [sflag:s26], $0x80  }
0x166: {  	[sflag:s26] =	ssyncset.done $0x0  }
0x167: {  	s9 =	sadd.s32 $0x1, s9;
	[sflag:s26] =	ssyncadd.s32 $0xFFFFFF80  }
0x168: {  	p0 =	sne.s32 s9, s20;
	[bflag:$0x0] =	sbarrier.arrive $0xFFFF  }
.Ltmp1:
0x169: {  	s24 =	rddreg [dreg:$0x10];
	(pc) =	sbr.rel @p0 .LBB2_1-.Ltmp1, $4  }
0x16a: {  	[hbm:s24], [sflag:s10] =	dma.local [spmem:s11], $0x2800  }
0x16b: {  	_ =	swait.ge [sflag:s25], $0x2800  }
0x16c: {  	[sflag:s25] =	ssyncset.done $0x0  }
0x16d: {  	[sflag:s25] =	ssyncadd.s32 $0xFFFFD800  }
0x16e: {  	_ =	sfence.sel $0x180000  }
0x16f: {  	[bflag:$0x0] =	sbarrier.arrive $0xFFFF  }
0x170: {  	_ =	strace $0x9000004D  }
0x171: {  	s0 =	stileid.u32;
	[bflag:$0x2] =	sbarrier.arrive $0xFFFF  }
0x172: {  	p0 =	sne.s32 s0, $0x0;
	s0 =	rddreg [dreg:$0x3]  }
0x173: {  	s0 =	sadd.s32 @!p0 $0x100000, s0  }
0x174: {  	[sflag:s0] =	ssyncadd.tile.s32 @!p0 $0x1;
	_ =	shalt  }
.Lfunc_end2:
_tile_overlayer_lowered:
.L_overlay_start_2:
0x175: {  	(tag) =	ssettag $0x2  }
0x176: {  	s0 =	rddreg [dreg:$0x0];
	s2 =	stileid.u32  }
0x177: {  	s1 =	rddreg [dreg:$0x1];
	p0 =	sne.s32 s2, $0x0  }
0x178: {  	s3 =	rddreg [dreg:$0x2];
	[bflag:$0x3] =	sbarrier.arrive $0xFFFF;
	s2 =	simm.s32 @!p0 $0x1C04  }
0x179: {  	[timem:s3], [sflag:s2] =	dma.local @!p0 [hbm:s0], s1  }
0x17a: {  	s0 =	simm.s32 @!p0 $0x4  }
0x17b: {  	_ =	swait.ge @!p0 [sflag:s0], s1  }
0x17c: {  	s1 =	ssub.s32 @!p0 $0x0, s1;
	[sflag:s0] =	ssyncset.done @!p0 $0x0  }
0x17d: {  	[sflag:s0] =	ssyncadd.s32 @!p0 s1  }
0x17e: {  	[bflag:$0x3] =	sbarrier.arrive $0xFFFF  }
0x17f: {  	_ =	shalt  }

// kernel: kernel.8.cloned.1.call-start
scs
__scs_entry_jumppad:
0x0: {  	(pc) =	sbr.rel $0x88, $3  }
0x1: {  	(tag) =	ssettag $0x0;
	lr =	simm.s32 $0x1  }
0x2: {  	[smem:$0x3F9C] =	sst lr;
	_ =	strace $0xD0000000  }
0x3: {  	_ = 	snop  }
0x4: {  	_ = 	snop  }
0x5: {  	_ = 	snop  }
0x6: {  	_ = 	snop  }
0x7: {  	_ = 	snop  }
__scs_overlays_trampoline_lowered:
0x8: {  	[smem:$0x3FAB] =	sst s0  }
0x9: {  	[smem:$0x3FAC] =	sst s1  }
0xa: {  	[smem:$0x3FAD] =	sst s2  }
0xb: {  	[smem:$0x3FAE] =	sst s3  }
0xc: {  	[smem:$0x3FAF] =	sst s4  }
0xd: {  	[smem:$0x3FB0] =	sst s5  }
0xe: {  	[smem:$0x3FB1] =	sst s6  }
0xf: {  	[smem:$0x3FB2] =	sst s7  }
0x10: {  	[smem:$0x3FB3] =	sst s8  }
0x11: {  	[smem:$0x3FB4] =	sst s9;
	s0 =	simm.s32 @!p0 $0x0  }
0x12: {  	s1 =	sld [smem:$0x3F9A];
	s0 =	simm.s32 @p0 $0x1  }
0x13: {  	[smem:$0x3FB5] =	sst s0;
	s0 =	simm.s32 @!p1 $0x0  }
0x14: {  	s2 =	sld [smem:$0x3F99];
	s0 =	simm.s32 @p1 $0x1  }
0x15: {  	[smem:$0x3FB6] =	sst s0;
	s0 =	simm.s32 @!p2 $0x0  }
0x16: {  	s3 =	sld [smem:$0x3FDB];
	s0 =	simm.s32 @p2 $0x1  }
0x17: {  	s4 =	simm.s32 $0x1BF5;
	[smem:$0x3FB8] =	sst s0  }
0x18: {  	s0 =	sld [smem:$0x3F9B];
	_ =	swait.ge [sflag:s4], $0x0  }
0x19: {  	s7 =	sld [smem:$0x3F9C]  }
0x1a: {  	s8 =	sadd.s32 $0xFFFFE003, lr  }
0x1b: {  	s9 =	sadd.s32 $0xFFFFFEF7, lr;
	s5 =	simm.s32 $0xFFFFFFFF;
	p2 =	slt.u32 s8, $0xFFFFF086  }
0x1c: {  	p1 =	slt.u32 s9, $0xF7A;
	s5 =	simm.s32 @!p2 $0x0  }
0x1d: {  	s5 =	simm.s32 @p1 $0x1;
	p0 =	seq.s32 s7, s2  }
0x1e: {  	s7 =	smul.u32 @!p0 $0xF7A, s2;
	p2 =	seq.s32 @!p0 s5, $0x0  }
0x1f: {  	s9 =	smul.u32 $0xF7A, s1;
	s8 =	simm.s32 @!p0 $0x1BF5;
	p2 =	por !p2, p0  }
0x20: {  	[sflag:s8] =	ssyncset.s32 @!p0 $0xFFFFF086;
	s6 =	sadd.s32 @!p0 s3, s7;
	s7 =	simm.s32 @!p0 $0x108  }
0x21: {  	s3 =	sadd.s32 s3, s9;
	s6 =	sadd.s32 @!p0 $0x88, s6;
	s7 =	simm.s32 @p2 $0x1082  }
0x22: {  	[simem:s7], [sflag:s8] =	dma.local @!p0 [hbm:s6], $0xF7A  }
0x23: {  	s9 =	sor.u32 $0xD0000000, s2;
	s6 =	simm.s32 $0x108;
	_ =	swait.ge @!p0 [sflag:s8], $0x0  }
0x24: {  	s3 =	sadd.s32 $0x88, s3;
	s6 =	simm.s32 @!p1 $0x1082;
	[sflag:s4] =	ssyncset.s32 $0xFFFFF086  }
0x25: {  	[simem:s6], [sflag:s4] =	dma.local [hbm:s3], $0xF7A  }
0x26: {  	[smem:$0x3F9C] =	sst s1;
	(tag) =	ssettag s2;
	_ =	strace s9  }
0x27: {  	s1 =	sld [smem:$0x3FAC]  }
0x28: {  	s2 =	sld [smem:$0x3FAD]  }
0x29: {  	s4 =	sld [smem:$0x3FAF]  }
0x2a: {  	p0 =	seq.s32 s5, $0x0;
	s5 =	sld [smem:$0x3FB0]  }
0x2b: {  	s6 =	sld [smem:$0x3FB1]  }
0x2c: {  	s7 =	sld [smem:$0x3FB2]  }
0x2d: {  	s3 =	simm.s32 $0x108;
	s8 =	sld [smem:$0x3FB3]  }
0x2e: {  	s3 =	simm.s32 @!p0 $0x1082;
	s9 =	sld [smem:$0x3FB4]  }
0x2f: {  	lr =	sadd.s32 s0, s3;
	s0 =	sld [smem:$0x3FAB]  }
0x30: {  	s3 =	sld [smem:$0x3FAE]  }
0x31: {  	[smem:$0x3FB7] =	sst s10  }
0x32: {  	s10 =	sld [smem:$0x3FB5];
	_ =	sdelay $0x3  }
0x33: {  	p0 =	seq.s32 s10, $0x1;
	s10 =	sld [smem:$0x3FB7];
	_ =	sdelay $0x3  }
0x34: {  	[smem:$0x3FB7] =	sst s10  }
0x35: {  	s10 =	sld [smem:$0x3FB6];
	_ =	sdelay $0x3  }
0x36: {  	p1 =	seq.s32 s10, $0x1;
	s10 =	sld [smem:$0x3FB7];
	_ =	sdelay $0x3  }
0x37: {  	[smem:$0x3FB7] =	sst s10  }
0x38: {  	s10 =	sld [smem:$0x3FB8]  }
0x39: {  	_ = 	snop;
	(pc) =	sbr.ind lr, $3  }
0x3a: {  	_ = 	snop  }
0x3b: {  	_ = 	snop  }
0x3c: {  	p2 =	seq.s32 s10, $0x1;
	s10 =	sld [smem:$0x3FB7]  }
0x3d: {  	_ =	shalt  }
0x3e: {  	_ =	shalt  }
0x3f: {  	_ =	shalt  }
0x40: {  	_ =	shalt  }
0x41: {  	_ =	shalt  }
0x42: {  	_ =	shalt  }
0x43: {  	_ =	shalt  }
0x44: {  	_ =	shalt  }
0x45: {  	_ =	shalt  }
0x46: {  	_ =	shalt  }
0x47: {  	_ =	shalt  }
0x48: {  	_ =	shalt  }
0x49: {  	_ =	shalt  }
0x4a: {  	_ =	shalt  }
0x4b: {  	_ =	shalt  }
0x4c: {  	_ =	shalt  }
0x4d: {  	_ =	shalt  }
0x4e: {  	_ =	shalt  }
0x4f: {  	_ =	shalt  }
0x50: {  	_ =	shalt  }
0x51: {  	_ =	shalt  }
0x52: {  	_ =	shalt  }
0x53: {  	_ =	shalt  }
0x54: {  	_ =	shalt  }
0x55: {  	_ =	shalt  }
0x56: {  	_ =	shalt  }
0x57: {  	_ =	shalt  }
0x58: {  	_ =	shalt  }
0x59: {  	_ =	shalt  }
0x5a: {  	_ =	shalt  }
0x5b: {  	_ =	shalt  }
0x5c: {  	_ =	shalt  }
0x5d: {  	_ =	shalt  }
0x5e: {  	_ =	shalt  }
0x5f: {  	_ =	shalt  }
0x60: {  	_ =	shalt  }
0x61: {  	_ =	shalt  }
0x62: {  	_ =	shalt  }
0x63: {  	_ =	shalt  }
0x64: {  	_ =	shalt  }
0x65: {  	_ =	shalt  }
0x66: {  	_ =	shalt  }
0x67: {  	_ =	shalt  }
0x68: {  	_ =	shalt  }
0x69: {  	_ =	shalt  }
0x6a: {  	_ =	shalt  }
0x6b: {  	_ =	shalt  }
0x6c: {  	_ =	shalt  }
0x6d: {  	_ =	shalt  }
0x6e: {  	_ =	shalt  }
0x6f: {  	_ =	shalt  }
0x70: {  	_ =	shalt  }
0x71: {  	_ =	shalt  }
0x72: {  	_ =	shalt  }
0x73: {  	_ =	shalt  }
0x74: {  	_ =	shalt  }
0x75: {  	_ =	shalt  }
0x76: {  	_ =	shalt  }
0x77: {  	_ =	shalt  }
0x78: {  	_ =	shalt  }
0x79: {  	_ =	shalt  }
0x7a: {  	_ =	shalt  }
0x7b: {  	_ =	shalt  }
0x7c: {  	_ =	shalt  }
0x7d: {  	_ =	shalt  }
0x7e: {  	_ =	shalt  }
0x7f: {  	_ =	shalt  }
0x80: {  	_ =	shalt  }
0x81: {  	_ =	shalt  }
0x82: {  	_ =	shalt  }
0x83: {  	_ =	shalt  }
0x84: {  	_ =	shalt  }
0x85: {  	_ =	shalt  }
0x86: {  	_ =	shalt  }
0x87: {  	_ =	shalt  }
.Lfunc_end0:
.L_simem_size_0:
called_computation_lowered:
.L_overlay_start_0:
0x88: {  	s2 =	sld [smem:$0x3FD9]  }
0x89: {  	s3 =	sld [smem:$0x3FFE];
	_ =	sdelay $0x1  }
0x8a: {  	s1 =	srdreg.scid  }
0x8b: {  	s0 =	sand.u32 $0x1, s1  }
0x8c: {  	s17 =	sshll.u32 s0, $0xA;
	s2 =	sadd.s32 s3, s2  }
0x8d: {  	s2 =	sadd.s32 s2, s17  }
0x8e: {  	[smem:$0x3FC3] =	sst s2  }
0x8f: {  	_ = 	snop  }
0x90: {  	s2 =	sld [smem:$0x3FD0];
	(tm) =	ssettm $0x1  }
0x91: {  	s18 =	sld [smem:$0x3FFB];
	_ =	sdelay $0x3  }
0x92: {  	_ =	strace s18  }
0x93: {  	s3 =	sld [smem:$0x3FFC];
	_ =	sdelay $0x3  }
0x94: {  	_ =	strace s3  }
0x95: {  	s3 =	sld [smem:$0x3FFD];
	_ =	sdelay $0x3  }
0x96: {  	_ =	strace s3  }
0x97: {  	_ =	strace $0x8FFFFFFF  }
0x98: {  	s19 =	sld [smem:$0x3FDB];
	_ =	sdelay $0x1  }
0x99: {  	s4 =	simm.s32 $_scs_section_size  }
0x9a: {  	s5 =	simm.s32 $_size__tile_overlayer_lowered;
	s6 =	simm.s32 $_tile_overlayer_lowered  }
0x9b: {  	s22 =	simm.s32 $0x1BFF;
	s21 =	sshll.u32 s6, $0x1;
	s3 =	sadd.s32 s4, s19  }
0x9c: {  	s7 =	simm.s32 $0x0;
	s20 =	sshll.u32 s5, $0x1;
	s5 =	sadd.s32 s21, s3  }
0x9d: {  	[timem:s7], [sflag:s22] =	dma.local [hbm:s5], s20  }
0x9e: {  	_ =	swait.ge [sflag:s22], s20  }
0x9f: {  	s4 =	ssub.s32 $0x0, s20;
	[sflag:s22] =	ssyncset.done $0x0  }
0xa0: {  	[sflag:s22] =	ssyncadd.s32 s4;
	_ =	sdelay $0x1  }
0xa1: {  	s23 =	simm.s32 $0x1B8B  }
0xa2: {  	_ =	swait.ge [sflag:s23], $0x1  }
0xa3: {  	[sflag:s23] =	ssyncset.done $0x0  }
0xa4: {  	s25 =	simm.s32 $0x1B8E;
	s24 =	sld [smem:$0x3FFE];
	[sflag:s23] =	ssyncadd.s32 $0xFFFFFFFF  }
0xa5: {  	s26 =	simm.s32 $execute0_lowered;
	[smem:$0x3FD2] =	sst s25  }
0xa6: {  	s5 =	sshll.u32 s26, $0x1;
	_ =	strace $0x80000046;
	[dreg:$0x1] =	wrdreg $0xFFFFFFFF  }
0xa7: {  	s28 =	simm.s32 $_size_execute0_lowered;
	s3 =	sadd.s32 s3, s5;
	[dreg:$0x0] =	wrdreg $0x0  }
0xa8: {  	s5 =	sshll.u32 s28, $0x1;
	[dreg:$0x2] =	wrdreg s3  }
0xa9: {  	[dreg:$0x3] =	wrdreg s5  }
0xaa: {  	[dreg:$0x4] =	wrdreg $0xC0  }
0xab: {  	_ =	task [dreg:s7], $0x5FFFF  }
0xac: {  	[dreg:$0x1] =	wrdreg $0xFFFFFFFF  }
0xad: {  	[dreg:$0x0] =	wrdreg $0x60  }
0xae: {  	[dreg:$0x2] =	wrdreg s2  }
0xaf: {  	[dreg:$0x3] =	wrdreg s24  }
0xb0: {  	[dreg:$0x4] =	wrdreg $0x50800  }
0xb1: {  	[dreg:$0x5] =	wrdreg $0x53000  }
0xb2: {  	[dreg:$0x6] =	wrdreg $0x9  }
0xb3: {  	_ =	task.clear_ibuf [dreg:s7], $0x7FFFF;
	_ =	strace $0x90000046  }
0xb4: {  	s29 =	simm.s32 $0x9;
	_ =	strace $0x80000048  }
0xb5: {  	_ =	swait.ge [sflag:s29], $0x1  }
0xb6: {  	[sflag:s29] =	ssyncadd.s32 $0xFFFFFFFF  }
0xb7: {  	_ =	strace $0x90000048  }
0xb8: {  	_ =	sfence  }
0xb9: {  	s30 =	sld [smem:$0x0];
	_ =	sdelay $0x2  }
0xba: {  	s31 =	sshll.u32 s1, $0xD;
	s1 =	sshrl.u32 s1, $0x2  }
0xbb: {  	s3 =	sand.u32 $0x4000, s31;
	s1 =	sadd.s32 s1, s30  }
0xbc: {  	s0 =	sor.u32 s3, s0;
	s1 =	sshll.u32 s1, $0x11  }
0xbd: {  	s0 =	sor.u32 s1, s0  }
0xbe: {  	s0 =	sadd.s32 $0x8F2B, s0  }
0xbf: {  	[sflag:s0] =	ssyncadd.remote.s32 $0x1  }
0xc0: {  	_ =	sfence.sel $0xFFFF  }
0xc1: {  	[dreg:$0x0] =	wrdreg $0xFFFFFFFF;
	(pc) =	sbr.abs _section_cstart, $3  }
0xc2: {  	[dreg:$0x1] =	wrdreg $0xFFFFFFFF  }
0xc3: {  	_ =	task.clear_ibuf [dreg:s7], $0x2FFFF;
	_ =	strace $0x9FFFFFFF  }
0xc4: {  	(tm) =	ssettm $0x7FFFFFFF  }
0xc5: {  	_ =	shalt  }
tec
execute0_lowered:
.L_overlay_start_1:
0x0: {  	(tag) =	ssettag $0x1  }
0x1: {  	s5 =	rddreg [dreg:$0x0]  }
0x2: {  	s1 =	srdreg.scid;
	s6 =	rddreg [dreg:$0x1]  }
0x3: {  	s0 =	stileid.u32;
	s2 =	rddreg [dreg:$0x2]  }
0x4: {  	s3 =	rddreg [dreg:$0x3];
	s4 =	simm.s32 $0x0;
	s17 =	simm.s32 $0x5000  }
0x5: {  	s18 =	simm.s32 $0x2880;
	s19 =	simm.s32 $0x100;
	s20 =	simm.s32 $0x2900  }
0x6: {  	s21 =	simm.s32 $0x180;
	s22 =	simm.s32 $0x2980;
	s23 =	simm.s32 $0x1  }
0x7: {  	s24 =	simm.s32 $0x20;
	s25 =	simm.s32 $0x10;
	s7 =	sand.u32 $0x1, s1  }
0x8: {  	s26 =	sshll.u32 s0, $0x1;
	s9 =	smul.u32 $0x280, s0;
	[smem:$0x7FF] =	sst s4  }
0x9: {  	s13 =	smul.u32 $0x500, s0;
	s14 =	sadd.s32 $0xE200, s6;
	s31 =	sshll.u32 s0, $0x6  }
0xa: {  	s1 =	sor.u32 s7, s26;
	s12 =	ssub.s32 $0x2, s7;
	s7 =	sshll.u32 s7, $0x7  }
0xb: {  	s26 =	simm.s32 $0x0;
	s8 =	smul.u32 $0x580, s1;
	s1 =	rddreg [dreg:$0x4]  }
0xc: {  	_ =	strace $0x80000047;
	s11 =	sshrl.u32 s9, $0x3;
	s28 =	sshrl.u32 s12, $0x1  }
0xd: {  	s29 =	sor.u32 s7, s13;
	s15 =	sadd.s32 s9, s2;
	s16 =	sadd.s32 s9, s3  }
0xe: {  	s13 =	sor.u32 $0x1C02, s31;
	s11 =	sadd.s32 s11, s6;
	s12 =	ssub.s32 s12, s28  }
0xf: {  	s30 =	sadd.s32 $0x5000, s29;
	s10 =	sadd.s32 s8, s6;
	s5 =	sadd.s32 s5, s8  }
0x10: {  	s7 =	sadd.s32 $0xDC00, s11;
	s8 =	sshrl.u32 s29, $0x3;
	s11 =	simm.s32 $0x2  }
0x11: {  	s6 =	sadd.s32 $0x2C00, s10;
	s10 =	sshrl.u32 s30, $0x3;
	s8 =	sadd.s32 s14, s8  }
0x12: {  	s9 =	sadd.s32 s14, s10;
	s10 =	smax.u32 s12, $0x1;
	s12 =	simm.s32 $0x2800  }
0x13: {  	v0 =	vimm.f32 $1.000000000e+00;
	s14 =	sshrl.u32 s15, $0x3;
	s15 =	sshrl.u32 s16, $0x3;
	s16 =	simm.s32 $0x80  }
.LBB2_1:
0x14: {  	[tilespmem:s4], [sflag:$0x2] =	stream.linear.gather [hbm4b:s5+s4], $0x2800, $0x38;
	[tilespmem:$0x5580] =	vst v63  }
0x15: {  	_ =	swait.ge [sflag:s11], $0x2800  }
0x16: {  	[sflag:s11] =	ssyncset.done $0x0  }
0x17: {  	[sflag:s11] =	ssyncadd.s32 $0xFFFFD800  }
0x18: {  	[tilespmem:s12], [sflag:$0x2] =	stream.linear.gather [hbm4b:s6+s4], $0x2800, $0x38;
	[tilespmem:$0x5580] =	vst v63  }
0x19: {  	_ =	swait.ge [sflag:s11], $0x2800  }
0x1a: {  	[sflag:s11] =	ssyncset.done $0x0  }
0x1b: {  	[sflag:s11] =	ssyncadd.s32 $0xFFFFD800  }
0x1c: {  	[tilespmem:$0x5000] =	vst v0  }
0x1d: {  	[tilespmem:$0x5010] =	vst v0  }
0x1e: {  	[tilespmem:$0x5020] =	vst v0  }
0x1f: {  	[tilespmem:$0x5030] =	vst v0  }
0x20: {  	[tilespmem:$0x5040] =	vst v0  }
0x21: {  	[tilespmem:$0x5050] =	vst v0  }
0x22: {  	[tilespmem:$0x5060] =	vst v0  }
0x23: {  	[tilespmem:$0x5070] =	vst v0  }
0x24: {  	[spmem:s14], [sflag:s13] =	dma.local [hbm:s7], $0x50  }
0x25: {  	_ =	swait.ge [sflag:s11], $0x50  }
0x26: {  	[sflag:s11] =	ssyncset.done $0x0  }
0x27: {  	[sflag:s11] =	ssyncadd.s32 $0xFFFFFFB0  }
0x28: {  	[spmem:s15], [sflag:s13] =	dma.local [hbm:s7], $0x50  }
0x29: {  	_ =	swait.ge [sflag:s11], $0x50  }
0x2a: {  	[sflag:s11] =	ssyncset.done $0x0  }
0x2b: {  	[sflag:s11] =	ssyncadd.s32 $0xFFFFFFB0  }
0x2c: {  	[bflag:$0x0] =	sbarrier.arrive $0xFFFF  }
0x2d: {  	[spmem:s2] =	stream.indirect.scatter.add.f32 [tilespmem:s17], [sflag:$0x1], $0x1, s4, s16, $0xb8;
	[tilespmem:$0x5580] =	vst v63  }
0x2e: {  	_ = 	snop  }
0x2f: {  	[spmem:s3] =	stream.indirect.scatter.add.f32 [tilespmem:s17], [sflag:$0x1], $0x1, s12, s16, $0xb8;
	[tilespmem:$0x5580] =	vst v63  }
0x30: {  	_ = 	snop  }
0x31: {  	[spmem:s2] =	stream.indirect.scatter.add.f32 [tilespmem:s17], [sflag:$0x1], $0x1, s16, s16, $0xb8;
	[tilespmem:$0x5580] =	vst v63  }
0x32: {  	_ = 	snop  }
0x33: {  	[spmem:s3] =	stream.indirect.scatter.add.f32 [tilespmem:s17], [sflag:$0x1], $0x1, s18, s16, $0xb8;
	[tilespmem:$0x5580] =	vst v63  }
0x34: {  	_ = 	snop  }
0x35: {  	[spmem:s2] =	stream.indirect.scatter.add.f32 [tilespmem:s17], [sflag:$0x1], $0x1, s19, s16, $0xb8;
	[tilespmem:$0x5580] =	vst v63  }
0x36: {  	_ = 	snop  }
0x37: {  	[spmem:s3] =	stream.indirect.scatter.add.f32 [tilespmem:s17], [sflag:$0x1], $0x1, s20, s16, $0xb8;
	[tilespmem:$0x5580] =	vst v63  }
0x38: {  	_ = 	snop  }
0x39: {  	[spmem:s2] =	stream.indirect.scatter.add.f32 [tilespmem:s17], [sflag:$0x1], $0x1, s21, s16, $0xb8;
	[tilespmem:$0x5580] =	vst v63  }
0x3a: {  	_ = 	snop  }
0x3b: {  	[spmem:s3] =	stream.indirect.scatter.add.f32 [tilespmem:s17], [sflag:$0x1], $0x1, s22, s16, $0xb8;
	[tilespmem:$0x5580] =	vst v63  }
0x3c: {  	_ =	swait.ge [sflag:s23], $0x80  }
0x3d: {  	[sflag:s23] =	ssyncset.done $0x0  }
0x3e: {  	[sflag:s23] =	ssyncadd.s32 $0xFFFFFF80  }
0x3f: {  	_ =	swait.ge [sflag:s23], $0x80  }
0x40: {  	[sflag:s23] =	ssyncset.done $0x0  }
0x41: {  	s28 =	simm.s32 $0x200;
	[sflag:s23] =	ssyncadd.s32 $0xFFFFFF80  }
0x42: {  	[spmem:s2] =	stream.indirect.scatter.add.f32 [tilespmem:s17], [sflag:$0x1], $0x1, s28, s16, $0xb8;
	[tilespmem:$0x5580] =	vst v63  }
0x43: {  	s29 =	simm.s32 $0x2A00;
	s28 =	simm.s32 $0xA00  }
.LBB2_2:
0x44: {  	[spmem:s3] =	stream.indirect.scatter.add.f32 [tilespmem:s17], [sflag:$0x1], $0x1, s29, s16, $0xb8;
	[tilespmem:$0x5580] =	vst v63  }
0x45: {  	s29 =	smov.u32 s28  }
0x46: {  	p0 =	sne.s32 s28, $0x9C00;
	s28 =	sadd.s32 $0x200, s28;
	_ =	swait.ge [sflag:s23], $0x80  }
0x47: {  	[sflag:s23] =	ssyncset.done $0x0  }
0x48: {  	[sflag:s23] =	ssyncadd.s32 $0xFFFFFF80  }
.Ltmp0:
0x49: {  	_ =	swait.ge [sflag:s23], $0x80;
	(pc) =	sbr.rel @p0 .LBB2_2-.Ltmp0, $4  }
0x4a: {  	[sflag:s23] =	ssyncset.done $0x0  }
0x4b: {  	s29 =	sshra.s32 s29, $0x2;
	[sflag:s23] =	ssyncadd.s32 $0xFFFFFF80  }
0x4c: {  	[spmem:s2] =	stream.indirect.scatter.add.f32 [tilespmem:s17], [sflag:$0x1], $0x1, s29, s16, $0xb8;
	[tilespmem:$0x5580] =	vst v63  }
0x4d: {  	s29 =	sadd.s32 $0x2800, s29  }
0x4e: {  	[spmem:s3] =	stream.indirect.scatter.add.f32 [tilespmem:s17], [sflag:$0x1], $0x1, s29, s16, $0xb8;
	[tilespmem:$0x5580] =	vst v63  }
0x4f: {  	_ =	swait.ge [sflag:s23], $0x80  }
0x50: {  	[sflag:s23] =	ssyncset.done $0x0  }
0x51: {  	[sflag:s23] =	ssyncadd.s32 $0xFFFFFF80  }
0x52: {  	_ =	swait.ge [sflag:s23], $0x80  }
0x53: {  	[sflag:s23] =	ssyncset.done $0x0  }
0x54: {  	[sflag:s23] =	ssyncadd.s32 $0xFFFFFF80  }
0x55: {  	_ =	swait.ge [sflag:s23], $0x80  }
0x56: {  	[sflag:s23] =	ssyncset.done $0x0  }
0x57: {  	[sflag:s23] =	ssyncadd.s32 $0xFFFFFF80  }
0x58: {  	_ =	swait.ge [sflag:s23], $0x80  }
0x59: {  	[sflag:s23] =	ssyncset.done $0x0  }
0x5a: {  	[sflag:s23] =	ssyncadd.s32 $0xFFFFFF80  }
0x5b: {  	_ =	swait.ge [sflag:s23], $0x80  }
0x5c: {  	[sflag:s23] =	ssyncset.done $0x0  }
0x5d: {  	[sflag:s23] =	ssyncadd.s32 $0xFFFFFF80  }
0x5e: {  	_ =	swait.ge [sflag:s23], $0x80  }
0x5f: {  	[sflag:s23] =	ssyncset.done $0x0  }
0x60: {  	[sflag:s23] =	ssyncadd.s32 $0xFFFFFF80  }
0x61: {  	_ =	swait.ge [sflag:s23], $0x80  }
0x62: {  	[sflag:s23] =	ssyncset.done $0x0  }
0x63: {  	[sflag:s23] =	ssyncadd.s32 $0xFFFFFF80  }
0x64: {  	_ =	swait.ge [sflag:s23], $0x80  }
0x65: {  	[sflag:s23] =	ssyncset.done $0x0  }
0x66: {  	[sflag:s23] =	ssyncadd.s32 $0xFFFFFF80  }
0x67: {  	[bflag:$0x0] =	sbarrier.arrive $0xFFFF  }
0x68: {  	[hbm:s8@s24], [sflag:s13] =	dma.strided [spmem:s14@s25], $0x50, s23, $0x10   }
0x69: {  	s26 =	sadd.s32 $0x1, s26;
	_ =	swait.ge [sflag:s11], $0x50  }
0x6a: {  	p0 =	sne.s32 s26, s10;
	[sflag:s11] =	ssyncset.done $0x0  }
.Ltmp1:
0x6b: {  	[sflag:s11] =	ssyncadd.s32 $0xFFFFFFB0;
	(pc) =	sbr.rel @p0 .LBB2_1-.Ltmp1, $4  }
0x6c: {  	[hbm:s9@s24], [sflag:s13] =	dma.strided [spmem:s15@s25], $0x50, s23, $0x10   }
0x6d: {  	_ =	swait.ge [sflag:s11], $0x50  }
0x6e: {  	[sflag:s11] =	ssyncset.done $0x0  }
0x6f: {  	[sflag:s11] =	ssyncadd.s32 $0xFFFFFFB0  }
0x70: {  	_ =	sfence.sel $0x180000  }
0x71: {  	[bflag:$0x0] =	sbarrier.arrive $0xFFFF  }
0x72: {  	p0 =	sne.s32 s0, $0x0;
	_ =	strace $0x90000047  }
0x73: {  	s0 =	sadd.s32 @!p0 $0x100000, s1;
	[bflag:$0x2] =	sbarrier.arrive $0xFFFF  }
0x74: {  	[sflag:s0] =	ssyncadd.tile.s32 @!p0 $0x1;
	_ =	shalt  }
.Lfunc_end2:
_tile_overlayer_lowered:
.L_overlay_start_2:
0x75: {  	(tag) =	ssettag $0x2  }
0x76: {  	s0 =	rddreg [dreg:$0x0];
	s2 =	stileid.u32  }
0x77: {  	s1 =	rddreg [dreg:$0x1];
	p0 =	sne.s32 s2, $0x0  }
0x78: {  	s3 =	rddreg [dreg:$0x2];
	[bflag:$0x3] =	sbarrier.arrive $0xFFFF;
	s2 =	simm.s32 @!p0 $0x1C02  }
0x79: {  	[timem:s3], [sflag:s2] =	dma.local @!p0 [hbm:s0], s1  }
0x7a: {  	s0 =	simm.s32 @!p0 $0x2  }
0x7b: {  	_ =	swait.ge @!p0 [sflag:s0], s1  }
0x7c: {  	s1 =	ssub.s32 @!p0 $0x0, s1;
	[sflag:s0] =	ssyncset.done @!p0 $0x0  }
0x7d: {  	[sflag:s0] =	ssyncadd.s32 @!p0 s1  }
0x7e: {  	[bflag:$0x3] =	sbarrier.arrive $0xFFFF  }
0x7f: {  	_ =	shalt  }

</sc_bundles>
